<compile_context>
chip_gen: v7x
topology: tpu7x:2x2x1
jax: 0.10.2.dev20260603
libtpu: 0.0.44.dev20260713+nightly
codegen_flags: <defaults>
</compile_context>

<pallas_src>
import functools

import jax
import jax.numpy as jnp
from jax import lax
from jax.experimental import pallas as pl
from jax.experimental.pallas import tpu as pltpu
from jax.experimental.pallas import tpu_sc as plsc

N = 10000
E = 320000
H = 64

NC = 2
NS = 16
GRP = 128

N_PAD = 10240
ROWS_PER_TILE = N_PAD // NS
E_PER_TILE_GRPS = 160
E_PAD = NS * E_PER_TILE_GRPS * GRP

BLK = 5120


_sc_mesh = plsc.VectorSubcoreMesh(core_axis_name="c", subcore_axis_name="s")


@functools.partial(
    pl.kernel,
    out_type=(jax.ShapeDtypeStruct((N_PAD, H), jnp.float32),
              jax.ShapeDtypeStruct((N_PAD, H), jnp.float32)),
    mesh=_sc_mesh,
    compiler_params=pltpu.CompilerParams(use_tc_tiling_on_sc=False),
    scratch_types=[
        pltpu.VMEM_SHARED((N_PAD, H), jnp.float32),
        pltpu.VMEM((E_PER_TILE_GRPS, GRP), jnp.int32),
        pltpu.VMEM((E_PER_TILE_GRPS, GRP), jnp.int32),
        pltpu.VMEM((GRP, H), jnp.float32),
        pltpu.VMEM((GRP, H), jnp.float32),
        pltpu.VMEM((GRP, H), jnp.float32),
        pltpu.VMEM((GRP, H), jnp.float32),
        pltpu.VMEM((GRP, H), jnp.float32),
        pltpu.SemaphoreType.DMA,
        pltpu.SemaphoreType.DMA,
        pltpu.SemaphoreType.DMA,
        pltpu.SemaphoreType.DMA,
        pltpu.SemaphoreType.DMA,
    ],
)
def _sc_dual_segment_sum(yf, yb, src3, dst3, zeros, out_f, out_b,
                         acc, idx_in, idx_out, r0, r1, r2, r3, r4,
                         g0, g1, g2, g3, g4):
    bufs = (r0, r1, r2, r3, r4)
    semg = (g0, g1, g2, g3, g4)
    c = lax.axis_index("c")
    s = lax.axis_index("s")

    nb = 5
    acc_slice = acc.at[pl.ds(s * ROWS_PER_TILE, ROWS_PER_TILE)]

    def prologue(table, gat3, sca3):
        pltpu.async_copy(zeros, acc_slice, g4)
        ci = pltpu.async_copy(gat3.at[s], idx_in, g0)
        co = pltpu.async_copy(sca3.at[s], idx_out, g1)
        ci.wait()
        co.wait()
        for b in range(nb - 1):
            pltpu.async_copy(table.at[idx_in.at[b]], bufs[b], semg[b])

    @pl.when(c == 0)
    def _():
        prologue(yf, src3, dst3)

    @pl.when(c == 1)
    def _():
        prologue(yb, dst3, src3)

    pltpu.make_async_copy(zeros, acc_slice, g4).wait()
    plsc.subcore_barrier()

    def sweep(table):

        def body(i, carry):
            base = nb * i
            for p in range(nb):
                j = base + p
                q = (p + nb - 1) % nb
                pltpu.async_copy(table.at[idx_in.at[j + nb - 1]], bufs[q],
                                 semg[q])
                pltpu.make_async_copy(table.at[idx_in.at[j]], bufs[p],
                                      semg[p]).wait()
                pltpu.sync_copy(bufs[p], acc.at[idx_out.at[j]], add=True)
            return carry

        lax.fori_loop(0, E_PER_TILE_GRPS // nb - 1, body, 0)

        last = E_PER_TILE_GRPS - nb
        pltpu.async_copy(table.at[idx_in.at[last + nb - 1]],
                         bufs[nb - 1], semg[nb - 1])
        for p in range(nb):
            j = last + p
            pltpu.make_async_copy(table.at[idx_in.at[j]], bufs[p],
                                  semg[p]).wait()
            pltpu.sync_copy(bufs[p], acc.at[idx_out.at[j]], add=True)

    @pl.when(c == 0)
    def _():
        sweep(yf)

    @pl.when(c == 1)
    def _():
        sweep(yb)

    plsc.subcore_barrier()

    @pl.when(c == 0)
    def _():
        pltpu.sync_copy(acc.at[pl.ds(s * ROWS_PER_TILE, ROWS_PER_TILE)],
                        out_f.at[pl.ds(s * ROWS_PER_TILE, ROWS_PER_TILE)])

    @pl.when(c == 1)
    def _():
        pltpu.sync_copy(acc.at[pl.ds(s * ROWS_PER_TILE, ROWS_PER_TILE)],
                        out_b.at[pl.ds(s * ROWS_PER_TILE, ROWS_PER_TILE)])


def _full(shape):
    return pl.BlockSpec(shape, lambda i: (0,) * len(shape))


def _rows(shape):
    return pl.BlockSpec(shape, lambda i: (i,) + (0,) * (len(shape) - 1))


def _stage_a_body(x, wnf, wnb, wrf, wrb, b1f, b1b, wp, bp,
                  y1f, y1b, r1f, r1b, proj):
    xb = x[...]
    y1f[...] = jnp.dot(xb, wnf[...], preferred_element_type=jnp.float32)
    y1b[...] = jnp.dot(xb, wnb[...], preferred_element_type=jnp.float32)
    r1f[...] = jnp.dot(xb, wrf[...], preferred_element_type=jnp.float32) + b1f[...]
    r1b[...] = jnp.dot(xb, wrb[...], preferred_element_type=jnp.float32) + b1b[...]
    proj[...] = jnp.dot(xb, wp[...], preferred_element_type=jnp.float32) + bp[...]


def _stage_a(x, wnf, wnb, wrf, wrb, b1f, b1b, wp, bp):
    o64 = jax.ShapeDtypeStruct((N_PAD, H), jnp.float32)
    o128 = jax.ShapeDtypeStruct((N_PAD, 128), jnp.float32)
    return pl.pallas_call(
        _stage_a_body,
        grid=(N_PAD // BLK,),
        in_specs=[_rows((BLK, 128)), _full((128, H)), _full((128, H)),
                  _full((128, H)), _full((128, H)), _full((1, H)),
                  _full((1, H)), _full((128, 128)), _full((1, 128))],
        out_specs=[_rows((BLK, H)), _rows((BLK, H)), _rows((BLK, H)),
                   _rows((BLK, H)), _rows((BLK, 128))],
        out_shape=[o64, o64, o64, o64, o128],
    )(x, wnf, wnb, wrf, wrb, b1f, b1b, wp, bp)


def _stage_b_body(msgf, msgb, r1f, r1b, wfct, wfcb, bfc,
                  wnf, wnb, wrf, wrb, b2f, b2b,
                  y2f, y2b, r2f, r2b):
    hf = jnp.maximum(r1f[...] + msgf[...], 0.0)
    hb = jnp.maximum(r1b[...] + msgb[...], 0.0)
    h = (jnp.dot(hf, wfct[...], preferred_element_type=jnp.float32)
         + jnp.dot(hb, wfcb[...], preferred_element_type=jnp.float32)
         + bfc[...])
    y2f[...] = jnp.dot(h, wnf[...], preferred_element_type=jnp.float32)
    y2b[...] = jnp.dot(h, wnb[...], preferred_element_type=jnp.float32)
    r2f[...] = jnp.dot(h, wrf[...], preferred_element_type=jnp.float32) + b2f[...]
    r2b[...] = jnp.dot(h, wrb[...], preferred_element_type=jnp.float32) + b2b[...]


def _stage_b(msgf, msgb, r1f, r1b, wfct, wfcb, bfc, wnf, wnb, wrf, wrb,
             b2f, b2b):
    n = msgf.shape[0]
    o64 = jax.ShapeDtypeStruct((n, H), jnp.float32)
    w64 = _full((H, H))
    return pl.pallas_call(
        _stage_b_body,
        grid=(n // BLK,),
        in_specs=[_rows((BLK, H))] * 4 + [w64, w64, _full((1, H)),
                                          w64, w64, w64, w64,
                                          _full((1, H)), _full((1, H))],
        out_specs=[_rows((BLK, H))] * 4,
        out_shape=[o64, o64, o64, o64],
    )(msgf, msgb, r1f, r1b, wfct, wfcb, bfc, wnf, wnb, wrf, wrb, b2f, b2b)


def _stage_c_body(msgf, msgb, r2f, r2b, proj, out):
    of = r2f[...] + msgf[...]
    ob = r2b[...] + msgb[...]
    out[...] = jnp.concatenate([of, ob], axis=-1) + proj[...]


def _stage_c(msgf, msgb, r2f, r2b, proj):
    blk = 1000
    return pl.pallas_call(
        _stage_c_body,
        grid=(N // blk,),
        in_specs=[_rows((blk, H))] * 4 + [_rows((blk, 128))],
        out_specs=_rows((blk, 128)),
        out_shape=jax.ShapeDtypeStruct((N, 128), jnp.float32),
    )(msgf, msgb, r2f, r2b, proj)


def kernel(x, edge_index, W1_root_f, W1_nbr_f, b1_f, W1_root_b, W1_nbr_b,
           b1_b, W_fc, b_fc, W2_root_f, W2_nbr_f, b2_f, W2_root_b, W2_nbr_b,
           b2_b, W_proj, b_proj):
    f32 = jnp.float32

    src = edge_index[0]
    dst = edge_index[1]
    pad = N + (jnp.arange(E_PAD - E, dtype=jnp.int32) % (N_PAD - N))
    src3 = jnp.concatenate([src, pad]).reshape(NS, E_PER_TILE_GRPS, GRP)
    dst3 = jnp.concatenate([dst, pad]).reshape(NS, E_PER_TILE_GRPS, GRP)
    zeros = jnp.zeros((ROWS_PER_TILE, H), f32)

    r1 = lambda b: b.reshape(1, -1)

    y1f, y1b, r1f, r1b, proj = _stage_a(
        x, W1_nbr_f, W1_nbr_b, W1_root_f, W1_root_b,
        r1(b1_f), r1(b1_b), W_proj, r1(b_proj))

    msg1f, msg1b = _sc_dual_segment_sum(y1f, y1b, src3, dst3, zeros)

    y2f, y2b, r2f, r2b = _stage_b(
        msg1f, msg1b, r1f, r1b, W_fc[:H], W_fc[H:], r1(b_fc),
        W2_nbr_f, W2_nbr_b, W2_root_f, W2_root_b, r1(b2_f), r1(b2_b))

    msg2f, msg2b = _sc_dual_segment_sum(y2f, y2b, src3, dst3, zeros)

    return _stage_c(msg2f, msg2b, r2f, r2b, proj)

# --- scband reference (transcript-rebuilt; emitter-appended) ---
"""Pipeline reference for scband-bidirectional-res-block-6648609374506 (READ-ONLY COPY).

The authoritative reference and input builder live on the scoring server;
editing this copy changes nothing except your own understanding.
"""

import jax, jax.numpy as jnp
import numpy as np

N = 10000
E = 320000
C_IN = 128
C_OUT = 128
H = C_OUT // 2  # per-direction channels inside a BidirectionalBlock


def _glorot(key, shape):
    fan_in = shape[0]
    return jax.random.normal(key, shape, dtype=jnp.float32) / np.sqrt(fan_in)


def setup_inputs(seed: int = 0):
    key = jax.random.key(seed)
    ks = jax.random.split(key, 16)
    inp = {}
    inp["x"] = jax.random.normal(ks[0], (N, C_IN), dtype=jnp.float32)
    inp["edge_index"] = jax.random.randint(ks[1], (2, E), 0, N, dtype=jnp.int32)
    # BidirectionalBlock 1: c_in=128 -> c_out=128 (two directions, H=64 each, concatenated)
    inp["W1_root_f"] = _glorot(ks[2], (C_IN, H))
    inp["W1_nbr_f"] = _glorot(ks[3], (C_IN, H))
    inp["b1_f"] = jnp.zeros((H,), jnp.float32)
    inp["W1_root_b"] = _glorot(ks[4], (C_IN, H))
    inp["W1_nbr_b"] = _glorot(ks[5], (C_IN, H))
    inp["b1_b"] = jnp.zeros((H,), jnp.float32)
    # fc: c_out -> c_out // 2
    inp["W_fc"] = _glorot(ks[6], (C_OUT, C_OUT // 2))
    inp["b_fc"] = jnp.zeros((C_OUT // 2,), jnp.float32)
    # BidirectionalBlock 2: c_out//2 -> c_out
    inp["W2_root_f"] = _glorot(ks[7], (C_OUT // 2, H))
    inp["W2_nbr_f"] = _glorot(ks[8], (C_OUT // 2, H))
    inp["b2_f"] = jnp.zeros((H,), jnp.float32)
    inp["W2_root_b"] = _glorot(ks[9], (C_OUT // 2, H))
    inp["W2_nbr_b"] = _glorot(ks[10], (C_OUT // 2, H))
    inp["b2_b"] = jnp.zeros((H,), jnp.float32)
    # proj skip: c_in -> c_out
    inp["W_proj"] = _glorot(ks[11], (C_IN, C_OUT))
    inp["b_proj"] = jnp.zeros((C_OUT,), jnp.float32)
    return inp


def _bidirectional_block(x, src, dst, Wr_f, Wn_f, b_f, Wr_b, Wn_b, b_b):
    # forward direction: messages flow src -> dst (GraphConv-style)
    msg_f = jax.ops.segment_sum((x @ Wn_f)[src], dst, num_segments=N)
    h_f = x @ Wr_f + msg_f + b_f
    # backward direction: messages flow dst -> src (reversed edges)
    msg_b = jax.ops.segment_sum((x @ Wn_b)[dst], src, num_segments=N)
    h_b = x @ Wr_b + msg_b + b_b
    return jnp.concatenate([h_f, h_b], axis=-1)


def reference(x, edge_index, W1_root_f, W1_nbr_f, b1_f, W1_root_b, W1_nbr_b, b1_b,
              W_fc, b_fc, W2_root_f, W2_nbr_f, b2_f, W2_root_b, W2_nbr_b, b2_b,
              W_proj, b_proj):
    src = edge_index[0]
    dst = edge_index[1]
    x_orig = x
    h = _bidirectional_block(x, src, dst, W1_root_f, W1_nbr_f, b1_f, W1_root_b, W1_nbr_b, b1_b)
    h = jax.nn.relu(h)
    h = h @ W_fc + b_fc
    h = _bidirectional_block(h, src, dst, W2_root_f, W2_nbr_f, b2_f, W2_root_b, W2_nbr_b, b2_b)
    out = h + (x_orig @ W_proj + b_proj)
    return out

if __name__ == "__main__":
    import jax
    _d = setup_inputs()
    print(jax.jit(kernel)(*tuple(_d.values())))

</pallas_src>

<mosaic_0001>
#map = affine_map<(d0, d1) -> (0, 0)>
#map1 = affine_map<(d0, d1) -> (0, 0, 0)>
module attributes {stable_mosaic.version = 14 : i64} {
  func.func @_sc_dual_segment_sum(%arg0: i32, %arg1: i32, %arg2: memref<10240x64xf32, #tpu.memory_space<hbm>>, %arg3: memref<10240x64xf32, #tpu.memory_space<hbm>>, %arg4: memref<16x160x128xi32, #tpu.memory_space<hbm>>, %arg5: memref<16x160x128xi32, #tpu.memory_space<hbm>>, %arg6: memref<640x64xf32, #tpu.memory_space<hbm>>, %arg7: memref<10240x64xf32, #tpu.memory_space<hbm>>, %arg8: memref<10240x64xf32, #tpu.memory_space<hbm>>, %arg9: memref<10240x64xf32, #tpu.memory_space<vmem_shared>>, %arg10: memref<160x128xi32, #tpu.memory_space<vmem>>, %arg11: memref<160x128xi32, #tpu.memory_space<vmem>>, %arg12: memref<128x64xf32, #tpu.memory_space<vmem>>, %arg13: memref<128x64xf32, #tpu.memory_space<vmem>>, %arg14: memref<128x64xf32, #tpu.memory_space<vmem>>, %arg15: memref<128x64xf32, #tpu.memory_space<vmem>>, %arg16: memref<128x64xf32, #tpu.memory_space<vmem>>, %arg17: memref<!tpu.dma_semaphore, #tpu.memory_space<semaphore_mem>>, %arg18: memref<!tpu.dma_semaphore, #tpu.memory_space<semaphore_mem>>, %arg19: memref<!tpu.dma_semaphore, #tpu.memory_space<semaphore_mem>>, %arg20: memref<!tpu.dma_semaphore, #tpu.memory_space<semaphore_mem>>, %arg21: memref<!tpu.dma_semaphore, #tpu.memory_space<semaphore_mem>>) attributes {dimension_semantics = [#tpu.dimension_semantics<core_parallel>, #tpu.dimension_semantics<subcore_parallel>], iteration_bounds = array<i64: 2, 16>, scalar_prefetch = 0 : i64, scratch_operands = 13 : i64, tpu.core_type = #tpu.core_type<sc_vector_subcore>, window_params = [{transform_indices = #map}, {transform_indices = #map}, {transform_indices = #map1}, {transform_indices = #map1}, {transform_indices = #map}, {transform_indices = #map}, {transform_indices = #map}]} {
    %mul3A = arith.constant 640 : i32
    %mul3A_0 = arith.muli %arg1, %mul3A : i32
    %eq3A = arith.constant 0 : i32
    %eq3A_1 = arith.cmpi eq, %arg0, %eq3A : i32
    %convert_element_type3A = arith.extui %eq3A_1 : i1 to i32
    %cond3A = arith.constant 0 : i32
    %cond3A_2 = arith.cmpi ne, %convert_element_type3A, %cond3A : i32
    scf.if %cond3A_2 {
      %dma_start3A = arith.constant 0 : i32
      %dma_start3A_30 = tpu.memref_slice %arg9[%mul3A_0, %dma_start3A] : memref<10240x64xf32, #tpu.memory_space<vmem_shared>> -> memref<640x64xf32, #tpu.memory_space<vmem_shared>>
      tpu.enqueue_dma source(%arg6 : memref<640x64xf32, #tpu.memory_space<hbm>>) target(%dma_start3A_30 : memref<640x64xf32, #tpu.memory_space<vmem_shared>>) target_semaphore(%arg21 : memref<!tpu.dma_semaphore, #tpu.memory_space<semaphore_mem>>)
      %dma_start3A_31 = arith.constant 0 : i32
      %dma_start3A_32 = arith.constant 0 : i32
      %dma_start3A_33 = tpu.memref_slice %arg4[%arg1, %dma_start3A_31, %dma_start3A_32] : memref<16x160x128xi32, #tpu.memory_space<hbm>> -> memref<1x160x128xi32, #tpu.memory_space<hbm>>
      %dma_start3A_34 = tpu.memref_squeeze %dma_start3A_33 : memref<1x160x128xi32, #tpu.memory_space<hbm>> -> memref<160x128xi32, #tpu.memory_space<hbm>>
      %dma_start3A_35 = arith.constant 0 : i32
      %dma_start3A_36 = arith.constant 0 : i32
      %dma_start3A_37 = tpu.memref_slice %arg4[%arg1, %dma_start3A_35, %dma_start3A_36] : memref<16x160x128xi32, #tpu.memory_space<hbm>> -> memref<1x160x128xi32, #tpu.memory_space<hbm>>
      %dma_start3A_38 = tpu.memref_squeeze %dma_start3A_37 : memref<1x160x128xi32, #tpu.memory_space<hbm>> -> memref<160x128xi32, #tpu.memory_space<hbm>>
      tpu.enqueue_dma source(%dma_start3A_38 : memref<160x128xi32, #tpu.memory_space<hbm>>) target(%arg10 : memref<160x128xi32, #tpu.memory_space<vmem>>) target_semaphore(%arg17 : memref<!tpu.dma_semaphore, #tpu.memory_space<semaphore_mem>>)
      %dma_start3A_39 = arith.constant 0 : i32
      %dma_start3A_40 = arith.constant 0 : i32
      %dma_start3A_41 = tpu.memref_slice %arg5[%arg1, %dma_start3A_39, %dma_start3A_40] : memref<16x160x128xi32, #tpu.memory_space<hbm>> -> memref<1x160x128xi32, #tpu.memory_space<hbm>>
      %dma_start3A_42 = tpu.memref_squeeze %dma_start3A_41 : memref<1x160x128xi32, #tpu.memory_space<hbm>> -> memref<160x128xi32, #tpu.memory_space<hbm>>
      %dma_start3A_43 = arith.constant 0 : i32
      %dma_start3A_44 = arith.constant 0 : i32
      %dma_start3A_45 = tpu.memref_slice %arg5[%arg1, %dma_start3A_43, %dma_start3A_44] : memref<16x160x128xi32, #tpu.memory_space<hbm>> -> memref<1x160x128xi32, #tpu.memory_space<hbm>>
      %dma_start3A_46 = tpu.memref_squeeze %dma_start3A_45 : memref<1x160x128xi32, #tpu.memory_space<hbm>> -> memref<160x128xi32, #tpu.memory_space<hbm>>
      tpu.enqueue_dma source(%dma_start3A_46 : memref<160x128xi32, #tpu.memory_space<hbm>>) target(%arg11 : memref<160x128xi32, #tpu.memory_space<vmem>>) target_semaphore(%arg18 : memref<!tpu.dma_semaphore, #tpu.memory_space<semaphore_mem>>)
      %dma_wait3A_47 = arith.constant 0 : i32
      %dma_wait3A_48 = arith.constant 0 : i32
      %dma_wait3A_49 = tpu.memref_slice %arg4[%arg1, %dma_wait3A_47, %dma_wait3A_48] : memref<16x160x128xi32, #tpu.memory_space<hbm>> -> memref<1x160x128xi32, #tpu.memory_space<hbm>>
      %dma_wait3A_50 = tpu.memref_squeeze %dma_wait3A_49 : memref<1x160x128xi32, #tpu.memory_space<hbm>> -> memref<160x128xi32, #tpu.memory_space<hbm>>
      %dma_wait3A_51 = arith.constant 0 : i32
      %dma_wait3A_52 = arith.constant 0 : i32
      %dma_wait3A_53 = tpu.memref_slice %arg4[%arg1, %dma_wait3A_51, %dma_wait3A_52] : memref<16x160x128xi32, #tpu.memory_space<hbm>> -> memref<1x160x128xi32, #tpu.memory_space<hbm>>
      %dma_wait3A_54 = tpu.memref_squeeze %dma_wait3A_53 : memref<1x160x128xi32, #tpu.memory_space<hbm>> -> memref<160x128xi32, #tpu.memory_space<hbm>>
      tpu.wait_dma2 semaphore(%arg17 : memref<!tpu.dma_semaphore, #tpu.memory_space<semaphore_mem>>) src(%dma_wait3A_54 : memref<160x128xi32, #tpu.memory_space<hbm>>) dst(%arg10 : memref<160x128xi32, #tpu.memory_space<vmem>>)
      %dma_wait3A_55 = arith.constant 0 : i32
      %dma_wait3A_56 = arith.constant 0 : i32
      %dma_wait3A_57 = tpu.memref_slice %arg5[%arg1, %dma_wait3A_55, %dma_wait3A_56] : memref<16x160x128xi32, #tpu.memory_space<hbm>> -> memref<1x160x128xi32, #tpu.memory_space<hbm>>
      %dma_wait3A_58 = tpu.memref_squeeze %dma_wait3A_57 : memref<1x160x128xi32, #tpu.memory_space<hbm>> -> memref<160x128xi32, #tpu.memory_space<hbm>>
      %dma_wait3A_59 = arith.constant 0 : i32
      %dma_wait3A_60 = arith.constant 0 : i32
      %dma_wait3A_61 = tpu.memref_slice %arg5[%arg1, %dma_wait3A_59, %dma_wait3A_60] : memref<16x160x128xi32, #tpu.memory_space<hbm>> -> memref<1x160x128xi32, #tpu.memory_space<hbm>>
      %dma_wait3A_62 = tpu.memref_squeeze %dma_wait3A_61 : memref<1x160x128xi32, #tpu.memory_space<hbm>> -> memref<160x128xi32, #tpu.memory_space<hbm>>
      tpu.wait_dma2 semaphore(%arg18 : memref<!tpu.dma_semaphore, #tpu.memory_space<semaphore_mem>>) src(%dma_wait3A_62 : memref<160x128xi32, #tpu.memory_space<hbm>>) dst(%arg11 : memref<160x128xi32, #tpu.memory_space<vmem>>)
      %dma_start3A_63 = arith.constant 0 : i32
      %dma_start3A_64 = arith.constant 0 : i32
      %dma_start3A_65 = tpu.memref_slice %arg10[%dma_start3A_63, %dma_start3A_64] : memref<160x128xi32, #tpu.memory_space<vmem>> -> memref<1x128xi32, #tpu.memory_space<vmem>>
      %dma_start3A_66 = tpu.memref_squeeze %dma_start3A_65 : memref<1x128xi32, #tpu.memory_space<vmem>> -> memref<128xi32, #tpu.memory_space<vmem>>
      %dma_start3A_67 = arith.constant 0 : i32
      %dma_start3A_68 = arith.constant 0 : i32
      %dma_start3A_69 = tpu.memref_slice %arg2[%dma_start3A_67, %dma_start3A_68] : memref<10240x64xf32, #tpu.memory_space<hbm>> -> memref<10240x64xf32, #tpu.memory_space<hbm>>
      tpu.enqueue_indirect_dma source(%dma_start3A_69 : memref<10240x64xf32, #tpu.memory_space<hbm>>) target(%arg12 : memref<128x64xf32, #tpu.memory_space<vmem>>) offsets(%dma_start3A_66 : memref<128xi32, #tpu.memory_space<vmem>>) semaphore(%arg17 : memref<!tpu.dma_semaphore, #tpu.memory_space<semaphore_mem>>)
      %dma_start3A_70 = arith.constant 1 : i32
      %dma_start3A_71 = arith.constant 0 : i32
      %dma_start3A_72 = tpu.memref_slice %arg10[%dma_start3A_70, %dma_start3A_71] : memref<160x128xi32, #tpu.memory_space<vmem>> -> memref<1x128xi32, #tpu.memory_space<vmem>>
      %dma_start3A_73 = tpu.memref_squeeze %dma_start3A_72 : memref<1x128xi32, #tpu.memory_space<vmem>> -> memref<128xi32, #tpu.memory_space<vmem>>
      %dma_start3A_74 = arith.constant 0 : i32
      %dma_start3A_75 = arith.constant 0 : i32
      %dma_start3A_76 = tpu.memref_slice %arg2[%dma_start3A_74, %dma_start3A_75] : memref<10240x64xf32, #tpu.memory_space<hbm>> -> memref<10240x64xf32, #tpu.memory_space<hbm>>
      tpu.enqueue_indirect_dma source(%dma_start3A_76 : memref<10240x64xf32, #tpu.memory_space<hbm>>) target(%arg13 : memref<128x64xf32, #tpu.memory_space<vmem>>) offsets(%dma_start3A_73 : memref<128xi32, #tpu.memory_space<vmem>>) semaphore(%arg18 : memref<!tpu.dma_semaphore, #tpu.memory_space<semaphore_mem>>)
      %dma_start3A_77 = arith.constant 2 : i32
      %dma_start3A_78 = arith.constant 0 : i32
      %dma_start3A_79 = tpu.memref_slice %arg10[%dma_start3A_77, %dma_start3A_78] : memref<160x128xi32, #tpu.memory_space<vmem>> -> memref<1x128xi32, #tpu.memory_space<vmem>>
      %dma_start3A_80 = tpu.memref_squeeze %dma_start3A_79 : memref<1x128xi32, #tpu.memory_space<vmem>> -> memref<128xi32, #tpu.memory_space<vmem>>
      %dma_start3A_81 = arith.constant 0 : i32
      %dma_start3A_82 = arith.constant 0 : i32
      %dma_start3A_83 = tpu.memref_slice %arg2[%dma_start3A_81, %dma_start3A_82] : memref<10240x64xf32, #tpu.memory_space<hbm>> -> memref<10240x64xf32, #tpu.memory_space<hbm>>
      tpu.enqueue_indirect_dma source(%dma_start3A_83 : memref<10240x64xf32, #tpu.memory_space<hbm>>) target(%arg14 : memref<128x64xf32, #tpu.memory_space<vmem>>) offsets(%dma_start3A_80 : memref<128xi32, #tpu.memory_space<vmem>>) semaphore(%arg19 : memref<!tpu.dma_semaphore, #tpu.memory_space<semaphore_mem>>)
      %dma_start3A_84 = arith.constant 3 : i32
      %dma_start3A_85 = arith.constant 0 : i32
      %dma_start3A_86 = tpu.memref_slice %arg10[%dma_start3A_84, %dma_start3A_85] : memref<160x128xi32, #tpu.memory_space<vmem>> -> memref<1x128xi32, #tpu.memory_space<vmem>>
      %dma_start3A_87 = tpu.memref_squeeze %dma_start3A_86 : memref<1x128xi32, #tpu.memory_space<vmem>> -> memref<128xi32, #tpu.memory_space<vmem>>
      %dma_start3A_88 = arith.constant 0 : i32
      %dma_start3A_89 = arith.constant 0 : i32
      %dma_start3A_90 = tpu.memref_slice %arg2[%dma_start3A_88, %dma_start3A_89] : memref<10240x64xf32, #tpu.memory_space<hbm>> -> memref<10240x64xf32, #tpu.memory_space<hbm>>
      tpu.enqueue_indirect_dma source(%dma_start3A_90 : memref<10240x64xf32, #tpu.memory_space<hbm>>) target(%arg15 : memref<128x64xf32, #tpu.memory_space<vmem>>) offsets(%dma_start3A_87 : memref<128xi32, #tpu.memory_space<vmem>>) semaphore(%arg20 : memref<!tpu.dma_semaphore, #tpu.memory_space<semaphore_mem>>)
    } else {
    }
    %eq3A_3 = arith.constant 1 : i32
    %eq3A_4 = arith.cmpi eq, %arg0, %eq3A_3 : i32
    %convert_element_type3A_5 = arith.extui %eq3A_4 : i1 to i32
    %cond3A_6 = arith.constant 0 : i32
    %cond3A_7 = arith.cmpi ne, %convert_element_type3A_5, %cond3A_6 : i32
    scf.if %cond3A_7 {
      %dma_start3A = arith.constant 0 : i32
      %dma_start3A_30 = tpu.memref_slice %arg9[%mul3A_0, %dma_start3A] : memref<10240x64xf32, #tpu.memory_space<vmem_shared>> -> memref<640x64xf32, #tpu.memory_space<vmem_shared>>
      tpu.enqueue_dma source(%arg6 : memref<640x64xf32, #tpu.memory_space<hbm>>) target(%dma_start3A_30 : memref<640x64xf32, #tpu.memory_space<vmem_shared>>) target_semaphore(%arg21 : memref<!tpu.dma_semaphore, #tpu.memory_space<semaphore_mem>>)
      %dma_start3A_31 = arith.constant 0 : i32
      %dma_start3A_32 = arith.constant 0 : i32
      %dma_start3A_33 = tpu.memref_slice %arg5[%arg1, %dma_start3A_31, %dma_start3A_32] : memref<16x160x128xi32, #tpu.memory_space<hbm>> -> memref<1x160x128xi32, #tpu.memory_space<hbm>>
      %dma_start3A_34 = tpu.memref_squeeze %dma_start3A_33 : memref<1x160x128xi32, #tpu.memory_space<hbm>> -> memref<160x128xi32, #tpu.memory_space<hbm>>
      %dma_start3A_35 = arith.constant 0 : i32
      %dma_start3A_36 = arith.constant 0 : i32
      %dma_start3A_37 = tpu.memref_slice %arg5[%arg1, %dma_start3A_35, %dma_start3A_36] : memref<16x160x128xi32, #tpu.memory_space<hbm>> -> memref<1x160x128xi32, #tpu.memory_space<hbm>>
      %dma_start3A_38 = tpu.memref_squeeze %dma_start3A_37 : memref<1x160x128xi32, #tpu.memory_space<hbm>> -> memref<160x128xi32, #tpu.memory_space<hbm>>
      tpu.enqueue_dma source(%dma_start3A_38 : memref<160x128xi32, #tpu.memory_space<hbm>>) target(%arg10 : memref<160x128xi32, #tpu.memory_space<vmem>>) target_semaphore(%arg17 : memref<!tpu.dma_semaphore, #tpu.memory_space<semaphore_mem>>)
      %dma_start3A_39 = arith.constant 0 : i32
      %dma_start3A_40 = arith.constant 0 : i32
      %dma_start3A_41 = tpu.memref_slice %arg4[%arg1, %dma_start3A_39, %dma_start3A_40] : memref<16x160x128xi32, #tpu.memory_space<hbm>> -> memref<1x160x128xi32, #tpu.memory_space<hbm>>
      %dma_start3A_42 = tpu.memref_squeeze %dma_start3A_41 : memref<1x160x128xi32, #tpu.memory_space<hbm>> -> memref<160x128xi32, #tpu.memory_space<hbm>>
      %dma_start3A_43 = arith.constant 0 : i32
      %dma_start3A_44 = arith.constant 0 : i32
      %dma_start3A_45 = tpu.memref_slice %arg4[%arg1, %dma_start3A_43, %dma_start3A_44] : memref<16x160x128xi32, #tpu.memory_space<hbm>> -> memref<1x160x128xi32, #tpu.memory_space<hbm>>
      %dma_start3A_46 = tpu.memref_squeeze %dma_start3A_45 : memref<1x160x128xi32, #tpu.memory_space<hbm>> -> memref<160x128xi32, #tpu.memory_space<hbm>>
      tpu.enqueue_dma source(%dma_start3A_46 : memref<160x128xi32, #tpu.memory_space<hbm>>) target(%arg11 : memref<160x128xi32, #tpu.memory_space<vmem>>) target_semaphore(%arg18 : memref<!tpu.dma_semaphore, #tpu.memory_space<semaphore_mem>>)
      %dma_wait3A_47 = arith.constant 0 : i32
      %dma_wait3A_48 = arith.constant 0 : i32
      %dma_wait3A_49 = tpu.memref_slice %arg5[%arg1, %dma_wait3A_47, %dma_wait3A_48] : memref<16x160x128xi32, #tpu.memory_space<hbm>> -> memref<1x160x128xi32, #tpu.memory_space<hbm>>
      %dma_wait3A_50 = tpu.memref_squeeze %dma_wait3A_49 : memref<1x160x128xi32, #tpu.memory_space<hbm>> -> memref<160x128xi32, #tpu.memory_space<hbm>>
      %dma_wait3A_51 = arith.constant 0 : i32
      %dma_wait3A_52 = arith.constant 0 : i32
      %dma_wait3A_53 = tpu.memref_slice %arg5[%arg1, %dma_wait3A_51, %dma_wait3A_52] : memref<16x160x128xi32, #tpu.memory_space<hbm>> -> memref<1x160x128xi32, #tpu.memory_space<hbm>>
      %dma_wait3A_54 = tpu.memref_squeeze %dma_wait3A_53 : memref<1x160x128xi32, #tpu.memory_space<hbm>> -> memref<160x128xi32, #tpu.memory_space<hbm>>
      tpu.wait_dma2 semaphore(%arg17 : memref<!tpu.dma_semaphore, #tpu.memory_space<semaphore_mem>>) src(%dma_wait3A_54 : memref<160x128xi32, #tpu.memory_space<hbm>>) dst(%arg10 : memref<160x128xi32, #tpu.memory_space<vmem>>)
      %dma_wait3A_55 = arith.constant 0 : i32
      %dma_wait3A_56 = arith.constant 0 : i32
      %dma_wait3A_57 = tpu.memref_slice %arg4[%arg1, %dma_wait3A_55, %dma_wait3A_56] : memref<16x160x128xi32, #tpu.memory_space<hbm>> -> memref<1x160x128xi32, #tpu.memory_space<hbm>>
      %dma_wait3A_58 = tpu.memref_squeeze %dma_wait3A_57 : memref<1x160x128xi32, #tpu.memory_space<hbm>> -> memref<160x128xi32, #tpu.memory_space<hbm>>
      %dma_wait3A_59 = arith.constant 0 : i32
      %dma_wait3A_60 = arith.constant 0 : i32
      %dma_wait3A_61 = tpu.memref_slice %arg4[%arg1, %dma_wait3A_59, %dma_wait3A_60] : memref<16x160x128xi32, #tpu.memory_space<hbm>> -> memref<1x160x128xi32, #tpu.memory_space<hbm>>
      %dma_wait3A_62 = tpu.memref_squeeze %dma_wait3A_61 : memref<1x160x128xi32, #tpu.memory_space<hbm>> -> memref<160x128xi32, #tpu.memory_space<hbm>>
      tpu.wait_dma2 semaphore(%arg18 : memref<!tpu.dma_semaphore, #tpu.memory_space<semaphore_mem>>) src(%dma_wait3A_62 : memref<160x128xi32, #tpu.memory_space<hbm>>) dst(%arg11 : memref<160x128xi32, #tpu.memory_space<vmem>>)
      %dma_start3A_63 = arith.constant 0 : i32
      %dma_start3A_64 = arith.constant 0 : i32
      %dma_start3A_65 = tpu.memref_slice %arg10[%dma_start3A_63, %dma_start3A_64] : memref<160x128xi32, #tpu.memory_space<vmem>> -> memref<1x128xi32, #tpu.memory_space<vmem>>
      %dma_start3A_66 = tpu.memref_squeeze %dma_start3A_65 : memref<1x128xi32, #tpu.memory_space<vmem>> -> memref<128xi32, #tpu.memory_space<vmem>>
      %dma_start3A_67 = arith.constant 0 : i32
      %dma_start3A_68 = arith.constant 0 : i32
      %dma_start3A_69 = tpu.memref_slice %arg3[%dma_start3A_67, %dma_start3A_68] : memref<10240x64xf32, #tpu.memory_space<hbm>> -> memref<10240x64xf32, #tpu.memory_space<hbm>>
      tpu.enqueue_indirect_dma source(%dma_start3A_69 : memref<10240x64xf32, #tpu.memory_space<hbm>>) target(%arg12 : memref<128x64xf32, #tpu.memory_space<vmem>>) offsets(%dma_start3A_66 : memref<128xi32, #tpu.memory_space<vmem>>) semaphore(%arg17 : memref<!tpu.dma_semaphore, #tpu.memory_space<semaphore_mem>>)
      %dma_start3A_70 = arith.constant 1 : i32
      %dma_start3A_71 = arith.constant 0 : i32
      %dma_start3A_72 = tpu.memref_slice %arg10[%dma_start3A_70, %dma_start3A_71] : memref<160x128xi32, #tpu.memory_space<vmem>> -> memref<1x128xi32, #tpu.memory_space<vmem>>
      %dma_start3A_73 = tpu.memref_squeeze %dma_start3A_72 : memref<1x128xi32, #tpu.memory_space<vmem>> -> memref<128xi32, #tpu.memory_space<vmem>>
      %dma_start3A_74 = arith.constant 0 : i32
      %dma_start3A_75 = arith.constant 0 : i32
      %dma_start3A_76 = tpu.memref_slice %arg3[%dma_start3A_74, %dma_start3A_75] : memref<10240x64xf32, #tpu.memory_space<hbm>> -> memref<10240x64xf32, #tpu.memory_space<hbm>>
      tpu.enqueue_indirect_dma source(%dma_start3A_76 : memref<10240x64xf32, #tpu.memory_space<hbm>>) target(%arg13 : memref<128x64xf32, #tpu.memory_space<vmem>>) offsets(%dma_start3A_73 : memref<128xi32, #tpu.memory_space<vmem>>) semaphore(%arg18 : memref<!tpu.dma_semaphore, #tpu.memory_space<semaphore_mem>>)
      %dma_start3A_77 = arith.constant 2 : i32
      %dma_start3A_78 = arith.constant 0 : i32
      %dma_start3A_79 = tpu.memref_slice %arg10[%dma_start3A_77, %dma_start3A_78] : memref<160x128xi32, #tpu.memory_space<vmem>> -> memref<1x128xi32, #tpu.memory_space<vmem>>
      %dma_start3A_80 = tpu.memref_squeeze %dma_start3A_79 : memref<1x128xi32, #tpu.memory_space<vmem>> -> memref<128xi32, #tpu.memory_space<vmem>>
      %dma_start3A_81 = arith.constant 0 : i32
      %dma_start3A_82 = arith.constant 0 : i32
      %dma_start3A_83 = tpu.memref_slice %arg3[%dma_start3A_81, %dma_start3A_82] : memref<10240x64xf32, #tpu.memory_space<hbm>> -> memref<10240x64xf32, #tpu.memory_space<hbm>>
      tpu.enqueue_indirect_dma source(%dma_start3A_83 : memref<10240x64xf32, #tpu.memory_space<hbm>>) target(%arg14 : memref<128x64xf32, #tpu.memory_space<vmem>>) offsets(%dma_start3A_80 : memref<128xi32, #tpu.memory_space<vmem>>) semaphore(%arg19 : memref<!tpu.dma_semaphore, #tpu.memory_space<semaphore_mem>>)
      %dma_start3A_84 = arith.constant 3 : i32
      %dma_start3A_85 = arith.constant 0 : i32
      %dma_start3A_86 = tpu.memref_slice %arg10[%dma_start3A_84, %dma_start3A_85] : memref<160x128xi32, #tpu.memory_space<vmem>> -> memref<1x128xi32, #tpu.memory_space<vmem>>
      %dma_start3A_87 = tpu.memref_squeeze %dma_start3A_86 : memref<1x128xi32, #tpu.memory_space<vmem>> -> memref<128xi32, #tpu.memory_space<vmem>>
      %dma_start3A_88 = arith.constant 0 : i32
      %dma_start3A_89 = arith.constant 0 : i32
      %dma_start3A_90 = tpu.memref_slice %arg3[%dma_start3A_88, %dma_start3A_89] : memref<10240x64xf32, #tpu.memory_space<hbm>> -> memref<10240x64xf32, #tpu.memory_space<hbm>>
      tpu.enqueue_indirect_dma source(%dma_start3A_90 : memref<10240x64xf32, #tpu.memory_space<hbm>>) target(%arg15 : memref<128x64xf32, #tpu.memory_space<vmem>>) offsets(%dma_start3A_87 : memref<128xi32, #tpu.memory_space<vmem>>) semaphore(%arg20 : memref<!tpu.dma_semaphore, #tpu.memory_space<semaphore_mem>>)
    } else {
    }
    %dma_wait3A = arith.constant 0 : i32
    %dma_wait3A_8 = tpu.memref_slice %arg9[%mul3A_0, %dma_wait3A] : memref<10240x64xf32, #tpu.memory_space<vmem_shared>> -> memref<640x64xf32, #tpu.memory_space<vmem_shared>>
    tpu.wait_dma2 semaphore(%arg21 : memref<!tpu.dma_semaphore, #tpu.memory_space<semaphore_mem>>) src(%arg6 : memref<640x64xf32, #tpu.memory_space<hbm>>) dst(%dma_wait3A_8 : memref<640x64xf32, #tpu.memory_space<vmem_shared>>)
    %barrier3A = arith.constant 0 : index
    tpu.barrier barrier_id(%barrier3A)
    %eq3A_9 = arith.constant 0 : i32
    %eq3A_10 = arith.cmpi eq, %arg0, %eq3A_9 : i32
    %convert_element_type3A_11 = arith.extui %eq3A_10 : i1 to i32
    %cond3A_12 = arith.constant 0 : i32
    %cond3A_13 = arith.cmpi ne, %convert_element_type3A_11, %cond3A_12 : i32
    scf.if %cond3A_13 {
      %scan3A = arith.constant 0 : i32
      %scan3A_30 = arith.constant 0 : i32
      %scan3A_31 = arith.constant 31 : i32
      %scan3A_32 = arith.addi %scan3A_30, %scan3A_31 : i32
      %scan3A_33 = arith.constant 1 : i32
      scf.for %scan3A_80 = %scan3A_30 to %scan3A_32 step %scan3A_33  : i32 {
        %mul3A_81 = arith.constant 5 : i32
        %mul3A_82 = arith.muli %mul3A_81, %scan3A_80 : i32
        %add3A = arith.constant 0 : i32
        %add3A_83 = arith.addi %mul3A_82, %add3A : i32
        %add3A_84 = arith.constant 5 : i32
        %add3A_85 = arith.addi %add3A_83, %add3A_84 : i32
        %sub3A = arith.constant 1 : i32
        %sub3A_86 = arith.subi %add3A_85, %sub3A : i32
        %dma_start3A_87 = arith.constant 0 : i32
        %dma_start3A_88 = tpu.memref_slice %arg10[%sub3A_86, %dma_start3A_87] : memref<160x128xi32, #tpu.memory_space<vmem>> -> memref<1x128xi32, #tpu.memory_space<vmem>>
        %dma_start3A_89 = tpu.memref_squeeze %dma_start3A_88 : memref<1x128xi32, #tpu.memory_space<vmem>> -> memref<128xi32, #tpu.memory_space<vmem>>
        %dma_start3A_90 = arith.constant 0 : i32
        %dma_start3A_91 = arith.constant 0 : i32
        %dma_start3A_92 = tpu.memref_slice %arg2[%dma_start3A_90, %dma_start3A_91] : memref<10240x64xf32, #tpu.memory_space<hbm>> -> memref<10240x64xf32, #tpu.memory_space<hbm>>
        tpu.enqueue_indirect_dma source(%dma_start3A_92 : memref<10240x64xf32, #tpu.memory_space<hbm>>) target(%arg16 : memref<128x64xf32, #tpu.memory_space<vmem>>) offsets(%dma_start3A_89 : memref<128xi32, #tpu.memory_space<vmem>>) semaphore(%arg21 : memref<!tpu.dma_semaphore, #tpu.memory_space<semaphore_mem>>)
        %dma_wait3A_93 = arith.constant 0 : i32
        %dma_wait3A_94 = tpu.memref_slice %arg10[%add3A_83, %dma_wait3A_93] : memref<160x128xi32, #tpu.memory_space<vmem>> -> memref<1x128xi32, #tpu.memory_space<vmem>>
        %dma_wait3A_95 = tpu.memref_squeeze %dma_wait3A_94 : memref<1x128xi32, #tpu.memory_space<vmem>> -> memref<128xi32, #tpu.memory_space<vmem>>
        %dma_wait3A_96 = arith.constant 0 : i32
        %dma_wait3A_97 = arith.constant 0 : i32
        %dma_wait3A_98 = tpu.memref_slice %arg2[%dma_wait3A_96, %dma_wait3A_97] : memref<10240x64xf32, #tpu.memory_space<hbm>> -> memref<10240x64xf32, #tpu.memory_space<hbm>>
        tpu.wait_indirect_dma semaphore(%arg17 : memref<!tpu.dma_semaphore, #tpu.memory_space<semaphore_mem>>) src(%dma_wait3A_98 : memref<10240x64xf32, #tpu.memory_space<hbm>>) dst(%arg12 : memref<128x64xf32, #tpu.memory_space<vmem>>)
        "tpu.region"() ({
          %run_scoped3A_171 = tpu.sem_alloc : memref<!tpu.dma_semaphore, #tpu.memory_space<semaphore_mem>>
          %dma_start3A_172 = arith.constant 0 : i32
          %dma_start3A_173 = tpu.memref_slice %arg11[%add3A_83, %dma_start3A_172] : memref<160x128xi32, #tpu.memory_space<vmem>> -> memref<1x128xi32, #tpu.memory_space<vmem>>
          %dma_start3A_174 = tpu.memref_squeeze %dma_start3A_173 : memref<1x128xi32, #tpu.memory_space<vmem>> -> memref<128xi32, #tpu.memory_space<vmem>>
          %dma_start3A_175 = arith.constant 0 : i32
          %dma_start3A_176 = arith.constant 0 : i32
          %dma_start3A_177 = tpu.memref_slice %arg9[%dma_start3A_175, %dma_start3A_176] : memref<10240x64xf32, #tpu.memory_space<vmem_shared>> -> memref<10240x64xf32, #tpu.memory_space<vmem_shared>>
          tpu.enqueue_indirect_dma source(%arg12 : memref<128x64xf32, #tpu.memory_space<vmem>>) target(%dma_start3A_177 : memref<10240x64xf32, #tpu.memory_space<vmem_shared>>) offsets(%dma_start3A_174 : memref<128xi32, #tpu.memory_space<vmem>>) semaphore(%run_scoped3A_171 : memref<!tpu.dma_semaphore, #tpu.memory_space<semaphore_mem>>) {add = true}
          %dma_wait3A_178 = arith.constant 0 : i32
          %dma_wait3A_179 = tpu.memref_slice %arg11[%add3A_83, %dma_wait3A_178] : memref<160x128xi32, #tpu.memory_space<vmem>> -> memref<1x128xi32, #tpu.memory_space<vmem>>
          %dma_wait3A_180 = tpu.memref_squeeze %dma_wait3A_179 : memref<1x128xi32, #tpu.memory_space<vmem>> -> memref<128xi32, #tpu.memory_space<vmem>>
          %dma_wait3A_181 = arith.constant 0 : i32
          %dma_wait3A_182 = arith.constant 0 : i32
          %dma_wait3A_183 = tpu.memref_slice %arg9[%dma_wait3A_181, %dma_wait3A_182] : memref<10240x64xf32, #tpu.memory_space<vmem_shared>> -> memref<10240x64xf32, #tpu.memory_space<vmem_shared>>
          tpu.wait_indirect_dma semaphore(%run_scoped3A_171 : memref<!tpu.dma_semaphore, #tpu.memory_space<semaphore_mem>>) src(%arg12 : memref<128x64xf32, #tpu.memory_space<vmem>>) dst(%dma_wait3A_183 : memref<10240x64xf32, #tpu.memory_space<vmem_shared>>)
          tpu.yield
        }) : () -> ()
        %add3A_99 = arith.constant 1 : i32
        %add3A_100 = arith.addi %mul3A_82, %add3A_99 : i32
        %add3A_101 = arith.constant 5 : i32
        %add3A_102 = arith.addi %add3A_100, %add3A_101 : i32
        %sub3A_103 = arith.constant 1 : i32
        %sub3A_104 = arith.subi %add3A_102, %sub3A_103 : i32
        %dma_start3A_105 = arith.constant 0 : i32
        %dma_start3A_106 = tpu.memref_slice %arg10[%sub3A_104, %dma_start3A_105] : memref<160x128xi32, #tpu.memory_space<vmem>> -> memref<1x128xi32, #tpu.memory_space<vmem>>
        %dma_start3A_107 = tpu.memref_squeeze %dma_start3A_106 : memref<1x128xi32, #tpu.memory_space<vmem>> -> memref<128xi32, #tpu.memory_space<vmem>>
        %dma_start3A_108 = arith.constant 0 : i32
        %dma_start3A_109 = arith.constant 0 : i32
        %dma_start3A_110 = tpu.memref_slice %arg2[%dma_start3A_108, %dma_start3A_109] : memref<10240x64xf32, #tpu.memory_space<hbm>> -> memref<10240x64xf32, #tpu.memory_space<hbm>>
        tpu.enqueue_indirect_dma source(%dma_start3A_110 : memref<10240x64xf32, #tpu.memory_space<hbm>>) target(%arg12 : memref<128x64xf32, #tpu.memory_space<vmem>>) offsets(%dma_start3A_107 : memref<128xi32, #tpu.memory_space<vmem>>) semaphore(%arg17 : memref<!tpu.dma_semaphore, #tpu.memory_space<semaphore_mem>>)
        %dma_wait3A_111 = arith.constant 0 : i32
        %dma_wait3A_112 = tpu.memref_slice %arg10[%add3A_100, %dma_wait3A_111] : memref<160x128xi32, #tpu.memory_space<vmem>> -> memref<1x128xi32, #tpu.memory_space<vmem>>
        %dma_wait3A_113 = tpu.memref_squeeze %dma_wait3A_112 : memref<1x128xi32, #tpu.memory_space<vmem>> -> memref<128xi32, #tpu.memory_space<vmem>>
        %dma_wait3A_114 = arith.constant 0 : i32
        %dma_wait3A_115 = arith.constant 0 : i32
        %dma_wait3A_116 = tpu.memref_slice %arg2[%dma_wait3A_114, %dma_wait3A_115] : memref<10240x64xf32, #tpu.memory_space<hbm>> -> memref<10240x64xf32, #tpu.memory_space<hbm>>
        tpu.wait_indirect_dma semaphore(%arg18 : memref<!tpu.dma_semaphore, #tpu.memory_space<semaphore_mem>>) src(%dma_wait3A_116 : memref<10240x64xf32, #tpu.memory_space<hbm>>) dst(%arg13 : memref<128x64xf32, #tpu.memory_space<vmem>>)
        "tpu.region"() ({
          %run_scoped3A_171 = tpu.sem_alloc : memref<!tpu.dma_semaphore, #tpu.memory_space<semaphore_mem>>
          %dma_start3A_172 = arith.constant 0 : i32
          %dma_start3A_173 = tpu.memref_slice %arg11[%add3A_100, %dma_start3A_172] : memref<160x128xi32, #tpu.memory_space<vmem>> -> memref<1x128xi32, #tpu.memory_space<vmem>>
          %dma_start3A_174 = tpu.memref_squeeze %dma_start3A_173 : memref<1x128xi32, #tpu.memory_space<vmem>> -> memref<128xi32, #tpu.memory_space<vmem>>
          %dma_start3A_175 = arith.constant 0 : i32
          %dma_start3A_176 = arith.constant 0 : i32
          %dma_start3A_177 = tpu.memref_slice %arg9[%dma_start3A_175, %dma_start3A_176] : memref<10240x64xf32, #tpu.memory_space<vmem_shared>> -> memref<10240x64xf32, #tpu.memory_space<vmem_shared>>
          tpu.enqueue_indirect_dma source(%arg13 : memref<128x64xf32, #tpu.memory_space<vmem>>) target(%dma_start3A_177 : memref<10240x64xf32, #tpu.memory_space<vmem_shared>>) offsets(%dma_start3A_174 : memref<128xi32, #tpu.memory_space<vmem>>) semaphore(%run_scoped3A_171 : memref<!tpu.dma_semaphore, #tpu.memory_space<semaphore_mem>>) {add = true}
          %dma_wait3A_178 = arith.constant 0 : i32
          %dma_wait3A_179 = tpu.memref_slice %arg11[%add3A_100, %dma_wait3A_178] : memref<160x128xi32, #tpu.memory_space<vmem>> -> memref<1x128xi32, #tpu.memory_space<vmem>>
          %dma_wait3A_180 = tpu.memref_squeeze %dma_wait3A_179 : memref<1x128xi32, #tpu.memory_space<vmem>> -> memref<128xi32, #tpu.memory_space<vmem>>
          %dma_wait3A_181 = arith.constant 0 : i32
          %dma_wait3A_182 = arith.constant 0 : i32
          %dma_wait3A_183 = tpu.memref_slice %arg9[%dma_wait3A_181, %dma_wait3A_182] : memref<10240x64xf32, #tpu.memory_space<vmem_shared>> -> memref<10240x64xf32, #tpu.memory_space<vmem_shared>>
          tpu.wait_indirect_dma semaphore(%run_scoped3A_171 : memref<!tpu.dma_semaphore, #tpu.memory_space<semaphore_mem>>) src(%arg13 : memref<128x64xf32, #tpu.memory_space<vmem>>) dst(%dma_wait3A_183 : memref<10240x64xf32, #tpu.memory_space<vmem_shared>>)
          tpu.yield
        }) : () -> ()
        %add3A_117 = arith.constant 2 : i32
        %add3A_118 = arith.addi %mul3A_82, %add3A_117 : i32
        %add3A_119 = arith.constant 5 : i32
        %add3A_120 = arith.addi %add3A_118, %add3A_119 : i32
        %sub3A_121 = arith.constant 1 : i32
        %sub3A_122 = arith.subi %add3A_120, %sub3A_121 : i32
        %dma_start3A_123 = arith.constant 0 : i32
        %dma_start3A_124 = tpu.memref_slice %arg10[%sub3A_122, %dma_start3A_123] : memref<160x128xi32, #tpu.memory_space<vmem>> -> memref<1x128xi32, #tpu.memory_space<vmem>>
        %dma_start3A_125 = tpu.memref_squeeze %dma_start3A_124 : memref<1x128xi32, #tpu.memory_space<vmem>> -> memref<128xi32, #tpu.memory_space<vmem>>
        %dma_start3A_126 = arith.constant 0 : i32
        %dma_start3A_127 = arith.constant 0 : i32
        %dma_start3A_128 = tpu.memref_slice %arg2[%dma_start3A_126, %dma_start3A_127] : memref<10240x64xf32, #tpu.memory_space<hbm>> -> memref<10240x64xf32, #tpu.memory_space<hbm>>
        tpu.enqueue_indirect_dma source(%dma_start3A_128 : memref<10240x64xf32, #tpu.memory_space<hbm>>) target(%arg13 : memref<128x64xf32, #tpu.memory_space<vmem>>) offsets(%dma_start3A_125 : memref<128xi32, #tpu.memory_space<vmem>>) semaphore(%arg18 : memref<!tpu.dma_semaphore, #tpu.memory_space<semaphore_mem>>)
        %dma_wait3A_129 = arith.constant 0 : i32
        %dma_wait3A_130 = tpu.memref_slice %arg10[%add3A_118, %dma_wait3A_129] : memref<160x128xi32, #tpu.memory_space<vmem>> -> memref<1x128xi32, #tpu.memory_space<vmem>>
        %dma_wait3A_131 = tpu.memref_squeeze %dma_wait3A_130 : memref<1x128xi32, #tpu.memory_space<vmem>> -> memref<128xi32, #tpu.memory_space<vmem>>
        %dma_wait3A_132 = arith.constant 0 : i32
        %dma_wait3A_133 = arith.constant 0 : i32
        %dma_wait3A_134 = tpu.memref_slice %arg2[%dma_wait3A_132, %dma_wait3A_133] : memref<10240x64xf32, #tpu.memory_space<hbm>> -> memref<10240x64xf32, #tpu.memory_space<hbm>>
        tpu.wait_indirect_dma semaphore(%arg19 : memref<!tpu.dma_semaphore, #tpu.memory_space<semaphore_mem>>) src(%dma_wait3A_134 : memref<10240x64xf32, #tpu.memory_space<hbm>>) dst(%arg14 : memref<128x64xf32, #tpu.memory_space<vmem>>)
        "tpu.region"() ({
          %run_scoped3A_171 = tpu.sem_alloc : memref<!tpu.dma_semaphore, #tpu.memory_space<semaphore_mem>>
          %dma_start3A_172 = arith.constant 0 : i32
          %dma_start3A_173 = tpu.memref_slice %arg11[%add3A_118, %dma_start3A_172] : memref<160x128xi32, #tpu.memory_space<vmem>> -> memref<1x128xi32, #tpu.memory_space<vmem>>
          %dma_start3A_174 = tpu.memref_squeeze %dma_start3A_173 : memref<1x128xi32, #tpu.memory_space<vmem>> -> memref<128xi32, #tpu.memory_space<vmem>>
          %dma_start3A_175 = arith.constant 0 : i32
          %dma_start3A_176 = arith.constant 0 : i32
          %dma_start3A_177 = tpu.memref_slice %arg9[%dma_start3A_175, %dma_start3A_176] : memref<10240x64xf32, #tpu.memory_space<vmem_shared>> -> memref<10240x64xf32, #tpu.memory_space<vmem_shared>>
          tpu.enqueue_indirect_dma source(%arg14 : memref<128x64xf32, #tpu.memory_space<vmem>>) target(%dma_start3A_177 : memref<10240x64xf32, #tpu.memory_space<vmem_shared>>) offsets(%dma_start3A_174 : memref<128xi32, #tpu.memory_space<vmem>>) semaphore(%run_scoped3A_171 : memref<!tpu.dma_semaphore, #tpu.memory_space<semaphore_mem>>) {add = true}
          %dma_wait3A_178 = arith.constant 0 : i32
          %dma_wait3A_179 = tpu.memref_slice %arg11[%add3A_118, %dma_wait3A_178] : memref<160x128xi32, #tpu.memory_space<vmem>> -> memref<1x128xi32, #tpu.memory_space<vmem>>
          %dma_wait3A_180 = tpu.memref_squeeze %dma_wait3A_179 : memref<1x128xi32, #tpu.memory_space<vmem>> -> memref<128xi32, #tpu.memory_space<vmem>>
          %dma_wait3A_181 = arith.constant 0 : i32
          %dma_wait3A_182 = arith.constant 0 : i32
          %dma_wait3A_183 = tpu.memref_slice %arg9[%dma_wait3A_181, %dma_wait3A_182] : memref<10240x64xf32, #tpu.memory_space<vmem_shared>> -> memref<10240x64xf32, #tpu.memory_space<vmem_shared>>
          tpu.wait_indirect_dma semaphore(%run_scoped3A_171 : memref<!tpu.dma_semaphore, #tpu.memory_space<semaphore_mem>>) src(%arg14 : memref<128x64xf32, #tpu.memory_space<vmem>>) dst(%dma_wait3A_183 : memref<10240x64xf32, #tpu.memory_space<vmem_shared>>)
          tpu.yield
        }) : () -> ()
        %add3A_135 = arith.constant 3 : i32
        %add3A_136 = arith.addi %mul3A_82, %add3A_135 : i32
        %add3A_137 = arith.constant 5 : i32
        %add3A_138 = arith.addi %add3A_136, %add3A_137 : i32
        %sub3A_139 = arith.constant 1 : i32
        %sub3A_140 = arith.subi %add3A_138, %sub3A_139 : i32
        %dma_start3A_141 = arith.constant 0 : i32
        %dma_start3A_142 = tpu.memref_slice %arg10[%sub3A_140, %dma_start3A_141] : memref<160x128xi32, #tpu.memory_space<vmem>> -> memref<1x128xi32, #tpu.memory_space<vmem>>
        %dma_start3A_143 = tpu.memref_squeeze %dma_start3A_142 : memref<1x128xi32, #tpu.memory_space<vmem>> -> memref<128xi32, #tpu.memory_space<vmem>>
        %dma_start3A_144 = arith.constant 0 : i32
        %dma_start3A_145 = arith.constant 0 : i32
        %dma_start3A_146 = tpu.memref_slice %arg2[%dma_start3A_144, %dma_start3A_145] : memref<10240x64xf32, #tpu.memory_space<hbm>> -> memref<10240x64xf32, #tpu.memory_space<hbm>>
        tpu.enqueue_indirect_dma source(%dma_start3A_146 : memref<10240x64xf32, #tpu.memory_space<hbm>>) target(%arg14 : memref<128x64xf32, #tpu.memory_space<vmem>>) offsets(%dma_start3A_143 : memref<128xi32, #tpu.memory_space<vmem>>) semaphore(%arg19 : memref<!tpu.dma_semaphore, #tpu.memory_space<semaphore_mem>>)
        %dma_wait3A_147 = arith.constant 0 : i32
        %dma_wait3A_148 = tpu.memref_slice %arg10[%add3A_136, %dma_wait3A_147] : memref<160x128xi32, #tpu.memory_space<vmem>> -> memref<1x128xi32, #tpu.memory_space<vmem>>
        %dma_wait3A_149 = tpu.memref_squeeze %dma_wait3A_148 : memref<1x128xi32, #tpu.memory_space<vmem>> -> memref<128xi32, #tpu.memory_space<vmem>>
        %dma_wait3A_150 = arith.constant 0 : i32
        %dma_wait3A_151 = arith.constant 0 : i32
        %dma_wait3A_152 = tpu.memref_slice %arg2[%dma_wait3A_150, %dma_wait3A_151] : memref<10240x64xf32, #tpu.memory_space<hbm>> -> memref<10240x64xf32, #tpu.memory_space<hbm>>
        tpu.wait_indirect_dma semaphore(%arg20 : memref<!tpu.dma_semaphore, #tpu.memory_space<semaphore_mem>>) src(%dma_wait3A_152 : memref<10240x64xf32, #tpu.memory_space<hbm>>) dst(%arg15 : memref<128x64xf32, #tpu.memory_space<vmem>>)
        "tpu.region"() ({
          %run_scoped3A_171 = tpu.sem_alloc : memref<!tpu.dma_semaphore, #tpu.memory_space<semaphore_mem>>
          %dma_start3A_172 = arith.constant 0 : i32
          %dma_start3A_173 = tpu.memref_slice %arg11[%add3A_136, %dma_start3A_172] : memref<160x128xi32, #tpu.memory_space<vmem>> -> memref<1x128xi32, #tpu.memory_space<vmem>>
          %dma_start3A_174 = tpu.memref_squeeze %dma_start3A_173 : memref<1x128xi32, #tpu.memory_space<vmem>> -> memref<128xi32, #tpu.memory_space<vmem>>
          %dma_start3A_175 = arith.constant 0 : i32
          %dma_start3A_176 = arith.constant 0 : i32
          %dma_start3A_177 = tpu.memref_slice %arg9[%dma_start3A_175, %dma_start3A_176] : memref<10240x64xf32, #tpu.memory_space<vmem_shared>> -> memref<10240x64xf32, #tpu.memory_space<vmem_shared>>
          tpu.enqueue_indirect_dma source(%arg15 : memref<128x64xf32, #tpu.memory_space<vmem>>) target(%dma_start3A_177 : memref<10240x64xf32, #tpu.memory_space<vmem_shared>>) offsets(%dma_start3A_174 : memref<128xi32, #tpu.memory_space<vmem>>) semaphore(%run_scoped3A_171 : memref<!tpu.dma_semaphore, #tpu.memory_space<semaphore_mem>>) {add = true}
          %dma_wait3A_178 = arith.constant 0 : i32
          %dma_wait3A_179 = tpu.memref_slice %arg11[%add3A_136, %dma_wait3A_178] : memref<160x128xi32, #tpu.memory_space<vmem>> -> memref<1x128xi32, #tpu.memory_space<vmem>>
          %dma_wait3A_180 = tpu.memref_squeeze %dma_wait3A_179 : memref<1x128xi32, #tpu.memory_space<vmem>> -> memref<128xi32, #tpu.memory_space<vmem>>
          %dma_wait3A_181 = arith.constant 0 : i32
          %dma_wait3A_182 = arith.constant 0 : i32
          %dma_wait3A_183 = tpu.memref_slice %arg9[%dma_wait3A_181, %dma_wait3A_182] : memref<10240x64xf32, #tpu.memory_space<vmem_shared>> -> memref<10240x64xf32, #tpu.memory_space<vmem_shared>>
          tpu.wait_indirect_dma semaphore(%run_scoped3A_171 : memref<!tpu.dma_semaphore, #tpu.memory_space<semaphore_mem>>) src(%arg15 : memref<128x64xf32, #tpu.memory_space<vmem>>) dst(%dma_wait3A_183 : memref<10240x64xf32, #tpu.memory_space<vmem_shared>>)
          tpu.yield
        }) : () -> ()
        %add3A_153 = arith.constant 4 : i32
        %add3A_154 = arith.addi %mul3A_82, %add3A_153 : i32
        %add3A_155 = arith.constant 5 : i32
        %add3A_156 = arith.addi %add3A_154, %add3A_155 : i32
        %sub3A_157 = arith.constant 1 : i32
        %sub3A_158 = arith.subi %add3A_156, %sub3A_157 : i32
        %dma_start3A_159 = arith.constant 0 : i32
        %dma_start3A_160 = tpu.memref_slice %arg10[%sub3A_158, %dma_start3A_159] : memref<160x128xi32, #tpu.memory_space<vmem>> -> memref<1x128xi32, #tpu.memory_space<vmem>>
        %dma_start3A_161 = tpu.memref_squeeze %dma_start3A_160 : memref<1x128xi32, #tpu.memory_space<vmem>> -> memref<128xi32, #tpu.memory_space<vmem>>
        %dma_start3A_162 = arith.constant 0 : i32
        %dma_start3A_163 = arith.constant 0 : i32
        %dma_start3A_164 = tpu.memref_slice %arg2[%dma_start3A_162, %dma_start3A_163] : memref<10240x64xf32, #tpu.memory_space<hbm>> -> memref<10240x64xf32, #tpu.memory_space<hbm>>
        tpu.enqueue_indirect_dma source(%dma_start3A_164 : memref<10240x64xf32, #tpu.memory_space<hbm>>) target(%arg15 : memref<128x64xf32, #tpu.memory_space<vmem>>) offsets(%dma_start3A_161 : memref<128xi32, #tpu.memory_space<vmem>>) semaphore(%arg20 : memref<!tpu.dma_semaphore, #tpu.memory_space<semaphore_mem>>)
        %dma_wait3A_165 = arith.constant 0 : i32
        %dma_wait3A_166 = tpu.memref_slice %arg10[%add3A_154, %dma_wait3A_165] : memref<160x128xi32, #tpu.memory_space<vmem>> -> memref<1x128xi32, #tpu.memory_space<vmem>>
        %dma_wait3A_167 = tpu.memref_squeeze %dma_wait3A_166 : memref<1x128xi32, #tpu.memory_space<vmem>> -> memref<128xi32, #tpu.memory_space<vmem>>
        %dma_wait3A_168 = arith.constant 0 : i32
        %dma_wait3A_169 = arith.constant 0 : i32
        %dma_wait3A_170 = tpu.memref_slice %arg2[%dma_wait3A_168, %dma_wait3A_169] : memref<10240x64xf32, #tpu.memory_space<hbm>> -> memref<10240x64xf32, #tpu.memory_space<hbm>>
        tpu.wait_indirect_dma semaphore(%arg21 : memref<!tpu.dma_semaphore, #tpu.memory_space<semaphore_mem>>) src(%dma_wait3A_170 : memref<10240x64xf32, #tpu.memory_space<hbm>>) dst(%arg16 : memref<128x64xf32, #tpu.memory_space<vmem>>)
        "tpu.region"() ({
          %run_scoped3A_171 = tpu.sem_alloc : memref<!tpu.dma_semaphore, #tpu.memory_space<semaphore_mem>>
          %dma_start3A_172 = arith.constant 0 : i32
          %dma_start3A_173 = tpu.memref_slice %arg11[%add3A_154, %dma_start3A_172] : memref<160x128xi32, #tpu.memory_space<vmem>> -> memref<1x128xi32, #tpu.memory_space<vmem>>
          %dma_start3A_174 = tpu.memref_squeeze %dma_start3A_173 : memref<1x128xi32, #tpu.memory_space<vmem>> -> memref<128xi32, #tpu.memory_space<vmem>>
          %dma_start3A_175 = arith.constant 0 : i32
          %dma_start3A_176 = arith.constant 0 : i32
          %dma_start3A_177 = tpu.memref_slice %arg9[%dma_start3A_175, %dma_start3A_176] : memref<10240x64xf32, #tpu.memory_space<vmem_shared>> -> memref<10240x64xf32, #tpu.memory_space<vmem_shared>>
          tpu.enqueue_indirect_dma source(%arg16 : memref<128x64xf32, #tpu.memory_space<vmem>>) target(%dma_start3A_177 : memref<10240x64xf32, #tpu.memory_space<vmem_shared>>) offsets(%dma_start3A_174 : memref<128xi32, #tpu.memory_space<vmem>>) semaphore(%run_scoped3A_171 : memref<!tpu.dma_semaphore, #tpu.memory_space<semaphore_mem>>) {add = true}
          %dma_wait3A_178 = arith.constant 0 : i32
          %dma_wait3A_179 = tpu.memref_slice %arg11[%add3A_154, %dma_wait3A_178] : memref<160x128xi32, #tpu.memory_space<vmem>> -> memref<1x128xi32, #tpu.memory_space<vmem>>
          %dma_wait3A_180 = tpu.memref_squeeze %dma_wait3A_179 : memref<1x128xi32, #tpu.memory_space<vmem>> -> memref<128xi32, #tpu.memory_space<vmem>>
          %dma_wait3A_181 = arith.constant 0 : i32
          %dma_wait3A_182 = arith.constant 0 : i32
          %dma_wait3A_183 = tpu.memref_slice %arg9[%dma_wait3A_181, %dma_wait3A_182] : memref<10240x64xf32, #tpu.memory_space<vmem_shared>> -> memref<10240x64xf32, #tpu.memory_space<vmem_shared>>
          tpu.wait_indirect_dma semaphore(%run_scoped3A_171 : memref<!tpu.dma_semaphore, #tpu.memory_space<semaphore_mem>>) src(%arg16 : memref<128x64xf32, #tpu.memory_space<vmem>>) dst(%dma_wait3A_183 : memref<10240x64xf32, #tpu.memory_space<vmem_shared>>)
          tpu.yield
        }) : () -> ()
      }
      %scan3A_34 = arith.constant 31 : i32
      %dma_start3A = arith.constant 159 : i32
      %dma_start3A_35 = arith.constant 0 : i32
      %dma_start3A_36 = tpu.memref_slice %arg10[%dma_start3A, %dma_start3A_35] : memref<160x128xi32, #tpu.memory_space<vmem>> -> memref<1x128xi32, #tpu.memory_space<vmem>>
      %dma_start3A_37 = tpu.memref_squeeze %dma_start3A_36 : memref<1x128xi32, #tpu.memory_space<vmem>> -> memref<128xi32, #tpu.memory_space<vmem>>
      %dma_start3A_38 = arith.constant 0 : i32
      %dma_start3A_39 = arith.constant 0 : i32
      %dma_start3A_40 = tpu.memref_slice %arg2[%dma_start3A_38, %dma_start3A_39] : memref<10240x64xf32, #tpu.memory_space<hbm>> -> memref<10240x64xf32, #tpu.memory_space<hbm>>
      tpu.enqueue_indirect_dma source(%dma_start3A_40 : memref<10240x64xf32, #tpu.memory_space<hbm>>) target(%arg16 : memref<128x64xf32, #tpu.memory_space<vmem>>) offsets(%dma_start3A_37 : memref<128xi32, #tpu.memory_space<vmem>>) semaphore(%arg21 : memref<!tpu.dma_semaphore, #tpu.memory_space<semaphore_mem>>)
      %dma_wait3A_41 = arith.constant 155 : i32
      %dma_wait3A_42 = arith.constant 0 : i32
      %dma_wait3A_43 = tpu.memref_slice %arg10[%dma_wait3A_41, %dma_wait3A_42] : memref<160x128xi32, #tpu.memory_space<vmem>> -> memref<1x128xi32, #tpu.memory_space<vmem>>
      %dma_wait3A_44 = tpu.memref_squeeze %dma_wait3A_43 : memref<1x128xi32, #tpu.memory_space<vmem>> -> memref<128xi32, #tpu.memory_space<vmem>>
      %dma_wait3A_45 = arith.constant 0 : i32
      %dma_wait3A_46 = arith.constant 0 : i32
      %dma_wait3A_47 = tpu.memref_slice %arg2[%dma_wait3A_45, %dma_wait3A_46] : memref<10240x64xf32, #tpu.memory_space<hbm>> -> memref<10240x64xf32, #tpu.memory_space<hbm>>
      tpu.wait_indirect_dma semaphore(%arg17 : memref<!tpu.dma_semaphore, #tpu.memory_space<semaphore_mem>>) src(%dma_wait3A_47 : memref<10240x64xf32, #tpu.memory_space<hbm>>) dst(%arg12 : memref<128x64xf32, #tpu.memory_space<vmem>>)
      %run_scoped3A = arith.constant 155 : i32
      "tpu.region"() ({
        %run_scoped3A_80 = tpu.sem_alloc : memref<!tpu.dma_semaphore, #tpu.memory_space<semaphore_mem>>
        %dma_start3A_81 = arith.constant 0 : i32
        %dma_start3A_82 = tpu.memref_slice %arg11[%run_scoped3A, %dma_start3A_81] : memref<160x128xi32, #tpu.memory_space<vmem>> -> memref<1x128xi32, #tpu.memory_space<vmem>>
        %dma_start3A_83 = tpu.memref_squeeze %dma_start3A_82 : memref<1x128xi32, #tpu.memory_space<vmem>> -> memref<128xi32, #tpu.memory_space<vmem>>
        %dma_start3A_84 = arith.constant 0 : i32
        %dma_start3A_85 = arith.constant 0 : i32
        %dma_start3A_86 = tpu.memref_slice %arg9[%dma_start3A_84, %dma_start3A_85] : memref<10240x64xf32, #tpu.memory_space<vmem_shared>> -> memref<10240x64xf32, #tpu.memory_space<vmem_shared>>
        tpu.enqueue_indirect_dma source(%arg12 : memref<128x64xf32, #tpu.memory_space<vmem>>) target(%dma_start3A_86 : memref<10240x64xf32, #tpu.memory_space<vmem_shared>>) offsets(%dma_start3A_83 : memref<128xi32, #tpu.memory_space<vmem>>) semaphore(%run_scoped3A_80 : memref<!tpu.dma_semaphore, #tpu.memory_space<semaphore_mem>>) {add = true}
        %dma_wait3A_87 = arith.constant 0 : i32
        %dma_wait3A_88 = tpu.memref_slice %arg11[%run_scoped3A, %dma_wait3A_87] : memref<160x128xi32, #tpu.memory_space<vmem>> -> memref<1x128xi32, #tpu.memory_space<vmem>>
        %dma_wait3A_89 = tpu.memref_squeeze %dma_wait3A_88 : memref<1x128xi32, #tpu.memory_space<vmem>> -> memref<128xi32, #tpu.memory_space<vmem>>
        %dma_wait3A_90 = arith.constant 0 : i32
        %dma_wait3A_91 = arith.constant 0 : i32
        %dma_wait3A_92 = tpu.memref_slice %arg9[%dma_wait3A_90, %dma_wait3A_91] : memref<10240x64xf32, #tpu.memory_space<vmem_shared>> -> memref<10240x64xf32, #tpu.memory_space<vmem_shared>>
        tpu.wait_indirect_dma semaphore(%run_scoped3A_80 : memref<!tpu.dma_semaphore, #tpu.memory_space<semaphore_mem>>) src(%arg12 : memref<128x64xf32, #tpu.memory_space<vmem>>) dst(%dma_wait3A_92 : memref<10240x64xf32, #tpu.memory_space<vmem_shared>>)
        tpu.yield
      }) : () -> ()
      %dma_wait3A_48 = arith.constant 156 : i32
      %dma_wait3A_49 = arith.constant 0 : i32
      %dma_wait3A_50 = tpu.memref_slice %arg10[%dma_wait3A_48, %dma_wait3A_49] : memref<160x128xi32, #tpu.memory_space<vmem>> -> memref<1x128xi32, #tpu.memory_space<vmem>>
      %dma_wait3A_51 = tpu.memref_squeeze %dma_wait3A_50 : memref<1x128xi32, #tpu.memory_space<vmem>> -> memref<128xi32, #tpu.memory_space<vmem>>
      %dma_wait3A_52 = arith.constant 0 : i32
      %dma_wait3A_53 = arith.constant 0 : i32
      %dma_wait3A_54 = tpu.memref_slice %arg2[%dma_wait3A_52, %dma_wait3A_53] : memref<10240x64xf32, #tpu.memory_space<hbm>> -> memref<10240x64xf32, #tpu.memory_space<hbm>>
      tpu.wait_indirect_dma semaphore(%arg18 : memref<!tpu.dma_semaphore, #tpu.memory_space<semaphore_mem>>) src(%dma_wait3A_54 : memref<10240x64xf32, #tpu.memory_space<hbm>>) dst(%arg13 : memref<128x64xf32, #tpu.memory_space<vmem>>)
      %run_scoped3A_55 = arith.constant 156 : i32
      "tpu.region"() ({
        %run_scoped3A_80 = tpu.sem_alloc : memref<!tpu.dma_semaphore, #tpu.memory_space<semaphore_mem>>
        %dma_start3A_81 = arith.constant 0 : i32
        %dma_start3A_82 = tpu.memref_slice %arg11[%run_scoped3A_55, %dma_start3A_81] : memref<160x128xi32, #tpu.memory_space<vmem>> -> memref<1x128xi32, #tpu.memory_space<vmem>>
        %dma_start3A_83 = tpu.memref_squeeze %dma_start3A_82 : memref<1x128xi32, #tpu.memory_space<vmem>> -> memref<128xi32, #tpu.memory_space<vmem>>
        %dma_start3A_84 = arith.constant 0 : i32
        %dma_start3A_85 = arith.constant 0 : i32
        %dma_start3A_86 = tpu.memref_slice %arg9[%dma_start3A_84, %dma_start3A_85] : memref<10240x64xf32, #tpu.memory_space<vmem_shared>> -> memref<10240x64xf32, #tpu.memory_space<vmem_shared>>
        tpu.enqueue_indirect_dma source(%arg13 : memref<128x64xf32, #tpu.memory_space<vmem>>) target(%dma_start3A_86 : memref<10240x64xf32, #tpu.memory_space<vmem_shared>>) offsets(%dma_start3A_83 : memref<128xi32, #tpu.memory_space<vmem>>) semaphore(%run_scoped3A_80 : memref<!tpu.dma_semaphore, #tpu.memory_space<semaphore_mem>>) {add = true}
        %dma_wait3A_87 = arith.constant 0 : i32
        %dma_wait3A_88 = tpu.memref_slice %arg11[%run_scoped3A_55, %dma_wait3A_87] : memref<160x128xi32, #tpu.memory_space<vmem>> -> memref<1x128xi32, #tpu.memory_space<vmem>>
        %dma_wait3A_89 = tpu.memref_squeeze %dma_wait3A_88 : memref<1x128xi32, #tpu.memory_space<vmem>> -> memref<128xi32, #tpu.memory_space<vmem>>
        %dma_wait3A_90 = arith.constant 0 : i32
        %dma_wait3A_91 = arith.constant 0 : i32
        %dma_wait3A_92 = tpu.memref_slice %arg9[%dma_wait3A_90, %dma_wait3A_91] : memref<10240x64xf32, #tpu.memory_space<vmem_shared>> -> memref<10240x64xf32, #tpu.memory_space<vmem_shared>>
        tpu.wait_indirect_dma semaphore(%run_scoped3A_80 : memref<!tpu.dma_semaphore, #tpu.memory_space<semaphore_mem>>) src(%arg13 : memref<128x64xf32, #tpu.memory_space<vmem>>) dst(%dma_wait3A_92 : memref<10240x64xf32, #tpu.memory_space<vmem_shared>>)
        tpu.yield
      }) : () -> ()
      %dma_wait3A_56 = arith.constant 157 : i32
      %dma_wait3A_57 = arith.constant 0 : i32
      %dma_wait3A_58 = tpu.memref_slice %arg10[%dma_wait3A_56, %dma_wait3A_57] : memref<160x128xi32, #tpu.memory_space<vmem>> -> memref<1x128xi32, #tpu.memory_space<vmem>>
      %dma_wait3A_59 = tpu.memref_squeeze %dma_wait3A_58 : memref<1x128xi32, #tpu.memory_space<vmem>> -> memref<128xi32, #tpu.memory_space<vmem>>
      %dma_wait3A_60 = arith.constant 0 : i32
      %dma_wait3A_61 = arith.constant 0 : i32
      %dma_wait3A_62 = tpu.memref_slice %arg2[%dma_wait3A_60, %dma_wait3A_61] : memref<10240x64xf32, #tpu.memory_space<hbm>> -> memref<10240x64xf32, #tpu.memory_space<hbm>>
      tpu.wait_indirect_dma semaphore(%arg19 : memref<!tpu.dma_semaphore, #tpu.memory_space<semaphore_mem>>) src(%dma_wait3A_62 : memref<10240x64xf32, #tpu.memory_space<hbm>>) dst(%arg14 : memref<128x64xf32, #tpu.memory_space<vmem>>)
      %run_scoped3A_63 = arith.constant 157 : i32
      "tpu.region"() ({
        %run_scoped3A_80 = tpu.sem_alloc : memref<!tpu.dma_semaphore, #tpu.memory_space<semaphore_mem>>
        %dma_start3A_81 = arith.constant 0 : i32
        %dma_start3A_82 = tpu.memref_slice %arg11[%run_scoped3A_63, %dma_start3A_81] : memref<160x128xi32, #tpu.memory_space<vmem>> -> memref<1x128xi32, #tpu.memory_space<vmem>>
        %dma_start3A_83 = tpu.memref_squeeze %dma_start3A_82 : memref<1x128xi32, #tpu.memory_space<vmem>> -> memref<128xi32, #tpu.memory_space<vmem>>
        %dma_start3A_84 = arith.constant 0 : i32
        %dma_start3A_85 = arith.constant 0 : i32
        %dma_start3A_86 = tpu.memref_slice %arg9[%dma_start3A_84, %dma_start3A_85] : memref<10240x64xf32, #tpu.memory_space<vmem_shared>> -> memref<10240x64xf32, #tpu.memory_space<vmem_shared>>
        tpu.enqueue_indirect_dma source(%arg14 : memref<128x64xf32, #tpu.memory_space<vmem>>) target(%dma_start3A_86 : memref<10240x64xf32, #tpu.memory_space<vmem_shared>>) offsets(%dma_start3A_83 : memref<128xi32, #tpu.memory_space<vmem>>) semaphore(%run_scoped3A_80 : memref<!tpu.dma_semaphore, #tpu.memory_space<semaphore_mem>>) {add = true}
        %dma_wait3A_87 = arith.constant 0 : i32
        %dma_wait3A_88 = tpu.memref_slice %arg11[%run_scoped3A_63, %dma_wait3A_87] : memref<160x128xi32, #tpu.memory_space<vmem>> -> memref<1x128xi32, #tpu.memory_space<vmem>>
        %dma_wait3A_89 = tpu.memref_squeeze %dma_wait3A_88 : memref<1x128xi32, #tpu.memory_space<vmem>> -> memref<128xi32, #tpu.memory_space<vmem>>
        %dma_wait3A_90 = arith.constant 0 : i32
        %dma_wait3A_91 = arith.constant 0 : i32
        %dma_wait3A_92 = tpu.memref_slice %arg9[%dma_wait3A_90, %dma_wait3A_91] : memref<10240x64xf32, #tpu.memory_space<vmem_shared>> -> memref<10240x64xf32, #tpu.memory_space<vmem_shared>>
        tpu.wait_indirect_dma semaphore(%run_scoped3A_80 : memref<!tpu.dma_semaphore, #tpu.memory_space<semaphore_mem>>) src(%arg14 : memref<128x64xf32, #tpu.memory_space<vmem>>) dst(%dma_wait3A_92 : memref<10240x64xf32, #tpu.memory_space<vmem_shared>>)
        tpu.yield
      }) : () -> ()
      %dma_wait3A_64 = arith.constant 158 : i32
      %dma_wait3A_65 = arith.constant 0 : i32
      %dma_wait3A_66 = tpu.memref_slice %arg10[%dma_wait3A_64, %dma_wait3A_65] : memref<160x128xi32, #tpu.memory_space<vmem>> -> memref<1x128xi32, #tpu.memory_space<vmem>>
      %dma_wait3A_67 = tpu.memref_squeeze %dma_wait3A_66 : memref<1x128xi32, #tpu.memory_space<vmem>> -> memref<128xi32, #tpu.memory_space<vmem>>
      %dma_wait3A_68 = arith.constant 0 : i32
      %dma_wait3A_69 = arith.constant 0 : i32
      %dma_wait3A_70 = tpu.memref_slice %arg2[%dma_wait3A_68, %dma_wait3A_69] : memref<10240x64xf32, #tpu.memory_space<hbm>> -> memref<10240x64xf32, #tpu.memory_space<hbm>>
      tpu.wait_indirect_dma semaphore(%arg20 : memref<!tpu.dma_semaphore, #tpu.memory_space<semaphore_mem>>) src(%dma_wait3A_70 : memref<10240x64xf32, #tpu.memory_space<hbm>>) dst(%arg15 : memref<128x64xf32, #tpu.memory_space<vmem>>)
      %run_scoped3A_71 = arith.constant 158 : i32
      "tpu.region"() ({
        %run_scoped3A_80 = tpu.sem_alloc : memref<!tpu.dma_semaphore, #tpu.memory_space<semaphore_mem>>
        %dma_start3A_81 = arith.constant 0 : i32
        %dma_start3A_82 = tpu.memref_slice %arg11[%run_scoped3A_71, %dma_start3A_81] : memref<160x128xi32, #tpu.memory_space<vmem>> -> memref<1x128xi32, #tpu.memory_space<vmem>>
        %dma_start3A_83 = tpu.memref_squeeze %dma_start3A_82 : memref<1x128xi32, #tpu.memory_space<vmem>> -> memref<128xi32, #tpu.memory_space<vmem>>
        %dma_start3A_84 = arith.constant 0 : i32
        %dma_start3A_85 = arith.constant 0 : i32
        %dma_start3A_86 = tpu.memref_slice %arg9[%dma_start3A_84, %dma_start3A_85] : memref<10240x64xf32, #tpu.memory_space<vmem_shared>> -> memref<10240x64xf32, #tpu.memory_space<vmem_shared>>
        tpu.enqueue_indirect_dma source(%arg15 : memref<128x64xf32, #tpu.memory_space<vmem>>) target(%dma_start3A_86 : memref<10240x64xf32, #tpu.memory_space<vmem_shared>>) offsets(%dma_start3A_83 : memref<128xi32, #tpu.memory_space<vmem>>) semaphore(%run_scoped3A_80 : memref<!tpu.dma_semaphore, #tpu.memory_space<semaphore_mem>>) {add = true}
        %dma_wait3A_87 = arith.constant 0 : i32
        %dma_wait3A_88 = tpu.memref_slice %arg11[%run_scoped3A_71, %dma_wait3A_87] : memref<160x128xi32, #tpu.memory_space<vmem>> -> memref<1x128xi32, #tpu.memory_space<vmem>>
        %dma_wait3A_89 = tpu.memref_squeeze %dma_wait3A_88 : memref<1x128xi32, #tpu.memory_space<vmem>> -> memref<128xi32, #tpu.memory_space<vmem>>
        %dma_wait3A_90 = arith.constant 0 : i32
        %dma_wait3A_91 = arith.constant 0 : i32
        %dma_wait3A_92 = tpu.memref_slice %arg9[%dma_wait3A_90, %dma_wait3A_91] : memref<10240x64xf32, #tpu.memory_space<vmem_shared>> -> memref<10240x64xf32, #tpu.memory_space<vmem_shared>>
        tpu.wait_indirect_dma semaphore(%run_scoped3A_80 : memref<!tpu.dma_semaphore, #tpu.memory_space<semaphore_mem>>) src(%arg15 : memref<128x64xf32, #tpu.memory_space<vmem>>) dst(%dma_wait3A_92 : memref<10240x64xf32, #tpu.memory_space<vmem_shared>>)
        tpu.yield
      }) : () -> ()
      %dma_wait3A_72 = arith.constant 159 : i32
      %dma_wait3A_73 = arith.constant 0 : i32
      %dma_wait3A_74 = tpu.memref_slice %arg10[%dma_wait3A_72, %dma_wait3A_73] : memref<160x128xi32, #tpu.memory_space<vmem>> -> memref<1x128xi32, #tpu.memory_space<vmem>>
      %dma_wait3A_75 = tpu.memref_squeeze %dma_wait3A_74 : memref<1x128xi32, #tpu.memory_space<vmem>> -> memref<128xi32, #tpu.memory_space<vmem>>
      %dma_wait3A_76 = arith.constant 0 : i32
      %dma_wait3A_77 = arith.constant 0 : i32
      %dma_wait3A_78 = tpu.memref_slice %arg2[%dma_wait3A_76, %dma_wait3A_77] : memref<10240x64xf32, #tpu.memory_space<hbm>> -> memref<10240x64xf32, #tpu.memory_space<hbm>>
      tpu.wait_indirect_dma semaphore(%arg21 : memref<!tpu.dma_semaphore, #tpu.memory_space<semaphore_mem>>) src(%dma_wait3A_78 : memref<10240x64xf32, #tpu.memory_space<hbm>>) dst(%arg16 : memref<128x64xf32, #tpu.memory_space<vmem>>)
      %run_scoped3A_79 = arith.constant 159 : i32
      "tpu.region"() ({
        %run_scoped3A_80 = tpu.sem_alloc : memref<!tpu.dma_semaphore, #tpu.memory_space<semaphore_mem>>
        %dma_start3A_81 = arith.constant 0 : i32
        %dma_start3A_82 = tpu.memref_slice %arg11[%run_scoped3A_79, %dma_start3A_81] : memref<160x128xi32, #tpu.memory_space<vmem>> -> memref<1x128xi32, #tpu.memory_space<vmem>>
        %dma_start3A_83 = tpu.memref_squeeze %dma_start3A_82 : memref<1x128xi32, #tpu.memory_space<vmem>> -> memref<128xi32, #tpu.memory_space<vmem>>
        %dma_start3A_84 = arith.constant 0 : i32
        %dma_start3A_85 = arith.constant 0 : i32
        %dma_start3A_86 = tpu.memref_slice %arg9[%dma_start3A_84, %dma_start3A_85] : memref<10240x64xf32, #tpu.memory_space<vmem_shared>> -> memref<10240x64xf32, #tpu.memory_space<vmem_shared>>
        tpu.enqueue_indirect_dma source(%arg16 : memref<128x64xf32, #tpu.memory_space<vmem>>) target(%dma_start3A_86 : memref<10240x64xf32, #tpu.memory_space<vmem_shared>>) offsets(%dma_start3A_83 : memref<128xi32, #tpu.memory_space<vmem>>) semaphore(%run_scoped3A_80 : memref<!tpu.dma_semaphore, #tpu.memory_space<semaphore_mem>>) {add = true}
        %dma_wait3A_87 = arith.constant 0 : i32
        %dma_wait3A_88 = tpu.memref_slice %arg11[%run_scoped3A_79, %dma_wait3A_87] : memref<160x128xi32, #tpu.memory_space<vmem>> -> memref<1x128xi32, #tpu.memory_space<vmem>>
        %dma_wait3A_89 = tpu.memref_squeeze %dma_wait3A_88 : memref<1x128xi32, #tpu.memory_space<vmem>> -> memref<128xi32, #tpu.memory_space<vmem>>
        %dma_wait3A_90 = arith.constant 0 : i32
        %dma_wait3A_91 = arith.constant 0 : i32
        %dma_wait3A_92 = tpu.memref_slice %arg9[%dma_wait3A_90, %dma_wait3A_91] : memref<10240x64xf32, #tpu.memory_space<vmem_shared>> -> memref<10240x64xf32, #tpu.memory_space<vmem_shared>>
        tpu.wait_indirect_dma semaphore(%run_scoped3A_80 : memref<!tpu.dma_semaphore, #tpu.memory_space<semaphore_mem>>) src(%arg16 : memref<128x64xf32, #tpu.memory_space<vmem>>) dst(%dma_wait3A_92 : memref<10240x64xf32, #tpu.memory_space<vmem_shared>>)
        tpu.yield
      }) : () -> ()
    } else {
    }
    %eq3A_14 = arith.constant 1 : i32
    %eq3A_15 = arith.cmpi eq, %arg0, %eq3A_14 : i32
    %convert_element_type3A_16 = arith.extui %eq3A_15 : i1 to i32
    %cond3A_17 = arith.constant 0 : i32
    %cond3A_18 = arith.cmpi ne, %convert_element_type3A_16, %cond3A_17 : i32
    scf.if %cond3A_18 {
      %scan3A = arith.constant 0 : i32
      %scan3A_30 = arith.constant 0 : i32
      %scan3A_31 = arith.constant 31 : i32
      %scan3A_32 = arith.addi %scan3A_30, %scan3A_31 : i32
      %scan3A_33 = arith.constant 1 : i32
      scf.for %scan3A_80 = %scan3A_30 to %scan3A_32 step %scan3A_33  : i32 {
        %mul3A_81 = arith.constant 5 : i32
        %mul3A_82 = arith.muli %mul3A_81, %scan3A_80 : i32
        %add3A = arith.constant 0 : i32
        %add3A_83 = arith.addi %mul3A_82, %add3A : i32
        %add3A_84 = arith.constant 5 : i32
        %add3A_85 = arith.addi %add3A_83, %add3A_84 : i32
        %sub3A = arith.constant 1 : i32
        %sub3A_86 = arith.subi %add3A_85, %sub3A : i32
        %dma_start3A_87 = arith.constant 0 : i32
        %dma_start3A_88 = tpu.memref_slice %arg10[%sub3A_86, %dma_start3A_87] : memref<160x128xi32, #tpu.memory_space<vmem>> -> memref<1x128xi32, #tpu.memory_space<vmem>>
        %dma_start3A_89 = tpu.memref_squeeze %dma_start3A_88 : memref<1x128xi32, #tpu.memory_space<vmem>> -> memref<128xi32, #tpu.memory_space<vmem>>
        %dma_start3A_90 = arith.constant 0 : i32
        %dma_start3A_91 = arith.constant 0 : i32
        %dma_start3A_92 = tpu.memref_slice %arg3[%dma_start3A_90, %dma_start3A_91] : memref<10240x64xf32, #tpu.memory_space<hbm>> -> memref<10240x64xf32, #tpu.memory_space<hbm>>
        tpu.enqueue_indirect_dma source(%dma_start3A_92 : memref<10240x64xf32, #tpu.memory_space<hbm>>) target(%arg16 : memref<128x64xf32, #tpu.memory_space<vmem>>) offsets(%dma_start3A_89 : memref<128xi32, #tpu.memory_space<vmem>>) semaphore(%arg21 : memref<!tpu.dma_semaphore, #tpu.memory_space<semaphore_mem>>)
        %dma_wait3A_93 = arith.constant 0 : i32
        %dma_wait3A_94 = tpu.memref_slice %arg10[%add3A_83, %dma_wait3A_93] : memref<160x128xi32, #tpu.memory_space<vmem>> -> memref<1x128xi32, #tpu.memory_space<vmem>>
        %dma_wait3A_95 = tpu.memref_squeeze %dma_wait3A_94 : memref<1x128xi32, #tpu.memory_space<vmem>> -> memref<128xi32, #tpu.memory_space<vmem>>
        %dma_wait3A_96 = arith.constant 0 : i32
        %dma_wait3A_97 = arith.constant 0 : i32
        %dma_wait3A_98 = tpu.memref_slice %arg3[%dma_wait3A_96, %dma_wait3A_97] : memref<10240x64xf32, #tpu.memory_space<hbm>> -> memref<10240x64xf32, #tpu.memory_space<hbm>>
        tpu.wait_indirect_dma semaphore(%arg17 : memref<!tpu.dma_semaphore, #tpu.memory_space<semaphore_mem>>) src(%dma_wait3A_98 : memref<10240x64xf32, #tpu.memory_space<hbm>>) dst(%arg12 : memref<128x64xf32, #tpu.memory_space<vmem>>)
        "tpu.region"() ({
          %run_scoped3A_171 = tpu.sem_alloc : memref<!tpu.dma_semaphore, #tpu.memory_space<semaphore_mem>>
          %dma_start3A_172 = arith.constant 0 : i32
          %dma_start3A_173 = tpu.memref_slice %arg11[%add3A_83, %dma_start3A_172] : memref<160x128xi32, #tpu.memory_space<vmem>> -> memref<1x128xi32, #tpu.memory_space<vmem>>
          %dma_start3A_174 = tpu.memref_squeeze %dma_start3A_173 : memref<1x128xi32, #tpu.memory_space<vmem>> -> memref<128xi32, #tpu.memory_space<vmem>>
          %dma_start3A_175 = arith.constant 0 : i32
          %dma_start3A_176 = arith.constant 0 : i32
          %dma_start3A_177 = tpu.memref_slice %arg9[%dma_start3A_175, %dma_start3A_176] : memref<10240x64xf32, #tpu.memory_space<vmem_shared>> -> memref<10240x64xf32, #tpu.memory_space<vmem_shared>>
          tpu.enqueue_indirect_dma source(%arg12 : memref<128x64xf32, #tpu.memory_space<vmem>>) target(%dma_start3A_177 : memref<10240x64xf32, #tpu.memory_space<vmem_shared>>) offsets(%dma_start3A_174 : memref<128xi32, #tpu.memory_space<vmem>>) semaphore(%run_scoped3A_171 : memref<!tpu.dma_semaphore, #tpu.memory_space<semaphore_mem>>) {add = true}
          %dma_wait3A_178 = arith.constant 0 : i32
          %dma_wait3A_179 = tpu.memref_slice %arg11[%add3A_83, %dma_wait3A_178] : memref<160x128xi32, #tpu.memory_space<vmem>> -> memref<1x128xi32, #tpu.memory_space<vmem>>
          %dma_wait3A_180 = tpu.memref_squeeze %dma_wait3A_179 : memref<1x128xi32, #tpu.memory_space<vmem>> -> memref<128xi32, #tpu.memory_space<vmem>>
          %dma_wait3A_181 = arith.constant 0 : i32
          %dma_wait3A_182 = arith.constant 0 : i32
          %dma_wait3A_183 = tpu.memref_slice %arg9[%dma_wait3A_181, %dma_wait3A_182] : memref<10240x64xf32, #tpu.memory_space<vmem_shared>> -> memref<10240x64xf32, #tpu.memory_space<vmem_shared>>
          tpu.wait_indirect_dma semaphore(%run_scoped3A_171 : memref<!tpu.dma_semaphore, #tpu.memory_space<semaphore_mem>>) src(%arg12 : memref<128x64xf32, #tpu.memory_space<vmem>>) dst(%dma_wait3A_183 : memref<10240x64xf32, #tpu.memory_space<vmem_shared>>)
          tpu.yield
        }) : () -> ()
        %add3A_99 = arith.constant 1 : i32
        %add3A_100 = arith.addi %mul3A_82, %add3A_99 : i32
        %add3A_101 = arith.constant 5 : i32
        %add3A_102 = arith.addi %add3A_100, %add3A_101 : i32
        %sub3A_103 = arith.constant 1 : i32
        %sub3A_104 = arith.subi %add3A_102, %sub3A_103 : i32
        %dma_start3A_105 = arith.constant 0 : i32
        %dma_start3A_106 = tpu.memref_slice %arg10[%sub3A_104, %dma_start3A_105] : memref<160x128xi32, #tpu.memory_space<vmem>> -> memref<1x128xi32, #tpu.memory_space<vmem>>
        %dma_start3A_107 = tpu.memref_squeeze %dma_start3A_106 : memref<1x128xi32, #tpu.memory_space<vmem>> -> memref<128xi32, #tpu.memory_space<vmem>>
        %dma_start3A_108 = arith.constant 0 : i32
        %dma_start3A_109 = arith.constant 0 : i32
        %dma_start3A_110 = tpu.memref_slice %arg3[%dma_start3A_108, %dma_start3A_109] : memref<10240x64xf32, #tpu.memory_space<hbm>> -> memref<10240x64xf32, #tpu.memory_space<hbm>>
        tpu.enqueue_indirect_dma source(%dma_start3A_110 : memref<10240x64xf32, #tpu.memory_space<hbm>>) target(%arg12 : memref<128x64xf32, #tpu.memory_space<vmem>>) offsets(%dma_start3A_107 : memref<128xi32, #tpu.memory_space<vmem>>) semaphore(%arg17 : memref<!tpu.dma_semaphore, #tpu.memory_space<semaphore_mem>>)
        %dma_wait3A_111 = arith.constant 0 : i32
        %dma_wait3A_112 = tpu.memref_slice %arg10[%add3A_100, %dma_wait3A_111] : memref<160x128xi32, #tpu.memory_space<vmem>> -> memref<1x128xi32, #tpu.memory_space<vmem>>
        %dma_wait3A_113 = tpu.memref_squeeze %dma_wait3A_112 : memref<1x128xi32, #tpu.memory_space<vmem>> -> memref<128xi32, #tpu.memory_space<vmem>>
        %dma_wait3A_114 = arith.constant 0 : i32
        %dma_wait3A_115 = arith.constant 0 : i32
        %dma_wait3A_116 = tpu.memref_slice %arg3[%dma_wait3A_114, %dma_wait3A_115] : memref<10240x64xf32, #tpu.memory_space<hbm>> -> memref<10240x64xf32, #tpu.memory_space<hbm>>
        tpu.wait_indirect_dma semaphore(%arg18 : memref<!tpu.dma_semaphore, #tpu.memory_space<semaphore_mem>>) src(%dma_wait3A_116 : memref<10240x64xf32, #tpu.memory_space<hbm>>) dst(%arg13 : memref<128x64xf32, #tpu.memory_space<vmem>>)
        "tpu.region"() ({
          %run_scoped3A_171 = tpu.sem_alloc : memref<!tpu.dma_semaphore, #tpu.memory_space<semaphore_mem>>
          %dma_start3A_172 = arith.constant 0 : i32
          %dma_start3A_173 = tpu.memref_slice %arg11[%add3A_100, %dma_start3A_172] : memref<160x128xi32, #tpu.memory_space<vmem>> -> memref<1x128xi32, #tpu.memory_space<vmem>>
          %dma_start3A_174 = tpu.memref_squeeze %dma_start3A_173 : memref<1x128xi32, #tpu.memory_space<vmem>> -> memref<128xi32, #tpu.memory_space<vmem>>
          %dma_start3A_175 = arith.constant 0 : i32
          %dma_start3A_176 = arith.constant 0 : i32
          %dma_start3A_177 = tpu.memref_slice %arg9[%dma_start3A_175, %dma_start3A_176] : memref<10240x64xf32, #tpu.memory_space<vmem_shared>> -> memref<10240x64xf32, #tpu.memory_space<vmem_shared>>
          tpu.enqueue_indirect_dma source(%arg13 : memref<128x64xf32, #tpu.memory_space<vmem>>) target(%dma_start3A_177 : memref<10240x64xf32, #tpu.memory_space<vmem_shared>>) offsets(%dma_start3A_174 : memref<128xi32, #tpu.memory_space<vmem>>) semaphore(%run_scoped3A_171 : memref<!tpu.dma_semaphore, #tpu.memory_space<semaphore_mem>>) {add = true}
          %dma_wait3A_178 = arith.constant 0 : i32
          %dma_wait3A_179 = tpu.memref_slice %arg11[%add3A_100, %dma_wait3A_178] : memref<160x128xi32, #tpu.memory_space<vmem>> -> memref<1x128xi32, #tpu.memory_space<vmem>>
          %dma_wait3A_180 = tpu.memref_squeeze %dma_wait3A_179 : memref<1x128xi32, #tpu.memory_space<vmem>> -> memref<128xi32, #tpu.memory_space<vmem>>
          %dma_wait3A_181 = arith.constant 0 : i32
          %dma_wait3A_182 = arith.constant 0 : i32
          %dma_wait3A_183 = tpu.memref_slice %arg9[%dma_wait3A_181, %dma_wait3A_182] : memref<10240x64xf32, #tpu.memory_space<vmem_shared>> -> memref<10240x64xf32, #tpu.memory_space<vmem_shared>>
          tpu.wait_indirect_dma semaphore(%run_scoped3A_171 : memref<!tpu.dma_semaphore, #tpu.memory_space<semaphore_mem>>) src(%arg13 : memref<128x64xf32, #tpu.memory_space<vmem>>) dst(%dma_wait3A_183 : memref<10240x64xf32, #tpu.memory_space<vmem_shared>>)
          tpu.yield
        }) : () -> ()
        %add3A_117 = arith.constant 2 : i32
        %add3A_118 = arith.addi %mul3A_82, %add3A_117 : i32
        %add3A_119 = arith.constant 5 : i32
        %add3A_120 = arith.addi %add3A_118, %add3A_119 : i32
        %sub3A_121 = arith.constant 1 : i32
        %sub3A_122 = arith.subi %add3A_120, %sub3A_121 : i32
        %dma_start3A_123 = arith.constant 0 : i32
        %dma_start3A_124 = tpu.memref_slice %arg10[%sub3A_122, %dma_start3A_123] : memref<160x128xi32, #tpu.memory_space<vmem>> -> memref<1x128xi32, #tpu.memory_space<vmem>>
        %dma_start3A_125 = tpu.memref_squeeze %dma_start3A_124 : memref<1x128xi32, #tpu.memory_space<vmem>> -> memref<128xi32, #tpu.memory_space<vmem>>
        %dma_start3A_126 = arith.constant 0 : i32
        %dma_start3A_127 = arith.constant 0 : i32
        %dma_start3A_128 = tpu.memref_slice %arg3[%dma_start3A_126, %dma_start3A_127] : memref<10240x64xf32, #tpu.memory_space<hbm>> -> memref<10240x64xf32, #tpu.memory_space<hbm>>
        tpu.enqueue_indirect_dma source(%dma_start3A_128 : memref<10240x64xf32, #tpu.memory_space<hbm>>) target(%arg13 : memref<128x64xf32, #tpu.memory_space<vmem>>) offsets(%dma_start3A_125 : memref<128xi32, #tpu.memory_space<vmem>>) semaphore(%arg18 : memref<!tpu.dma_semaphore, #tpu.memory_space<semaphore_mem>>)
        %dma_wait3A_129 = arith.constant 0 : i32
        %dma_wait3A_130 = tpu.memref_slice %arg10[%add3A_118, %dma_wait3A_129] : memref<160x128xi32, #tpu.memory_space<vmem>> -> memref<1x128xi32, #tpu.memory_space<vmem>>
        %dma_wait3A_131 = tpu.memref_squeeze %dma_wait3A_130 : memref<1x128xi32, #tpu.memory_space<vmem>> -> memref<128xi32, #tpu.memory_space<vmem>>
        %dma_wait3A_132 = arith.constant 0 : i32
        %dma_wait3A_133 = arith.constant 0 : i32
        %dma_wait3A_134 = tpu.memref_slice %arg3[%dma_wait3A_132, %dma_wait3A_133] : memref<10240x64xf32, #tpu.memory_space<hbm>> -> memref<10240x64xf32, #tpu.memory_space<hbm>>
        tpu.wait_indirect_dma semaphore(%arg19 : memref<!tpu.dma_semaphore, #tpu.memory_space<semaphore_mem>>) src(%dma_wait3A_134 : memref<10240x64xf32, #tpu.memory_space<hbm>>) dst(%arg14 : memref<128x64xf32, #tpu.memory_space<vmem>>)
        "tpu.region"() ({
          %run_scoped3A_171 = tpu.sem_alloc : memref<!tpu.dma_semaphore, #tpu.memory_space<semaphore_mem>>
          %dma_start3A_172 = arith.constant 0 : i32
          %dma_start3A_173 = tpu.memref_slice %arg11[%add3A_118, %dma_start3A_172] : memref<160x128xi32, #tpu.memory_space<vmem>> -> memref<1x128xi32, #tpu.memory_space<vmem>>
          %dma_start3A_174 = tpu.memref_squeeze %dma_start3A_173 : memref<1x128xi32, #tpu.memory_space<vmem>> -> memref<128xi32, #tpu.memory_space<vmem>>
          %dma_start3A_175 = arith.constant 0 : i32
          %dma_start3A_176 = arith.constant 0 : i32
          %dma_start3A_177 = tpu.memref_slice %arg9[%dma_start3A_175, %dma_start3A_176] : memref<10240x64xf32, #tpu.memory_space<vmem_shared>> -> memref<10240x64xf32, #tpu.memory_space<vmem_shared>>
          tpu.enqueue_indirect_dma source(%arg14 : memref<128x64xf32, #tpu.memory_space<vmem>>) target(%dma_start3A_177 : memref<10240x64xf32, #tpu.memory_space<vmem_shared>>) offsets(%dma_start3A_174 : memref<128xi32, #tpu.memory_space<vmem>>) semaphore(%run_scoped3A_171 : memref<!tpu.dma_semaphore, #tpu.memory_space<semaphore_mem>>) {add = true}
          %dma_wait3A_178 = arith.constant 0 : i32
          %dma_wait3A_179 = tpu.memref_slice %arg11[%add3A_118, %dma_wait3A_178] : memref<160x128xi32, #tpu.memory_space<vmem>> -> memref<1x128xi32, #tpu.memory_space<vmem>>
          %dma_wait3A_180 = tpu.memref_squeeze %dma_wait3A_179 : memref<1x128xi32, #tpu.memory_space<vmem>> -> memref<128xi32, #tpu.memory_space<vmem>>
          %dma_wait3A_181 = arith.constant 0 : i32
          %dma_wait3A_182 = arith.constant 0 : i32
          %dma_wait3A_183 = tpu.memref_slice %arg9[%dma_wait3A_181, %dma_wait3A_182] : memref<10240x64xf32, #tpu.memory_space<vmem_shared>> -> memref<10240x64xf32, #tpu.memory_space<vmem_shared>>
          tpu.wait_indirect_dma semaphore(%run_scoped3A_171 : memref<!tpu.dma_semaphore, #tpu.memory_space<semaphore_mem>>) src(%arg14 : memref<128x64xf32, #tpu.memory_space<vmem>>) dst(%dma_wait3A_183 : memref<10240x64xf32, #tpu.memory_space<vmem_shared>>)
          tpu.yield
        }) : () -> ()
        %add3A_135 = arith.constant 3 : i32
        %add3A_136 = arith.addi %mul3A_82, %add3A_135 : i32
        %add3A_137 = arith.constant 5 : i32
        %add3A_138 = arith.addi %add3A_136, %add3A_137 : i32
        %sub3A_139 = arith.constant 1 : i32
        %sub3A_140 = arith.subi %add3A_138, %sub3A_139 : i32
        %dma_start3A_141 = arith.constant 0 : i32
        %dma_start3A_142 = tpu.memref_slice %arg10[%sub3A_140, %dma_start3A_141] : memref<160x128xi32, #tpu.memory_space<vmem>> -> memref<1x128xi32, #tpu.memory_space<vmem>>
        %dma_start3A_143 = tpu.memref_squeeze %dma_start3A_142 : memref<1x128xi32, #tpu.memory_space<vmem>> -> memref<128xi32, #tpu.memory_space<vmem>>
        %dma_start3A_144 = arith.constant 0 : i32
        %dma_start3A_145 = arith.constant 0 : i32
        %dma_start3A_146 = tpu.memref_slice %arg3[%dma_start3A_144, %dma_start3A_145] : memref<10240x64xf32, #tpu.memory_space<hbm>> -> memref<10240x64xf32, #tpu.memory_space<hbm>>
        tpu.enqueue_indirect_dma source(%dma_start3A_146 : memref<10240x64xf32, #tpu.memory_space<hbm>>) target(%arg14 : memref<128x64xf32, #tpu.memory_space<vmem>>) offsets(%dma_start3A_143 : memref<128xi32, #tpu.memory_space<vmem>>) semaphore(%arg19 : memref<!tpu.dma_semaphore, #tpu.memory_space<semaphore_mem>>)
        %dma_wait3A_147 = arith.constant 0 : i32
        %dma_wait3A_148 = tpu.memref_slice %arg10[%add3A_136, %dma_wait3A_147] : memref<160x128xi32, #tpu.memory_space<vmem>> -> memref<1x128xi32, #tpu.memory_space<vmem>>
        %dma_wait3A_149 = tpu.memref_squeeze %dma_wait3A_148 : memref<1x128xi32, #tpu.memory_space<vmem>> -> memref<128xi32, #tpu.memory_space<vmem>>
        %dma_wait3A_150 = arith.constant 0 : i32
        %dma_wait3A_151 = arith.constant 0 : i32
        %dma_wait3A_152 = tpu.memref_slice %arg3[%dma_wait3A_150, %dma_wait3A_151] : memref<10240x64xf32, #tpu.memory_space<hbm>> -> memref<10240x64xf32, #tpu.memory_space<hbm>>
        tpu.wait_indirect_dma semaphore(%arg20 : memref<!tpu.dma_semaphore, #tpu.memory_space<semaphore_mem>>) src(%dma_wait3A_152 : memref<10240x64xf32, #tpu.memory_space<hbm>>) dst(%arg15 : memref<128x64xf32, #tpu.memory_space<vmem>>)
        "tpu.region"() ({
          %run_scoped3A_171 = tpu.sem_alloc : memref<!tpu.dma_semaphore, #tpu.memory_space<semaphore_mem>>
          %dma_start3A_172 = arith.constant 0 : i32
          %dma_start3A_173 = tpu.memref_slice %arg11[%add3A_136, %dma_start3A_172] : memref<160x128xi32, #tpu.memory_space<vmem>> -> memref<1x128xi32, #tpu.memory_space<vmem>>
          %dma_start3A_174 = tpu.memref_squeeze %dma_start3A_173 : memref<1x128xi32, #tpu.memory_space<vmem>> -> memref<128xi32, #tpu.memory_space<vmem>>
          %dma_start3A_175 = arith.constant 0 : i32
          %dma_start3A_176 = arith.constant 0 : i32
          %dma_start3A_177 = tpu.memref_slice %arg9[%dma_start3A_175, %dma_start3A_176] : memref<10240x64xf32, #tpu.memory_space<vmem_shared>> -> memref<10240x64xf32, #tpu.memory_space<vmem_shared>>
          tpu.enqueue_indirect_dma source(%arg15 : memref<128x64xf32, #tpu.memory_space<vmem>>) target(%dma_start3A_177 : memref<10240x64xf32, #tpu.memory_space<vmem_shared>>) offsets(%dma_start3A_174 : memref<128xi32, #tpu.memory_space<vmem>>) semaphore(%run_scoped3A_171 : memref<!tpu.dma_semaphore, #tpu.memory_space<semaphore_mem>>) {add = true}
          %dma_wait3A_178 = arith.constant 0 : i32
          %dma_wait3A_179 = tpu.memref_slice %arg11[%add3A_136, %dma_wait3A_178] : memref<160x128xi32, #tpu.memory_space<vmem>> -> memref<1x128xi32, #tpu.memory_space<vmem>>
          %dma_wait3A_180 = tpu.memref_squeeze %dma_wait3A_179 : memref<1x128xi32, #tpu.memory_space<vmem>> -> memref<128xi32, #tpu.memory_space<vmem>>
          %dma_wait3A_181 = arith.constant 0 : i32
          %dma_wait3A_182 = arith.constant 0 : i32
          %dma_wait3A_183 = tpu.memref_slice %arg9[%dma_wait3A_181, %dma_wait3A_182] : memref<10240x64xf32, #tpu.memory_space<vmem_shared>> -> memref<10240x64xf32, #tpu.memory_space<vmem_shared>>
          tpu.wait_indirect_dma semaphore(%run_scoped3A_171 : memref<!tpu.dma_semaphore, #tpu.memory_space<semaphore_mem>>) src(%arg15 : memref<128x64xf32, #tpu.memory_space<vmem>>) dst(%dma_wait3A_183 : memref<10240x64xf32, #tpu.memory_space<vmem_shared>>)
          tpu.yield
        }) : () -> ()
        %add3A_153 = arith.constant 4 : i32
        %add3A_154 = arith.addi %mul3A_82, %add3A_153 : i32
        %add3A_155 = arith.constant 5 : i32
        %add3A_156 = arith.addi %add3A_154, %add3A_155 : i32
        %sub3A_157 = arith.constant 1 : i32
        %sub3A_158 = arith.subi %add3A_156, %sub3A_157 : i32
        %dma_start3A_159 = arith.constant 0 : i32
        %dma_start3A_160 = tpu.memref_slice %arg10[%sub3A_158, %dma_start3A_159] : memref<160x128xi32, #tpu.memory_space<vmem>> -> memref<1x128xi32, #tpu.memory_space<vmem>>
        %dma_start3A_161 = tpu.memref_squeeze %dma_start3A_160 : memref<1x128xi32, #tpu.memory_space<vmem>> -> memref<128xi32, #tpu.memory_space<vmem>>
        %dma_start3A_162 = arith.constant 0 : i32
        %dma_start3A_163 = arith.constant 0 : i32
        %dma_start3A_164 = tpu.memref_slice %arg3[%dma_start3A_162, %dma_start3A_163] : memref<10240x64xf32, #tpu.memory_space<hbm>> -> memref<10240x64xf32, #tpu.memory_space<hbm>>
        tpu.enqueue_indirect_dma source(%dma_start3A_164 : memref<10240x64xf32, #tpu.memory_space<hbm>>) target(%arg15 : memref<128x64xf32, #tpu.memory_space<vmem>>) offsets(%dma_start3A_161 : memref<128xi32, #tpu.memory_space<vmem>>) semaphore(%arg20 : memref<!tpu.dma_semaphore, #tpu.memory_space<semaphore_mem>>)
        %dma_wait3A_165 = arith.constant 0 : i32
        %dma_wait3A_166 = tpu.memref_slice %arg10[%add3A_154, %dma_wait3A_165] : memref<160x128xi32, #tpu.memory_space<vmem>> -> memref<1x128xi32, #tpu.memory_space<vmem>>
        %dma_wait3A_167 = tpu.memref_squeeze %dma_wait3A_166 : memref<1x128xi32, #tpu.memory_space<vmem>> -> memref<128xi32, #tpu.memory_space<vmem>>
        %dma_wait3A_168 = arith.constant 0 : i32
        %dma_wait3A_169 = arith.constant 0 : i32
        %dma_wait3A_170 = tpu.memref_slice %arg3[%dma_wait3A_168, %dma_wait3A_169] : memref<10240x64xf32, #tpu.memory_space<hbm>> -> memref<10240x64xf32, #tpu.memory_space<hbm>>
        tpu.wait_indirect_dma semaphore(%arg21 : memref<!tpu.dma_semaphore, #tpu.memory_space<semaphore_mem>>) src(%dma_wait3A_170 : memref<10240x64xf32, #tpu.memory_space<hbm>>) dst(%arg16 : memref<128x64xf32, #tpu.memory_space<vmem>>)
        "tpu.region"() ({
          %run_scoped3A_171 = tpu.sem_alloc : memref<!tpu.dma_semaphore, #tpu.memory_space<semaphore_mem>>
          %dma_start3A_172 = arith.constant 0 : i32
          %dma_start3A_173 = tpu.memref_slice %arg11[%add3A_154, %dma_start3A_172] : memref<160x128xi32, #tpu.memory_space<vmem>> -> memref<1x128xi32, #tpu.memory_space<vmem>>
          %dma_start3A_174 = tpu.memref_squeeze %dma_start3A_173 : memref<1x128xi32, #tpu.memory_space<vmem>> -> memref<128xi32, #tpu.memory_space<vmem>>
          %dma_start3A_175 = arith.constant 0 : i32
          %dma_start3A_176 = arith.constant 0 : i32
          %dma_start3A_177 = tpu.memref_slice %arg9[%dma_start3A_175, %dma_start3A_176] : memref<10240x64xf32, #tpu.memory_space<vmem_shared>> -> memref<10240x64xf32, #tpu.memory_space<vmem_shared>>
          tpu.enqueue_indirect_dma source(%arg16 : memref<128x64xf32, #tpu.memory_space<vmem>>) target(%dma_start3A_177 : memref<10240x64xf32, #tpu.memory_space<vmem_shared>>) offsets(%dma_start3A_174 : memref<128xi32, #tpu.memory_space<vmem>>) semaphore(%run_scoped3A_171 : memref<!tpu.dma_semaphore, #tpu.memory_space<semaphore_mem>>) {add = true}
          %dma_wait3A_178 = arith.constant 0 : i32
          %dma_wait3A_179 = tpu.memref_slice %arg11[%add3A_154, %dma_wait3A_178] : memref<160x128xi32, #tpu.memory_space<vmem>> -> memref<1x128xi32, #tpu.memory_space<vmem>>
          %dma_wait3A_180 = tpu.memref_squeeze %dma_wait3A_179 : memref<1x128xi32, #tpu.memory_space<vmem>> -> memref<128xi32, #tpu.memory_space<vmem>>
          %dma_wait3A_181 = arith.constant 0 : i32
          %dma_wait3A_182 = arith.constant 0 : i32
          %dma_wait3A_183 = tpu.memref_slice %arg9[%dma_wait3A_181, %dma_wait3A_182] : memref<10240x64xf32, #tpu.memory_space<vmem_shared>> -> memref<10240x64xf32, #tpu.memory_space<vmem_shared>>
          tpu.wait_indirect_dma semaphore(%run_scoped3A_171 : memref<!tpu.dma_semaphore, #tpu.memory_space<semaphore_mem>>) src(%arg16 : memref<128x64xf32, #tpu.memory_space<vmem>>) dst(%dma_wait3A_183 : memref<10240x64xf32, #tpu.memory_space<vmem_shared>>)
          tpu.yield
        }) : () -> ()
      }
      %scan3A_34 = arith.constant 31 : i32
      %dma_start3A = arith.constant 159 : i32
      %dma_start3A_35 = arith.constant 0 : i32
      %dma_start3A_36 = tpu.memref_slice %arg10[%dma_start3A, %dma_start3A_35] : memref<160x128xi32, #tpu.memory_space<vmem>> -> memref<1x128xi32, #tpu.memory_space<vmem>>
      %dma_start3A_37 = tpu.memref_squeeze %dma_start3A_36 : memref<1x128xi32, #tpu.memory_space<vmem>> -> memref<128xi32, #tpu.memory_space<vmem>>
      %dma_start3A_38 = arith.constant 0 : i32
      %dma_start3A_39 = arith.constant 0 : i32
      %dma_start3A_40 = tpu.memref_slice %arg3[%dma_start3A_38, %dma_start3A_39] : memref<10240x64xf32, #tpu.memory_space<hbm>> -> memref<10240x64xf32, #tpu.memory_space<hbm>>
      tpu.enqueue_indirect_dma source(%dma_start3A_40 : memref<10240x64xf32, #tpu.memory_space<hbm>>) target(%arg16 : memref<128x64xf32, #tpu.memory_space<vmem>>) offsets(%dma_start3A_37 : memref<128xi32, #tpu.memory_space<vmem>>) semaphore(%arg21 : memref<!tpu.dma_semaphore, #tpu.memory_space<semaphore_mem>>)
      %dma_wait3A_41 = arith.constant 155 : i32
      %dma_wait3A_42 = arith.constant 0 : i32
      %dma_wait3A_43 = tpu.memref_slice %arg10[%dma_wait3A_41, %dma_wait3A_42] : memref<160x128xi32, #tpu.memory_space<vmem>> -> memref<1x128xi32, #tpu.memory_space<vmem>>
      %dma_wait3A_44 = tpu.memref_squeeze %dma_wait3A_43 : memref<1x128xi32, #tpu.memory_space<vmem>> -> memref<128xi32, #tpu.memory_space<vmem>>
      %dma_wait3A_45 = arith.constant 0 : i32
      %dma_wait3A_46 = arith.constant 0 : i32
      %dma_wait3A_47 = tpu.memref_slice %arg3[%dma_wait3A_45, %dma_wait3A_46] : memref<10240x64xf32, #tpu.memory_space<hbm>> -> memref<10240x64xf32, #tpu.memory_space<hbm>>
      tpu.wait_indirect_dma semaphore(%arg17 : memref<!tpu.dma_semaphore, #tpu.memory_space<semaphore_mem>>) src(%dma_wait3A_47 : memref<10240x64xf32, #tpu.memory_space<hbm>>) dst(%arg12 : memref<128x64xf32, #tpu.memory_space<vmem>>)
      %run_scoped3A = arith.constant 155 : i32
      "tpu.region"() ({
        %run_scoped3A_80 = tpu.sem_alloc : memref<!tpu.dma_semaphore, #tpu.memory_space<semaphore_mem>>
        %dma_start3A_81 = arith.constant 0 : i32
        %dma_start3A_82 = tpu.memref_slice %arg11[%run_scoped3A, %dma_start3A_81] : memref<160x128xi32, #tpu.memory_space<vmem>> -> memref<1x128xi32, #tpu.memory_space<vmem>>
        %dma_start3A_83 = tpu.memref_squeeze %dma_start3A_82 : memref<1x128xi32, #tpu.memory_space<vmem>> -> memref<128xi32, #tpu.memory_space<vmem>>
        %dma_start3A_84 = arith.constant 0 : i32
        %dma_start3A_85 = arith.constant 0 : i32
        %dma_start3A_86 = tpu.memref_slice %arg9[%dma_start3A_84, %dma_start3A_85] : memref<10240x64xf32, #tpu.memory_space<vmem_shared>> -> memref<10240x64xf32, #tpu.memory_space<vmem_shared>>
        tpu.enqueue_indirect_dma source(%arg12 : memref<128x64xf32, #tpu.memory_space<vmem>>) target(%dma_start3A_86 : memref<10240x64xf32, #tpu.memory_space<vmem_shared>>) offsets(%dma_start3A_83 : memref<128xi32, #tpu.memory_space<vmem>>) semaphore(%run_scoped3A_80 : memref<!tpu.dma_semaphore, #tpu.memory_space<semaphore_mem>>) {add = true}
        %dma_wait3A_87 = arith.constant 0 : i32
        %dma_wait3A_88 = tpu.memref_slice %arg11[%run_scoped3A, %dma_wait3A_87] : memref<160x128xi32, #tpu.memory_space<vmem>> -> memref<1x128xi32, #tpu.memory_space<vmem>>
        %dma_wait3A_89 = tpu.memref_squeeze %dma_wait3A_88 : memref<1x128xi32, #tpu.memory_space<vmem>> -> memref<128xi32, #tpu.memory_space<vmem>>
        %dma_wait3A_90 = arith.constant 0 : i32
        %dma_wait3A_91 = arith.constant 0 : i32
        %dma_wait3A_92 = tpu.memref_slice %arg9[%dma_wait3A_90, %dma_wait3A_91] : memref<10240x64xf32, #tpu.memory_space<vmem_shared>> -> memref<10240x64xf32, #tpu.memory_space<vmem_shared>>
        tpu.wait_indirect_dma semaphore(%run_scoped3A_80 : memref<!tpu.dma_semaphore, #tpu.memory_space<semaphore_mem>>) src(%arg12 : memref<128x64xf32, #tpu.memory_space<vmem>>) dst(%dma_wait3A_92 : memref<10240x64xf32, #tpu.memory_space<vmem_shared>>)
        tpu.yield
      }) : () -> ()
      %dma_wait3A_48 = arith.constant 156 : i32
      %dma_wait3A_49 = arith.constant 0 : i32
      %dma_wait3A_50 = tpu.memref_slice %arg10[%dma_wait3A_48, %dma_wait3A_49] : memref<160x128xi32, #tpu.memory_space<vmem>> -> memref<1x128xi32, #tpu.memory_space<vmem>>
      %dma_wait3A_51 = tpu.memref_squeeze %dma_wait3A_50 : memref<1x128xi32, #tpu.memory_space<vmem>> -> memref<128xi32, #tpu.memory_space<vmem>>
      %dma_wait3A_52 = arith.constant 0 : i32
      %dma_wait3A_53 = arith.constant 0 : i32
      %dma_wait3A_54 = tpu.memref_slice %arg3[%dma_wait3A_52, %dma_wait3A_53] : memref<10240x64xf32, #tpu.memory_space<hbm>> -> memref<10240x64xf32, #tpu.memory_space<hbm>>
      tpu.wait_indirect_dma semaphore(%arg18 : memref<!tpu.dma_semaphore, #tpu.memory_space<semaphore_mem>>) src(%dma_wait3A_54 : memref<10240x64xf32, #tpu.memory_space<hbm>>) dst(%arg13 : memref<128x64xf32, #tpu.memory_space<vmem>>)
      %run_scoped3A_55 = arith.constant 156 : i32
      "tpu.region"() ({
        %run_scoped3A_80 = tpu.sem_alloc : memref<!tpu.dma_semaphore, #tpu.memory_space<semaphore_mem>>
        %dma_start3A_81 = arith.constant 0 : i32
        %dma_start3A_82 = tpu.memref_slice %arg11[%run_scoped3A_55, %dma_start3A_81] : memref<160x128xi32, #tpu.memory_space<vmem>> -> memref<1x128xi32, #tpu.memory_space<vmem>>
        %dma_start3A_83 = tpu.memref_squeeze %dma_start3A_82 : memref<1x128xi32, #tpu.memory_space<vmem>> -> memref<128xi32, #tpu.memory_space<vmem>>
        %dma_start3A_84 = arith.constant 0 : i32
        %dma_start3A_85 = arith.constant 0 : i32
        %dma_start3A_86 = tpu.memref_slice %arg9[%dma_start3A_84, %dma_start3A_85] : memref<10240x64xf32, #tpu.memory_space<vmem_shared>> -> memref<10240x64xf32, #tpu.memory_space<vmem_shared>>
        tpu.enqueue_indirect_dma source(%arg13 : memref<128x64xf32, #tpu.memory_space<vmem>>) target(%dma_start3A_86 : memref<10240x64xf32, #tpu.memory_space<vmem_shared>>) offsets(%dma_start3A_83 : memref<128xi32, #tpu.memory_space<vmem>>) semaphore(%run_scoped3A_80 : memref<!tpu.dma_semaphore, #tpu.memory_space<semaphore_mem>>) {add = true}
        %dma_wait3A_87 = arith.constant 0 : i32
        %dma_wait3A_88 = tpu.memref_slice %arg11[%run_scoped3A_55, %dma_wait3A_87] : memref<160x128xi32, #tpu.memory_space<vmem>> -> memref<1x128xi32, #tpu.memory_space<vmem>>
        %dma_wait3A_89 = tpu.memref_squeeze %dma_wait3A_88 : memref<1x128xi32, #tpu.memory_space<vmem>> -> memref<128xi32, #tpu.memory_space<vmem>>
        %dma_wait3A_90 = arith.constant 0 : i32
        %dma_wait3A_91 = arith.constant 0 : i32
        %dma_wait3A_92 = tpu.memref_slice %arg9[%dma_wait3A_90, %dma_wait3A_91] : memref<10240x64xf32, #tpu.memory_space<vmem_shared>> -> memref<10240x64xf32, #tpu.memory_space<vmem_shared>>
        tpu.wait_indirect_dma semaphore(%run_scoped3A_80 : memref<!tpu.dma_semaphore, #tpu.memory_space<semaphore_mem>>) src(%arg13 : memref<128x64xf32, #tpu.memory_space<vmem>>) dst(%dma_wait3A_92 : memref<10240x64xf32, #tpu.memory_space<vmem_shared>>)
        tpu.yield
      }) : () -> ()
      %dma_wait3A_56 = arith.constant 157 : i32
      %dma_wait3A_57 = arith.constant 0 : i32
      %dma_wait3A_58 = tpu.memref_slice %arg10[%dma_wait3A_56, %dma_wait3A_57] : memref<160x128xi32, #tpu.memory_space<vmem>> -> memref<1x128xi32, #tpu.memory_space<vmem>>
      %dma_wait3A_59 = tpu.memref_squeeze %dma_wait3A_58 : memref<1x128xi32, #tpu.memory_space<vmem>> -> memref<128xi32, #tpu.memory_space<vmem>>
      %dma_wait3A_60 = arith.constant 0 : i32
      %dma_wait3A_61 = arith.constant 0 : i32
      %dma_wait3A_62 = tpu.memref_slice %arg3[%dma_wait3A_60, %dma_wait3A_61] : memref<10240x64xf32, #tpu.memory_space<hbm>> -> memref<10240x64xf32, #tpu.memory_space<hbm>>
      tpu.wait_indirect_dma semaphore(%arg19 : memref<!tpu.dma_semaphore, #tpu.memory_space<semaphore_mem>>) src(%dma_wait3A_62 : memref<10240x64xf32, #tpu.memory_space<hbm>>) dst(%arg14 : memref<128x64xf32, #tpu.memory_space<vmem>>)
      %run_scoped3A_63 = arith.constant 157 : i32
      "tpu.region"() ({
        %run_scoped3A_80 = tpu.sem_alloc : memref<!tpu.dma_semaphore, #tpu.memory_space<semaphore_mem>>
        %dma_start3A_81 = arith.constant 0 : i32
        %dma_start3A_82 = tpu.memref_slice %arg11[%run_scoped3A_63, %dma_start3A_81] : memref<160x128xi32, #tpu.memory_space<vmem>> -> memref<1x128xi32, #tpu.memory_space<vmem>>
        %dma_start3A_83 = tpu.memref_squeeze %dma_start3A_82 : memref<1x128xi32, #tpu.memory_space<vmem>> -> memref<128xi32, #tpu.memory_space<vmem>>
        %dma_start3A_84 = arith.constant 0 : i32
        %dma_start3A_85 = arith.constant 0 : i32
        %dma_start3A_86 = tpu.memref_slice %arg9[%dma_start3A_84, %dma_start3A_85] : memref<10240x64xf32, #tpu.memory_space<vmem_shared>> -> memref<10240x64xf32, #tpu.memory_space<vmem_shared>>
        tpu.enqueue_indirect_dma source(%arg14 : memref<128x64xf32, #tpu.memory_space<vmem>>) target(%dma_start3A_86 : memref<10240x64xf32, #tpu.memory_space<vmem_shared>>) offsets(%dma_start3A_83 : memref<128xi32, #tpu.memory_space<vmem>>) semaphore(%run_scoped3A_80 : memref<!tpu.dma_semaphore, #tpu.memory_space<semaphore_mem>>) {add = true}
        %dma_wait3A_87 = arith.constant 0 : i32
        %dma_wait3A_88 = tpu.memref_slice %arg11[%run_scoped3A_63, %dma_wait3A_87] : memref<160x128xi32, #tpu.memory_space<vmem>> -> memref<1x128xi32, #tpu.memory_space<vmem>>
        %dma_wait3A_89 = tpu.memref_squeeze %dma_wait3A_88 : memref<1x128xi32, #tpu.memory_space<vmem>> -> memref<128xi32, #tpu.memory_space<vmem>>
        %dma_wait3A_90 = arith.constant 0 : i32
        %dma_wait3A_91 = arith.constant 0 : i32
        %dma_wait3A_92 = tpu.memref_slice %arg9[%dma_wait3A_90, %dma_wait3A_91] : memref<10240x64xf32, #tpu.memory_space<vmem_shared>> -> memref<10240x64xf32, #tpu.memory_space<vmem_shared>>
        tpu.wait_indirect_dma semaphore(%run_scoped3A_80 : memref<!tpu.dma_semaphore, #tpu.memory_space<semaphore_mem>>) src(%arg14 : memref<128x64xf32, #tpu.memory_space<vmem>>) dst(%dma_wait3A_92 : memref<10240x64xf32, #tpu.memory_space<vmem_shared>>)
        tpu.yield
      }) : () -> ()
      %dma_wait3A_64 = arith.constant 158 : i32
      %dma_wait3A_65 = arith.constant 0 : i32
      %dma_wait3A_66 = tpu.memref_slice %arg10[%dma_wait3A_64, %dma_wait3A_65] : memref<160x128xi32, #tpu.memory_space<vmem>> -> memref<1x128xi32, #tpu.memory_space<vmem>>
      %dma_wait3A_67 = tpu.memref_squeeze %dma_wait3A_66 : memref<1x128xi32, #tpu.memory_space<vmem>> -> memref<128xi32, #tpu.memory_space<vmem>>
      %dma_wait3A_68 = arith.constant 0 : i32
      %dma_wait3A_69 = arith.constant 0 : i32
      %dma_wait3A_70 = tpu.memref_slice %arg3[%dma_wait3A_68, %dma_wait3A_69] : memref<10240x64xf32, #tpu.memory_space<hbm>> -> memref<10240x64xf32, #tpu.memory_space<hbm>>
      tpu.wait_indirect_dma semaphore(%arg20 : memref<!tpu.dma_semaphore, #tpu.memory_space<semaphore_mem>>) src(%dma_wait3A_70 : memref<10240x64xf32, #tpu.memory_space<hbm>>) dst(%arg15 : memref<128x64xf32, #tpu.memory_space<vmem>>)
      %run_scoped3A_71 = arith.constant 158 : i32
      "tpu.region"() ({
        %run_scoped3A_80 = tpu.sem_alloc : memref<!tpu.dma_semaphore, #tpu.memory_space<semaphore_mem>>
        %dma_start3A_81 = arith.constant 0 : i32
        %dma_start3A_82 = tpu.memref_slice %arg11[%run_scoped3A_71, %dma_start3A_81] : memref<160x128xi32, #tpu.memory_space<vmem>> -> memref<1x128xi32, #tpu.memory_space<vmem>>
        %dma_start3A_83 = tpu.memref_squeeze %dma_start3A_82 : memref<1x128xi32, #tpu.memory_space<vmem>> -> memref<128xi32, #tpu.memory_space<vmem>>
        %dma_start3A_84 = arith.constant 0 : i32
        %dma_start3A_85 = arith.constant 0 : i32
        %dma_start3A_86 = tpu.memref_slice %arg9[%dma_start3A_84, %dma_start3A_85] : memref<10240x64xf32, #tpu.memory_space<vmem_shared>> -> memref<10240x64xf32, #tpu.memory_space<vmem_shared>>
        tpu.enqueue_indirect_dma source(%arg15 : memref<128x64xf32, #tpu.memory_space<vmem>>) target(%dma_start3A_86 : memref<10240x64xf32, #tpu.memory_space<vmem_shared>>) offsets(%dma_start3A_83 : memref<128xi32, #tpu.memory_space<vmem>>) semaphore(%run_scoped3A_80 : memref<!tpu.dma_semaphore, #tpu.memory_space<semaphore_mem>>) {add = true}
        %dma_wait3A_87 = arith.constant 0 : i32
        %dma_wait3A_88 = tpu.memref_slice %arg11[%run_scoped3A_71, %dma_wait3A_87] : memref<160x128xi32, #tpu.memory_space<vmem>> -> memref<1x128xi32, #tpu.memory_space<vmem>>
        %dma_wait3A_89 = tpu.memref_squeeze %dma_wait3A_88 : memref<1x128xi32, #tpu.memory_space<vmem>> -> memref<128xi32, #tpu.memory_space<vmem>>
        %dma_wait3A_90 = arith.constant 0 : i32
        %dma_wait3A_91 = arith.constant 0 : i32
        %dma_wait3A_92 = tpu.memref_slice %arg9[%dma_wait3A_90, %dma_wait3A_91] : memref<10240x64xf32, #tpu.memory_space<vmem_shared>> -> memref<10240x64xf32, #tpu.memory_space<vmem_shared>>
        tpu.wait_indirect_dma semaphore(%run_scoped3A_80 : memref<!tpu.dma_semaphore, #tpu.memory_space<semaphore_mem>>) src(%arg15 : memref<128x64xf32, #tpu.memory_space<vmem>>) dst(%dma_wait3A_92 : memref<10240x64xf32, #tpu.memory_space<vmem_shared>>)
        tpu.yield
      }) : () -> ()
      %dma_wait3A_72 = arith.constant 159 : i32
      %dma_wait3A_73 = arith.constant 0 : i32
      %dma_wait3A_74 = tpu.memref_slice %arg10[%dma_wait3A_72, %dma_wait3A_73] : memref<160x128xi32, #tpu.memory_space<vmem>> -> memref<1x128xi32, #tpu.memory_space<vmem>>
      %dma_wait3A_75 = tpu.memref_squeeze %dma_wait3A_74 : memref<1x128xi32, #tpu.memory_space<vmem>> -> memref<128xi32, #tpu.memory_space<vmem>>
      %dma_wait3A_76 = arith.constant 0 : i32
      %dma_wait3A_77 = arith.constant 0 : i32
      %dma_wait3A_78 = tpu.memref_slice %arg3[%dma_wait3A_76, %dma_wait3A_77] : memref<10240x64xf32, #tpu.memory_space<hbm>> -> memref<10240x64xf32, #tpu.memory_space<hbm>>
      tpu.wait_indirect_dma semaphore(%arg21 : memref<!tpu.dma_semaphore, #tpu.memory_space<semaphore_mem>>) src(%dma_wait3A_78 : memref<10240x64xf32, #tpu.memory_space<hbm>>) dst(%arg16 : memref<128x64xf32, #tpu.memory_space<vmem>>)
      %run_scoped3A_79 = arith.constant 159 : i32
      "tpu.region"() ({
        %run_scoped3A_80 = tpu.sem_alloc : memref<!tpu.dma_semaphore, #tpu.memory_space<semaphore_mem>>
        %dma_start3A_81 = arith.constant 0 : i32
        %dma_start3A_82 = tpu.memref_slice %arg11[%run_scoped3A_79, %dma_start3A_81] : memref<160x128xi32, #tpu.memory_space<vmem>> -> memref<1x128xi32, #tpu.memory_space<vmem>>
        %dma_start3A_83 = tpu.memref_squeeze %dma_start3A_82 : memref<1x128xi32, #tpu.memory_space<vmem>> -> memref<128xi32, #tpu.memory_space<vmem>>
        %dma_start3A_84 = arith.constant 0 : i32
        %dma_start3A_85 = arith.constant 0 : i32
        %dma_start3A_86 = tpu.memref_slice %arg9[%dma_start3A_84, %dma_start3A_85] : memref<10240x64xf32, #tpu.memory_space<vmem_shared>> -> memref<10240x64xf32, #tpu.memory_space<vmem_shared>>
        tpu.enqueue_indirect_dma source(%arg16 : memref<128x64xf32, #tpu.memory_space<vmem>>) target(%dma_start3A_86 : memref<10240x64xf32, #tpu.memory_space<vmem_shared>>) offsets(%dma_start3A_83 : memref<128xi32, #tpu.memory_space<vmem>>) semaphore(%run_scoped3A_80 : memref<!tpu.dma_semaphore, #tpu.memory_space<semaphore_mem>>) {add = true}
        %dma_wait3A_87 = arith.constant 0 : i32
        %dma_wait3A_88 = tpu.memref_slice %arg11[%run_scoped3A_79, %dma_wait3A_87] : memref<160x128xi32, #tpu.memory_space<vmem>> -> memref<1x128xi32, #tpu.memory_space<vmem>>
        %dma_wait3A_89 = tpu.memref_squeeze %dma_wait3A_88 : memref<1x128xi32, #tpu.memory_space<vmem>> -> memref<128xi32, #tpu.memory_space<vmem>>
        %dma_wait3A_90 = arith.constant 0 : i32
        %dma_wait3A_91 = arith.constant 0 : i32
        %dma_wait3A_92 = tpu.memref_slice %arg9[%dma_wait3A_90, %dma_wait3A_91] : memref<10240x64xf32, #tpu.memory_space<vmem_shared>> -> memref<10240x64xf32, #tpu.memory_space<vmem_shared>>
        tpu.wait_indirect_dma semaphore(%run_scoped3A_80 : memref<!tpu.dma_semaphore, #tpu.memory_space<semaphore_mem>>) src(%arg16 : memref<128x64xf32, #tpu.memory_space<vmem>>) dst(%dma_wait3A_92 : memref<10240x64xf32, #tpu.memory_space<vmem_shared>>)
        tpu.yield
      }) : () -> ()
    } else {
    }
    %barrier3A_19 = arith.constant 0 : index
    tpu.barrier barrier_id(%barrier3A_19)
    %eq3A_20 = arith.constant 0 : i32
    %eq3A_21 = arith.cmpi eq, %arg0, %eq3A_20 : i32
    %convert_element_type3A_22 = arith.extui %eq3A_21 : i1 to i32
    %cond3A_23 = arith.constant 0 : i32
    %cond3A_24 = arith.cmpi ne, %convert_element_type3A_22, %cond3A_23 : i32
    scf.if %cond3A_24 {
      %mul3A_30 = arith.constant 640 : i32
      %mul3A_31 = arith.muli %arg1, %mul3A_30 : i32
      %mul3A_32 = arith.constant 640 : i32
      %mul3A_33 = arith.muli %arg1, %mul3A_32 : i32
      "tpu.region"() ({
        %run_scoped3A = tpu.sem_alloc : memref<!tpu.dma_semaphore, #tpu.memory_space<semaphore_mem>>
        %dma_start3A = arith.constant 0 : i32
        %dma_start3A_34 = tpu.memref_slice %arg7[%mul3A_33, %dma_start3A] : memref<10240x64xf32, #tpu.memory_space<hbm>> -> memref<640x64xf32, #tpu.memory_space<hbm>>
        %dma_start3A_35 = arith.constant 0 : i32
        %dma_start3A_36 = tpu.memref_slice %arg9[%mul3A_31, %dma_start3A_35] : memref<10240x64xf32, #tpu.memory_space<vmem_shared>> -> memref<640x64xf32, #tpu.memory_space<vmem_shared>>
        tpu.enqueue_dma source(%dma_start3A_36 : memref<640x64xf32, #tpu.memory_space<vmem_shared>>) target(%dma_start3A_34 : memref<640x64xf32, #tpu.memory_space<hbm>>) target_semaphore(%run_scoped3A : memref<!tpu.dma_semaphore, #tpu.memory_space<semaphore_mem>>)
        %dma_wait3A_37 = arith.constant 0 : i32
        %dma_wait3A_38 = tpu.memref_slice %arg7[%mul3A_33, %dma_wait3A_37] : memref<10240x64xf32, #tpu.memory_space<hbm>> -> memref<640x64xf32, #tpu.memory_space<hbm>>
        %dma_wait3A_39 = arith.constant 0 : i32
        %dma_wait3A_40 = tpu.memref_slice %arg9[%mul3A_31, %dma_wait3A_39] : memref<10240x64xf32, #tpu.memory_space<vmem_shared>> -> memref<640x64xf32, #tpu.memory_space<vmem_shared>>
        tpu.wait_dma2 semaphore(%run_scoped3A : memref<!tpu.dma_semaphore, #tpu.memory_space<semaphore_mem>>) src(%dma_wait3A_40 : memref<640x64xf32, #tpu.memory_space<vmem_shared>>) dst(%dma_wait3A_38 : memref<640x64xf32, #tpu.memory_space<hbm>>)
        tpu.yield
      }) : () -> ()
    } else {
    }
    %eq3A_25 = arith.constant 1 : i32
    %eq3A_26 = arith.cmpi eq, %arg0, %eq3A_25 : i32
    %convert_element_type3A_27 = arith.extui %eq3A_26 : i1 to i32
    %cond3A_28 = arith.constant 0 : i32
    %cond3A_29 = arith.cmpi ne, %convert_element_type3A_27, %cond3A_28 : i32
    scf.if %cond3A_29 {
      %mul3A_30 = arith.constant 640 : i32
      %mul3A_31 = arith.muli %arg1, %mul3A_30 : i32
      %mul3A_32 = arith.constant 640 : i32
      %mul3A_33 = arith.muli %arg1, %mul3A_32 : i32
      "tpu.region"() ({
        %run_scoped3A = tpu.sem_alloc : memref<!tpu.dma_semaphore, #tpu.memory_space<semaphore_mem>>
        %dma_start3A = arith.constant 0 : i32
        %dma_start3A_34 = tpu.memref_slice %arg8[%mul3A_33, %dma_start3A] : memref<10240x64xf32, #tpu.memory_space<hbm>> -> memref<640x64xf32, #tpu.memory_space<hbm>>
        %dma_start3A_35 = arith.constant 0 : i32
        %dma_start3A_36 = tpu.memref_slice %arg9[%mul3A_31, %dma_start3A_35] : memref<10240x64xf32, #tpu.memory_space<vmem_shared>> -> memref<640x64xf32, #tpu.memory_space<vmem_shared>>
        tpu.enqueue_dma source(%dma_start3A_36 : memref<640x64xf32, #tpu.memory_space<vmem_shared>>) target(%dma_start3A_34 : memref<640x64xf32, #tpu.memory_space<hbm>>) target_semaphore(%run_scoped3A : memref<!tpu.dma_semaphore, #tpu.memory_space<semaphore_mem>>)
        %dma_wait3A_37 = arith.constant 0 : i32
        %dma_wait3A_38 = tpu.memref_slice %arg8[%mul3A_33, %dma_wait3A_37] : memref<10240x64xf32, #tpu.memory_space<hbm>> -> memref<640x64xf32, #tpu.memory_space<hbm>>
        %dma_wait3A_39 = arith.constant 0 : i32
        %dma_wait3A_40 = tpu.memref_slice %arg9[%mul3A_31, %dma_wait3A_39] : memref<10240x64xf32, #tpu.memory_space<vmem_shared>> -> memref<640x64xf32, #tpu.memory_space<vmem_shared>>
        tpu.wait_dma2 semaphore(%run_scoped3A : memref<!tpu.dma_semaphore, #tpu.memory_space<semaphore_mem>>) src(%dma_wait3A_40 : memref<640x64xf32, #tpu.memory_space<vmem_shared>>) dst(%dma_wait3A_38 : memref<640x64xf32, #tpu.memory_space<hbm>>)
        tpu.yield
      }) : () -> ()
    } else {
    }
    return
  }
}

#map = affine_map<(d0, d1) -> (0, 0)>
#map1 = affine_map<(d0, d1) -> (0, 0, 0)>
module attributes {stable_mosaic.version = 14 : i64} {
  func.func @_sc_dual_segment_sum(%arg0: i32, %arg1: i32, %arg2: memref<10240x64xf32, #tpu.memory_space<hbm>>, %arg3: memref<10240x64xf32, #tpu.memory_space<hbm>>, %arg4: memref<16x160x128xi32, #tpu.memory_space<hbm>>, %arg5: memref<16x160x128xi32, #tpu.memory_space<hbm>>, %arg6: memref<640x64xf32, #tpu.memory_space<hbm>>, %arg7: memref<10240x64xf32, #tpu.memory_space<hbm>>, %arg8: memref<10240x64xf32, #tpu.memory_space<hbm>>, %arg9: memref<10240x64xf32, #tpu.memory_space<vmem_shared>>, %arg10: memref<160x128xi32, #tpu.memory_space<vmem>>, %arg11: memref<160x128xi32, #tpu.memory_space<vmem>>, %arg12: memref<128x64xf32, #tpu.memory_space<vmem>>, %arg13: memref<128x64xf32, #tpu.memory_space<vmem>>, %arg14: memref<128x64xf32, #tpu.memory_space<vmem>>, %arg15: memref<128x64xf32, #tpu.memory_space<vmem>>, %arg16: memref<128x64xf32, #tpu.memory_space<vmem>>, %arg17: memref<!tpu.dma_semaphore, #tpu.memory_space<semaphore_mem>>, %arg18: memref<!tpu.dma_semaphore, #tpu.memory_space<semaphore_mem>>, %arg19: memref<!tpu.dma_semaphore, #tpu.memory_space<semaphore_mem>>, %arg20: memref<!tpu.dma_semaphore, #tpu.memory_space<semaphore_mem>>, %arg21: memref<!tpu.dma_semaphore, #tpu.memory_space<semaphore_mem>>) attributes {dimension_semantics = [#tpu.dimension_semantics<core_parallel>, #tpu.dimension_semantics<subcore_parallel>], iteration_bounds = array<i64: 2, 16>, scalar_prefetch = 0 : i64, scratch_operands = 13 : i64, tpu.core_type = #tpu.core_type<sc_vector_subcore>, window_params = [{transform_indices = #map}, {transform_indices = #map}, {transform_indices = #map1}, {transform_indices = #map1}, {transform_indices = #map}, {transform_indices = #map}, {transform_indices = #map}]} {
    %mul3A = arith.constant 640 : i32
    %mul3A_0 = arith.muli %arg1, %mul3A : i32
    %eq3A = arith.constant 0 : i32
    %eq3A_1 = arith.cmpi eq, %arg0, %eq3A : i32
    %convert_element_type3A = arith.extui %eq3A_1 : i1 to i32
    %cond3A = arith.constant 0 : i32
    %cond3A_2 = arith.cmpi ne, %convert_element_type3A, %cond3A : i32
    scf.if %cond3A_2 {
      %dma_start3A = arith.constant 0 : i32
      %dma_start3A_30 = tpu.memref_slice %arg9[%mul3A_0, %dma_start3A] : memref<10240x64xf32, #tpu.memory_space<vmem_shared>> -> memref<640x64xf32, #tpu.memory_space<vmem_shared>>
      tpu.enqueue_dma source(%arg6 : memref<640x64xf32, #tpu.memory_space<hbm>>) target(%dma_start3A_30 : memref<640x64xf32, #tpu.memory_space<vmem_shared>>) target_semaphore(%arg21 : memref<!tpu.dma_semaphore, #tpu.memory_space<semaphore_mem>>)
      %dma_start3A_31 = arith.constant 0 : i32
      %dma_start3A_32 = arith.constant 0 : i32
      %dma_start3A_33 = tpu.memref_slice %arg4[%arg1, %dma_start3A_31, %dma_start3A_32] : memref<16x160x128xi32, #tpu.memory_space<hbm>> -> memref<1x160x128xi32, #tpu.memory_space<hbm>>
      %dma_start3A_34 = tpu.memref_squeeze %dma_start3A_33 : memref<1x160x128xi32, #tpu.memory_space<hbm>> -> memref<160x128xi32, #tpu.memory_space<hbm>>
      %dma_start3A_35 = arith.constant 0 : i32
      %dma_start3A_36 = arith.constant 0 : i32
      %dma_start3A_37 = tpu.memref_slice %arg4[%arg1, %dma_start3A_35, %dma_start3A_36] : memref<16x160x128xi32, #tpu.memory_space<hbm>> -> memref<1x160x128xi32, #tpu.memory_space<hbm>>
      %dma_start3A_38 = tpu.memref_squeeze %dma_start3A_37 : memref<1x160x128xi32, #tpu.memory_space<hbm>> -> memref<160x128xi32, #tpu.memory_space<hbm>>
      tpu.enqueue_dma source(%dma_start3A_38 : memref<160x128xi32, #tpu.memory_space<hbm>>) target(%arg10 : memref<160x128xi32, #tpu.memory_space<vmem>>) target_semaphore(%arg17 : memref<!tpu.dma_semaphore, #tpu.memory_space<semaphore_mem>>)
      %dma_start3A_39 = arith.constant 0 : i32
      %dma_start3A_40 = arith.constant 0 : i32
      %dma_start3A_41 = tpu.memref_slice %arg5[%arg1, %dma_start3A_39, %dma_start3A_40] : memref<16x160x128xi32, #tpu.memory_space<hbm>> -> memref<1x160x128xi32, #tpu.memory_space<hbm>>
      %dma_start3A_42 = tpu.memref_squeeze %dma_start3A_41 : memref<1x160x128xi32, #tpu.memory_space<hbm>> -> memref<160x128xi32, #tpu.memory_space<hbm>>
      %dma_start3A_43 = arith.constant 0 : i32
      %dma_start3A_44 = arith.constant 0 : i32
      %dma_start3A_45 = tpu.memref_slice %arg5[%arg1, %dma_start3A_43, %dma_start3A_44] : memref<16x160x128xi32, #tpu.memory_space<hbm>> -> memref<1x160x128xi32, #tpu.memory_space<hbm>>
      %dma_start3A_46 = tpu.memref_squeeze %dma_start3A_45 : memref<1x160x128xi32, #tpu.memory_space<hbm>> -> memref<160x128xi32, #tpu.memory_space<hbm>>
      tpu.enqueue_dma source(%dma_start3A_46 : memref<160x128xi32, #tpu.memory_space<hbm>>) target(%arg11 : memref<160x128xi32, #tpu.memory_space<vmem>>) target_semaphore(%arg18 : memref<!tpu.dma_semaphore, #tpu.memory_space<semaphore_mem>>)
      %dma_wait3A_47 = arith.constant 0 : i32
      %dma_wait3A_48 = arith.constant 0 : i32
      %dma_wait3A_49 = tpu.memref_slice %arg4[%arg1, %dma_wait3A_47, %dma_wait3A_48] : memref<16x160x128xi32, #tpu.memory_space<hbm>> -> memref<1x160x128xi32, #tpu.memory_space<hbm>>
      %dma_wait3A_50 = tpu.memref_squeeze %dma_wait3A_49 : memref<1x160x128xi32, #tpu.memory_space<hbm>> -> memref<160x128xi32, #tpu.memory_space<hbm>>
      %dma_wait3A_51 = arith.constant 0 : i32
      %dma_wait3A_52 = arith.constant 0 : i32
      %dma_wait3A_53 = tpu.memref_slice %arg4[%arg1, %dma_wait3A_51, %dma_wait3A_52] : memref<16x160x128xi32, #tpu.memory_space<hbm>> -> memref<1x160x128xi32, #tpu.memory_space<hbm>>
      %dma_wait3A_54 = tpu.memref_squeeze %dma_wait3A_53 : memref<1x160x128xi32, #tpu.memory_space<hbm>> -> memref<160x128xi32, #tpu.memory_space<hbm>>
      tpu.wait_dma2 semaphore(%arg17 : memref<!tpu.dma_semaphore, #tpu.memory_space<semaphore_mem>>) src(%dma_wait3A_54 : memref<160x128xi32, #tpu.memory_space<hbm>>) dst(%arg10 : memref<160x128xi32, #tpu.memory_space<vmem>>)
      %dma_wait3A_55 = arith.constant 0 : i32
      %dma_wait3A_56 = arith.constant 0 : i32
      %dma_wait3A_57 = tpu.memref_slice %arg5[%arg1, %dma_wait3A_55, %dma_wait3A_56] : memref<16x160x128xi32, #tpu.memory_space<hbm>> -> memref<1x160x128xi32, #tpu.memory_space<hbm>>
      %dma_wait3A_58 = tpu.memref_squeeze %dma_wait3A_57 : memref<1x160x128xi32, #tpu.memory_space<hbm>> -> memref<160x128xi32, #tpu.memory_space<hbm>>
      %dma_wait3A_59 = arith.constant 0 : i32
      %dma_wait3A_60 = arith.constant 0 : i32
      %dma_wait3A_61 = tpu.memref_slice %arg5[%arg1, %dma_wait3A_59, %dma_wait3A_60] : memref<16x160x128xi32, #tpu.memory_space<hbm>> -> memref<1x160x128xi32, #tpu.memory_space<hbm>>
      %dma_wait3A_62 = tpu.memref_squeeze %dma_wait3A_61 : memref<1x160x128xi32, #tpu.memory_space<hbm>> -> memref<160x128xi32, #tpu.memory_space<hbm>>
      tpu.wait_dma2 semaphore(%arg18 : memref<!tpu.dma_semaphore, #tpu.memory_space<semaphore_mem>>) src(%dma_wait3A_62 : memref<160x128xi32, #tpu.memory_space<hbm>>) dst(%arg11 : memref<160x128xi32, #tpu.memory_space<vmem>>)
      %dma_start3A_63 = arith.constant 0 : i32
      %dma_start3A_64 = arith.constant 0 : i32
      %dma_start3A_65 = tpu.memref_slice %arg10[%dma_start3A_63, %dma_start3A_64] : memref<160x128xi32, #tpu.memory_space<vmem>> -> memref<1x128xi32, #tpu.memory_space<vmem>>
      %dma_start3A_66 = tpu.memref_squeeze %dma_start3A_65 : memref<1x128xi32, #tpu.memory_space<vmem>> -> memref<128xi32, #tpu.memory_space<vmem>>
      %dma_start3A_67 = arith.constant 0 : i32
      %dma_start3A_68 = arith.constant 0 : i32
      %dma_start3A_69 = tpu.memref_slice %arg2[%dma_start3A_67, %dma_start3A_68] : memref<10240x64xf32, #tpu.memory_space<hbm>> -> memref<10240x64xf32, #tpu.memory_space<hbm>>
      tpu.enqueue_indirect_dma source(%dma_start3A_69 : memref<10240x64xf32, #tpu.memory_space<hbm>>) target(%arg12 : memref<128x64xf32, #tpu.memory_space<vmem>>) offsets(%dma_start3A_66 : memref<128xi32, #tpu.memory_space<vmem>>) semaphore(%arg17 : memref<!tpu.dma_semaphore, #tpu.memory_space<semaphore_mem>>)
      %dma_start3A_70 = arith.constant 1 : i32
      %dma_start3A_71 = arith.constant 0 : i32
      %dma_start3A_72 = tpu.memref_slice %arg10[%dma_start3A_70, %dma_start3A_71] : memref<160x128xi32, #tpu.memory_space<vmem>> -> memref<1x128xi32, #tpu.memory_space<vmem>>
      %dma_start3A_73 = tpu.memref_squeeze %dma_start3A_72 : memref<1x128xi32, #tpu.memory_space<vmem>> -> memref<128xi32, #tpu.memory_space<vmem>>
      %dma_start3A_74 = arith.constant 0 : i32
      %dma_start3A_75 = arith.constant 0 : i32
      %dma_start3A_76 = tpu.memref_slice %arg2[%dma_start3A_74, %dma_start3A_75] : memref<10240x64xf32, #tpu.memory_space<hbm>> -> memref<10240x64xf32, #tpu.memory_space<hbm>>
      tpu.enqueue_indirect_dma source(%dma_start3A_76 : memref<10240x64xf32, #tpu.memory_space<hbm>>) target(%arg13 : memref<128x64xf32, #tpu.memory_space<vmem>>) offsets(%dma_start3A_73 : memref<128xi32, #tpu.memory_space<vmem>>) semaphore(%arg18 : memref<!tpu.dma_semaphore, #tpu.memory_space<semaphore_mem>>)
      %dma_start3A_77 = arith.constant 2 : i32
      %dma_start3A_78 = arith.constant 0 : i32
      %dma_start3A_79 = tpu.memref_slice %arg10[%dma_start3A_77, %dma_start3A_78] : memref<160x128xi32, #tpu.memory_space<vmem>> -> memref<1x128xi32, #tpu.memory_space<vmem>>
      %dma_start3A_80 = tpu.memref_squeeze %dma_start3A_79 : memref<1x128xi32, #tpu.memory_space<vmem>> -> memref<128xi32, #tpu.memory_space<vmem>>
      %dma_start3A_81 = arith.constant 0 : i32
      %dma_start3A_82 = arith.constant 0 : i32
      %dma_start3A_83 = tpu.memref_slice %arg2[%dma_start3A_81, %dma_start3A_82] : memref<10240x64xf32, #tpu.memory_space<hbm>> -> memref<10240x64xf32, #tpu.memory_space<hbm>>
      tpu.enqueue_indirect_dma source(%dma_start3A_83 : memref<10240x64xf32, #tpu.memory_space<hbm>>) target(%arg14 : memref<128x64xf32, #tpu.memory_space<vmem>>) offsets(%dma_start3A_80 : memref<128xi32, #tpu.memory_space<vmem>>) semaphore(%arg19 : memref<!tpu.dma_semaphore, #tpu.memory_space<semaphore_mem>>)
      %dma_start3A_84 = arith.constant 3 : i32
      %dma_start3A_85 = arith.constant 0 : i32
      %dma_start3A_86 = tpu.memref_slice %arg10[%dma_start3A_84, %dma_start3A_85] : memref<160x128xi32, #tpu.memory_space<vmem>> -> memref<1x128xi32, #tpu.memory_space<vmem>>
      %dma_start3A_87 = tpu.memref_squeeze %dma_start3A_86 : memref<1x128xi32, #tpu.memory_space<vmem>> -> memref<128xi32, #tpu.memory_space<vmem>>
      %dma_start3A_88 = arith.constant 0 : i32
      %dma_start3A_89 = arith.constant 0 : i32
      %dma_start3A_90 = tpu.memref_slice %arg2[%dma_start3A_88, %dma_start3A_89] : memref<10240x64xf32, #tpu.memory_space<hbm>> -> memref<10240x64xf32, #tpu.memory_space<hbm>>
      tpu.enqueue_indirect_dma source(%dma_start3A_90 : memref<10240x64xf32, #tpu.memory_space<hbm>>) target(%arg15 : memref<128x64xf32, #tpu.memory_space<vmem>>) offsets(%dma_start3A_87 : memref<128xi32, #tpu.memory_space<vmem>>) semaphore(%arg20 : memref<!tpu.dma_semaphore, #tpu.memory_space<semaphore_mem>>)
    } else {
    }
    %eq3A_3 = arith.constant 1 : i32
    %eq3A_4 = arith.cmpi eq, %arg0, %eq3A_3 : i32
    %convert_element_type3A_5 = arith.extui %eq3A_4 : i1 to i32
    %cond3A_6 = arith.constant 0 : i32
    %cond3A_7 = arith.cmpi ne, %convert_element_type3A_5, %cond3A_6 : i32
    scf.if %cond3A_7 {
      %dma_start3A = arith.constant 0 : i32
      %dma_start3A_30 = tpu.memref_slice %arg9[%mul3A_0, %dma_start3A] : memref<10240x64xf32, #tpu.memory_space<vmem_shared>> -> memref<640x64xf32, #tpu.memory_space<vmem_shared>>
      tpu.enqueue_dma source(%arg6 : memref<640x64xf32, #tpu.memory_space<hbm>>) target(%dma_start3A_30 : memref<640x64xf32, #tpu.memory_space<vmem_shared>>) target_semaphore(%arg21 : memref<!tpu.dma_semaphore, #tpu.memory_space<semaphore_mem>>)
      %dma_start3A_31 = arith.constant 0 : i32
      %dma_start3A_32 = arith.constant 0 : i32
      %dma_start3A_33 = tpu.memref_slice %arg5[%arg1, %dma_start3A_31, %dma_start3A_32] : memref<16x160x128xi32, #tpu.memory_space<hbm>> -> memref<1x160x128xi32, #tpu.memory_space<hbm>>
      %dma_start3A_34 = tpu.memref_squeeze %dma_start3A_33 : memref<1x160x128xi32, #tpu.memory_space<hbm>> -> memref<160x128xi32, #tpu.memory_space<hbm>>
      %dma_start3A_35 = arith.constant 0 : i32
      %dma_start3A_36 = arith.constant 0 : i32
      %dma_start3A_37 = tpu.memref_slice %arg5[%arg1, %dma_start3A_35, %dma_start3A_36] : memref<16x160x128xi32, #tpu.memory_space<hbm>> -> memref<1x160x128xi32, #tpu.memory_space<hbm>>
      %dma_start3A_38 = tpu.memref_squeeze %dma_start3A_37 : memref<1x160x128xi32, #tpu.memory_space<hbm>> -> memref<160x128xi32, #tpu.memory_space<hbm>>
      tpu.enqueue_dma source(%dma_start3A_38 : memref<160x128xi32, #tpu.memory_space<hbm>>) target(%arg10 : memref<160x128xi32, #tpu.memory_space<vmem>>) target_semaphore(%arg17 : memref<!tpu.dma_semaphore, #tpu.memory_space<semaphore_mem>>)
      %dma_start3A_39 = arith.constant 0 : i32
      %dma_start3A_40 = arith.constant 0 : i32
      %dma_start3A_41 = tpu.memref_slice %arg4[%arg1, %dma_start3A_39, %dma_start3A_40] : memref<16x160x128xi32, #tpu.memory_space<hbm>> -> memref<1x160x128xi32, #tpu.memory_space<hbm>>
      %dma_start3A_42 = tpu.memref_squeeze %dma_start3A_41 : memref<1x160x128xi32, #tpu.memory_space<hbm>> -> memref<160x128xi32, #tpu.memory_space<hbm>>
      %dma_start3A_43 = arith.constant 0 : i32
      %dma_start3A_44 = arith.constant 0 : i32
      %dma_start3A_45 = tpu.memref_slice %arg4[%arg1, %dma_start3A_43, %dma_start3A_44] : memref<16x160x128xi32, #tpu.memory_space<hbm>> -> memref<1x160x128xi32, #tpu.memory_space<hbm>>
      %dma_start3A_46 = tpu.memref_squeeze %dma_start3A_45 : memref<1x160x128xi32, #tpu.memory_space<hbm>> -> memref<160x128xi32, #tpu.memory_space<hbm>>
      tpu.enqueue_dma source(%dma_start3A_46 : memref<160x128xi32, #tpu.memory_space<hbm>>) target(%arg11 : memref<160x128xi32, #tpu.memory_space<vmem>>) target_semaphore(%arg18 : memref<!tpu.dma_semaphore, #tpu.memory_space<semaphore_mem>>)
      %dma_wait3A_47 = arith.constant 0 : i32
      %dma_wait3A_48 = arith.constant 0 : i32
      %dma_wait3A_49 = tpu.memref_slice %arg5[%arg1, %dma_wait3A_47, %dma_wait3A_48] : memref<16x160x128xi32, #tpu.memory_space<hbm>> -> memref<1x160x128xi32, #tpu.memory_space<hbm>>
      %dma_wait3A_50 = tpu.memref_squeeze %dma_wait3A_49 : memref<1x160x128xi32, #tpu.memory_space<hbm>> -> memref<160x128xi32, #tpu.memory_space<hbm>>
      %dma_wait3A_51 = arith.constant 0 : i32
      %dma_wait3A_52 = arith.constant 0 : i32
      %dma_wait3A_53 = tpu.memref_slice %arg5[%arg1, %dma_wait3A_51, %dma_wait3A_52] : memref<16x160x128xi32, #tpu.memory_space<hbm>> -> memref<1x160x128xi32, #tpu.memory_space<hbm>>
      %dma_wait3A_54 = tpu.memref_squeeze %dma_wait3A_53 : memref<1x160x128xi32, #tpu.memory_space<hbm>> -> memref<160x128xi32, #tpu.memory_space<hbm>>
      tpu.wait_dma2 semaphore(%arg17 : memref<!tpu.dma_semaphore, #tpu.memory_space<semaphore_mem>>) src(%dma_wait3A_54 : memref<160x128xi32, #tpu.memory_space<hbm>>) dst(%arg10 : memref<160x128xi32, #tpu.memory_space<vmem>>)
      %dma_wait3A_55 = arith.constant 0 : i32
      %dma_wait3A_56 = arith.constant 0 : i32
      %dma_wait3A_57 = tpu.memref_slice %arg4[%arg1, %dma_wait3A_55, %dma_wait3A_56] : memref<16x160x128xi32, #tpu.memory_space<hbm>> -> memref<1x160x128xi32, #tpu.memory_space<hbm>>
      %dma_wait3A_58 = tpu.memref_squeeze %dma_wait3A_57 : memref<1x160x128xi32, #tpu.memory_space<hbm>> -> memref<160x128xi32, #tpu.memory_space<hbm>>
      %dma_wait3A_59 = arith.constant 0 : i32
      %dma_wait3A_60 = arith.constant 0 : i32
      %dma_wait3A_61 = tpu.memref_slice %arg4[%arg1, %dma_wait3A_59, %dma_wait3A_60] : memref<16x160x128xi32, #tpu.memory_space<hbm>> -> memref<1x160x128xi32, #tpu.memory_space<hbm>>
      %dma_wait3A_62 = tpu.memref_squeeze %dma_wait3A_61 : memref<1x160x128xi32, #tpu.memory_space<hbm>> -> memref<160x128xi32, #tpu.memory_space<hbm>>
      tpu.wait_dma2 semaphore(%arg18 : memref<!tpu.dma_semaphore, #tpu.memory_space<semaphore_mem>>) src(%dma_wait3A_62 : memref<160x128xi32, #tpu.memory_space<hbm>>) dst(%arg11 : memref<160x128xi32, #tpu.memory_space<vmem>>)
      %dma_start3A_63 = arith.constant 0 : i32
      %dma_start3A_64 = arith.constant 0 : i32
      %dma_start3A_65 = tpu.memref_slice %arg10[%dma_start3A_63, %dma_start3A_64] : memref<160x128xi32, #tpu.memory_space<vmem>> -> memref<1x128xi32, #tpu.memory_space<vmem>>
      %dma_start3A_66 = tpu.memref_squeeze %dma_start3A_65 : memref<1x128xi32, #tpu.memory_space<vmem>> -> memref<128xi32, #tpu.memory_space<vmem>>
      %dma_start3A_67 = arith.constant 0 : i32
      %dma_start3A_68 = arith.constant 0 : i32
      %dma_start3A_69 = tpu.memref_slice %arg3[%dma_start3A_67, %dma_start3A_68] : memref<10240x64xf32, #tpu.memory_space<hbm>> -> memref<10240x64xf32, #tpu.memory_space<hbm>>
      tpu.enqueue_indirect_dma source(%dma_start3A_69 : memref<10240x64xf32, #tpu.memory_space<hbm>>) target(%arg12 : memref<128x64xf32, #tpu.memory_space<vmem>>) offsets(%dma_start3A_66 : memref<128xi32, #tpu.memory_space<vmem>>) semaphore(%arg17 : memref<!tpu.dma_semaphore, #tpu.memory_space<semaphore_mem>>)
      %dma_start3A_70 = arith.constant 1 : i32
      %dma_start3A_71 = arith.constant 0 : i32
      %dma_start3A_72 = tpu.memref_slice %arg10[%dma_start3A_70, %dma_start3A_71] : memref<160x128xi32, #tpu.memory_space<vmem>> -> memref<1x128xi32, #tpu.memory_space<vmem>>
      %dma_start3A_73 = tpu.memref_squeeze %dma_start3A_72 : memref<1x128xi32, #tpu.memory_space<vmem>> -> memref<128xi32, #tpu.memory_space<vmem>>
      %dma_start3A_74 = arith.constant 0 : i32
      %dma_start3A_75 = arith.constant 0 : i32
      %dma_start3A_76 = tpu.memref_slice %arg3[%dma_start3A_74, %dma_start3A_75] : memref<10240x64xf32, #tpu.memory_space<hbm>> -> memref<10240x64xf32, #tpu.memory_space<hbm>>
      tpu.enqueue_indirect_dma source(%dma_start3A_76 : memref<10240x64xf32, #tpu.memory_space<hbm>>) target(%arg13 : memref<128x64xf32, #tpu.memory_space<vmem>>) offsets(%dma_start3A_73 : memref<128xi32, #tpu.memory_space<vmem>>) semaphore(%arg18 : memref<!tpu.dma_semaphore, #tpu.memory_space<semaphore_mem>>)
      %dma_start3A_77 = arith.constant 2 : i32
      %dma_start3A_78 = arith.constant 0 : i32
      %dma_start3A_79 = tpu.memref_slice %arg10[%dma_start3A_77, %dma_start3A_78] : memref<160x128xi32, #tpu.memory_space<vmem>> -> memref<1x128xi32, #tpu.memory_space<vmem>>
      %dma_start3A_80 = tpu.memref_squeeze %dma_start3A_79 : memref<1x128xi32, #tpu.memory_space<vmem>> -> memref<128xi32, #tpu.memory_space<vmem>>
      %dma_start3A_81 = arith.constant 0 : i32
      %dma_start3A_82 = arith.constant 0 : i32
      %dma_start3A_83 = tpu.memref_slice %arg3[%dma_start3A_81, %dma_start3A_82] : memref<10240x64xf32, #tpu.memory_space<hbm>> -> memref<10240x64xf32, #tpu.memory_space<hbm>>
      tpu.enqueue_indirect_dma source(%dma_start3A_83 : memref<10240x64xf32, #tpu.memory_space<hbm>>) target(%arg14 : memref<128x64xf32, #tpu.memory_space<vmem>>) offsets(%dma_start3A_80 : memref<128xi32, #tpu.memory_space<vmem>>) semaphore(%arg19 : memref<!tpu.dma_semaphore, #tpu.memory_space<semaphore_mem>>)
      %dma_start3A_84 = arith.constant 3 : i32
      %dma_start3A_85 = arith.constant 0 : i32
      %dma_start3A_86 = tpu.memref_slice %arg10[%dma_start3A_84, %dma_start3A_85] : memref<160x128xi32, #tpu.memory_space<vmem>> -> memref<1x128xi32, #tpu.memory_space<vmem>>
      %dma_start3A_87 = tpu.memref_squeeze %dma_start3A_86 : memref<1x128xi32, #tpu.memory_space<vmem>> -> memref<128xi32, #tpu.memory_space<vmem>>
      %dma_start3A_88 = arith.constant 0 : i32
      %dma_start3A_89 = arith.constant 0 : i32
      %dma_start3A_90 = tpu.memref_slice %arg3[%dma_start3A_88, %dma_start3A_89] : memref<10240x64xf32, #tpu.memory_space<hbm>> -> memref<10240x64xf32, #tpu.memory_space<hbm>>
      tpu.enqueue_indirect_dma source(%dma_start3A_90 : memref<10240x64xf32, #tpu.memory_space<hbm>>) target(%arg15 : memref<128x64xf32, #tpu.memory_space<vmem>>) offsets(%dma_start3A_87 : memref<128xi32, #tpu.memory_space<vmem>>) semaphore(%arg20 : memref<!tpu.dma_semaphore, #tpu.memory_space<semaphore_mem>>)
    } else {
    }
    %dma_wait3A = arith.constant 0 : i32
    %dma_wait3A_8 = tpu.memref_slice %arg9[%mul3A_0, %dma_wait3A] : memref<10240x64xf32, #tpu.memory_space<vmem_shared>> -> memref<640x64xf32, #tpu.memory_space<vmem_shared>>
    tpu.wait_dma2 semaphore(%arg21 : memref<!tpu.dma_semaphore, #tpu.memory_space<semaphore_mem>>) src(%arg6 : memref<640x64xf32, #tpu.memory_space<hbm>>) dst(%dma_wait3A_8 : memref<640x64xf32, #tpu.memory_space<vmem_shared>>)
    %barrier3A = arith.constant 0 : index
    tpu.barrier barrier_id(%barrier3A)
    %eq3A_9 = arith.constant 0 : i32
    %eq3A_10 = arith.cmpi eq, %arg0, %eq3A_9 : i32
    %convert_element_type3A_11 = arith.extui %eq3A_10 : i1 to i32
    %cond3A_12 = arith.constant 0 : i32
    %cond3A_13 = arith.cmpi ne, %convert_element_type3A_11, %cond3A_12 : i32
    scf.if %cond3A_13 {
      %scan3A = arith.constant 0 : i32
      %scan3A_30 = arith.constant 0 : i32
      %scan3A_31 = arith.constant 31 : i32
      %scan3A_32 = arith.addi %scan3A_30, %scan3A_31 : i32
      %scan3A_33 = arith.constant 1 : i32
      scf.for %scan3A_80 = %scan3A_30 to %scan3A_32 step %scan3A_33  : i32 {
        %mul3A_81 = arith.constant 5 : i32
        %mul3A_82 = arith.muli %mul3A_81, %scan3A_80 : i32
        %add3A = arith.constant 0 : i32
        %add3A_83 = arith.addi %mul3A_82, %add3A : i32
        %add3A_84 = arith.constant 5 : i32
        %add3A_85 = arith.addi %add3A_83, %add3A_84 : i32
        %sub3A = arith.constant 1 : i32
        %sub3A_86 = arith.subi %add3A_85, %sub3A : i32
        %dma_start3A_87 = arith.constant 0 : i32
        %dma_start3A_88 = tpu.memref_slice %arg10[%sub3A_86, %dma_start3A_87] : memref<160x128xi32, #tpu.memory_space<vmem>> -> memref<1x128xi32, #tpu.memory_space<vmem>>
        %dma_start3A_89 = tpu.memref_squeeze %dma_start3A_88 : memref<1x128xi32, #tpu.memory_space<vmem>> -> memref<128xi32, #tpu.memory_space<vmem>>
        %dma_start3A_90 = arith.constant 0 : i32
        %dma_start3A_91 = arith.constant 0 : i32
        %dma_start3A_92 = tpu.memref_slice %arg2[%dma_start3A_90, %dma_start3A_91] : memref<10240x64xf32, #tpu.memory_space<hbm>> -> memref<10240x64xf32, #tpu.memory_space<hbm>>
        tpu.enqueue_indirect_dma source(%dma_start3A_92 : memref<10240x64xf32, #tpu.memory_space<hbm>>) target(%arg16 : memref<128x64xf32, #tpu.memory_space<vmem>>) offsets(%dma_start3A_89 : memref<128xi32, #tpu.memory_space<vmem>>) semaphore(%arg21 : memref<!tpu.dma_semaphore, #tpu.memory_space<semaphore_mem>>)
        %dma_wait3A_93 = arith.constant 0 : i32
        %dma_wait3A_94 = tpu.memref_slice %arg10[%add3A_83, %dma_wait3A_93] : memref<160x128xi32, #tpu.memory_space<vmem>> -> memref<1x128xi32, #tpu.memory_space<vmem>>
        %dma_wait3A_95 = tpu.memref_squeeze %dma_wait3A_94 : memref<1x128xi32, #tpu.memory_space<vmem>> -> memref<128xi32, #tpu.memory_space<vmem>>
        %dma_wait3A_96 = arith.constant 0 : i32
        %dma_wait3A_97 = arith.constant 0 : i32
        %dma_wait3A_98 = tpu.memref_slice %arg2[%dma_wait3A_96, %dma_wait3A_97] : memref<10240x64xf32, #tpu.memory_space<hbm>> -> memref<10240x64xf32, #tpu.memory_space<hbm>>
        tpu.wait_indirect_dma semaphore(%arg17 : memref<!tpu.dma_semaphore, #tpu.memory_space<semaphore_mem>>) src(%dma_wait3A_98 : memref<10240x64xf32, #tpu.memory_space<hbm>>) dst(%arg12 : memref<128x64xf32, #tpu.memory_space<vmem>>)
        "tpu.region"() ({
          %run_scoped3A_171 = tpu.sem_alloc : memref<!tpu.dma_semaphore, #tpu.memory_space<semaphore_mem>>
          %dma_start3A_172 = arith.constant 0 : i32
          %dma_start3A_173 = tpu.memref_slice %arg11[%add3A_83, %dma_start3A_172] : memref<160x128xi32, #tpu.memory_space<vmem>> -> memref<1x128xi32, #tpu.memory_space<vmem>>
          %dma_start3A_174 = tpu.memref_squeeze %dma_start3A_173 : memref<1x128xi32, #tpu.memory_space<vmem>> -> memref<128xi32, #tpu.memory_space<vmem>>
          %dma_start3A_175 = arith.constant 0 : i32
          %dma_start3A_176 = arith.constant 0 : i32
          %dma_start3A_177 = tpu.memref_slice %arg9[%dma_start3A_175, %dma_start3A_176] : memref<10240x64xf32, #tpu.memory_space<vmem_shared>> -> memref<10240x64xf32, #tpu.memory_space<vmem_shared>>
          tpu.enqueue_indirect_dma source(%arg12 : memref<128x64xf32, #tpu.memory_space<vmem>>) target(%dma_start3A_177 : memref<10240x64xf32, #tpu.memory_space<vmem_shared>>) offsets(%dma_start3A_174 : memref<128xi32, #tpu.memory_space<vmem>>) semaphore(%run_scoped3A_171 : memref<!tpu.dma_semaphore, #tpu.memory_space<semaphore_mem>>) {add = true}
          %dma_wait3A_178 = arith.constant 0 : i32
          %dma_wait3A_179 = tpu.memref_slice %arg11[%add3A_83, %dma_wait3A_178] : memref<160x128xi32, #tpu.memory_space<vmem>> -> memref<1x128xi32, #tpu.memory_space<vmem>>
          %dma_wait3A_180 = tpu.memref_squeeze %dma_wait3A_179 : memref<1x128xi32, #tpu.memory_space<vmem>> -> memref<128xi32, #tpu.memory_space<vmem>>
          %dma_wait3A_181 = arith.constant 0 : i32
          %dma_wait3A_182 = arith.constant 0 : i32
          %dma_wait3A_183 = tpu.memref_slice %arg9[%dma_wait3A_181, %dma_wait3A_182] : memref<10240x64xf32, #tpu.memory_space<vmem_shared>> -> memref<10240x64xf32, #tpu.memory_space<vmem_shared>>
          tpu.wait_indirect_dma semaphore(%run_scoped3A_171 : memref<!tpu.dma_semaphore, #tpu.memory_space<semaphore_mem>>) src(%arg12 : memref<128x64xf32, #tpu.memory_space<vmem>>) dst(%dma_wait3A_183 : memref<10240x64xf32, #tpu.memory_space<vmem_shared>>)
          tpu.yield
        }) : () -> ()
        %add3A_99 = arith.constant 1 : i32
        %add3A_100 = arith.addi %mul3A_82, %add3A_99 : i32
        %add3A_101 = arith.constant 5 : i32
        %add3A_102 = arith.addi %add3A_100, %add3A_101 : i32
        %sub3A_103 = arith.constant 1 : i32
        %sub3A_104 = arith.subi %add3A_102, %sub3A_103 : i32
        %dma_start3A_105 = arith.constant 0 : i32
        %dma_start3A_106 = tpu.memref_slice %arg10[%sub3A_104, %dma_start3A_105] : memref<160x128xi32, #tpu.memory_space<vmem>> -> memref<1x128xi32, #tpu.memory_space<vmem>>
        %dma_start3A_107 = tpu.memref_squeeze %dma_start3A_106 : memref<1x128xi32, #tpu.memory_space<vmem>> -> memref<128xi32, #tpu.memory_space<vmem>>
        %dma_start3A_108 = arith.constant 0 : i32
        %dma_start3A_109 = arith.constant 0 : i32
        %dma_start3A_110 = tpu.memref_slice %arg2[%dma_start3A_108, %dma_start3A_109] : memref<10240x64xf32, #tpu.memory_space<hbm>> -> memref<10240x64xf32, #tpu.memory_space<hbm>>
        tpu.enqueue_indirect_dma source(%dma_start3A_110 : memref<10240x64xf32, #tpu.memory_space<hbm>>) target(%arg12 : memref<128x64xf32, #tpu.memory_space<vmem>>) offsets(%dma_start3A_107 : memref<128xi32, #tpu.memory_space<vmem>>) semaphore(%arg17 : memref<!tpu.dma_semaphore, #tpu.memory_space<semaphore_mem>>)
        %dma_wait3A_111 = arith.constant 0 : i32
        %dma_wait3A_112 = tpu.memref_slice %arg10[%add3A_100, %dma_wait3A_111] : memref<160x128xi32, #tpu.memory_space<vmem>> -> memref<1x128xi32, #tpu.memory_space<vmem>>
        %dma_wait3A_113 = tpu.memref_squeeze %dma_wait3A_112 : memref<1x128xi32, #tpu.memory_space<vmem>> -> memref<128xi32, #tpu.memory_space<vmem>>
        %dma_wait3A_114 = arith.constant 0 : i32
        %dma_wait3A_115 = arith.constant 0 : i32
        %dma_wait3A_116 = tpu.memref_slice %arg2[%dma_wait3A_114, %dma_wait3A_115] : memref<10240x64xf32, #tpu.memory_space<hbm>> -> memref<10240x64xf32, #tpu.memory_space<hbm>>
        tpu.wait_indirect_dma semaphore(%arg18 : memref<!tpu.dma_semaphore, #tpu.memory_space<semaphore_mem>>) src(%dma_wait3A_116 : memref<10240x64xf32, #tpu.memory_space<hbm>>) dst(%arg13 : memref<128x64xf32, #tpu.memory_space<vmem>>)
        "tpu.region"() ({
          %run_scoped3A_171 = tpu.sem_alloc : memref<!tpu.dma_semaphore, #tpu.memory_space<semaphore_mem>>
          %dma_start3A_172 = arith.constant 0 : i32
          %dma_start3A_173 = tpu.memref_slice %arg11[%add3A_100, %dma_start3A_172] : memref<160x128xi32, #tpu.memory_space<vmem>> -> memref<1x128xi32, #tpu.memory_space<vmem>>
          %dma_start3A_174 = tpu.memref_squeeze %dma_start3A_173 : memref<1x128xi32, #tpu.memory_space<vmem>> -> memref<128xi32, #tpu.memory_space<vmem>>
          %dma_start3A_175 = arith.constant 0 : i32
          %dma_start3A_176 = arith.constant 0 : i32
          %dma_start3A_177 = tpu.memref_slice %arg9[%dma_start3A_175, %dma_start3A_176] : memref<10240x64xf32, #tpu.memory_space<vmem_shared>> -> memref<10240x64xf32, #tpu.memory_space<vmem_shared>>
          tpu.enqueue_indirect_dma source(%arg13 : memref<128x64xf32, #tpu.memory_space<vmem>>) target(%dma_start3A_177 : memref<10240x64xf32, #tpu.memory_space<vmem_shared>>) offsets(%dma_start3A_174 : memref<128xi32, #tpu.memory_space<vmem>>) semaphore(%run_scoped3A_171 : memref<!tpu.dma_semaphore, #tpu.memory_space<semaphore_mem>>) {add = true}
          %dma_wait3A_178 = arith.constant 0 : i32
          %dma_wait3A_179 = tpu.memref_slice %arg11[%add3A_100, %dma_wait3A_178] : memref<160x128xi32, #tpu.memory_space<vmem>> -> memref<1x128xi32, #tpu.memory_space<vmem>>
          %dma_wait3A_180 = tpu.memref_squeeze %dma_wait3A_179 : memref<1x128xi32, #tpu.memory_space<vmem>> -> memref<128xi32, #tpu.memory_space<vmem>>
          %dma_wait3A_181 = arith.constant 0 : i32
          %dma_wait3A_182 = arith.constant 0 : i32
          %dma_wait3A_183 = tpu.memref_slice %arg9[%dma_wait3A_181, %dma_wait3A_182] : memref<10240x64xf32, #tpu.memory_space<vmem_shared>> -> memref<10240x64xf32, #tpu.memory_space<vmem_shared>>
          tpu.wait_indirect_dma semaphore(%run_scoped3A_171 : memref<!tpu.dma_semaphore, #tpu.memory_space<semaphore_mem>>) src(%arg13 : memref<128x64xf32, #tpu.memory_space<vmem>>) dst(%dma_wait3A_183 : memref<10240x64xf32, #tpu.memory_space<vmem_shared>>)
          tpu.yield
        }) : () -> ()
        %add3A_117 = arith.constant 2 : i32
        %add3A_118 = arith.addi %mul3A_82, %add3A_117 : i32
        %add3A_119 = arith.constant 5 : i32
        %add3A_120 = arith.addi %add3A_118, %add3A_119 : i32
        %sub3A_121 = arith.constant 1 : i32
        %sub3A_122 = arith.subi %add3A_120, %sub3A_121 : i32
        %dma_start3A_123 = arith.constant 0 : i32
        %dma_start3A_124 = tpu.memref_slice %arg10[%sub3A_122, %dma_start3A_123] : memref<160x128xi32, #tpu.memory_space<vmem>> -> memref<1x128xi32, #tpu.memory_space<vmem>>
        %dma_start3A_125 = tpu.memref_squeeze %dma_start3A_124 : memref<1x128xi32, #tpu.memory_space<vmem>> -> memref<128xi32, #tpu.memory_space<vmem>>
        %dma_start3A_126 = arith.constant 0 : i32
        %dma_start3A_127 = arith.constant 0 : i32
        %dma_start3A_128 = tpu.memref_slice %arg2[%dma_start3A_126, %dma_start3A_127] : memref<10240x64xf32, #tpu.memory_space<hbm>> -> memref<10240x64xf32, #tpu.memory_space<hbm>>
        tpu.enqueue_indirect_dma source(%dma_start3A_128 : memref<10240x64xf32, #tpu.memory_space<hbm>>) target(%arg13 : memref<128x64xf32, #tpu.memory_space<vmem>>) offsets(%dma_start3A_125 : memref<128xi32, #tpu.memory_space<vmem>>) semaphore(%arg18 : memref<!tpu.dma_semaphore, #tpu.memory_space<semaphore_mem>>)
        %dma_wait3A_129 = arith.constant 0 : i32
        %dma_wait3A_130 = tpu.memref_slice %arg10[%add3A_118, %dma_wait3A_129] : memref<160x128xi32, #tpu.memory_space<vmem>> -> memref<1x128xi32, #tpu.memory_space<vmem>>
        %dma_wait3A_131 = tpu.memref_squeeze %dma_wait3A_130 : memref<1x128xi32, #tpu.memory_space<vmem>> -> memref<128xi32, #tpu.memory_space<vmem>>
        %dma_wait3A_132 = arith.constant 0 : i32
        %dma_wait3A_133 = arith.constant 0 : i32
        %dma_wait3A_134 = tpu.memref_slice %arg2[%dma_wait3A_132, %dma_wait3A_133] : memref<10240x64xf32, #tpu.memory_space<hbm>> -> memref<10240x64xf32, #tpu.memory_space<hbm>>
        tpu.wait_indirect_dma semaphore(%arg19 : memref<!tpu.dma_semaphore, #tpu.memory_space<semaphore_mem>>) src(%dma_wait3A_134 : memref<10240x64xf32, #tpu.memory_space<hbm>>) dst(%arg14 : memref<128x64xf32, #tpu.memory_space<vmem>>)
        "tpu.region"() ({
          %run_scoped3A_171 = tpu.sem_alloc : memref<!tpu.dma_semaphore, #tpu.memory_space<semaphore_mem>>
          %dma_start3A_172 = arith.constant 0 : i32
          %dma_start3A_173 = tpu.memref_slice %arg11[%add3A_118, %dma_start3A_172] : memref<160x128xi32, #tpu.memory_space<vmem>> -> memref<1x128xi32, #tpu.memory_space<vmem>>
          %dma_start3A_174 = tpu.memref_squeeze %dma_start3A_173 : memref<1x128xi32, #tpu.memory_space<vmem>> -> memref<128xi32, #tpu.memory_space<vmem>>
          %dma_start3A_175 = arith.constant 0 : i32
          %dma_start3A_176 = arith.constant 0 : i32
          %dma_start3A_177 = tpu.memref_slice %arg9[%dma_start3A_175, %dma_start3A_176] : memref<10240x64xf32, #tpu.memory_space<vmem_shared>> -> memref<10240x64xf32, #tpu.memory_space<vmem_shared>>
          tpu.enqueue_indirect_dma source(%arg14 : memref<128x64xf32, #tpu.memory_space<vmem>>) target(%dma_start3A_177 : memref<10240x64xf32, #tpu.memory_space<vmem_shared>>) offsets(%dma_start3A_174 : memref<128xi32, #tpu.memory_space<vmem>>) semaphore(%run_scoped3A_171 : memref<!tpu.dma_semaphore, #tpu.memory_space<semaphore_mem>>) {add = true}
          %dma_wait3A_178 = arith.constant 0 : i32
          %dma_wait3A_179 = tpu.memref_slice %arg11[%add3A_118, %dma_wait3A_178] : memref<160x128xi32, #tpu.memory_space<vmem>> -> memref<1x128xi32, #tpu.memory_space<vmem>>
          %dma_wait3A_180 = tpu.memref_squeeze %dma_wait3A_179 : memref<1x128xi32, #tpu.memory_space<vmem>> -> memref<128xi32, #tpu.memory_space<vmem>>
          %dma_wait3A_181 = arith.constant 0 : i32
          %dma_wait3A_182 = arith.constant 0 : i32
          %dma_wait3A_183 = tpu.memref_slice %arg9[%dma_wait3A_181, %dma_wait3A_182] : memref<10240x64xf32, #tpu.memory_space<vmem_shared>> -> memref<10240x64xf32, #tpu.memory_space<vmem_shared>>
          tpu.wait_indirect_dma semaphore(%run_scoped3A_171 : memref<!tpu.dma_semaphore, #tpu.memory_space<semaphore_mem>>) src(%arg14 : memref<128x64xf32, #tpu.memory_space<vmem>>) dst(%dma_wait3A_183 : memref<10240x64xf32, #tpu.memory_space<vmem_shared>>)
          tpu.yield
        }) : () -> ()
        %add3A_135 = arith.constant 3 : i32
        %add3A_136 = arith.addi %mul3A_82, %add3A_135 : i32
        %add3A_137 = arith.constant 5 : i32
        %add3A_138 = arith.addi %add3A_136, %add3A_137 : i32
        %sub3A_139 = arith.constant 1 : i32
        %sub3A_140 = arith.subi %add3A_138, %sub3A_139 : i32
        %dma_start3A_141 = arith.constant 0 : i32
        %dma_start3A_142 = tpu.memref_slice %arg10[%sub3A_140, %dma_start3A_141] : memref<160x128xi32, #tpu.memory_space<vmem>> -> memref<1x128xi32, #tpu.memory_space<vmem>>
        %dma_start3A_143 = tpu.memref_squeeze %dma_start3A_142 : memref<1x128xi32, #tpu.memory_space<vmem>> -> memref<128xi32, #tpu.memory_space<vmem>>
        %dma_start3A_144 = arith.constant 0 : i32
        %dma_start3A_145 = arith.constant 0 : i32
        %dma_start3A_146 = tpu.memref_slice %arg2[%dma_start3A_144, %dma_start3A_145] : memref<10240x64xf32, #tpu.memory_space<hbm>> -> memref<10240x64xf32, #tpu.memory_space<hbm>>
        tpu.enqueue_indirect_dma source(%dma_start3A_146 : memref<10240x64xf32, #tpu.memory_space<hbm>>) target(%arg14 : memref<128x64xf32, #tpu.memory_space<vmem>>) offsets(%dma_start3A_143 : memref<128xi32, #tpu.memory_space<vmem>>) semaphore(%arg19 : memref<!tpu.dma_semaphore, #tpu.memory_space<semaphore_mem>>)
        %dma_wait3A_147 = arith.constant 0 : i32
        %dma_wait3A_148 = tpu.memref_slice %arg10[%add3A_136, %dma_wait3A_147] : memref<160x128xi32, #tpu.memory_space<vmem>> -> memref<1x128xi32, #tpu.memory_space<vmem>>
        %dma_wait3A_149 = tpu.memref_squeeze %dma_wait3A_148 : memref<1x128xi32, #tpu.memory_space<vmem>> -> memref<128xi32, #tpu.memory_space<vmem>>
        %dma_wait3A_150 = arith.constant 0 : i32
        %dma_wait3A_151 = arith.constant 0 : i32
        %dma_wait3A_152 = tpu.memref_slice %arg2[%dma_wait3A_150, %dma_wait3A_151] : memref<10240x64xf32, #tpu.memory_space<hbm>> -> memref<10240x64xf32, #tpu.memory_space<hbm>>
        tpu.wait_indirect_dma semaphore(%arg20 : memref<!tpu.dma_semaphore, #tpu.memory_space<semaphore_mem>>) src(%dma_wait3A_152 : memref<10240x64xf32, #tpu.memory_space<hbm>>) dst(%arg15 : memref<128x64xf32, #tpu.memory_space<vmem>>)
        "tpu.region"() ({
          %run_scoped3A_171 = tpu.sem_alloc : memref<!tpu.dma_semaphore, #tpu.memory_space<semaphore_mem>>
          %dma_start3A_172 = arith.constant 0 : i32
          %dma_start3A_173 = tpu.memref_slice %arg11[%add3A_136, %dma_start3A_172] : memref<160x128xi32, #tpu.memory_space<vmem>> -> memref<1x128xi32, #tpu.memory_space<vmem>>
          %dma_start3A_174 = tpu.memref_squeeze %dma_start3A_173 : memref<1x128xi32, #tpu.memory_space<vmem>> -> memref<128xi32, #tpu.memory_space<vmem>>
          %dma_start3A_175 = arith.constant 0 : i32
          %dma_start3A_176 = arith.constant 0 : i32
          %dma_start3A_177 = tpu.memref_slice %arg9[%dma_start3A_175, %dma_start3A_176] : memref<10240x64xf32, #tpu.memory_space<vmem_shared>> -> memref<10240x64xf32, #tpu.memory_space<vmem_shared>>
          tpu.enqueue_indirect_dma source(%arg15 : memref<128x64xf32, #tpu.memory_space<vmem>>) target(%dma_start3A_177 : memref<10240x64xf32, #tpu.memory_space<vmem_shared>>) offsets(%dma_start3A_174 : memref<128xi32, #tpu.memory_space<vmem>>) semaphore(%run_scoped3A_171 : memref<!tpu.dma_semaphore, #tpu.memory_space<semaphore_mem>>) {add = true}
          %dma_wait3A_178 = arith.constant 0 : i32
          %dma_wait3A_179 = tpu.memref_slice %arg11[%add3A_136, %dma_wait3A_178] : memref<160x128xi32, #tpu.memory_space<vmem>> -> memref<1x128xi32, #tpu.memory_space<vmem>>
          %dma_wait3A_180 = tpu.memref_squeeze %dma_wait3A_179 : memref<1x128xi32, #tpu.memory_space<vmem>> -> memref<128xi32, #tpu.memory_space<vmem>>
          %dma_wait3A_181 = arith.constant 0 : i32
          %dma_wait3A_182 = arith.constant 0 : i32
          %dma_wait3A_183 = tpu.memref_slice %arg9[%dma_wait3A_181, %dma_wait3A_182] : memref<10240x64xf32, #tpu.memory_space<vmem_shared>> -> memref<10240x64xf32, #tpu.memory_space<vmem_shared>>
          tpu.wait_indirect_dma semaphore(%run_scoped3A_171 : memref<!tpu.dma_semaphore, #tpu.memory_space<semaphore_mem>>) src(%arg15 : memref<128x64xf32, #tpu.memory_space<vmem>>) dst(%dma_wait3A_183 : memref<10240x64xf32, #tpu.memory_space<vmem_shared>>)
          tpu.yield
        }) : () -> ()
        %add3A_153 = arith.constant 4 : i32
        %add3A_154 = arith.addi %mul3A_82, %add3A_153 : i32
        %add3A_155 = arith.constant 5 : i32
        %add3A_156 = arith.addi %add3A_154, %add3A_155 : i32
        %sub3A_157 = arith.constant 1 : i32
        %sub3A_158 = arith.subi %add3A_156, %sub3A_157 : i32
        %dma_start3A_159 = arith.constant 0 : i32
        %dma_start3A_160 = tpu.memref_slice %arg10[%sub3A_158, %dma_start3A_159] : memref<160x128xi32, #tpu.memory_space<vmem>> -> memref<1x128xi32, #tpu.memory_space<vmem>>
        %dma_start3A_161 = tpu.memref_squeeze %dma_start3A_160 : memref<1x128xi32, #tpu.memory_space<vmem>> -> memref<128xi32, #tpu.memory_space<vmem>>
        %dma_start3A_162 = arith.constant 0 : i32
        %dma_start3A_163 = arith.constant 0 : i32
        %dma_start3A_164 = tpu.memref_slice %arg2[%dma_start3A_162, %dma_start3A_163] : memref<10240x64xf32, #tpu.memory_space<hbm>> -> memref<10240x64xf32, #tpu.memory_space<hbm>>
        tpu.enqueue_indirect_dma source(%dma_start3A_164 : memref<10240x64xf32, #tpu.memory_space<hbm>>) target(%arg15 : memref<128x64xf32, #tpu.memory_space<vmem>>) offsets(%dma_start3A_161 : memref<128xi32, #tpu.memory_space<vmem>>) semaphore(%arg20 : memref<!tpu.dma_semaphore, #tpu.memory_space<semaphore_mem>>)
        %dma_wait3A_165 = arith.constant 0 : i32
        %dma_wait3A_166 = tpu.memref_slice %arg10[%add3A_154, %dma_wait3A_165] : memref<160x128xi32, #tpu.memory_space<vmem>> -> memref<1x128xi32, #tpu.memory_space<vmem>>
        %dma_wait3A_167 = tpu.memref_squeeze %dma_wait3A_166 : memref<1x128xi32, #tpu.memory_space<vmem>> -> memref<128xi32, #tpu.memory_space<vmem>>
        %dma_wait3A_168 = arith.constant 0 : i32
        %dma_wait3A_169 = arith.constant 0 : i32
        %dma_wait3A_170 = tpu.memref_slice %arg2[%dma_wait3A_168, %dma_wait3A_169] : memref<10240x64xf32, #tpu.memory_space<hbm>> -> memref<10240x64xf32, #tpu.memory_space<hbm>>
        tpu.wait_indirect_dma semaphore(%arg21 : memref<!tpu.dma_semaphore, #tpu.memory_space<semaphore_mem>>) src(%dma_wait3A_170 : memref<10240x64xf32, #tpu.memory_space<hbm>>) dst(%arg16 : memref<128x64xf32, #tpu.memory_space<vmem>>)
        "tpu.region"() ({
          %run_scoped3A_171 = tpu.sem_alloc : memref<!tpu.dma_semaphore, #tpu.memory_space<semaphore_mem>>
          %dma_start3A_172 = arith.constant 0 : i32
          %dma_start3A_173 = tpu.memref_slice %arg11[%add3A_154, %dma_start3A_172] : memref<160x128xi32, #tpu.memory_space<vmem>> -> memref<1x128xi32, #tpu.memory_space<vmem>>
          %dma_start3A_174 = tpu.memref_squeeze %dma_start3A_173 : memref<1x128xi32, #tpu.memory_space<vmem>> -> memref<128xi32, #tpu.memory_space<vmem>>
          %dma_start3A_175 = arith.constant 0 : i32
          %dma_start3A_176 = arith.constant 0 : i32
          %dma_start3A_177 = tpu.memref_slice %arg9[%dma_start3A_175, %dma_start3A_176] : memref<10240x64xf32, #tpu.memory_space<vmem_shared>> -> memref<10240x64xf32, #tpu.memory_space<vmem_shared>>
          tpu.enqueue_indirect_dma source(%arg16 : memref<128x64xf32, #tpu.memory_space<vmem>>) target(%dma_start3A_177 : memref<10240x64xf32, #tpu.memory_space<vmem_shared>>) offsets(%dma_start3A_174 : memref<128xi32, #tpu.memory_space<vmem>>) semaphore(%run_scoped3A_171 : memref<!tpu.dma_semaphore, #tpu.memory_space<semaphore_mem>>) {add = true}
          %dma_wait3A_178 = arith.constant 0 : i32
          %dma_wait3A_179 = tpu.memref_slice %arg11[%add3A_154, %dma_wait3A_178] : memref<160x128xi32, #tpu.memory_space<vmem>> -> memref<1x128xi32, #tpu.memory_space<vmem>>
          %dma_wait3A_180 = tpu.memref_squeeze %dma_wait3A_179 : memref<1x128xi32, #tpu.memory_space<vmem>> -> memref<128xi32, #tpu.memory_space<vmem>>
          %dma_wait3A_181 = arith.constant 0 : i32
          %dma_wait3A_182 = arith.constant 0 : i32
          %dma_wait3A_183 = tpu.memref_slice %arg9[%dma_wait3A_181, %dma_wait3A_182] : memref<10240x64xf32, #tpu.memory_space<vmem_shared>> -> memref<10240x64xf32, #tpu.memory_space<vmem_shared>>
          tpu.wait_indirect_dma semaphore(%run_scoped3A_171 : memref<!tpu.dma_semaphore, #tpu.memory_space<semaphore_mem>>) src(%arg16 : memref<128x64xf32, #tpu.memory_space<vmem>>) dst(%dma_wait3A_183 : memref<10240x64xf32, #tpu.memory_space<vmem_shared>>)
          tpu.yield
        }) : () -> ()
      }
      %scan3A_34 = arith.constant 31 : i32
      %dma_start3A = arith.constant 159 : i32
      %dma_start3A_35 = arith.constant 0 : i32
      %dma_start3A_36 = tpu.memref_slice %arg10[%dma_start3A, %dma_start3A_35] : memref<160x128xi32, #tpu.memory_space<vmem>> -> memref<1x128xi32, #tpu.memory_space<vmem>>
      %dma_start3A_37 = tpu.memref_squeeze %dma_start3A_36 : memref<1x128xi32, #tpu.memory_space<vmem>> -> memref<128xi32, #tpu.memory_space<vmem>>
      %dma_start3A_38 = arith.constant 0 : i32
      %dma_start3A_39 = arith.constant 0 : i32
      %dma_start3A_40 = tpu.memref_slice %arg2[%dma_start3A_38, %dma_start3A_39] : memref<10240x64xf32, #tpu.memory_space<hbm>> -> memref<10240x64xf32, #tpu.memory_space<hbm>>
      tpu.enqueue_indirect_dma source(%dma_start3A_40 : memref<10240x64xf32, #tpu.memory_space<hbm>>) target(%arg16 : memref<128x64xf32, #tpu.memory_space<vmem>>) offsets(%dma_start3A_37 : memref<128xi32, #tpu.memory_space<vmem>>) semaphore(%arg21 : memref<!tpu.dma_semaphore, #tpu.memory_space<semaphore_mem>>)
      %dma_wait3A_41 = arith.constant 155 : i32
      %dma_wait3A_42 = arith.constant 0 : i32
      %dma_wait3A_43 = tpu.memref_slice %arg10[%dma_wait3A_41, %dma_wait3A_42] : memref<160x128xi32, #tpu.memory_space<vmem>> -> memref<1x128xi32, #tpu.memory_space<vmem>>
      %dma_wait3A_44 = tpu.memref_squeeze %dma_wait3A_43 : memref<1x128xi32, #tpu.memory_space<vmem>> -> memref<128xi32, #tpu.memory_space<vmem>>
      %dma_wait3A_45 = arith.constant 0 : i32
      %dma_wait3A_46 = arith.constant 0 : i32
      %dma_wait3A_47 = tpu.memref_slice %arg2[%dma_wait3A_45, %dma_wait3A_46] : memref<10240x64xf32, #tpu.memory_space<hbm>> -> memref<10240x64xf32, #tpu.memory_space<hbm>>
      tpu.wait_indirect_dma semaphore(%arg17 : memref<!tpu.dma_semaphore, #tpu.memory_space<semaphore_mem>>) src(%dma_wait3A_47 : memref<10240x64xf32, #tpu.memory_space<hbm>>) dst(%arg12 : memref<128x64xf32, #tpu.memory_space<vmem>>)
      %run_scoped3A = arith.constant 155 : i32
      "tpu.region"() ({
        %run_scoped3A_80 = tpu.sem_alloc : memref<!tpu.dma_semaphore, #tpu.memory_space<semaphore_mem>>
        %dma_start3A_81 = arith.constant 0 : i32
        %dma_start3A_82 = tpu.memref_slice %arg11[%run_scoped3A, %dma_start3A_81] : memref<160x128xi32, #tpu.memory_space<vmem>> -> memref<1x128xi32, #tpu.memory_space<vmem>>
        %dma_start3A_83 = tpu.memref_squeeze %dma_start3A_82 : memref<1x128xi32, #tpu.memory_space<vmem>> -> memref<128xi32, #tpu.memory_space<vmem>>
        %dma_start3A_84 = arith.constant 0 : i32
        %dma_start3A_85 = arith.constant 0 : i32
        %dma_start3A_86 = tpu.memref_slice %arg9[%dma_start3A_84, %dma_start3A_85] : memref<10240x64xf32, #tpu.memory_space<vmem_shared>> -> memref<10240x64xf32, #tpu.memory_space<vmem_shared>>
        tpu.enqueue_indirect_dma source(%arg12 : memref<128x64xf32, #tpu.memory_space<vmem>>) target(%dma_start3A_86 : memref<10240x64xf32, #tpu.memory_space<vmem_shared>>) offsets(%dma_start3A_83 : memref<128xi32, #tpu.memory_space<vmem>>) semaphore(%run_scoped3A_80 : memref<!tpu.dma_semaphore, #tpu.memory_space<semaphore_mem>>) {add = true}
        %dma_wait3A_87 = arith.constant 0 : i32
        %dma_wait3A_88 = tpu.memref_slice %arg11[%run_scoped3A, %dma_wait3A_87] : memref<160x128xi32, #tpu.memory_space<vmem>> -> memref<1x128xi32, #tpu.memory_space<vmem>>
        %dma_wait3A_89 = tpu.memref_squeeze %dma_wait3A_88 : memref<1x128xi32, #tpu.memory_space<vmem>> -> memref<128xi32, #tpu.memory_space<vmem>>
        %dma_wait3A_90 = arith.constant 0 : i32
        %dma_wait3A_91 = arith.constant 0 : i32
        %dma_wait3A_92 = tpu.memref_slice %arg9[%dma_wait3A_90, %dma_wait3A_91] : memref<10240x64xf32, #tpu.memory_space<vmem_shared>> -> memref<10240x64xf32, #tpu.memory_space<vmem_shared>>
        tpu.wait_indirect_dma semaphore(%run_scoped3A_80 : memref<!tpu.dma_semaphore, #tpu.memory_space<semaphore_mem>>) src(%arg12 : memref<128x64xf32, #tpu.memory_space<vmem>>) dst(%dma_wait3A_92 : memref<10240x64xf32, #tpu.memory_space<vmem_shared>>)
        tpu.yield
      }) : () -> ()
      %dma_wait3A_48 = arith.constant 156 : i32
      %dma_wait3A_49 = arith.constant 0 : i32
      %dma_wait3A_50 = tpu.memref_slice %arg10[%dma_wait3A_48, %dma_wait3A_49] : memref<160x128xi32, #tpu.memory_space<vmem>> -> memref<1x128xi32, #tpu.memory_space<vmem>>
      %dma_wait3A_51 = tpu.memref_squeeze %dma_wait3A_50 : memref<1x128xi32, #tpu.memory_space<vmem>> -> memref<128xi32, #tpu.memory_space<vmem>>
      %dma_wait3A_52 = arith.constant 0 : i32
      %dma_wait3A_53 = arith.constant 0 : i32
      %dma_wait3A_54 = tpu.memref_slice %arg2[%dma_wait3A_52, %dma_wait3A_53] : memref<10240x64xf32, #tpu.memory_space<hbm>> -> memref<10240x64xf32, #tpu.memory_space<hbm>>
      tpu.wait_indirect_dma semaphore(%arg18 : memref<!tpu.dma_semaphore, #tpu.memory_space<semaphore_mem>>) src(%dma_wait3A_54 : memref<10240x64xf32, #tpu.memory_space<hbm>>) dst(%arg13 : memref<128x64xf32, #tpu.memory_space<vmem>>)
      %run_scoped3A_55 = arith.constant 156 : i32
      "tpu.region"() ({
        %run_scoped3A_80 = tpu.sem_alloc : memref<!tpu.dma_semaphore, #tpu.memory_space<semaphore_mem>>
        %dma_start3A_81 = arith.constant 0 : i32
        %dma_start3A_82 = tpu.memref_slice %arg11[%run_scoped3A_55, %dma_start3A_81] : memref<160x128xi32, #tpu.memory_space<vmem>> -> memref<1x128xi32, #tpu.memory_space<vmem>>
        %dma_start3A_83 = tpu.memref_squeeze %dma_start3A_82 : memref<1x128xi32, #tpu.memory_space<vmem>> -> memref<128xi32, #tpu.memory_space<vmem>>
        %dma_start3A_84 = arith.constant 0 : i32
        %dma_start3A_85 = arith.constant 0 : i32
        %dma_start3A_86 = tpu.memref_slice %arg9[%dma_start3A_84, %dma_start3A_85] : memref<10240x64xf32, #tpu.memory_space<vmem_shared>> -> memref<10240x64xf32, #tpu.memory_space<vmem_shared>>
        tpu.enqueue_indirect_dma source(%arg13 : memref<128x64xf32, #tpu.memory_space<vmem>>) target(%dma_start3A_86 : memref<10240x64xf32, #tpu.memory_space<vmem_shared>>) offsets(%dma_start3A_83 : memref<128xi32, #tpu.memory_space<vmem>>) semaphore(%run_scoped3A_80 : memref<!tpu.dma_semaphore, #tpu.memory_space<semaphore_mem>>) {add = true}
        %dma_wait3A_87 = arith.constant 0 : i32
        %dma_wait3A_88 = tpu.memref_slice %arg11[%run_scoped3A_55, %dma_wait3A_87] : memref<160x128xi32, #tpu.memory_space<vmem>> -> memref<1x128xi32, #tpu.memory_space<vmem>>
        %dma_wait3A_89 = tpu.memref_squeeze %dma_wait3A_88 : memref<1x128xi32, #tpu.memory_space<vmem>> -> memref<128xi32, #tpu.memory_space<vmem>>
        %dma_wait3A_90 = arith.constant 0 : i32
        %dma_wait3A_91 = arith.constant 0 : i32
        %dma_wait3A_92 = tpu.memref_slice %arg9[%dma_wait3A_90, %dma_wait3A_91] : memref<10240x64xf32, #tpu.memory_space<vmem_shared>> -> memref<10240x64xf32, #tpu.memory_space<vmem_shared>>
        tpu.wait_indirect_dma semaphore(%run_scoped3A_80 : memref<!tpu.dma_semaphore, #tpu.memory_space<semaphore_mem>>) src(%arg13 : memref<128x64xf32, #tpu.memory_space<vmem>>) dst(%dma_wait3A_92 : memref<10240x64xf32, #tpu.memory_space<vmem_shared>>)
        tpu.yield
      }) : () -> ()
      %dma_wait3A_56 = arith.constant 157 : i32
      %dma_wait3A_57 = arith.constant 0 : i32
      %dma_wait3A_58 = tpu.memref_slice %arg10[%dma_wait3A_56, %dma_wait3A_57] : memref<160x128xi32, #tpu.memory_space<vmem>> -> memref<1x128xi32, #tpu.memory_space<vmem>>
      %dma_wait3A_59 = tpu.memref_squeeze %dma_wait3A_58 : memref<1x128xi32, #tpu.memory_space<vmem>> -> memref<128xi32, #tpu.memory_space<vmem>>
      %dma_wait3A_60 = arith.constant 0 : i32
      %dma_wait3A_61 = arith.constant 0 : i32
      %dma_wait3A_62 = tpu.memref_slice %arg2[%dma_wait3A_60, %dma_wait3A_61] : memref<10240x64xf32, #tpu.memory_space<hbm>> -> memref<10240x64xf32, #tpu.memory_space<hbm>>
      tpu.wait_indirect_dma semaphore(%arg19 : memref<!tpu.dma_semaphore, #tpu.memory_space<semaphore_mem>>) src(%dma_wait3A_62 : memref<10240x64xf32, #tpu.memory_space<hbm>>) dst(%arg14 : memref<128x64xf32, #tpu.memory_space<vmem>>)
      %run_scoped3A_63 = arith.constant 157 : i32
      "tpu.region"() ({
        %run_scoped3A_80 = tpu.sem_alloc : memref<!tpu.dma_semaphore, #tpu.memory_space<semaphore_mem>>
        %dma_start3A_81 = arith.constant 0 : i32
        %dma_start3A_82 = tpu.memref_slice %arg11[%run_scoped3A_63, %dma_start3A_81] : memref<160x128xi32, #tpu.memory_space<vmem>> -> memref<1x128xi32, #tpu.memory_space<vmem>>
        %dma_start3A_83 = tpu.memref_squeeze %dma_start3A_82 : memref<1x128xi32, #tpu.memory_space<vmem>> -> memref<128xi32, #tpu.memory_space<vmem>>
        %dma_start3A_84 = arith.constant 0 : i32
        %dma_start3A_85 = arith.constant 0 : i32
        %dma_start3A_86 = tpu.memref_slice %arg9[%dma_start3A_84, %dma_start3A_85] : memref<10240x64xf32, #tpu.memory_space<vmem_shared>> -> memref<10240x64xf32, #tpu.memory_space<vmem_shared>>
        tpu.enqueue_indirect_dma source(%arg14 : memref<128x64xf32, #tpu.memory_space<vmem>>) target(%dma_start3A_86 : memref<10240x64xf32, #tpu.memory_space<vmem_shared>>) offsets(%dma_start3A_83 : memref<128xi32, #tpu.memory_space<vmem>>) semaphore(%run_scoped3A_80 : memref<!tpu.dma_semaphore, #tpu.memory_space<semaphore_mem>>) {add = true}
        %dma_wait3A_87 = arith.constant 0 : i32
        %dma_wait3A_88 = tpu.memref_slice %arg11[%run_scoped3A_63, %dma_wait3A_87] : memref<160x128xi32, #tpu.memory_space<vmem>> -> memref<1x128xi32, #tpu.memory_space<vmem>>
        %dma_wait3A_89 = tpu.memref_squeeze %dma_wait3A_88 : memref<1x128xi32, #tpu.memory_space<vmem>> -> memref<128xi32, #tpu.memory_space<vmem>>
        %dma_wait3A_90 = arith.constant 0 : i32
        %dma_wait3A_91 = arith.constant 0 : i32
        %dma_wait3A_92 = tpu.memref_slice %arg9[%dma_wait3A_90, %dma_wait3A_91] : memref<10240x64xf32, #tpu.memory_space<vmem_shared>> -> memref<10240x64xf32, #tpu.memory_space<vmem_shared>>
        tpu.wait_indirect_dma semaphore(%run_scoped3A_80 : memref<!tpu.dma_semaphore, #tpu.memory_space<semaphore_mem>>) src(%arg14 : memref<128x64xf32, #tpu.memory_space<vmem>>) dst(%dma_wait3A_92 : memref<10240x64xf32, #tpu.memory_space<vmem_shared>>)
        tpu.yield
      }) : () -> ()
      %dma_wait3A_64 = arith.constant 158 : i32
      %dma_wait3A_65 = arith.constant 0 : i32
      %dma_wait3A_66 = tpu.memref_slice %arg10[%dma_wait3A_64, %dma_wait3A_65] : memref<160x128xi32, #tpu.memory_space<vmem>> -> memref<1x128xi32, #tpu.memory_space<vmem>>
      %dma_wait3A_67 = tpu.memref_squeeze %dma_wait3A_66 : memref<1x128xi32, #tpu.memory_space<vmem>> -> memref<128xi32, #tpu.memory_space<vmem>>
      %dma_wait3A_68 = arith.constant 0 : i32
      %dma_wait3A_69 = arith.constant 0 : i32
      %dma_wait3A_70 = tpu.memref_slice %arg2[%dma_wait3A_68, %dma_wait3A_69] : memref<10240x64xf32, #tpu.memory_space<hbm>> -> memref<10240x64xf32, #tpu.memory_space<hbm>>
      tpu.wait_indirect_dma semaphore(%arg20 : memref<!tpu.dma_semaphore, #tpu.memory_space<semaphore_mem>>) src(%dma_wait3A_70 : memref<10240x64xf32, #tpu.memory_space<hbm>>) dst(%arg15 : memref<128x64xf32, #tpu.memory_space<vmem>>)
      %run_scoped3A_71 = arith.constant 158 : i32
      "tpu.region"() ({
        %run_scoped3A_80 = tpu.sem_alloc : memref<!tpu.dma_semaphore, #tpu.memory_space<semaphore_mem>>
        %dma_start3A_81 = arith.constant 0 : i32
        %dma_start3A_82 = tpu.memref_slice %arg11[%run_scoped3A_71, %dma_start3A_81] : memref<160x128xi32, #tpu.memory_space<vmem>> -> memref<1x128xi32, #tpu.memory_space<vmem>>
        %dma_start3A_83 = tpu.memref_squeeze %dma_start3A_82 : memref<1x128xi32, #tpu.memory_space<vmem>> -> memref<128xi32, #tpu.memory_space<vmem>>
        %dma_start3A_84 = arith.constant 0 : i32
        %dma_start3A_85 = arith.constant 0 : i32
        %dma_start3A_86 = tpu.memref_slice %arg9[%dma_start3A_84, %dma_start3A_85] : memref<10240x64xf32, #tpu.memory_space<vmem_shared>> -> memref<10240x64xf32, #tpu.memory_space<vmem_shared>>
        tpu.enqueue_indirect_dma source(%arg15 : memref<128x64xf32, #tpu.memory_space<vmem>>) target(%dma_start3A_86 : memref<10240x64xf32, #tpu.memory_space<vmem_shared>>) offsets(%dma_start3A_83 : memref<128xi32, #tpu.memory_space<vmem>>) semaphore(%run_scoped3A_80 : memref<!tpu.dma_semaphore, #tpu.memory_space<semaphore_mem>>) {add = true}
        %dma_wait3A_87 = arith.constant 0 : i32
        %dma_wait3A_88 = tpu.memref_slice %arg11[%run_scoped3A_71, %dma_wait3A_87] : memref<160x128xi32, #tpu.memory_space<vmem>> -> memref<1x128xi32, #tpu.memory_space<vmem>>
        %dma_wait3A_89 = tpu.memref_squeeze %dma_wait3A_88 : memref<1x128xi32, #tpu.memory_space<vmem>> -> memref<128xi32, #tpu.memory_space<vmem>>
        %dma_wait3A_90 = arith.constant 0 : i32
        %dma_wait3A_91 = arith.constant 0 : i32
        %dma_wait3A_92 = tpu.memref_slice %arg9[%dma_wait3A_90, %dma_wait3A_91] : memref<10240x64xf32, #tpu.memory_space<vmem_shared>> -> memref<10240x64xf32, #tpu.memory_space<vmem_shared>>
        tpu.wait_indirect_dma semaphore(%run_scoped3A_80 : memref<!tpu.dma_semaphore, #tpu.memory_space<semaphore_mem>>) src(%arg15 : memref<128x64xf32, #tpu.memory_space<vmem>>) dst(%dma_wait3A_92 : memref<10240x64xf32, #tpu.memory_space<vmem_shared>>)
        tpu.yield
      }) : () -> ()
      %dma_wait3A_72 = arith.constant 159 : i32
      %dma_wait3A_73 = arith.constant 0 : i32
      %dma_wait3A_74 = tpu.memref_slice %arg10[%dma_wait3A_72, %dma_wait3A_73] : memref<160x128xi32, #tpu.memory_space<vmem>> -> memref<1x128xi32, #tpu.memory_space<vmem>>
      %dma_wait3A_75 = tpu.memref_squeeze %dma_wait3A_74 : memref<1x128xi32, #tpu.memory_space<vmem>> -> memref<128xi32, #tpu.memory_space<vmem>>
      %dma_wait3A_76 = arith.constant 0 : i32
      %dma_wait3A_77 = arith.constant 0 : i32
      %dma_wait3A_78 = tpu.memref_slice %arg2[%dma_wait3A_76, %dma_wait3A_77] : memref<10240x64xf32, #tpu.memory_space<hbm>> -> memref<10240x64xf32, #tpu.memory_space<hbm>>
      tpu.wait_indirect_dma semaphore(%arg21 : memref<!tpu.dma_semaphore, #tpu.memory_space<semaphore_mem>>) src(%dma_wait3A_78 : memref<10240x64xf32, #tpu.memory_space<hbm>>) dst(%arg16 : memref<128x64xf32, #tpu.memory_space<vmem>>)
      %run_scoped3A_79 = arith.constant 159 : i32
      "tpu.region"() ({
        %run_scoped3A_80 = tpu.sem_alloc : memref<!tpu.dma_semaphore, #tpu.memory_space<semaphore_mem>>
        %dma_start3A_81 = arith.constant 0 : i32
        %dma_start3A_82 = tpu.memref_slice %arg11[%run_scoped3A_79, %dma_start3A_81] : memref<160x128xi32, #tpu.memory_space<vmem>> -> memref<1x128xi32, #tpu.memory_space<vmem>>
        %dma_start3A_83 = tpu.memref_squeeze %dma_start3A_82 : memref<1x128xi32, #tpu.memory_space<vmem>> -> memref<128xi32, #tpu.memory_space<vmem>>
        %dma_start3A_84 = arith.constant 0 : i32
        %dma_start3A_85 = arith.constant 0 : i32
        %dma_start3A_86 = tpu.memref_slice %arg9[%dma_start3A_84, %dma_start3A_85] : memref<10240x64xf32, #tpu.memory_space<vmem_shared>> -> memref<10240x64xf32, #tpu.memory_space<vmem_shared>>
        tpu.enqueue_indirect_dma source(%arg16 : memref<128x64xf32, #tpu.memory_space<vmem>>) target(%dma_start3A_86 : memref<10240x64xf32, #tpu.memory_space<vmem_shared>>) offsets(%dma_start3A_83 : memref<128xi32, #tpu.memory_space<vmem>>) semaphore(%run_scoped3A_80 : memref<!tpu.dma_semaphore, #tpu.memory_space<semaphore_mem>>) {add = true}
        %dma_wait3A_87 = arith.constant 0 : i32
        %dma_wait3A_88 = tpu.memref_slice %arg11[%run_scoped3A_79, %dma_wait3A_87] : memref<160x128xi32, #tpu.memory_space<vmem>> -> memref<1x128xi32, #tpu.memory_space<vmem>>
        %dma_wait3A_89 = tpu.memref_squeeze %dma_wait3A_88 : memref<1x128xi32, #tpu.memory_space<vmem>> -> memref<128xi32, #tpu.memory_space<vmem>>
        %dma_wait3A_90 = arith.constant 0 : i32
        %dma_wait3A_91 = arith.constant 0 : i32
        %dma_wait3A_92 = tpu.memref_slice %arg9[%dma_wait3A_90, %dma_wait3A_91] : memref<10240x64xf32, #tpu.memory_space<vmem_shared>> -> memref<10240x64xf32, #tpu.memory_space<vmem_shared>>
        tpu.wait_indirect_dma semaphore(%run_scoped3A_80 : memref<!tpu.dma_semaphore, #tpu.memory_space<semaphore_mem>>) src(%arg16 : memref<128x64xf32, #tpu.memory_space<vmem>>) dst(%dma_wait3A_92 : memref<10240x64xf32, #tpu.memory_space<vmem_shared>>)
        tpu.yield
      }) : () -> ()
    } else {
    }
    %eq3A_14 = arith.constant 1 : i32
    %eq3A_15 = arith.cmpi eq, %arg0, %eq3A_14 : i32
    %convert_element_type3A_16 = arith.extui %eq3A_15 : i1 to i32
    %cond3A_17 = arith.constant 0 : i32
    %cond3A_18 = arith.cmpi ne, %convert_element_type3A_16, %cond3A_17 : i32
    scf.if %cond3A_18 {
      %scan3A = arith.constant 0 : i32
      %scan3A_30 = arith.constant 0 : i32
      %scan3A_31 = arith.constant 31 : i32
      %scan3A_32 = arith.addi %scan3A_30, %scan3A_31 : i32
      %scan3A_33 = arith.constant 1 : i32
      scf.for %scan3A_80 = %scan3A_30 to %scan3A_32 step %scan3A_33  : i32 {
        %mul3A_81 = arith.constant 5 : i32
        %mul3A_82 = arith.muli %mul3A_81, %scan3A_80 : i32
        %add3A = arith.constant 0 : i32
        %add3A_83 = arith.addi %mul3A_82, %add3A : i32
        %add3A_84 = arith.constant 5 : i32
        %add3A_85 = arith.addi %add3A_83, %add3A_84 : i32
        %sub3A = arith.constant 1 : i32
        %sub3A_86 = arith.subi %add3A_85, %sub3A : i32
        %dma_start3A_87 = arith.constant 0 : i32
        %dma_start3A_88 = tpu.memref_slice %arg10[%sub3A_86, %dma_start3A_87] : memref<160x128xi32, #tpu.memory_space<vmem>> -> memref<1x128xi32, #tpu.memory_space<vmem>>
        %dma_start3A_89 = tpu.memref_squeeze %dma_start3A_88 : memref<1x128xi32, #tpu.memory_space<vmem>> -> memref<128xi32, #tpu.memory_space<vmem>>
        %dma_start3A_90 = arith.constant 0 : i32
        %dma_start3A_91 = arith.constant 0 : i32
        %dma_start3A_92 = tpu.memref_slice %arg3[%dma_start3A_90, %dma_start3A_91] : memref<10240x64xf32, #tpu.memory_space<hbm>> -> memref<10240x64xf32, #tpu.memory_space<hbm>>
        tpu.enqueue_indirect_dma source(%dma_start3A_92 : memref<10240x64xf32, #tpu.memory_space<hbm>>) target(%arg16 : memref<128x64xf32, #tpu.memory_space<vmem>>) offsets(%dma_start3A_89 : memref<128xi32, #tpu.memory_space<vmem>>) semaphore(%arg21 : memref<!tpu.dma_semaphore, #tpu.memory_space<semaphore_mem>>)
        %dma_wait3A_93 = arith.constant 0 : i32
        %dma_wait3A_94 = tpu.memref_slice %arg10[%add3A_83, %dma_wait3A_93] : memref<160x128xi32, #tpu.memory_space<vmem>> -> memref<1x128xi32, #tpu.memory_space<vmem>>
        %dma_wait3A_95 = tpu.memref_squeeze %dma_wait3A_94 : memref<1x128xi32, #tpu.memory_space<vmem>> -> memref<128xi32, #tpu.memory_space<vmem>>
        %dma_wait3A_96 = arith.constant 0 : i32
        %dma_wait3A_97 = arith.constant 0 : i32
        %dma_wait3A_98 = tpu.memref_slice %arg3[%dma_wait3A_96, %dma_wait3A_97] : memref<10240x64xf32, #tpu.memory_space<hbm>> -> memref<10240x64xf32, #tpu.memory_space<hbm>>
        tpu.wait_indirect_dma semaphore(%arg17 : memref<!tpu.dma_semaphore, #tpu.memory_space<semaphore_mem>>) src(%dma_wait3A_98 : memref<10240x64xf32, #tpu.memory_space<hbm>>) dst(%arg12 : memref<128x64xf32, #tpu.memory_space<vmem>>)
        "tpu.region"() ({
          %run_scoped3A_171 = tpu.sem_alloc : memref<!tpu.dma_semaphore, #tpu.memory_space<semaphore_mem>>
          %dma_start3A_172 = arith.constant 0 : i32
          %dma_start3A_173 = tpu.memref_slice %arg11[%add3A_83, %dma_start3A_172] : memref<160x128xi32, #tpu.memory_space<vmem>> -> memref<1x128xi32, #tpu.memory_space<vmem>>
          %dma_start3A_174 = tpu.memref_squeeze %dma_start3A_173 : memref<1x128xi32, #tpu.memory_space<vmem>> -> memref<128xi32, #tpu.memory_space<vmem>>
          %dma_start3A_175 = arith.constant 0 : i32
          %dma_start3A_176 = arith.constant 0 : i32
          %dma_start3A_177 = tpu.memref_slice %arg9[%dma_start3A_175, %dma_start3A_176] : memref<10240x64xf32, #tpu.memory_space<vmem_shared>> -> memref<10240x64xf32, #tpu.memory_space<vmem_shared>>
          tpu.enqueue_indirect_dma source(%arg12 : memref<128x64xf32, #tpu.memory_space<vmem>>) target(%dma_start3A_177 : memref<10240x64xf32, #tpu.memory_space<vmem_shared>>) offsets(%dma_start3A_174 : memref<128xi32, #tpu.memory_space<vmem>>) semaphore(%run_scoped3A_171 : memref<!tpu.dma_semaphore, #tpu.memory_space<semaphore_mem>>) {add = true}
          %dma_wait3A_178 = arith.constant 0 : i32
          %dma_wait3A_179 = tpu.memref_slice %arg11[%add3A_83, %dma_wait3A_178] : memref<160x128xi32, #tpu.memory_space<vmem>> -> memref<1x128xi32, #tpu.memory_space<vmem>>
          %dma_wait3A_180 = tpu.memref_squeeze %dma_wait3A_179 : memref<1x128xi32, #tpu.memory_space<vmem>> -> memref<128xi32, #tpu.memory_space<vmem>>
          %dma_wait3A_181 = arith.constant 0 : i32
          %dma_wait3A_182 = arith.constant 0 : i32
          %dma_wait3A_183 = tpu.memref_slice %arg9[%dma_wait3A_181, %dma_wait3A_182] : memref<10240x64xf32, #tpu.memory_space<vmem_shared>> -> memref<10240x64xf32, #tpu.memory_space<vmem_shared>>
          tpu.wait_indirect_dma semaphore(%run_scoped3A_171 : memref<!tpu.dma_semaphore, #tpu.memory_space<semaphore_mem>>) src(%arg12 : memref<128x64xf32, #tpu.memory_space<vmem>>) dst(%dma_wait3A_183 : memref<10240x64xf32, #tpu.memory_space<vmem_shared>>)
          tpu.yield
        }) : () -> ()
        %add3A_99 = arith.constant 1 : i32
        %add3A_100 = arith.addi %mul3A_82, %add3A_99 : i32
        %add3A_101 = arith.constant 5 : i32
        %add3A_102 = arith.addi %add3A_100, %add3A_101 : i32
        %sub3A_103 = arith.constant 1 : i32
        %sub3A_104 = arith.subi %add3A_102, %sub3A_103 : i32
        %dma_start3A_105 = arith.constant 0 : i32
        %dma_start3A_106 = tpu.memref_slice %arg10[%sub3A_104, %dma_start3A_105] : memref<160x128xi32, #tpu.memory_space<vmem>> -> memref<1x128xi32, #tpu.memory_space<vmem>>
        %dma_start3A_107 = tpu.memref_squeeze %dma_start3A_106 : memref<1x128xi32, #tpu.memory_space<vmem>> -> memref<128xi32, #tpu.memory_space<vmem>>
        %dma_start3A_108 = arith.constant 0 : i32
        %dma_start3A_109 = arith.constant 0 : i32
        %dma_start3A_110 = tpu.memref_slice %arg3[%dma_start3A_108, %dma_start3A_109] : memref<10240x64xf32, #tpu.memory_space<hbm>> -> memref<10240x64xf32, #tpu.memory_space<hbm>>
        tpu.enqueue_indirect_dma source(%dma_start3A_110 : memref<10240x64xf32, #tpu.memory_space<hbm>>) target(%arg12 : memref<128x64xf32, #tpu.memory_space<vmem>>) offsets(%dma_start3A_107 : memref<128xi32, #tpu.memory_space<vmem>>) semaphore(%arg17 : memref<!tpu.dma_semaphore, #tpu.memory_space<semaphore_mem>>)
        %dma_wait3A_111 = arith.constant 0 : i32
        %dma_wait3A_112 = tpu.memref_slice %arg10[%add3A_100, %dma_wait3A_111] : memref<160x128xi32, #tpu.memory_space<vmem>> -> memref<1x128xi32, #tpu.memory_space<vmem>>
        %dma_wait3A_113 = tpu.memref_squeeze %dma_wait3A_112 : memref<1x128xi32, #tpu.memory_space<vmem>> -> memref<128xi32, #tpu.memory_space<vmem>>
        %dma_wait3A_114 = arith.constant 0 : i32
        %dma_wait3A_115 = arith.constant 0 : i32
        %dma_wait3A_116 = tpu.memref_slice %arg3[%dma_wait3A_114, %dma_wait3A_115] : memref<10240x64xf32, #tpu.memory_space<hbm>> -> memref<10240x64xf32, #tpu.memory_space<hbm>>
        tpu.wait_indirect_dma semaphore(%arg18 : memref<!tpu.dma_semaphore, #tpu.memory_space<semaphore_mem>>) src(%dma_wait3A_116 : memref<10240x64xf32, #tpu.memory_space<hbm>>) dst(%arg13 : memref<128x64xf32, #tpu.memory_space<vmem>>)
        "tpu.region"() ({
          %run_scoped3A_171 = tpu.sem_alloc : memref<!tpu.dma_semaphore, #tpu.memory_space<semaphore_mem>>
          %dma_start3A_172 = arith.constant 0 : i32
          %dma_start3A_173 = tpu.memref_slice %arg11[%add3A_100, %dma_start3A_172] : memref<160x128xi32, #tpu.memory_space<vmem>> -> memref<1x128xi32, #tpu.memory_space<vmem>>
          %dma_start3A_174 = tpu.memref_squeeze %dma_start3A_173 : memref<1x128xi32, #tpu.memory_space<vmem>> -> memref<128xi32, #tpu.memory_space<vmem>>
          %dma_start3A_175 = arith.constant 0 : i32
          %dma_start3A_176 = arith.constant 0 : i32
          %dma_start3A_177 = tpu.memref_slice %arg9[%dma_start3A_175, %dma_start3A_176] : memref<10240x64xf32, #tpu.memory_space<vmem_shared>> -> memref<10240x64xf32, #tpu.memory_space<vmem_shared>>
          tpu.enqueue_indirect_dma source(%arg13 : memref<128x64xf32, #tpu.memory_space<vmem>>) target(%dma_start3A_177 : memref<10240x64xf32, #tpu.memory_space<vmem_shared>>) offsets(%dma_start3A_174 : memref<128xi32, #tpu.memory_space<vmem>>) semaphore(%run_scoped3A_171 : memref<!tpu.dma_semaphore, #tpu.memory_space<semaphore_mem>>) {add = true}
          %dma_wait3A_178 = arith.constant 0 : i32
          %dma_wait3A_179 = tpu.memref_slice %arg11[%add3A_100, %dma_wait3A_178] : memref<160x128xi32, #tpu.memory_space<vmem>> -> memref<1x128xi32, #tpu.memory_space<vmem>>
          %dma_wait3A_180 = tpu.memref_squeeze %dma_wait3A_179 : memref<1x128xi32, #tpu.memory_space<vmem>> -> memref<128xi32, #tpu.memory_space<vmem>>
          %dma_wait3A_181 = arith.constant 0 : i32
          %dma_wait3A_182 = arith.constant 0 : i32
          %dma_wait3A_183 = tpu.memref_slice %arg9[%dma_wait3A_181, %dma_wait3A_182] : memref<10240x64xf32, #tpu.memory_space<vmem_shared>> -> memref<10240x64xf32, #tpu.memory_space<vmem_shared>>
          tpu.wait_indirect_dma semaphore(%run_scoped3A_171 : memref<!tpu.dma_semaphore, #tpu.memory_space<semaphore_mem>>) src(%arg13 : memref<128x64xf32, #tpu.memory_space<vmem>>) dst(%dma_wait3A_183 : memref<10240x64xf32, #tpu.memory_space<vmem_shared>>)
          tpu.yield
        }) : () -> ()
        %add3A_117 = arith.constant 2 : i32
        %add3A_118 = arith.addi %mul3A_82, %add3A_117 : i32
        %add3A_119 = arith.constant 5 : i32
        %add3A_120 = arith.addi %add3A_118, %add3A_119 : i32
        %sub3A_121 = arith.constant 1 : i32
        %sub3A_122 = arith.subi %add3A_120, %sub3A_121 : i32
        %dma_start3A_123 = arith.constant 0 : i32
        %dma_start3A_124 = tpu.memref_slice %arg10[%sub3A_122, %dma_start3A_123] : memref<160x128xi32, #tpu.memory_space<vmem>> -> memref<1x128xi32, #tpu.memory_space<vmem>>
        %dma_start3A_125 = tpu.memref_squeeze %dma_start3A_124 : memref<1x128xi32, #tpu.memory_space<vmem>> -> memref<128xi32, #tpu.memory_space<vmem>>
        %dma_start3A_126 = arith.constant 0 : i32
        %dma_start3A_127 = arith.constant 0 : i32
        %dma_start3A_128 = tpu.memref_slice %arg3[%dma_start3A_126, %dma_start3A_127] : memref<10240x64xf32, #tpu.memory_space<hbm>> -> memref<10240x64xf32, #tpu.memory_space<hbm>>
        tpu.enqueue_indirect_dma source(%dma_start3A_128 : memref<10240x64xf32, #tpu.memory_space<hbm>>) target(%arg13 : memref<128x64xf32, #tpu.memory_space<vmem>>) offsets(%dma_start3A_125 : memref<128xi32, #tpu.memory_space<vmem>>) semaphore(%arg18 : memref<!tpu.dma_semaphore, #tpu.memory_space<semaphore_mem>>)
        %dma_wait3A_129 = arith.constant 0 : i32
        %dma_wait3A_130 = tpu.memref_slice %arg10[%add3A_118, %dma_wait3A_129] : memref<160x128xi32, #tpu.memory_space<vmem>> -> memref<1x128xi32, #tpu.memory_space<vmem>>
        %dma_wait3A_131 = tpu.memref_squeeze %dma_wait3A_130 : memref<1x128xi32, #tpu.memory_space<vmem>> -> memref<128xi32, #tpu.memory_space<vmem>>
        %dma_wait3A_132 = arith.constant 0 : i32
        %dma_wait3A_133 = arith.constant 0 : i32
        %dma_wait3A_134 = tpu.memref_slice %arg3[%dma_wait3A_132, %dma_wait3A_133] : memref<10240x64xf32, #tpu.memory_space<hbm>> -> memref<10240x64xf32, #tpu.memory_space<hbm>>
        tpu.wait_indirect_dma semaphore(%arg19 : memref<!tpu.dma_semaphore, #tpu.memory_space<semaphore_mem>>) src(%dma_wait3A_134 : memref<10240x64xf32, #tpu.memory_space<hbm>>) dst(%arg14 : memref<128x64xf32, #tpu.memory_space<vmem>>)
        "tpu.region"() ({
          %run_scoped3A_171 = tpu.sem_alloc : memref<!tpu.dma_semaphore, #tpu.memory_space<semaphore_mem>>
          %dma_start3A_172 = arith.constant 0 : i32
          %dma_start3A_173 = tpu.memref_slice %arg11[%add3A_118, %dma_start3A_172] : memref<160x128xi32, #tpu.memory_space<vmem>> -> memref<1x128xi32, #tpu.memory_space<vmem>>
          %dma_start3A_174 = tpu.memref_squeeze %dma_start3A_173 : memref<1x128xi32, #tpu.memory_space<vmem>> -> memref<128xi32, #tpu.memory_space<vmem>>
          %dma_start3A_175 = arith.constant 0 : i32
          %dma_start3A_176 = arith.constant 0 : i32
          %dma_start3A_177 = tpu.memref_slice %arg9[%dma_start3A_175, %dma_start3A_176] : memref<10240x64xf32, #tpu.memory_space<vmem_shared>> -> memref<10240x64xf32, #tpu.memory_space<vmem_shared>>
          tpu.enqueue_indirect_dma source(%arg14 : memref<128x64xf32, #tpu.memory_space<vmem>>) target(%dma_start3A_177 : memref<10240x64xf32, #tpu.memory_space<vmem_shared>>) offsets(%dma_start3A_174 : memref<128xi32, #tpu.memory_space<vmem>>) semaphore(%run_scoped3A_171 : memref<!tpu.dma_semaphore, #tpu.memory_space<semaphore_mem>>) {add = true}
          %dma_wait3A_178 = arith.constant 0 : i32
          %dma_wait3A_179 = tpu.memref_slice %arg11[%add3A_118, %dma_wait3A_178] : memref<160x128xi32, #tpu.memory_space<vmem>> -> memref<1x128xi32, #tpu.memory_space<vmem>>
          %dma_wait3A_180 = tpu.memref_squeeze %dma_wait3A_179 : memref<1x128xi32, #tpu.memory_space<vmem>> -> memref<128xi32, #tpu.memory_space<vmem>>
          %dma_wait3A_181 = arith.constant 0 : i32
          %dma_wait3A_182 = arith.constant 0 : i32
          %dma_wait3A_183 = tpu.memref_slice %arg9[%dma_wait3A_181, %dma_wait3A_182] : memref<10240x64xf32, #tpu.memory_space<vmem_shared>> -> memref<10240x64xf32, #tpu.memory_space<vmem_shared>>
          tpu.wait_indirect_dma semaphore(%run_scoped3A_171 : memref<!tpu.dma_semaphore, #tpu.memory_space<semaphore_mem>>) src(%arg14 : memref<128x64xf32, #tpu.memory_space<vmem>>) dst(%dma_wait3A_183 : memref<10240x64xf32, #tpu.memory_space<vmem_shared>>)
          tpu.yield
        }) : () -> ()
        %add3A_135 = arith.constant 3 : i32
        %add3A_136 = arith.addi %mul3A_82, %add3A_135 : i32
        %add3A_137 = arith.constant 5 : i32
        %add3A_138 = arith.addi %add3A_136, %add3A_137 : i32
        %sub3A_139 = arith.constant 1 : i32
        %sub3A_140 = arith.subi %add3A_138, %sub3A_139 : i32
        %dma_start3A_141 = arith.constant 0 : i32
        %dma_start3A_142 = tpu.memref_slice %arg10[%sub3A_140, %dma_start3A_141] : memref<160x128xi32, #tpu.memory_space<vmem>> -> memref<1x128xi32, #tpu.memory_space<vmem>>
        %dma_start3A_143 = tpu.memref_squeeze %dma_start3A_142 : memref<1x128xi32, #tpu.memory_space<vmem>> -> memref<128xi32, #tpu.memory_space<vmem>>
        %dma_start3A_144 = arith.constant 0 : i32
        %dma_start3A_145 = arith.constant 0 : i32
        %dma_start3A_146 = tpu.memref_slice %arg3[%dma_start3A_144, %dma_start3A_145] : memref<10240x64xf32, #tpu.memory_space<hbm>> -> memref<10240x64xf32, #tpu.memory_space<hbm>>
        tpu.enqueue_indirect_dma source(%dma_start3A_146 : memref<10240x64xf32, #tpu.memory_space<hbm>>) target(%arg14 : memref<128x64xf32, #tpu.memory_space<vmem>>) offsets(%dma_start3A_143 : memref<128xi32, #tpu.memory_space<vmem>>) semaphore(%arg19 : memref<!tpu.dma_semaphore, #tpu.memory_space<semaphore_mem>>)
        %dma_wait3A_147 = arith.constant 0 : i32
        %dma_wait3A_148 = tpu.memref_slice %arg10[%add3A_136, %dma_wait3A_147] : memref<160x128xi32, #tpu.memory_space<vmem>> -> memref<1x128xi32, #tpu.memory_space<vmem>>
        %dma_wait3A_149 = tpu.memref_squeeze %dma_wait3A_148 : memref<1x128xi32, #tpu.memory_space<vmem>> -> memref<128xi32, #tpu.memory_space<vmem>>
        %dma_wait3A_150 = arith.constant 0 : i32
        %dma_wait3A_151 = arith.constant 0 : i32
        %dma_wait3A_152 = tpu.memref_slice %arg3[%dma_wait3A_150, %dma_wait3A_151] : memref<10240x64xf32, #tpu.memory_space<hbm>> -> memref<10240x64xf32, #tpu.memory_space<hbm>>
        tpu.wait_indirect_dma semaphore(%arg20 : memref<!tpu.dma_semaphore, #tpu.memory_space<semaphore_mem>>) src(%dma_wait3A_152 : memref<10240x64xf32, #tpu.memory_space<hbm>>) dst(%arg15 : memref<128x64xf32, #tpu.memory_space<vmem>>)
        "tpu.region"() ({
          %run_scoped3A_171 = tpu.sem_alloc : memref<!tpu.dma_semaphore, #tpu.memory_space<semaphore_mem>>
          %dma_start3A_172 = arith.constant 0 : i32
          %dma_start3A_173 = tpu.memref_slice %arg11[%add3A_136, %dma_start3A_172] : memref<160x128xi32, #tpu.memory_space<vmem>> -> memref<1x128xi32, #tpu.memory_space<vmem>>
          %dma_start3A_174 = tpu.memref_squeeze %dma_start3A_173 : memref<1x128xi32, #tpu.memory_space<vmem>> -> memref<128xi32, #tpu.memory_space<vmem>>
          %dma_start3A_175 = arith.constant 0 : i32
          %dma_start3A_176 = arith.constant 0 : i32
          %dma_start3A_177 = tpu.memref_slice %arg9[%dma_start3A_175, %dma_start3A_176] : memref<10240x64xf32, #tpu.memory_space<vmem_shared>> -> memref<10240x64xf32, #tpu.memory_space<vmem_shared>>
          tpu.enqueue_indirect_dma source(%arg15 : memref<128x64xf32, #tpu.memory_space<vmem>>) target(%dma_start3A_177 : memref<10240x64xf32, #tpu.memory_space<vmem_shared>>) offsets(%dma_start3A_174 : memref<128xi32, #tpu.memory_space<vmem>>) semaphore(%run_scoped3A_171 : memref<!tpu.dma_semaphore, #tpu.memory_space<semaphore_mem>>) {add = true}
          %dma_wait3A_178 = arith.constant 0 : i32
          %dma_wait3A_179 = tpu.memref_slice %arg11[%add3A_136, %dma_wait3A_178] : memref<160x128xi32, #tpu.memory_space<vmem>> -> memref<1x128xi32, #tpu.memory_space<vmem>>
          %dma_wait3A_180 = tpu.memref_squeeze %dma_wait3A_179 : memref<1x128xi32, #tpu.memory_space<vmem>> -> memref<128xi32, #tpu.memory_space<vmem>>
          %dma_wait3A_181 = arith.constant 0 : i32
          %dma_wait3A_182 = arith.constant 0 : i32
          %dma_wait3A_183 = tpu.memref_slice %arg9[%dma_wait3A_181, %dma_wait3A_182] : memref<10240x64xf32, #tpu.memory_space<vmem_shared>> -> memref<10240x64xf32, #tpu.memory_space<vmem_shared>>
          tpu.wait_indirect_dma semaphore(%run_scoped3A_171 : memref<!tpu.dma_semaphore, #tpu.memory_space<semaphore_mem>>) src(%arg15 : memref<128x64xf32, #tpu.memory_space<vmem>>) dst(%dma_wait3A_183 : memref<10240x64xf32, #tpu.memory_space<vmem_shared>>)
          tpu.yield
        }) : () -> ()
        %add3A_153 = arith.constant 4 : i32
        %add3A_154 = arith.addi %mul3A_82, %add3A_153 : i32
        %add3A_155 = arith.constant 5 : i32
        %add3A_156 = arith.addi %add3A_154, %add3A_155 : i32
        %sub3A_157 = arith.constant 1 : i32
        %sub3A_158 = arith.subi %add3A_156, %sub3A_157 : i32
        %dma_start3A_159 = arith.constant 0 : i32
        %dma_start3A_160 = tpu.memref_slice %arg10[%sub3A_158, %dma_start3A_159] : memref<160x128xi32, #tpu.memory_space<vmem>> -> memref<1x128xi32, #tpu.memory_space<vmem>>
        %dma_start3A_161 = tpu.memref_squeeze %dma_start3A_160 : memref<1x128xi32, #tpu.memory_space<vmem>> -> memref<128xi32, #tpu.memory_space<vmem>>
        %dma_start3A_162 = arith.constant 0 : i32
        %dma_start3A_163 = arith.constant 0 : i32
        %dma_start3A_164 = tpu.memref_slice %arg3[%dma_start3A_162, %dma_start3A_163] : memref<10240x64xf32, #tpu.memory_space<hbm>> -> memref<10240x64xf32, #tpu.memory_space<hbm>>
        tpu.enqueue_indirect_dma source(%dma_start3A_164 : memref<10240x64xf32, #tpu.memory_space<hbm>>) target(%arg15 : memref<128x64xf32, #tpu.memory_space<vmem>>) offsets(%dma_start3A_161 : memref<128xi32, #tpu.memory_space<vmem>>) semaphore(%arg20 : memref<!tpu.dma_semaphore, #tpu.memory_space<semaphore_mem>>)
        %dma_wait3A_165 = arith.constant 0 : i32
        %dma_wait3A_166 = tpu.memref_slice %arg10[%add3A_154, %dma_wait3A_165] : memref<160x128xi32, #tpu.memory_space<vmem>> -> memref<1x128xi32, #tpu.memory_space<vmem>>
        %dma_wait3A_167 = tpu.memref_squeeze %dma_wait3A_166 : memref<1x128xi32, #tpu.memory_space<vmem>> -> memref<128xi32, #tpu.memory_space<vmem>>
        %dma_wait3A_168 = arith.constant 0 : i32
        %dma_wait3A_169 = arith.constant 0 : i32
        %dma_wait3A_170 = tpu.memref_slice %arg3[%dma_wait3A_168, %dma_wait3A_169] : memref<10240x64xf32, #tpu.memory_space<hbm>> -> memref<10240x64xf32, #tpu.memory_space<hbm>>
        tpu.wait_indirect_dma semaphore(%arg21 : memref<!tpu.dma_semaphore, #tpu.memory_space<semaphore_mem>>) src(%dma_wait3A_170 : memref<10240x64xf32, #tpu.memory_space<hbm>>) dst(%arg16 : memref<128x64xf32, #tpu.memory_space<vmem>>)
        "tpu.region"() ({
          %run_scoped3A_171 = tpu.sem_alloc : memref<!tpu.dma_semaphore, #tpu.memory_space<semaphore_mem>>
          %dma_start3A_172 = arith.constant 0 : i32
          %dma_start3A_173 = tpu.memref_slice %arg11[%add3A_154, %dma_start3A_172] : memref<160x128xi32, #tpu.memory_space<vmem>> -> memref<1x128xi32, #tpu.memory_space<vmem>>
          %dma_start3A_174 = tpu.memref_squeeze %dma_start3A_173 : memref<1x128xi32, #tpu.memory_space<vmem>> -> memref<128xi32, #tpu.memory_space<vmem>>
          %dma_start3A_175 = arith.constant 0 : i32
          %dma_start3A_176 = arith.constant 0 : i32
          %dma_start3A_177 = tpu.memref_slice %arg9[%dma_start3A_175, %dma_start3A_176] : memref<10240x64xf32, #tpu.memory_space<vmem_shared>> -> memref<10240x64xf32, #tpu.memory_space<vmem_shared>>
          tpu.enqueue_indirect_dma source(%arg16 : memref<128x64xf32, #tpu.memory_space<vmem>>) target(%dma_start3A_177 : memref<10240x64xf32, #tpu.memory_space<vmem_shared>>) offsets(%dma_start3A_174 : memref<128xi32, #tpu.memory_space<vmem>>) semaphore(%run_scoped3A_171 : memref<!tpu.dma_semaphore, #tpu.memory_space<semaphore_mem>>) {add = true}
          %dma_wait3A_178 = arith.constant 0 : i32
          %dma_wait3A_179 = tpu.memref_slice %arg11[%add3A_154, %dma_wait3A_178] : memref<160x128xi32, #tpu.memory_space<vmem>> -> memref<1x128xi32, #tpu.memory_space<vmem>>
          %dma_wait3A_180 = tpu.memref_squeeze %dma_wait3A_179 : memref<1x128xi32, #tpu.memory_space<vmem>> -> memref<128xi32, #tpu.memory_space<vmem>>
          %dma_wait3A_181 = arith.constant 0 : i32
          %dma_wait3A_182 = arith.constant 0 : i32
          %dma_wait3A_183 = tpu.memref_slice %arg9[%dma_wait3A_181, %dma_wait3A_182] : memref<10240x64xf32, #tpu.memory_space<vmem_shared>> -> memref<10240x64xf32, #tpu.memory_space<vmem_shared>>
          tpu.wait_indirect_dma semaphore(%run_scoped3A_171 : memref<!tpu.dma_semaphore, #tpu.memory_space<semaphore_mem>>) src(%arg16 : memref<128x64xf32, #tpu.memory_space<vmem>>) dst(%dma_wait3A_183 : memref<10240x64xf32, #tpu.memory_space<vmem_shared>>)
          tpu.yield
        }) : () -> ()
      }
      %scan3A_34 = arith.constant 31 : i32
      %dma_start3A = arith.constant 159 : i32
      %dma_start3A_35 = arith.constant 0 : i32
      %dma_start3A_36 = tpu.memref_slice %arg10[%dma_start3A, %dma_start3A_35] : memref<160x128xi32, #tpu.memory_space<vmem>> -> memref<1x128xi32, #tpu.memory_space<vmem>>
      %dma_start3A_37 = tpu.memref_squeeze %dma_start3A_36 : memref<1x128xi32, #tpu.memory_space<vmem>> -> memref<128xi32, #tpu.memory_space<vmem>>
      %dma_start3A_38 = arith.constant 0 : i32
      %dma_start3A_39 = arith.constant 0 : i32
      %dma_start3A_40 = tpu.memref_slice %arg3[%dma_start3A_38, %dma_start3A_39] : memref<10240x64xf32, #tpu.memory_space<hbm>> -> memref<10240x64xf32, #tpu.memory_space<hbm>>
      tpu.enqueue_indirect_dma source(%dma_start3A_40 : memref<10240x64xf32, #tpu.memory_space<hbm>>) target(%arg16 : memref<128x64xf32, #tpu.memory_space<vmem>>) offsets(%dma_start3A_37 : memref<128xi32, #tpu.memory_space<vmem>>) semaphore(%arg21 : memref<!tpu.dma_semaphore, #tpu.memory_space<semaphore_mem>>)
      %dma_wait3A_41 = arith.constant 155 : i32
      %dma_wait3A_42 = arith.constant 0 : i32
      %dma_wait3A_43 = tpu.memref_slice %arg10[%dma_wait3A_41, %dma_wait3A_42] : memref<160x128xi32, #tpu.memory_space<vmem>> -> memref<1x128xi32, #tpu.memory_space<vmem>>
      %dma_wait3A_44 = tpu.memref_squeeze %dma_wait3A_43 : memref<1x128xi32, #tpu.memory_space<vmem>> -> memref<128xi32, #tpu.memory_space<vmem>>
      %dma_wait3A_45 = arith.constant 0 : i32
      %dma_wait3A_46 = arith.constant 0 : i32
      %dma_wait3A_47 = tpu.memref_slice %arg3[%dma_wait3A_45, %dma_wait3A_46] : memref<10240x64xf32, #tpu.memory_space<hbm>> -> memref<10240x64xf32, #tpu.memory_space<hbm>>
      tpu.wait_indirect_dma semaphore(%arg17 : memref<!tpu.dma_semaphore, #tpu.memory_space<semaphore_mem>>) src(%dma_wait3A_47 : memref<10240x64xf32, #tpu.memory_space<hbm>>) dst(%arg12 : memref<128x64xf32, #tpu.memory_space<vmem>>)
      %run_scoped3A = arith.constant 155 : i32
      "tpu.region"() ({
        %run_scoped3A_80 = tpu.sem_alloc : memref<!tpu.dma_semaphore, #tpu.memory_space<semaphore_mem>>
        %dma_start3A_81 = arith.constant 0 : i32
        %dma_start3A_82 = tpu.memref_slice %arg11[%run_scoped3A, %dma_start3A_81] : memref<160x128xi32, #tpu.memory_space<vmem>> -> memref<1x128xi32, #tpu.memory_space<vmem>>
        %dma_start3A_83 = tpu.memref_squeeze %dma_start3A_82 : memref<1x128xi32, #tpu.memory_space<vmem>> -> memref<128xi32, #tpu.memory_space<vmem>>
        %dma_start3A_84 = arith.constant 0 : i32
        %dma_start3A_85 = arith.constant 0 : i32
        %dma_start3A_86 = tpu.memref_slice %arg9[%dma_start3A_84, %dma_start3A_85] : memref<10240x64xf32, #tpu.memory_space<vmem_shared>> -> memref<10240x64xf32, #tpu.memory_space<vmem_shared>>
        tpu.enqueue_indirect_dma source(%arg12 : memref<128x64xf32, #tpu.memory_space<vmem>>) target(%dma_start3A_86 : memref<10240x64xf32, #tpu.memory_space<vmem_shared>>) offsets(%dma_start3A_83 : memref<128xi32, #tpu.memory_space<vmem>>) semaphore(%run_scoped3A_80 : memref<!tpu.dma_semaphore, #tpu.memory_space<semaphore_mem>>) {add = true}
        %dma_wait3A_87 = arith.constant 0 : i32
        %dma_wait3A_88 = tpu.memref_slice %arg11[%run_scoped3A, %dma_wait3A_87] : memref<160x128xi32, #tpu.memory_space<vmem>> -> memref<1x128xi32, #tpu.memory_space<vmem>>
        %dma_wait3A_89 = tpu.memref_squeeze %dma_wait3A_88 : memref<1x128xi32, #tpu.memory_space<vmem>> -> memref<128xi32, #tpu.memory_space<vmem>>
        %dma_wait3A_90 = arith.constant 0 : i32
        %dma_wait3A_91 = arith.constant 0 : i32
        %dma_wait3A_92 = tpu.memref_slice %arg9[%dma_wait3A_90, %dma_wait3A_91] : memref<10240x64xf32, #tpu.memory_space<vmem_shared>> -> memref<10240x64xf32, #tpu.memory_space<vmem_shared>>
        tpu.wait_indirect_dma semaphore(%run_scoped3A_80 : memref<!tpu.dma_semaphore, #tpu.memory_space<semaphore_mem>>) src(%arg12 : memref<128x64xf32, #tpu.memory_space<vmem>>) dst(%dma_wait3A_92 : memref<10240x64xf32, #tpu.memory_space<vmem_shared>>)
        tpu.yield
      }) : () -> ()
      %dma_wait3A_48 = arith.constant 156 : i32
      %dma_wait3A_49 = arith.constant 0 : i32
      %dma_wait3A_50 = tpu.memref_slice %arg10[%dma_wait3A_48, %dma_wait3A_49] : memref<160x128xi32, #tpu.memory_space<vmem>> -> memref<1x128xi32, #tpu.memory_space<vmem>>
      %dma_wait3A_51 = tpu.memref_squeeze %dma_wait3A_50 : memref<1x128xi32, #tpu.memory_space<vmem>> -> memref<128xi32, #tpu.memory_space<vmem>>
      %dma_wait3A_52 = arith.constant 0 : i32
      %dma_wait3A_53 = arith.constant 0 : i32
      %dma_wait3A_54 = tpu.memref_slice %arg3[%dma_wait3A_52, %dma_wait3A_53] : memref<10240x64xf32, #tpu.memory_space<hbm>> -> memref<10240x64xf32, #tpu.memory_space<hbm>>
      tpu.wait_indirect_dma semaphore(%arg18 : memref<!tpu.dma_semaphore, #tpu.memory_space<semaphore_mem>>) src(%dma_wait3A_54 : memref<10240x64xf32, #tpu.memory_space<hbm>>) dst(%arg13 : memref<128x64xf32, #tpu.memory_space<vmem>>)
      %run_scoped3A_55 = arith.constant 156 : i32
      "tpu.region"() ({
        %run_scoped3A_80 = tpu.sem_alloc : memref<!tpu.dma_semaphore, #tpu.memory_space<semaphore_mem>>
        %dma_start3A_81 = arith.constant 0 : i32
        %dma_start3A_82 = tpu.memref_slice %arg11[%run_scoped3A_55, %dma_start3A_81] : memref<160x128xi32, #tpu.memory_space<vmem>> -> memref<1x128xi32, #tpu.memory_space<vmem>>
        %dma_start3A_83 = tpu.memref_squeeze %dma_start3A_82 : memref<1x128xi32, #tpu.memory_space<vmem>> -> memref<128xi32, #tpu.memory_space<vmem>>
        %dma_start3A_84 = arith.constant 0 : i32
        %dma_start3A_85 = arith.constant 0 : i32
        %dma_start3A_86 = tpu.memref_slice %arg9[%dma_start3A_84, %dma_start3A_85] : memref<10240x64xf32, #tpu.memory_space<vmem_shared>> -> memref<10240x64xf32, #tpu.memory_space<vmem_shared>>
        tpu.enqueue_indirect_dma source(%arg13 : memref<128x64xf32, #tpu.memory_space<vmem>>) target(%dma_start3A_86 : memref<10240x64xf32, #tpu.memory_space<vmem_shared>>) offsets(%dma_start3A_83 : memref<128xi32, #tpu.memory_space<vmem>>) semaphore(%run_scoped3A_80 : memref<!tpu.dma_semaphore, #tpu.memory_space<semaphore_mem>>) {add = true}
        %dma_wait3A_87 = arith.constant 0 : i32
        %dma_wait3A_88 = tpu.memref_slice %arg11[%run_scoped3A_55, %dma_wait3A_87] : memref<160x128xi32, #tpu.memory_space<vmem>> -> memref<1x128xi32, #tpu.memory_space<vmem>>
        %dma_wait3A_89 = tpu.memref_squeeze %dma_wait3A_88 : memref<1x128xi32, #tpu.memory_space<vmem>> -> memref<128xi32, #tpu.memory_space<vmem>>
        %dma_wait3A_90 = arith.constant 0 : i32
        %dma_wait3A_91 = arith.constant 0 : i32
        %dma_wait3A_92 = tpu.memref_slice %arg9[%dma_wait3A_90, %dma_wait3A_91] : memref<10240x64xf32, #tpu.memory_space<vmem_shared>> -> memref<10240x64xf32, #tpu.memory_space<vmem_shared>>
        tpu.wait_indirect_dma semaphore(%run_scoped3A_80 : memref<!tpu.dma_semaphore, #tpu.memory_space<semaphore_mem>>) src(%arg13 : memref<128x64xf32, #tpu.memory_space<vmem>>) dst(%dma_wait3A_92 : memref<10240x64xf32, #tpu.memory_space<vmem_shared>>)
        tpu.yield
      }) : () -> ()
      %dma_wait3A_56 = arith.constant 157 : i32
      %dma_wait3A_57 = arith.constant 0 : i32
      %dma_wait3A_58 = tpu.memref_slice %arg10[%dma_wait3A_56, %dma_wait3A_57] : memref<160x128xi32, #tpu.memory_space<vmem>> -> memref<1x128xi32, #tpu.memory_space<vmem>>
      %dma_wait3A_59 = tpu.memref_squeeze %dma_wait3A_58 : memref<1x128xi32, #tpu.memory_space<vmem>> -> memref<128xi32, #tpu.memory_space<vmem>>
      %dma_wait3A_60 = arith.constant 0 : i32
      %dma_wait3A_61 = arith.constant 0 : i32
      %dma_wait3A_62 = tpu.memref_slice %arg3[%dma_wait3A_60, %dma_wait3A_61] : memref<10240x64xf32, #tpu.memory_space<hbm>> -> memref<10240x64xf32, #tpu.memory_space<hbm>>
      tpu.wait_indirect_dma semaphore(%arg19 : memref<!tpu.dma_semaphore, #tpu.memory_space<semaphore_mem>>) src(%dma_wait3A_62 : memref<10240x64xf32, #tpu.memory_space<hbm>>) dst(%arg14 : memref<128x64xf32, #tpu.memory_space<vmem>>)
      %run_scoped3A_63 = arith.constant 157 : i32
      "tpu.region"() ({
        %run_scoped3A_80 = tpu.sem_alloc : memref<!tpu.dma_semaphore, #tpu.memory_space<semaphore_mem>>
        %dma_start3A_81 = arith.constant 0 : i32
        %dma_start3A_82 = tpu.memref_slice %arg11[%run_scoped3A_63, %dma_start3A_81] : memref<160x128xi32, #tpu.memory_space<vmem>> -> memref<1x128xi32, #tpu.memory_space<vmem>>
        %dma_start3A_83 = tpu.memref_squeeze %dma_start3A_82 : memref<1x128xi32, #tpu.memory_space<vmem>> -> memref<128xi32, #tpu.memory_space<vmem>>
        %dma_start3A_84 = arith.constant 0 : i32
        %dma_start3A_85 = arith.constant 0 : i32
        %dma_start3A_86 = tpu.memref_slice %arg9[%dma_start3A_84, %dma_start3A_85] : memref<10240x64xf32, #tpu.memory_space<vmem_shared>> -> memref<10240x64xf32, #tpu.memory_space<vmem_shared>>
        tpu.enqueue_indirect_dma source(%arg14 : memref<128x64xf32, #tpu.memory_space<vmem>>) target(%dma_start3A_86 : memref<10240x64xf32, #tpu.memory_space<vmem_shared>>) offsets(%dma_start3A_83 : memref<128xi32, #tpu.memory_space<vmem>>) semaphore(%run_scoped3A_80 : memref<!tpu.dma_semaphore, #tpu.memory_space<semaphore_mem>>) {add = true}
        %dma_wait3A_87 = arith.constant 0 : i32
        %dma_wait3A_88 = tpu.memref_slice %arg11[%run_scoped3A_63, %dma_wait3A_87] : memref<160x128xi32, #tpu.memory_space<vmem>> -> memref<1x128xi32, #tpu.memory_space<vmem>>
        %dma_wait3A_89 = tpu.memref_squeeze %dma_wait3A_88 : memref<1x128xi32, #tpu.memory_space<vmem>> -> memref<128xi32, #tpu.memory_space<vmem>>
        %dma_wait3A_90 = arith.constant 0 : i32
        %dma_wait3A_91 = arith.constant 0 : i32
        %dma_wait3A_92 = tpu.memref_slice %arg9[%dma_wait3A_90, %dma_wait3A_91] : memref<10240x64xf32, #tpu.memory_space<vmem_shared>> -> memref<10240x64xf32, #tpu.memory_space<vmem_shared>>
        tpu.wait_indirect_dma semaphore(%run_scoped3A_80 : memref<!tpu.dma_semaphore, #tpu.memory_space<semaphore_mem>>) src(%arg14 : memref<128x64xf32, #tpu.memory_space<vmem>>) dst(%dma_wait3A_92 : memref<10240x64xf32, #tpu.memory_space<vmem_shared>>)
        tpu.yield
      }) : () -> ()
      %dma_wait3A_64 = arith.constant 158 : i32
      %dma_wait3A_65 = arith.constant 0 : i32
      %dma_wait3A_66 = tpu.memref_slice %arg10[%dma_wait3A_64, %dma_wait3A_65] : memref<160x128xi32, #tpu.memory_space<vmem>> -> memref<1x128xi32, #tpu.memory_space<vmem>>
      %dma_wait3A_67 = tpu.memref_squeeze %dma_wait3A_66 : memref<1x128xi32, #tpu.memory_space<vmem>> -> memref<128xi32, #tpu.memory_space<vmem>>
      %dma_wait3A_68 = arith.constant 0 : i32
      %dma_wait3A_69 = arith.constant 0 : i32
      %dma_wait3A_70 = tpu.memref_slice %arg3[%dma_wait3A_68, %dma_wait3A_69] : memref<10240x64xf32, #tpu.memory_space<hbm>> -> memref<10240x64xf32, #tpu.memory_space<hbm>>
      tpu.wait_indirect_dma semaphore(%arg20 : memref<!tpu.dma_semaphore, #tpu.memory_space<semaphore_mem>>) src(%dma_wait3A_70 : memref<10240x64xf32, #tpu.memory_space<hbm>>) dst(%arg15 : memref<128x64xf32, #tpu.memory_space<vmem>>)
      %run_scoped3A_71 = arith.constant 158 : i32
      "tpu.region"() ({
        %run_scoped3A_80 = tpu.sem_alloc : memref<!tpu.dma_semaphore, #tpu.memory_space<semaphore_mem>>
        %dma_start3A_81 = arith.constant 0 : i32
        %dma_start3A_82 = tpu.memref_slice %arg11[%run_scoped3A_71, %dma_start3A_81] : memref<160x128xi32, #tpu.memory_space<vmem>> -> memref<1x128xi32, #tpu.memory_space<vmem>>
        %dma_start3A_83 = tpu.memref_squeeze %dma_start3A_82 : memref<1x128xi32, #tpu.memory_space<vmem>> -> memref<128xi32, #tpu.memory_space<vmem>>
        %dma_start3A_84 = arith.constant 0 : i32
        %dma_start3A_85 = arith.constant 0 : i32
        %dma_start3A_86 = tpu.memref_slice %arg9[%dma_start3A_84, %dma_start3A_85] : memref<10240x64xf32, #tpu.memory_space<vmem_shared>> -> memref<10240x64xf32, #tpu.memory_space<vmem_shared>>
        tpu.enqueue_indirect_dma source(%arg15 : memref<128x64xf32, #tpu.memory_space<vmem>>) target(%dma_start3A_86 : memref<10240x64xf32, #tpu.memory_space<vmem_shared>>) offsets(%dma_start3A_83 : memref<128xi32, #tpu.memory_space<vmem>>) semaphore(%run_scoped3A_80 : memref<!tpu.dma_semaphore, #tpu.memory_space<semaphore_mem>>) {add = true}
        %dma_wait3A_87 = arith.constant 0 : i32
        %dma_wait3A_88 = tpu.memref_slice %arg11[%run_scoped3A_71, %dma_wait3A_87] : memref<160x128xi32, #tpu.memory_space<vmem>> -> memref<1x128xi32, #tpu.memory_space<vmem>>
        %dma_wait3A_89 = tpu.memref_squeeze %dma_wait3A_88 : memref<1x128xi32, #tpu.memory_space<vmem>> -> memref<128xi32, #tpu.memory_space<vmem>>
        %dma_wait3A_90 = arith.constant 0 : i32
        %dma_wait3A_91 = arith.constant 0 : i32
        %dma_wait3A_92 = tpu.memref_slice %arg9[%dma_wait3A_90, %dma_wait3A_91] : memref<10240x64xf32, #tpu.memory_space<vmem_shared>> -> memref<10240x64xf32, #tpu.memory_space<vmem_shared>>
        tpu.wait_indirect_dma semaphore(%run_scoped3A_80 : memref<!tpu.dma_semaphore, #tpu.memory_space<semaphore_mem>>) src(%arg15 : memref<128x64xf32, #tpu.memory_space<vmem>>) dst(%dma_wait3A_92 : memref<10240x64xf32, #tpu.memory_space<vmem_shared>>)
        tpu.yield
      }) : () -> ()
      %dma_wait3A_72 = arith.constant 159 : i32
      %dma_wait3A_73 = arith.constant 0 : i32
      %dma_wait3A_74 = tpu.memref_slice %arg10[%dma_wait3A_72, %dma_wait3A_73] : memref<160x128xi32, #tpu.memory_space<vmem>> -> memref<1x128xi32, #tpu.memory_space<vmem>>
      %dma_wait3A_75 = tpu.memref_squeeze %dma_wait3A_74 : memref<1x128xi32, #tpu.memory_space<vmem>> -> memref<128xi32, #tpu.memory_space<vmem>>
      %dma_wait3A_76 = arith.constant 0 : i32
      %dma_wait3A_77 = arith.constant 0 : i32
      %dma_wait3A_78 = tpu.memref_slice %arg3[%dma_wait3A_76, %dma_wait3A_77] : memref<10240x64xf32, #tpu.memory_space<hbm>> -> memref<10240x64xf32, #tpu.memory_space<hbm>>
      tpu.wait_indirect_dma semaphore(%arg21 : memref<!tpu.dma_semaphore, #tpu.memory_space<semaphore_mem>>) src(%dma_wait3A_78 : memref<10240x64xf32, #tpu.memory_space<hbm>>) dst(%arg16 : memref<128x64xf32, #tpu.memory_space<vmem>>)
      %run_scoped3A_79 = arith.constant 159 : i32
      "tpu.region"() ({
        %run_scoped3A_80 = tpu.sem_alloc : memref<!tpu.dma_semaphore, #tpu.memory_space<semaphore_mem>>
        %dma_start3A_81 = arith.constant 0 : i32
        %dma_start3A_82 = tpu.memref_slice %arg11[%run_scoped3A_79, %dma_start3A_81] : memref<160x128xi32, #tpu.memory_space<vmem>> -> memref<1x128xi32, #tpu.memory_space<vmem>>
        %dma_start3A_83 = tpu.memref_squeeze %dma_start3A_82 : memref<1x128xi32, #tpu.memory_space<vmem>> -> memref<128xi32, #tpu.memory_space<vmem>>
        %dma_start3A_84 = arith.constant 0 : i32
        %dma_start3A_85 = arith.constant 0 : i32
        %dma_start3A_86 = tpu.memref_slice %arg9[%dma_start3A_84, %dma_start3A_85] : memref<10240x64xf32, #tpu.memory_space<vmem_shared>> -> memref<10240x64xf32, #tpu.memory_space<vmem_shared>>
        tpu.enqueue_indirect_dma source(%arg16 : memref<128x64xf32, #tpu.memory_space<vmem>>) target(%dma_start3A_86 : memref<10240x64xf32, #tpu.memory_space<vmem_shared>>) offsets(%dma_start3A_83 : memref<128xi32, #tpu.memory_space<vmem>>) semaphore(%run_scoped3A_80 : memref<!tpu.dma_semaphore, #tpu.memory_space<semaphore_mem>>) {add = true}
        %dma_wait3A_87 = arith.constant 0 : i32
        %dma_wait3A_88 = tpu.memref_slice %arg11[%run_scoped3A_79, %dma_wait3A_87] : memref<160x128xi32, #tpu.memory_space<vmem>> -> memref<1x128xi32, #tpu.memory_space<vmem>>
        %dma_wait3A_89 = tpu.memref_squeeze %dma_wait3A_88 : memref<1x128xi32, #tpu.memory_space<vmem>> -> memref<128xi32, #tpu.memory_space<vmem>>
        %dma_wait3A_90 = arith.constant 0 : i32
        %dma_wait3A_91 = arith.constant 0 : i32
        %dma_wait3A_92 = tpu.memref_slice %arg9[%dma_wait3A_90, %dma_wait3A_91] : memref<10240x64xf32, #tpu.memory_space<vmem_shared>> -> memref<10240x64xf32, #tpu.memory_space<vmem_shared>>
        tpu.wait_indirect_dma semaphore(%run_scoped3A_80 : memref<!tpu.dma_semaphore, #tpu.memory_space<semaphore_mem>>) src(%arg16 : memref<128x64xf32, #tpu.memory_space<vmem>>) dst(%dma_wait3A_92 : memref<10240x64xf32, #tpu.memory_space<vmem_shared>>)
        tpu.yield
      }) : () -> ()
    } else {
    }
    %barrier3A_19 = arith.constant 0 : index
    tpu.barrier barrier_id(%barrier3A_19)
    %eq3A_20 = arith.constant 0 : i32
    %eq3A_21 = arith.cmpi eq, %arg0, %eq3A_20 : i32
    %convert_element_type3A_22 = arith.extui %eq3A_21 : i1 to i32
    %cond3A_23 = arith.constant 0 : i32
    %cond3A_24 = arith.cmpi ne, %convert_element_type3A_22, %cond3A_23 : i32
    scf.if %cond3A_24 {
      %mul3A_30 = arith.constant 640 : i32
      %mul3A_31 = arith.muli %arg1, %mul3A_30 : i32
      %mul3A_32 = arith.constant 640 : i32
      %mul3A_33 = arith.muli %arg1, %mul3A_32 : i32
      "tpu.region"() ({
        %run_scoped3A = tpu.sem_alloc : memref<!tpu.dma_semaphore, #tpu.memory_space<semaphore_mem>>
        %dma_start3A = arith.constant 0 : i32
        %dma_start3A_34 = tpu.memref_slice %arg7[%mul3A_33, %dma_start3A] : memref<10240x64xf32, #tpu.memory_space<hbm>> -> memref<640x64xf32, #tpu.memory_space<hbm>>
        %dma_start3A_35 = arith.constant 0 : i32
        %dma_start3A_36 = tpu.memref_slice %arg9[%mul3A_31, %dma_start3A_35] : memref<10240x64xf32, #tpu.memory_space<vmem_shared>> -> memref<640x64xf32, #tpu.memory_space<vmem_shared>>
        tpu.enqueue_dma source(%dma_start3A_36 : memref<640x64xf32, #tpu.memory_space<vmem_shared>>) target(%dma_start3A_34 : memref<640x64xf32, #tpu.memory_space<hbm>>) target_semaphore(%run_scoped3A : memref<!tpu.dma_semaphore, #tpu.memory_space<semaphore_mem>>)
        %dma_wait3A_37 = arith.constant 0 : i32
        %dma_wait3A_38 = tpu.memref_slice %arg7[%mul3A_33, %dma_wait3A_37] : memref<10240x64xf32, #tpu.memory_space<hbm>> -> memref<640x64xf32, #tpu.memory_space<hbm>>
        %dma_wait3A_39 = arith.constant 0 : i32
        %dma_wait3A_40 = tpu.memref_slice %arg9[%mul3A_31, %dma_wait3A_39] : memref<10240x64xf32, #tpu.memory_space<vmem_shared>> -> memref<640x64xf32, #tpu.memory_space<vmem_shared>>
        tpu.wait_dma2 semaphore(%run_scoped3A : memref<!tpu.dma_semaphore, #tpu.memory_space<semaphore_mem>>) src(%dma_wait3A_40 : memref<640x64xf32, #tpu.memory_space<vmem_shared>>) dst(%dma_wait3A_38 : memref<640x64xf32, #tpu.memory_space<hbm>>)
        tpu.yield
      }) : () -> ()
    } else {
    }
    %eq3A_25 = arith.constant 1 : i32
    %eq3A_26 = arith.cmpi eq, %arg0, %eq3A_25 : i32
    %convert_element_type3A_27 = arith.extui %eq3A_26 : i1 to i32
    %cond3A_28 = arith.constant 0 : i32
    %cond3A_29 = arith.cmpi ne, %convert_element_type3A_27, %cond3A_28 : i32
    scf.if %cond3A_29 {
      %mul3A_30 = arith.constant 640 : i32
      %mul3A_31 = arith.muli %arg1, %mul3A_30 : i32
      %mul3A_32 = arith.constant 640 : i32
      %mul3A_33 = arith.muli %arg1, %mul3A_32 : i32
      "tpu.region"() ({
        %run_scoped3A = tpu.sem_alloc : memref<!tpu.dma_semaphore, #tpu.memory_space<semaphore_mem>>
        %dma_start3A = arith.constant 0 : i32
        %dma_start3A_34 = tpu.memref_slice %arg8[%mul3A_33, %dma_start3A] : memref<10240x64xf32, #tpu.memory_space<hbm>> -> memref<640x64xf32, #tpu.memory_space<hbm>>
        %dma_start3A_35 = arith.constant 0 : i32
        %dma_start3A_36 = tpu.memref_slice %arg9[%mul3A_31, %dma_start3A_35] : memref<10240x64xf32, #tpu.memory_space<vmem_shared>> -> memref<640x64xf32, #tpu.memory_space<vmem_shared>>
        tpu.enqueue_dma source(%dma_start3A_36 : memref<640x64xf32, #tpu.memory_space<vmem_shared>>) target(%dma_start3A_34 : memref<640x64xf32, #tpu.memory_space<hbm>>) target_semaphore(%run_scoped3A : memref<!tpu.dma_semaphore, #tpu.memory_space<semaphore_mem>>)
        %dma_wait3A_37 = arith.constant 0 : i32
        %dma_wait3A_38 = tpu.memref_slice %arg8[%mul3A_33, %dma_wait3A_37] : memref<10240x64xf32, #tpu.memory_space<hbm>> -> memref<640x64xf32, #tpu.memory_space<hbm>>
        %dma_wait3A_39 = arith.constant 0 : i32
        %dma_wait3A_40 = tpu.memref_slice %arg9[%mul3A_31, %dma_wait3A_39] : memref<10240x64xf32, #tpu.memory_space<vmem_shared>> -> memref<640x64xf32, #tpu.memory_space<vmem_shared>>
        tpu.wait_dma2 semaphore(%run_scoped3A : memref<!tpu.dma_semaphore, #tpu.memory_space<semaphore_mem>>) src(%dma_wait3A_40 : memref<640x64xf32, #tpu.memory_space<vmem_shared>>) dst(%dma_wait3A_38 : memref<640x64xf32, #tpu.memory_space<hbm>>)
        tpu.yield
      }) : () -> ()
    } else {
    }
    return
  }
}

module attributes {stable_mosaic.version = 14 : i64} {
  func.func @_stage_a_body(%arg0: i32, %arg1: memref<5120x128xf32, #tpu.memory_space<vmem>>, %arg2: memref<128x64xf32, #tpu.memory_space<vmem>>, %arg3: memref<128x64xf32, #tpu.memory_space<vmem>>, %arg4: memref<128x64xf32, #tpu.memory_space<vmem>>, %arg5: memref<128x64xf32, #tpu.memory_space<vmem>>, %arg6: memref<1x64xf32, #tpu.memory_space<vmem>>, %arg7: memref<1x64xf32, #tpu.memory_space<vmem>>, %arg8: memref<128x128xf32, #tpu.memory_space<vmem>>, %arg9: memref<1x128xf32, #tpu.memory_space<vmem>>, %arg10: memref<5120x64xf32, #tpu.memory_space<vmem>>, %arg11: memref<5120x64xf32, #tpu.memory_space<vmem>>, %arg12: memref<5120x64xf32, #tpu.memory_space<vmem>>, %arg13: memref<5120x64xf32, #tpu.memory_space<vmem>>, %arg14: memref<5120x128xf32, #tpu.memory_space<vmem>>) attributes {dimension_semantics = [#tpu.dimension_semantics<arbitrary>], iteration_bounds = array<i64: 2>, scalar_prefetch = 0 : i64, scratch_operands = 0 : i64, tpu.core_type = #tpu.core_type<tc>, window_params = [{transform_indices = @transform_0, window_bounds = array<i64: 5120, 128>}, {pipeline_mode = #tpu.pipeline_mode<synchronous>, transform_indices = @transform_1, window_bounds = array<i64: 128, 64>}, {pipeline_mode = #tpu.pipeline_mode<synchronous>, transform_indices = @transform_2, window_bounds = array<i64: 128, 64>}, {pipeline_mode = #tpu.pipeline_mode<synchronous>, transform_indices = @transform_3, window_bounds = array<i64: 128, 64>}, {pipeline_mode = #tpu.pipeline_mode<synchronous>, transform_indices = @transform_4, window_bounds = array<i64: 128, 64>}, {pipeline_mode = #tpu.pipeline_mode<synchronous>, transform_indices = @transform_5, window_bounds = array<i64: 1, 64>}, {pipeline_mode = #tpu.pipeline_mode<synchronous>, transform_indices = @transform_6, window_bounds = array<i64: 1, 64>}, {pipeline_mode = #tpu.pipeline_mode<synchronous>, transform_indices = @transform_7, window_bounds = array<i64: 128, 128>}, {pipeline_mode = #tpu.pipeline_mode<synchronous>, transform_indices = @transform_8, window_bounds = array<i64: 1, 128>}, {transform_indices = @transform_9, window_bounds = array<i64: 5120, 64>}, {transform_indices = @transform_10, window_bounds = array<i64: 5120, 64>}, {transform_indices = @transform_11, window_bounds = array<i64: 5120, 64>}, {transform_indices = @transform_12, window_bounds = array<i64: 5120, 64>}, {transform_indices = @transform_13, window_bounds = array<i64: 5120, 128>}]} {
    %get3A = arith.constant 0 : index
    %get3A_0 = arith.constant 0 : index
    %get3A_1 = vector.load %arg1[%get3A, %get3A_0] : memref<5120x128xf32, #tpu.memory_space<vmem>>, vector<5120x128xf32>
    %get3A_2 = arith.constant 0 : index
    %get3A_3 = arith.constant 0 : index
    %get3A_4 = vector.load %arg2[%get3A_2, %get3A_3] : memref<128x64xf32, #tpu.memory_space<vmem>>, vector<128x64xf32>
    %dot_general3A = arith.constant dense<0.000000e+00> : vector<5120x64xf32>
    %dot_general3A_5 = tpu.matmul %get3A_1, %get3A_4, %dot_general3A {dimension_numbers = #tpu.dot_dimension_numbers<[1], [0], [0], [1], [0, 0, 1, 1], [], []>, transpose_lhs_hint = false} : vector<5120x128xf32>, vector<128x64xf32>, vector<5120x64xf32> -> vector<5120x64xf32>
    %swap3A = arith.constant 0 : index
    %swap3A_6 = arith.constant 0 : index
    %swap3A_7 = vector.load %arg10[%swap3A, %swap3A_6] : memref<5120x64xf32, #tpu.memory_space<vmem>>, vector<5120x64xf32>
    tpu.vector_store %arg10[%swap3A, %swap3A_6], %dot_general3A_5 {strides = array<i32>} : memref<5120x64xf32, #tpu.memory_space<vmem>>, vector<5120x64xf32>,
    %get3A_8 = arith.constant 0 : index
    %get3A_9 = arith.constant 0 : index
    %get3A_10 = vector.load %arg3[%get3A_8, %get3A_9] : memref<128x64xf32, #tpu.memory_space<vmem>>, vector<128x64xf32>
    %dot_general3A_11 = arith.constant dense<0.000000e+00> : vector<5120x64xf32>
    %dot_general3A_12 = tpu.matmul %get3A_1, %get3A_10, %dot_general3A_11 {dimension_numbers = #tpu.dot_dimension_numbers<[1], [0], [0], [1], [0, 0, 1, 1], [], []>, transpose_lhs_hint = false} : vector<5120x128xf32>, vector<128x64xf32>, vector<5120x64xf32> -> vector<5120x64xf32>
    %swap3A_13 = arith.constant 0 : index
    %swap3A_14 = arith.constant 0 : index
    %swap3A_15 = vector.load %arg11[%swap3A_13, %swap3A_14] : memref<5120x64xf32, #tpu.memory_space<vmem>>, vector<5120x64xf32>
    tpu.vector_store %arg11[%swap3A_13, %swap3A_14], %dot_general3A_12 {strides = array<i32>} : memref<5120x64xf32, #tpu.memory_space<vmem>>, vector<5120x64xf32>,
    %get3A_16 = arith.constant 0 : index
    %get3A_17 = arith.constant 0 : index
    %get3A_18 = vector.load %arg4[%get3A_16, %get3A_17] : memref<128x64xf32, #tpu.memory_space<vmem>>, vector<128x64xf32>
    %dot_general3A_19 = arith.constant dense<0.000000e+00> : vector<5120x64xf32>
    %dot_general3A_20 = tpu.matmul %get3A_1, %get3A_18, %dot_general3A_19 {dimension_numbers = #tpu.dot_dimension_numbers<[1], [0], [0], [1], [0, 0, 1, 1], [], []>, transpose_lhs_hint = false} : vector<5120x128xf32>, vector<128x64xf32>, vector<5120x64xf32> -> vector<5120x64xf32>
    %get3A_21 = arith.constant 0 : index
    %get3A_22 = arith.constant 0 : index
    %get3A_23 = vector.load %arg6[%get3A_21, %get3A_22] : memref<1x64xf32, #tpu.memory_space<vmem>>, vector<1x64xf32>
    %add3A = vector.broadcast %get3A_23 : vector<1x64xf32> to vector<5120x64xf32>
    %add3A_24 = arith.addf %dot_general3A_20, %add3A : vector<5120x64xf32>
    %swap3A_25 = arith.constant 0 : index
    %swap3A_26 = arith.constant 0 : index
    %swap3A_27 = vector.load %arg12[%swap3A_25, %swap3A_26] : memref<5120x64xf32, #tpu.memory_space<vmem>>, vector<5120x64xf32>
    tpu.vector_store %arg12[%swap3A_25, %swap3A_26], %add3A_24 {strides = array<i32>} : memref<5120x64xf32, #tpu.memory_space<vmem>>, vector<5120x64xf32>,
    %get3A_28 = arith.constant 0 : index
    %get3A_29 = arith.constant 0 : index
    %get3A_30 = vector.load %arg5[%get3A_28, %get3A_29] : memref<128x64xf32, #tpu.memory_space<vmem>>, vector<128x64xf32>
    %dot_general3A_31 = arith.constant dense<0.000000e+00> : vector<5120x64xf32>
    %dot_general3A_32 = tpu.matmul %get3A_1, %get3A_30, %dot_general3A_31 {dimension_numbers = #tpu.dot_dimension_numbers<[1], [0], [0], [1], [0, 0, 1, 1], [], []>, transpose_lhs_hint = false} : vector<5120x128xf32>, vector<128x64xf32>, vector<5120x64xf32> -> vector<5120x64xf32>
    %get3A_33 = arith.constant 0 : index
    %get3A_34 = arith.constant 0 : index
    %get3A_35 = vector.load %arg7[%get3A_33, %get3A_34] : memref<1x64xf32, #tpu.memory_space<vmem>>, vector<1x64xf32>
    %add3A_36 = vector.broadcast %get3A_35 : vector<1x64xf32> to vector<5120x64xf32>
    %add3A_37 = arith.addf %dot_general3A_32, %add3A_36 : vector<5120x64xf32>
    %swap3A_38 = arith.constant 0 : index
    %swap3A_39 = arith.constant 0 : index
    %swap3A_40 = vector.load %arg13[%swap3A_38, %swap3A_39] : memref<5120x64xf32, #tpu.memory_space<vmem>>, vector<5120x64xf32>
    tpu.vector_store %arg13[%swap3A_38, %swap3A_39], %add3A_37 {strides = array<i32>} : memref<5120x64xf32, #tpu.memory_space<vmem>>, vector<5120x64xf32>,
    %get3A_41 = arith.constant 0 : index
    %get3A_42 = arith.constant 0 : index
    %get3A_43 = vector.load %arg8[%get3A_41, %get3A_42] : memref<128x128xf32, #tpu.memory_space<vmem>>, vector<128x128xf32>
    %dot_general3A_44 = arith.constant dense<0.000000e+00> : vector<5120x128xf32>
    %dot_general3A_45 = tpu.matmul %get3A_1, %get3A_43, %dot_general3A_44 {dimension_numbers = #tpu.dot_dimension_numbers<[1], [0], [0], [1], [0, 0, 1, 1], [], []>, transpose_lhs_hint = false} : vector<5120x128xf32>, vector<128x128xf32>, vector<5120x128xf32> -> vector<5120x128xf32>
    %get3A_46 = arith.constant 0 : index
    %get3A_47 = arith.constant 0 : index
    %get3A_48 = vector.load %arg9[%get3A_46, %get3A_47] : memref<1x128xf32, #tpu.memory_space<vmem>>, vector<1x128xf32>
    %add3A_49 = vector.broadcast %get3A_48 : vector<1x128xf32> to vector<5120x128xf32>
    %add3A_50 = arith.addf %dot_general3A_45, %add3A_49 : vector<5120x128xf32>
    %swap3A_51 = arith.constant 0 : index
    %swap3A_52 = arith.constant 0 : index
    %swap3A_53 = vector.load %arg14[%swap3A_51, %swap3A_52] : memref<5120x128xf32, #tpu.memory_space<vmem>>, vector<5120x128xf32>
    tpu.vector_store %arg14[%swap3A_51, %swap3A_52], %add3A_50 {strides = array<i32>} : memref<5120x128xf32, #tpu.memory_space<vmem>>, vector<5120x128xf32>,
    return
  }
  func.func @transform_0(%arg0: i32) -> (i32, i32) {
    %c0_i32 = arith.constant 0 : i32
    %c0_i32_0 = arith.constant 0 : i32
    return %arg0, %c0_i32 : i32, i32
  }
  func.func @transform_1(%arg0: i32) -> (i32, i32) {
    %c0_i32 = arith.constant 0 : i32
    %c0_i32_0 = arith.constant 0 : i32
    %c0_i32_1 = arith.constant 0 : i32
    return %c0_i32, %c0_i32_0 : i32, i32
  }
  func.func @transform_2(%arg0: i32) -> (i32, i32) {
    %c0_i32 = arith.constant 0 : i32
    %c0_i32_0 = arith.constant 0 : i32
    %c0_i32_1 = arith.constant 0 : i32
    return %c0_i32, %c0_i32_0 : i32, i32
  }
  func.func @transform_3(%arg0: i32) -> (i32, i32) {
    %c0_i32 = arith.constant 0 : i32
    %c0_i32_0 = arith.constant 0 : i32
    %c0_i32_1 = arith.constant 0 : i32
    return %c0_i32, %c0_i32_0 : i32, i32
  }
  func.func @transform_4(%arg0: i32) -> (i32, i32) {
    %c0_i32 = arith.constant 0 : i32
    %c0_i32_0 = arith.constant 0 : i32
    %c0_i32_1 = arith.constant 0 : i32
    return %c0_i32, %c0_i32_0 : i32, i32
  }
  func.func @transform_5(%arg0: i32) -> (i32, i32) {
    %c0_i32 = arith.constant 0 : i32
    %c0_i32_0 = arith.constant 0 : i32
    %c0_i32_1 = arith.constant 0 : i32
    return %c0_i32, %c0_i32_0 : i32, i32
  }
  func.func @transform_6(%arg0: i32) -> (i32, i32) {
    %c0_i32 = arith.constant 0 : i32
    %c0_i32_0 = arith.constant 0 : i32
    %c0_i32_1 = arith.constant 0 : i32
    return %c0_i32, %c0_i32_0 : i32, i32
  }
  func.func @transform_7(%arg0: i32) -> (i32, i32) {
    %c0_i32 = arith.constant 0 : i32
    %c0_i32_0 = arith.constant 0 : i32
    %c0_i32_1 = arith.constant 0 : i32
    return %c0_i32, %c0_i32_0 : i32, i32
  }
  func.func @transform_8(%arg0: i32) -> (i32, i32) {
    %c0_i32 = arith.constant 0 : i32
    %c0_i32_0 = arith.constant 0 : i32
    %c0_i32_1 = arith.constant 0 : i32
    return %c0_i32, %c0_i32_0 : i32, i32
  }
  func.func @transform_9(%arg0: i32) -> (i32, i32) {
    %c0_i32 = arith.constant 0 : i32
    %c0_i32_0 = arith.constant 0 : i32
    return %arg0, %c0_i32 : i32, i32
  }
  func.func @transform_10(%arg0: i32) -> (i32, i32) {
    %c0_i32 = arith.constant 0 : i32
    %c0_i32_0 = arith.constant 0 : i32
    return %arg0, %c0_i32 : i32, i32
  }
  func.func @transform_11(%arg0: i32) -> (i32, i32) {
    %c0_i32 = arith.constant 0 : i32
    %c0_i32_0 = arith.constant 0 : i32
    return %arg0, %c0_i32 : i32, i32
  }
  func.func @transform_12(%arg0: i32) -> (i32, i32) {
    %c0_i32 = arith.constant 0 : i32
    %c0_i32_0 = arith.constant 0 : i32
    return %arg0, %c0_i32 : i32, i32
  }
  func.func @transform_13(%arg0: i32) -> (i32, i32) {
    %c0_i32 = arith.constant 0 : i32
    %c0_i32_0 = arith.constant 0 : i32
    return %arg0, %c0_i32 : i32, i32
  }
}

module attributes {stable_mosaic.version = 14 : i64} {
  func.func @_stage_b_body(%arg0: i32, %arg1: memref<5120x64xf32, #tpu.memory_space<vmem>>, %arg2: memref<5120x64xf32, #tpu.memory_space<vmem>>, %arg3: memref<5120x64xf32, #tpu.memory_space<vmem>>, %arg4: memref<5120x64xf32, #tpu.memory_space<vmem>>, %arg5: memref<64x64xf32, #tpu.memory_space<vmem>>, %arg6: memref<64x64xf32, #tpu.memory_space<vmem>>, %arg7: memref<1x64xf32, #tpu.memory_space<vmem>>, %arg8: memref<64x64xf32, #tpu.memory_space<vmem>>, %arg9: memref<64x64xf32, #tpu.memory_space<vmem>>, %arg10: memref<64x64xf32, #tpu.memory_space<vmem>>, %arg11: memref<64x64xf32, #tpu.memory_space<vmem>>, %arg12: memref<1x64xf32, #tpu.memory_space<vmem>>, %arg13: memref<1x64xf32, #tpu.memory_space<vmem>>, %arg14: memref<5120x64xf32, #tpu.memory_space<vmem>>, %arg15: memref<5120x64xf32, #tpu.memory_space<vmem>>, %arg16: memref<5120x64xf32, #tpu.memory_space<vmem>>, %arg17: memref<5120x64xf32, #tpu.memory_space<vmem>>) attributes {dimension_semantics = [#tpu.dimension_semantics<arbitrary>], iteration_bounds = array<i64: 2>, scalar_prefetch = 0 : i64, scratch_operands = 0 : i64, tpu.core_type = #tpu.core_type<tc>, window_params = [{transform_indices = @transform_0, window_bounds = array<i64: 5120, 64>}, {transform_indices = @transform_1, window_bounds = array<i64: 5120, 64>}, {transform_indices = @transform_2, window_bounds = array<i64: 5120, 64>}, {transform_indices = @transform_3, window_bounds = array<i64: 5120, 64>}, {pipeline_mode = #tpu.pipeline_mode<synchronous>, transform_indices = @transform_4, window_bounds = array<i64: 64, 64>}, {pipeline_mode = #tpu.pipeline_mode<synchronous>, transform_indices = @transform_5, window_bounds = array<i64: 64, 64>}, {pipeline_mode = #tpu.pipeline_mode<synchronous>, transform_indices = @transform_6, window_bounds = array<i64: 1, 64>}, {pipeline_mode = #tpu.pipeline_mode<synchronous>, transform_indices = @transform_7, window_bounds = array<i64: 64, 64>}, {pipeline_mode = #tpu.pipeline_mode<synchronous>, transform_indices = @transform_8, window_bounds = array<i64: 64, 64>}, {pipeline_mode = #tpu.pipeline_mode<synchronous>, transform_indices = @transform_9, window_bounds = array<i64: 64, 64>}, {pipeline_mode = #tpu.pipeline_mode<synchronous>, transform_indices = @transform_10, window_bounds = array<i64: 64, 64>}, {pipeline_mode = #tpu.pipeline_mode<synchronous>, transform_indices = @transform_11, window_bounds = array<i64: 1, 64>}, {pipeline_mode = #tpu.pipeline_mode<synchronous>, transform_indices = @transform_12, window_bounds = array<i64: 1, 64>}, {transform_indices = @transform_13, window_bounds = array<i64: 5120, 64>}, {transform_indices = @transform_14, window_bounds = array<i64: 5120, 64>}, {transform_indices = @transform_15, window_bounds = array<i64: 5120, 64>}, {transform_indices = @transform_16, window_bounds = array<i64: 5120, 64>}]} {
    %get3A = arith.constant 0 : index
    %get3A_0 = arith.constant 0 : index
    %get3A_1 = vector.load %arg3[%get3A, %get3A_0] : memref<5120x64xf32, #tpu.memory_space<vmem>>, vector<5120x64xf32>
    %get3A_2 = arith.constant 0 : index
    %get3A_3 = arith.constant 0 : index
    %get3A_4 = vector.load %arg1[%get3A_2, %get3A_3] : memref<5120x64xf32, #tpu.memory_space<vmem>>, vector<5120x64xf32>
    %add3A = arith.addf %get3A_1, %get3A_4 : vector<5120x64xf32>
    %max3A = arith.constant 0.000000e+00 : f32
    %max3A_5 = vector.broadcast %max3A : f32 to vector<5120x64xf32>
    %max3A_6 = arith.maximumf %add3A, %max3A_5 : vector<5120x64xf32>
    %get3A_7 = arith.constant 0 : index
    %get3A_8 = arith.constant 0 : index
    %get3A_9 = vector.load %arg4[%get3A_7, %get3A_8] : memref<5120x64xf32, #tpu.memory_space<vmem>>, vector<5120x64xf32>
    %get3A_10 = arith.constant 0 : index
    %get3A_11 = arith.constant 0 : index
    %get3A_12 = vector.load %arg2[%get3A_10, %get3A_11] : memref<5120x64xf32, #tpu.memory_space<vmem>>, vector<5120x64xf32>
    %add3A_13 = arith.addf %get3A_9, %get3A_12 : vector<5120x64xf32>
    %max3A_14 = arith.constant 0.000000e+00 : f32
    %max3A_15 = vector.broadcast %max3A_14 : f32 to vector<5120x64xf32>
    %max3A_16 = arith.maximumf %add3A_13, %max3A_15 : vector<5120x64xf32>
    %get3A_17 = arith.constant 0 : index
    %get3A_18 = arith.constant 0 : index
    %get3A_19 = vector.load %arg5[%get3A_17, %get3A_18] : memref<64x64xf32, #tpu.memory_space<vmem>>, vector<64x64xf32>
    %dot_general3A = arith.constant dense<0.000000e+00> : vector<5120x64xf32>
    %dot_general3A_20 = tpu.matmul %max3A_6, %get3A_19, %dot_general3A {dimension_numbers = #tpu.dot_dimension_numbers<[1], [0], [0], [1], [0, 0, 1, 1], [], []>, transpose_lhs_hint = false} : vector<5120x64xf32>, vector<64x64xf32>, vector<5120x64xf32> -> vector<5120x64xf32>
    %get3A_21 = arith.constant 0 : index
    %get3A_22 = arith.constant 0 : index
    %get3A_23 = vector.load %arg6[%get3A_21, %get3A_22] : memref<64x64xf32, #tpu.memory_space<vmem>>, vector<64x64xf32>
    %dot_general3A_24 = arith.constant dense<0.000000e+00> : vector<5120x64xf32>
    %dot_general3A_25 = tpu.matmul %max3A_16, %get3A_23, %dot_general3A_24 {dimension_numbers = #tpu.dot_dimension_numbers<[1], [0], [0], [1], [0, 0, 1, 1], [], []>, transpose_lhs_hint = false} : vector<5120x64xf32>, vector<64x64xf32>, vector<5120x64xf32> -> vector<5120x64xf32>
    %add3A_26 = arith.addf %dot_general3A_20, %dot_general3A_25 : vector<5120x64xf32>
    %get3A_27 = arith.constant 0 : index
    %get3A_28 = arith.constant 0 : index
    %get3A_29 = vector.load %arg7[%get3A_27, %get3A_28] : memref<1x64xf32, #tpu.memory_space<vmem>>, vector<1x64xf32>
    %add3A_30 = vector.broadcast %get3A_29 : vector<1x64xf32> to vector<5120x64xf32>
    %add3A_31 = arith.addf %add3A_26, %add3A_30 : vector<5120x64xf32>
    %get3A_32 = arith.constant 0 : index
    %get3A_33 = arith.constant 0 : index
    %get3A_34 = vector.load %arg8[%get3A_32, %get3A_33] : memref<64x64xf32, #tpu.memory_space<vmem>>, vector<64x64xf32>
    %dot_general3A_35 = arith.constant dense<0.000000e+00> : vector<5120x64xf32>
    %dot_general3A_36 = tpu.matmul %add3A_31, %get3A_34, %dot_general3A_35 {dimension_numbers = #tpu.dot_dimension_numbers<[1], [0], [0], [1], [0, 0, 1, 1], [], []>, transpose_lhs_hint = false} : vector<5120x64xf32>, vector<64x64xf32>, vector<5120x64xf32> -> vector<5120x64xf32>
    %swap3A = arith.constant 0 : index
    %swap3A_37 = arith.constant 0 : index
    %swap3A_38 = vector.load %arg14[%swap3A, %swap3A_37] : memref<5120x64xf32, #tpu.memory_space<vmem>>, vector<5120x64xf32>
    tpu.vector_store %arg14[%swap3A, %swap3A_37], %dot_general3A_36 {strides = array<i32>} : memref<5120x64xf32, #tpu.memory_space<vmem>>, vector<5120x64xf32>,
    %get3A_39 = arith.constant 0 : index
    %get3A_40 = arith.constant 0 : index
    %get3A_41 = vector.load %arg9[%get3A_39, %get3A_40] : memref<64x64xf32, #tpu.memory_space<vmem>>, vector<64x64xf32>
    %dot_general3A_42 = arith.constant dense<0.000000e+00> : vector<5120x64xf32>
    %dot_general3A_43 = tpu.matmul %add3A_31, %get3A_41, %dot_general3A_42 {dimension_numbers = #tpu.dot_dimension_numbers<[1], [0], [0], [1], [0, 0, 1, 1], [], []>, transpose_lhs_hint = false} : vector<5120x64xf32>, vector<64x64xf32>, vector<5120x64xf32> -> vector<5120x64xf32>
    %swap3A_44 = arith.constant 0 : index
    %swap3A_45 = arith.constant 0 : index
    %swap3A_46 = vector.load %arg15[%swap3A_44, %swap3A_45] : memref<5120x64xf32, #tpu.memory_space<vmem>>, vector<5120x64xf32>
    tpu.vector_store %arg15[%swap3A_44, %swap3A_45], %dot_general3A_43 {strides = array<i32>} : memref<5120x64xf32, #tpu.memory_space<vmem>>, vector<5120x64xf32>,
    %get3A_47 = arith.constant 0 : index
    %get3A_48 = arith.constant 0 : index
    %get3A_49 = vector.load %arg10[%get3A_47, %get3A_48] : memref<64x64xf32, #tpu.memory_space<vmem>>, vector<64x64xf32>
    %dot_general3A_50 = arith.constant dense<0.000000e+00> : vector<5120x64xf32>
    %dot_general3A_51 = tpu.matmul %add3A_31, %get3A_49, %dot_general3A_50 {dimension_numbers = #tpu.dot_dimension_numbers<[1], [0], [0], [1], [0, 0, 1, 1], [], []>, transpose_lhs_hint = false} : vector<5120x64xf32>, vector<64x64xf32>, vector<5120x64xf32> -> vector<5120x64xf32>
    %get3A_52 = arith.constant 0 : index
    %get3A_53 = arith.constant 0 : index
    %get3A_54 = vector.load %arg12[%get3A_52, %get3A_53] : memref<1x64xf32, #tpu.memory_space<vmem>>, vector<1x64xf32>
    %add3A_55 = vector.broadcast %get3A_54 : vector<1x64xf32> to vector<5120x64xf32>
    %add3A_56 = arith.addf %dot_general3A_51, %add3A_55 : vector<5120x64xf32>
    %swap3A_57 = arith.constant 0 : index
    %swap3A_58 = arith.constant 0 : index
    %swap3A_59 = vector.load %arg16[%swap3A_57, %swap3A_58] : memref<5120x64xf32, #tpu.memory_space<vmem>>, vector<5120x64xf32>
    tpu.vector_store %arg16[%swap3A_57, %swap3A_58], %add3A_56 {strides = array<i32>} : memref<5120x64xf32, #tpu.memory_space<vmem>>, vector<5120x64xf32>,
    %get3A_60 = arith.constant 0 : index
    %get3A_61 = arith.constant 0 : index
    %get3A_62 = vector.load %arg11[%get3A_60, %get3A_61] : memref<64x64xf32, #tpu.memory_space<vmem>>, vector<64x64xf32>
    %dot_general3A_63 = arith.constant dense<0.000000e+00> : vector<5120x64xf32>
    %dot_general3A_64 = tpu.matmul %add3A_31, %get3A_62, %dot_general3A_63 {dimension_numbers = #tpu.dot_dimension_numbers<[1], [0], [0], [1], [0, 0, 1, 1], [], []>, transpose_lhs_hint = false} : vector<5120x64xf32>, vector<64x64xf32>, vector<5120x64xf32> -> vector<5120x64xf32>
    %get3A_65 = arith.constant 0 : index
    %get3A_66 = arith.constant 0 : index
    %get3A_67 = vector.load %arg13[%get3A_65, %get3A_66] : memref<1x64xf32, #tpu.memory_space<vmem>>, vector<1x64xf32>
    %add3A_68 = vector.broadcast %get3A_67 : vector<1x64xf32> to vector<5120x64xf32>
    %add3A_69 = arith.addf %dot_general3A_64, %add3A_68 : vector<5120x64xf32>
    %swap3A_70 = arith.constant 0 : index
    %swap3A_71 = arith.constant 0 : index
    %swap3A_72 = vector.load %arg17[%swap3A_70, %swap3A_71] : memref<5120x64xf32, #tpu.memory_space<vmem>>, vector<5120x64xf32>
    tpu.vector_store %arg17[%swap3A_70, %swap3A_71], %add3A_69 {strides = array<i32>} : memref<5120x64xf32, #tpu.memory_space<vmem>>, vector<5120x64xf32>,
    return
  }
  func.func @transform_0(%arg0: i32) -> (i32, i32) {
    %c0_i32 = arith.constant 0 : i32
    %c0_i32_0 = arith.constant 0 : i32
    return %arg0, %c0_i32 : i32, i32
  }
  func.func @transform_1(%arg0: i32) -> (i32, i32) {
    %c0_i32 = arith.constant 0 : i32
    %c0_i32_0 = arith.constant 0 : i32
    return %arg0, %c0_i32 : i32, i32
  }
  func.func @transform_2(%arg0: i32) -> (i32, i32) {
    %c0_i32 = arith.constant 0 : i32
    %c0_i32_0 = arith.constant 0 : i32
    return %arg0, %c0_i32 : i32, i32
  }
  func.func @transform_3(%arg0: i32) -> (i32, i32) {
    %c0_i32 = arith.constant 0 : i32
    %c0_i32_0 = arith.constant 0 : i32
    return %arg0, %c0_i32 : i32, i32
  }
  func.func @transform_4(%arg0: i32) -> (i32, i32) {
    %c0_i32 = arith.constant 0 : i32
    %c0_i32_0 = arith.constant 0 : i32
    %c0_i32_1 = arith.constant 0 : i32
    return %c0_i32, %c0_i32_0 : i32, i32
  }
  func.func @transform_5(%arg0: i32) -> (i32, i32) {
    %c0_i32 = arith.constant 0 : i32
    %c0_i32_0 = arith.constant 0 : i32
    %c0_i32_1 = arith.constant 0 : i32
    return %c0_i32, %c0_i32_0 : i32, i32
  }
  func.func @transform_6(%arg0: i32) -> (i32, i32) {
    %c0_i32 = arith.constant 0 : i32
    %c0_i32_0 = arith.constant 0 : i32
    %c0_i32_1 = arith.constant 0 : i32
    return %c0_i32, %c0_i32_0 : i32, i32
  }
  func.func @transform_7(%arg0: i32) -> (i32, i32) {
    %c0_i32 = arith.constant 0 : i32
    %c0_i32_0 = arith.constant 0 : i32
    %c0_i32_1 = arith.constant 0 : i32
    return %c0_i32, %c0_i32_0 : i32, i32
  }
  func.func @transform_8(%arg0: i32) -> (i32, i32) {
    %c0_i32 = arith.constant 0 : i32
    %c0_i32_0 = arith.constant 0 : i32
    %c0_i32_1 = arith.constant 0 : i32
    return %c0_i32, %c0_i32_0 : i32, i32
  }
  func.func @transform_9(%arg0: i32) -> (i32, i32) {
    %c0_i32 = arith.constant 0 : i32
    %c0_i32_0 = arith.constant 0 : i32
    %c0_i32_1 = arith.constant 0 : i32
    return %c0_i32, %c0_i32_0 : i32, i32
  }
  func.func @transform_10(%arg0: i32) -> (i32, i32) {
    %c0_i32 = arith.constant 0 : i32
    %c0_i32_0 = arith.constant 0 : i32
    %c0_i32_1 = arith.constant 0 : i32
    return %c0_i32, %c0_i32_0 : i32, i32
  }
  func.func @transform_11(%arg0: i32) -> (i32, i32) {
    %c0_i32 = arith.constant 0 : i32
    %c0_i32_0 = arith.constant 0 : i32
    %c0_i32_1 = arith.constant 0 : i32
    return %c0_i32, %c0_i32_0 : i32, i32
  }
  func.func @transform_12(%arg0: i32) -> (i32, i32) {
    %c0_i32 = arith.constant 0 : i32
    %c0_i32_0 = arith.constant 0 : i32
    %c0_i32_1 = arith.constant 0 : i32
    return %c0_i32, %c0_i32_0 : i32, i32
  }
  func.func @transform_13(%arg0: i32) -> (i32, i32) {
    %c0_i32 = arith.constant 0 : i32
    %c0_i32_0 = arith.constant 0 : i32
    return %arg0, %c0_i32 : i32, i32
  }
  func.func @transform_14(%arg0: i32) -> (i32, i32) {
    %c0_i32 = arith.constant 0 : i32
    %c0_i32_0 = arith.constant 0 : i32
    return %arg0, %c0_i32 : i32, i32
  }
  func.func @transform_15(%arg0: i32) -> (i32, i32) {
    %c0_i32 = arith.constant 0 : i32
    %c0_i32_0 = arith.constant 0 : i32
    return %arg0, %c0_i32 : i32, i32
  }
  func.func @transform_16(%arg0: i32) -> (i32, i32) {
    %c0_i32 = arith.constant 0 : i32
    %c0_i32_0 = arith.constant 0 : i32
    return %arg0, %c0_i32 : i32, i32
  }
}

module attributes {stable_mosaic.version = 14 : i64} {
  func.func @_stage_c_body(%arg0: i32, %arg1: memref<1000x64xf32, #tpu.memory_space<vmem>>, %arg2: memref<1000x64xf32, #tpu.memory_space<vmem>>, %arg3: memref<1000x64xf32, #tpu.memory_space<vmem>>, %arg4: memref<1000x64xf32, #tpu.memory_space<vmem>>, %arg5: memref<1000x128xf32, #tpu.memory_space<vmem>>, %arg6: memref<1000x128xf32, #tpu.memory_space<vmem>>) attributes {dimension_semantics = [#tpu.dimension_semantics<arbitrary>], iteration_bounds = array<i64: 10>, scalar_prefetch = 0 : i64, scratch_operands = 0 : i64, tpu.core_type = #tpu.core_type<tc>, window_params = [{transform_indices = @transform_0, window_bounds = array<i64: 1000, 64>}, {transform_indices = @transform_1, window_bounds = array<i64: 1000, 64>}, {transform_indices = @transform_2, window_bounds = array<i64: 1000, 64>}, {transform_indices = @transform_3, window_bounds = array<i64: 1000, 64>}, {transform_indices = @transform_4, window_bounds = array<i64: 1000, 128>}, {transform_indices = @transform_5, window_bounds = array<i64: 1000, 128>}]} {
    %get3A = arith.constant 0 : index
    %get3A_0 = arith.constant 0 : index
    %get3A_1 = vector.load %arg3[%get3A, %get3A_0] : memref<1000x64xf32, #tpu.memory_space<vmem>>, vector<1000x64xf32>
    %get3A_2 = arith.constant 0 : index
    %get3A_3 = arith.constant 0 : index
    %get3A_4 = vector.load %arg1[%get3A_2, %get3A_3] : memref<1000x64xf32, #tpu.memory_space<vmem>>, vector<1000x64xf32>
    %add3A = arith.addf %get3A_1, %get3A_4 : vector<1000x64xf32>
    %get3A_5 = arith.constant 0 : index
    %get3A_6 = arith.constant 0 : index
    %get3A_7 = vector.load %arg4[%get3A_5, %get3A_6] : memref<1000x64xf32, #tpu.memory_space<vmem>>, vector<1000x64xf32>
    %get3A_8 = arith.constant 0 : index
    %get3A_9 = arith.constant 0 : index
    %get3A_10 = vector.load %arg2[%get3A_8, %get3A_9] : memref<1000x64xf32, #tpu.memory_space<vmem>>, vector<1000x64xf32>
    %add3A_11 = arith.addf %get3A_7, %get3A_10 : vector<1000x64xf32>
    %concatenate3A = tpu.concatenate %add3A, %add3A_11 in 1 : vector<1000x64xf32>, vector<1000x64xf32> -> vector<1000x128xf32>
    %get3A_12 = arith.constant 0 : index
    %get3A_13 = arith.constant 0 : index
    %get3A_14 = vector.load %arg5[%get3A_12, %get3A_13] : memref<1000x128xf32, #tpu.memory_space<vmem>>, vector<1000x128xf32>
    %add3A_15 = arith.addf %concatenate3A, %get3A_14 : vector<1000x128xf32>
    %swap3A = arith.constant 0 : index
    %swap3A_16 = arith.constant 0 : index
    %swap3A_17 = vector.load %arg6[%swap3A, %swap3A_16] : memref<1000x128xf32, #tpu.memory_space<vmem>>, vector<1000x128xf32>
    tpu.vector_store %arg6[%swap3A, %swap3A_16], %add3A_15 {strides = array<i32>} : memref<1000x128xf32, #tpu.memory_space<vmem>>, vector<1000x128xf32>,
    return
  }
  func.func @transform_0(%arg0: i32) -> (i32, i32) {
    %c0_i32 = arith.constant 0 : i32
    %c0_i32_0 = arith.constant 0 : i32
    return %arg0, %c0_i32 : i32, i32
  }
  func.func @transform_1(%arg0: i32) -> (i32, i32) {
    %c0_i32 = arith.constant 0 : i32
    %c0_i32_0 = arith.constant 0 : i32
    return %arg0, %c0_i32 : i32, i32
  }
  func.func @transform_2(%arg0: i32) -> (i32, i32) {
    %c0_i32 = arith.constant 0 : i32
    %c0_i32_0 = arith.constant 0 : i32
    return %arg0, %c0_i32 : i32, i32
  }
  func.func @transform_3(%arg0: i32) -> (i32, i32) {
    %c0_i32 = arith.constant 0 : i32
    %c0_i32_0 = arith.constant 0 : i32
    return %arg0, %c0_i32 : i32, i32
  }
  func.func @transform_4(%arg0: i32) -> (i32, i32) {
    %c0_i32 = arith.constant 0 : i32
    %c0_i32_0 = arith.constant 0 : i32
    return %arg0, %c0_i32 : i32, i32
  }
  func.func @transform_5(%arg0: i32) -> (i32, i32) {
    %c0_i32 = arith.constant 0 : i32
    %c0_i32_0 = arith.constant 0 : i32
    return %arg0, %c0_i32 : i32, i32
  }
}

</mosaic_0001>

<sc_bundles>
// kernel: kernel.10.cloned.1.call-start
scs
__scs_entry_jumppad:
0x0: {  	(pc) =	sbr.rel $0x88, $3  }
0x1: {  	(tag) =	ssettag $0x0;
	lr =	simm.s32 $0x1  }
0x2: {  	[smem:$0x3F8F] =	sst lr;
	_ =	strace $0xD0000000  }
0x3: {  	_ = 	snop  }
0x4: {  	_ = 	snop  }
0x5: {  	_ = 	snop  }
0x6: {  	_ = 	snop  }
0x7: {  	_ = 	snop  }
__scs_overlays_trampoline_lowered:
0x8: {  	[smem:$0x3F9E] =	sst s0  }
0x9: {  	[smem:$0x3F9F] =	sst s1  }
0xa: {  	[smem:$0x3FA0] =	sst s2  }
0xb: {  	[smem:$0x3FA1] =	sst s3  }
0xc: {  	[smem:$0x3FA2] =	sst s4  }
0xd: {  	[smem:$0x3FA3] =	sst s5  }
0xe: {  	[smem:$0x3FA4] =	sst s6  }
0xf: {  	[smem:$0x3FA5] =	sst s7  }
0x10: {  	[smem:$0x3FA6] =	sst s8  }
0x11: {  	[smem:$0x3FA7] =	sst s9;
	s0 =	simm.s32 @!p0 $0x0  }
0x12: {  	s1 =	sld [smem:$0x3F8D];
	s0 =	simm.s32 @p0 $0x1  }
0x13: {  	[smem:$0x3FA8] =	sst s0;
	s0 =	simm.s32 @!p1 $0x0  }
0x14: {  	s2 =	sld [smem:$0x3F8C];
	s0 =	simm.s32 @p1 $0x1  }
0x15: {  	[smem:$0x3FA9] =	sst s0;
	s0 =	simm.s32 @!p2 $0x0  }
0x16: {  	s3 =	sld [smem:$0x3FDB];
	s0 =	simm.s32 @p2 $0x1  }
0x17: {  	s4 =	simm.s32 $0x1BF5;
	[smem:$0x3FAB] =	sst s0  }
0x18: {  	s0 =	sld [smem:$0x3F8E];
	_ =	swait.ge [sflag:s4], $0x0  }
0x19: {  	s7 =	sld [smem:$0x3F8F]  }
0x1a: {  	s8 =	sadd.s32 $0xFFFFE003, lr  }
0x1b: {  	s9 =	sadd.s32 $0xFFFFFEF7, lr;
	s5 =	simm.s32 $0xFFFFFFFF;
	p2 =	slt.u32 s8, $0xFFFFF086  }
0x1c: {  	p1 =	slt.u32 s9, $0xF7A;
	s5 =	simm.s32 @!p2 $0x0  }
0x1d: {  	s5 =	simm.s32 @p1 $0x1;
	p0 =	seq.s32 s7, s2  }
0x1e: {  	s7 =	smul.u32 @!p0 $0xF7A, s2;
	p2 =	seq.s32 @!p0 s5, $0x0  }
0x1f: {  	s9 =	smul.u32 $0xF7A, s1;
	s8 =	simm.s32 @!p0 $0x1BF5;
	p2 =	por !p2, p0  }
0x20: {  	[sflag:s8] =	ssyncset.s32 @!p0 $0xFFFFF086;
	s6 =	sadd.s32 @!p0 s3, s7;
	s7 =	simm.s32 @!p0 $0x108  }
0x21: {  	s3 =	sadd.s32 s3, s9;
	s6 =	sadd.s32 @!p0 $0x88, s6;
	s7 =	simm.s32 @p2 $0x1082  }
0x22: {  	[simem:s7], [sflag:s8] =	dma.local @!p0 [hbm:s6], $0xF7A  }
0x23: {  	s9 =	sor.u32 $0xD0000000, s2;
	s6 =	simm.s32 $0x108;
	_ =	swait.ge @!p0 [sflag:s8], $0x0  }
0x24: {  	s3 =	sadd.s32 $0x88, s3;
	s6 =	simm.s32 @!p1 $0x1082;
	[sflag:s4] =	ssyncset.s32 $0xFFFFF086  }
0x25: {  	[simem:s6], [sflag:s4] =	dma.local [hbm:s3], $0xF7A  }
0x26: {  	[smem:$0x3F8F] =	sst s1;
	(tag) =	ssettag s2;
	_ =	strace s9  }
0x27: {  	s1 =	sld [smem:$0x3F9F]  }
0x28: {  	s2 =	sld [smem:$0x3FA0]  }
0x29: {  	s4 =	sld [smem:$0x3FA2]  }
0x2a: {  	p0 =	seq.s32 s5, $0x0;
	s5 =	sld [smem:$0x3FA3]  }
0x2b: {  	s6 =	sld [smem:$0x3FA4]  }
0x2c: {  	s7 =	sld [smem:$0x3FA5]  }
0x2d: {  	s3 =	simm.s32 $0x108;
	s8 =	sld [smem:$0x3FA6]  }
0x2e: {  	s3 =	simm.s32 @!p0 $0x1082;
	s9 =	sld [smem:$0x3FA7]  }
0x2f: {  	lr =	sadd.s32 s0, s3;
	s0 =	sld [smem:$0x3F9E]  }
0x30: {  	s3 =	sld [smem:$0x3FA1]  }
0x31: {  	[smem:$0x3FAA] =	sst s10  }
0x32: {  	s10 =	sld [smem:$0x3FA8];
	_ =	sdelay $0x3  }
0x33: {  	p0 =	seq.s32 s10, $0x1;
	s10 =	sld [smem:$0x3FAA];
	_ =	sdelay $0x3  }
0x34: {  	[smem:$0x3FAA] =	sst s10  }
0x35: {  	s10 =	sld [smem:$0x3FA9];
	_ =	sdelay $0x3  }
0x36: {  	p1 =	seq.s32 s10, $0x1;
	s10 =	sld [smem:$0x3FAA];
	_ =	sdelay $0x3  }
0x37: {  	[smem:$0x3FAA] =	sst s10  }
0x38: {  	s10 =	sld [smem:$0x3FAB]  }
0x39: {  	_ = 	snop;
	(pc) =	sbr.ind lr, $3  }
0x3a: {  	_ = 	snop  }
0x3b: {  	_ = 	snop  }
0x3c: {  	p2 =	seq.s32 s10, $0x1;
	s10 =	sld [smem:$0x3FAA]  }
0x3d: {  	_ =	shalt  }
0x3e: {  	_ =	shalt  }
0x3f: {  	_ =	shalt  }
0x40: {  	_ =	shalt  }
0x41: {  	_ =	shalt  }
0x42: {  	_ =	shalt  }
0x43: {  	_ =	shalt  }
0x44: {  	_ =	shalt  }
0x45: {  	_ =	shalt  }
0x46: {  	_ =	shalt  }
0x47: {  	_ =	shalt  }
0x48: {  	_ =	shalt  }
0x49: {  	_ =	shalt  }
0x4a: {  	_ =	shalt  }
0x4b: {  	_ =	shalt  }
0x4c: {  	_ =	shalt  }
0x4d: {  	_ =	shalt  }
0x4e: {  	_ =	shalt  }
0x4f: {  	_ =	shalt  }
0x50: {  	_ =	shalt  }
0x51: {  	_ =	shalt  }
0x52: {  	_ =	shalt  }
0x53: {  	_ =	shalt  }
0x54: {  	_ =	shalt  }
0x55: {  	_ =	shalt  }
0x56: {  	_ =	shalt  }
0x57: {  	_ =	shalt  }
0x58: {  	_ =	shalt  }
0x59: {  	_ =	shalt  }
0x5a: {  	_ =	shalt  }
0x5b: {  	_ =	shalt  }
0x5c: {  	_ =	shalt  }
0x5d: {  	_ =	shalt  }
0x5e: {  	_ =	shalt  }
0x5f: {  	_ =	shalt  }
0x60: {  	_ =	shalt  }
0x61: {  	_ =	shalt  }
0x62: {  	_ =	shalt  }
0x63: {  	_ =	shalt  }
0x64: {  	_ =	shalt  }
0x65: {  	_ =	shalt  }
0x66: {  	_ =	shalt  }
0x67: {  	_ =	shalt  }
0x68: {  	_ =	shalt  }
0x69: {  	_ =	shalt  }
0x6a: {  	_ =	shalt  }
0x6b: {  	_ =	shalt  }
0x6c: {  	_ =	shalt  }
0x6d: {  	_ =	shalt  }
0x6e: {  	_ =	shalt  }
0x6f: {  	_ =	shalt  }
0x70: {  	_ =	shalt  }
0x71: {  	_ =	shalt  }
0x72: {  	_ =	shalt  }
0x73: {  	_ =	shalt  }
0x74: {  	_ =	shalt  }
0x75: {  	_ =	shalt  }
0x76: {  	_ =	shalt  }
0x77: {  	_ =	shalt  }
0x78: {  	_ =	shalt  }
0x79: {  	_ =	shalt  }
0x7a: {  	_ =	shalt  }
0x7b: {  	_ =	shalt  }
0x7c: {  	_ =	shalt  }
0x7d: {  	_ =	shalt  }
0x7e: {  	_ =	shalt  }
0x7f: {  	_ =	shalt  }
0x80: {  	_ =	shalt  }
0x81: {  	_ =	shalt  }
0x82: {  	_ =	shalt  }
0x83: {  	_ =	shalt  }
0x84: {  	_ =	shalt  }
0x85: {  	_ =	shalt  }
0x86: {  	_ =	shalt  }
0x87: {  	_ =	shalt  }
.Lfunc_end0:
.L_simem_size_0:
called_computation.1_lowered:
.L_overlay_start_0:
0x88: {  	s2 =	sld [smem:$0x3FD9]  }
0x89: {  	s3 =	sld [smem:$0x3FFE];
	_ =	sdelay $0x1  }
0x8a: {  	s1 =	srdreg.scid  }
0x8b: {  	s0 =	sand.u32 $0x1, s1  }
0x8c: {  	s17 =	sshll.u32 s0, $0xA;
	s2 =	sadd.s32 s3, s2  }
0x8d: {  	s2 =	sadd.s32 s2, s17  }
0x8e: {  	[smem:$0x3FB6] =	sst s2  }
0x8f: {  	_ = 	snop  }
0x90: {  	s2 =	sld [smem:$0x3FD0];
	(tm) =	ssettm $0x1  }
0x91: {  	s18 =	sld [smem:$0x3FFB];
	_ =	sdelay $0x3  }
0x92: {  	_ =	strace s18  }
0x93: {  	s3 =	sld [smem:$0x3FFC];
	_ =	sdelay $0x3  }
0x94: {  	_ =	strace s3  }
0x95: {  	s3 =	sld [smem:$0x3FFD];
	_ =	sdelay $0x3  }
0x96: {  	_ =	strace s3  }
0x97: {  	_ =	strace $0x8FFFFFFF  }
0x98: {  	s19 =	sld [smem:$0x3FDB];
	_ =	sdelay $0x1  }
0x99: {  	s4 =	simm.s32 $_scs_section_size  }
0x9a: {  	s5 =	simm.s32 $_size__tile_overlayer_lowered;
	s6 =	simm.s32 $_tile_overlayer_lowered  }
0x9b: {  	s22 =	simm.s32 $0x1BFF;
	s21 =	sshll.u32 s6, $0x1;
	s3 =	sadd.s32 s4, s19  }
0x9c: {  	s7 =	simm.s32 $0x0;
	s20 =	sshll.u32 s5, $0x1;
	s5 =	sadd.s32 s21, s3  }
0x9d: {  	[timem:s7], [sflag:s22] =	dma.local [hbm:s5], s20  }
0x9e: {  	_ =	swait.ge [sflag:s22], s20  }
0x9f: {  	s4 =	ssub.s32 $0x0, s20;
	[sflag:s22] =	ssyncset.done $0x0  }
0xa0: {  	[sflag:s22] =	ssyncadd.s32 s4;
	_ =	sdelay $0x1  }
0xa1: {  	s23 =	simm.s32 $0x1B8B  }
0xa2: {  	_ =	swait.ge [sflag:s23], $0x1  }
0xa3: {  	[sflag:s23] =	ssyncset.done $0x0  }
0xa4: {  	s25 =	simm.s32 $0x1B8E;
	s24 =	sld [smem:$0x3FFE];
	[sflag:s23] =	ssyncadd.s32 $0xFFFFFFFF  }
0xa5: {  	s26 =	simm.s32 $execute0_lowered;
	[smem:$0x3FD2] =	sst s25  }
0xa6: {  	s5 =	sshll.u32 s26, $0x1;
	_ =	strace $0x80000049;
	[dreg:$0x1] =	wrdreg $0xFFFFFFFF  }
0xa7: {  	s28 =	simm.s32 $_size_execute0_lowered;
	s3 =	sadd.s32 s3, s5;
	[dreg:$0x0] =	wrdreg $0x0  }
0xa8: {  	s5 =	sshll.u32 s28, $0x1;
	[dreg:$0x2] =	wrdreg s3  }
0xa9: {  	[dreg:$0x3] =	wrdreg s5  }
0xaa: {  	[dreg:$0x4] =	wrdreg $0xC0  }
0xab: {  	_ =	task [dreg:s7], $0x5FFFF  }
0xac: {  	[dreg:$0x1] =	wrdreg $0xFFFFFFFF  }
0xad: {  	[dreg:$0x0] =	wrdreg $0x60  }
0xae: {  	[dreg:$0x2] =	wrdreg s2  }
0xaf: {  	[dreg:$0x3] =	wrdreg s24  }
0xb0: {  	[dreg:$0x4] =	wrdreg $0x0  }
0xb1: {  	[dreg:$0x5] =	wrdreg $0x9  }
0xb2: {  	_ =	task.clear_ibuf [dreg:s7], $0x6FFFF;
	_ =	strace $0x90000049  }
0xb3: {  	s29 =	simm.s32 $0x9;
	_ =	strace $0x8000004B  }
0xb4: {  	_ =	swait.ge [sflag:s29], $0x1  }
0xb5: {  	[sflag:s29] =	ssyncadd.s32 $0xFFFFFFFF  }
0xb6: {  	_ =	strace $0x9000004B  }
0xb7: {  	_ =	sfence  }
0xb8: {  	s30 =	sld [smem:$0x0];
	_ =	sdelay $0x2  }
0xb9: {  	s31 =	sshll.u32 s1, $0xD;
	s1 =	sshrl.u32 s1, $0x2  }
0xba: {  	s3 =	sand.u32 $0x4000, s31;
	s1 =	sadd.s32 s1, s30  }
0xbb: {  	s0 =	sor.u32 s3, s0;
	s1 =	sshll.u32 s1, $0x11  }
0xbc: {  	s0 =	sor.u32 s1, s0  }
0xbd: {  	s0 =	sadd.s32 $0x8F2B, s0  }
0xbe: {  	[sflag:s0] =	ssyncadd.remote.s32 $0x1  }
0xbf: {  	_ =	sfence.sel $0xFFFF  }
0xc0: {  	[dreg:$0x0] =	wrdreg $0xFFFFFFFF;
	(pc) =	sbr.abs _section_cstart, $3  }
0xc1: {  	[dreg:$0x1] =	wrdreg $0xFFFFFFFF  }
0xc2: {  	_ =	task.clear_ibuf [dreg:s7], $0x2FFFF;
	_ =	strace $0x9FFFFFFF  }
0xc3: {  	(tm) =	ssettm $0x7FFFFFFF  }
tec
execute0_lowered:
.L_overlay_start_1:
0x0: {  	(tag) =	ssettag $0x1  }
0x1: {  	s1 =	rddreg [dreg:$0x0]  }
0x2: {  	s0 =	rddreg [dreg:$0x1]  }
0x3: {  	s3 =	rddreg [dreg:$0x2];
	s2 =	simm.s32 $0x0;
	s6 =	stileid.u32  }
0x4: {  	s4 =	srdreg.scid;
	s17 =	simm.s32 $0xA000;
	s19 =	simm.s32 $0x1  }
0x5: {  	s20 =	simm.s32 $0x2;
	s21 =	simm.s32 $0x80;
	s28 =	simm.s32 $0x18000  }
0x6: {  	s30 =	simm.s32 $0x1A000;
	s31 =	simm.s32 $0x5;
	[smem:$0x7FF] =	sst s2  }
0x7: {  	s22 =	smul.u32 $0xA00, s6;
	s5 =	sadd.s32 $0x3000, s0;
	s4 =	sand.u32 $0x1, s4  }
0x8: {  	s7 =	sadd.s32 $0xA3000, s0;
	s8 =	smul.u32 $0x28000, s6;
	s9 =	sadd.s32 $0x53000, s0  }
0x9: {  	s26 =	smul.u32 $0xA000, s6;
	_ =	strace $0x8000004A;
	[dreg:$0x4] =	wrdreg s7  }
0xa: {  	s13 =	sshll.u32 s6, $0x6;
	s23 =	ssub.s32 $0x2, s4;
	[dreg:$0x5] =	wrdreg s9  }
0xb: {  	p0 =	seq.s32 s4, $0x0;
	s14 =	smov.u32 s5;
	s15 =	sor.u32 $0x1C05, s13  }
0xc: {  	s2 =	sadd.s32 s22, s0;
	s0 =	sadd.s32 $0x17000, s0;
	s24 =	sshrl.u32 s23, $0x1  }
0xd: {  	s25 =	sshrl.u32 s8, $0x2;
	s29 =	sadd.s32 s26, s3;
	s10 =	sshrl.u32 s26, $0x3  }
0xe: {  	s14 =	smov.u32 @p0 s1;
	s22 =	simm.s32 $0x14000;
	s8 =	simm.s32 $0x4  }
0xf: {  	s26 =	simm.s32 $0x0;
	[dreg:$0x6] =	wrdreg s0;
	s0 =	ssub.s32 s23, s24  }
.Ltmp0:
0x10: {  	s7 =	sadd.s32 s25, s3;
	s16 =	sadd.s32 $0x8F000, s2;
	(pc) =	sbr.rel .LBB2_1-.Ltmp0, $4  }
0x11: {  	s9 =	sadd.s32 $0x99000, s2;
	s24 =	simm.s32 $0x16000;
	s25 =	sshrl.u32 s29, $0x3  }
0x12: {  	s2 =	simm.s32 $0x6;
	s11 =	smov.u32 s16;
	s12 =	smax.u32 s0, $0x1  }
0x13: {  	s0 =	simm.s32 $0x1C000;
	s11 =	smov.u32 @p0 s9;
	s9 =	smov.u32 @p0 s16  }
0x14: {  	p0 =	sne.s32 s4, $0x0;
	s16 =	sshrl.u32 s7, $0x3;
	s7 =	simm.s32 $0x3  }
.LBB2_7:
0x15: {  	s4 =	sadd.s32 $0xA200, s29;
	[sflag:s2] =	ssyncadd.s32 $0xFFFFE000  }
0x16: {  	[tilespmem:s0], [sflag:$0x5] =	stream.indirect.gather [hbm4b:s5+s21], $0x40, s4, s21, $0xb8;
	[tilespmem:$0x1E000] =	vst v63  }
0x17: {  	_ =	swait.ge [sflag:s19], $0x2000  }
0x18: {  	[sflag:s19] =	ssyncset.done $0x0  }
0x19: {  	s18 =	sadd.s32 $0xF000, s29;
	[sflag:s19] =	ssyncadd.s32 $0xFFFFE000  }
0x1a: {  	[spmem:s3] =	stream.indirect.scatter.add.f32 [tilespmem:s22], [sflag:$0x6], $0x40, s18, s21, $0xb8;
	[tilespmem:$0x1E000] =	vst v63  }
0x1b: {  	_ =	swait.ge [sflag:s2], $0x2000  }
0x1c: {  	[sflag:s2] =	ssyncset.done $0x0  }
0x1d: {  	s23 =	sadd.s32 $0xA280, s29;
	[sflag:s2] =	ssyncadd.s32 $0xFFFFE000  }
0x1e: {  	[tilespmem:s22], [sflag:$0x1] =	stream.indirect.gather [hbm4b:s5+s21], $0x40, s23, s21, $0xb8;
	[tilespmem:$0x1E000] =	vst v63  }
0x1f: {  	_ =	swait.ge [sflag:s20], $0x2000  }
0x20: {  	[sflag:s20] =	ssyncset.done $0x0  }
0x21: {  	s6 =	sadd.s32 $0xF080, s29;
	[sflag:s20] =	ssyncadd.s32 $0xFFFFE000  }
0x22: {  	[spmem:s3] =	stream.indirect.scatter.add.f32 [tilespmem:s24], [sflag:$0x6], $0x40, s6, s21, $0xb8;
	[tilespmem:$0x1E000] =	vst v63  }
0x23: {  	_ =	swait.ge [sflag:s2], $0x2000  }
0x24: {  	[sflag:s2] =	ssyncset.done $0x0  }
0x25: {  	s18 =	sadd.s32 $0xA300, s29;
	[sflag:s2] =	ssyncadd.s32 $0xFFFFE000  }
0x26: {  	[tilespmem:s24], [sflag:$0x2] =	stream.indirect.gather [hbm4b:s5+s21], $0x40, s18, s21, $0xb8;
	[tilespmem:$0x1E000] =	vst v63  }
0x27: {  	_ =	swait.ge [sflag:s7], $0x2000  }
0x28: {  	[sflag:s7] =	ssyncset.done $0x0  }
0x29: {  	s23 =	sadd.s32 $0xF100, s29;
	[sflag:s7] =	ssyncadd.s32 $0xFFFFE000  }
0x2a: {  	[spmem:s3] =	stream.indirect.scatter.add.f32 [tilespmem:s28], [sflag:$0x6], $0x40, s23, s21, $0xb8;
	[tilespmem:$0x1E000] =	vst v63  }
0x2b: {  	_ =	swait.ge [sflag:s2], $0x2000  }
0x2c: {  	[sflag:s2] =	ssyncset.done $0x0  }
0x2d: {  	s6 =	sadd.s32 $0xA380, s29;
	[sflag:s2] =	ssyncadd.s32 $0xFFFFE000  }
0x2e: {  	[tilespmem:s28], [sflag:$0x3] =	stream.indirect.gather [hbm4b:s5+s21], $0x40, s6, s21, $0xb8;
	[tilespmem:$0x1E000] =	vst v63  }
0x2f: {  	_ =	swait.ge [sflag:s8], $0x2000  }
0x30: {  	[sflag:s8] =	ssyncset.done $0x0  }
0x31: {  	s18 =	sadd.s32 $0xF180, s29;
	[sflag:s8] =	ssyncadd.s32 $0xFFFFE000  }
0x32: {  	[spmem:s3] =	stream.indirect.scatter.add.f32 [tilespmem:s30], [sflag:$0x6], $0x40, s18, s21, $0xb8;
	[tilespmem:$0x1E000] =	vst v63  }
0x33: {  	_ =	swait.ge [sflag:s2], $0x2000  }
0x34: {  	[sflag:s2] =	ssyncset.done $0x0  }
0x35: {  	s23 =	sadd.s32 $0xA400, s29;
	[sflag:s2] =	ssyncadd.s32 $0xFFFFE000  }
0x36: {  	[tilespmem:s30], [sflag:$0x4] =	stream.indirect.gather [hbm4b:s5+s21], $0x40, s23, s21, $0xb8;
	[tilespmem:$0x1E000] =	vst v63  }
0x37: {  	_ =	swait.ge [sflag:s31], $0x2000  }
0x38: {  	[sflag:s31] =	ssyncset.done $0x0  }
0x39: {  	s29 =	sadd.s32 $0xF200, s29;
	[sflag:s31] =	ssyncadd.s32 $0xFFFFE000  }
0x3a: {  	[spmem:s3] =	stream.indirect.scatter.add.f32 [tilespmem:s0], [sflag:$0x6], $0x40, s29, s21, $0xb8;
	[tilespmem:$0x1E000] =	vst v63  }
0x3b: {  	_ =	swait.ge [sflag:s2], $0x2000  }
0x3c: {  	[sflag:s2] =	ssyncset.done $0x0  }
0x3d: {  	s4 =	smov.u32 s5;
	s18 =	rddreg [dreg:$0x6];
	[sflag:s2] =	ssyncadd.s32 $0xFFFFE000  }
.LBB2_8:
0x3e: {  	s6 =	simm.s32 $0xEF80  }
0x3f: {  	[tilespmem:s0], [sflag:$0x5] =	stream.indirect.gather [hbm4b:s4+s21], $0x40, s6, s21, $0xb8;
	[tilespmem:$0x1E000] =	vst v63  }
0x40: {  	_ =	swait.ge [sflag:s19], $0x2000  }
0x41: {  	[sflag:s19] =	ssyncset.done $0x0  }
0x42: {  	s29 =	simm.s32 $0x13D80;
	[sflag:s19] =	ssyncadd.s32 $0xFFFFE000  }
0x43: {  	[spmem:s3] =	stream.indirect.scatter.add.f32 [tilespmem:s22], [sflag:$0x6], $0x40, s29, s21, $0xb8;
	[tilespmem:$0x1E000] =	vst v63  }
0x44: {  	_ =	swait.ge [sflag:s2], $0x2000  }
0x45: {  	[sflag:s2] =	ssyncset.done $0x0  }
0x46: {  	[sflag:s2] =	ssyncadd.s32 $0xFFFFE000  }
0x47: {  	_ =	swait.ge [sflag:s20], $0x2000  }
0x48: {  	[sflag:s20] =	ssyncset.done $0x0  }
0x49: {  	s6 =	simm.s32 $0x13E00;
	[sflag:s20] =	ssyncadd.s32 $0xFFFFE000  }
0x4a: {  	[spmem:s3] =	stream.indirect.scatter.add.f32 [tilespmem:s24], [sflag:$0x6], $0x40, s6, s21, $0xb8;
	[tilespmem:$0x1E000] =	vst v63  }
0x4b: {  	_ =	swait.ge [sflag:s2], $0x2000  }
0x4c: {  	[sflag:s2] =	ssyncset.done $0x0  }
0x4d: {  	[sflag:s2] =	ssyncadd.s32 $0xFFFFE000  }
0x4e: {  	_ =	swait.ge [sflag:s7], $0x2000  }
0x4f: {  	[sflag:s7] =	ssyncset.done $0x0  }
0x50: {  	s23 =	simm.s32 $0x13E80;
	[sflag:s7] =	ssyncadd.s32 $0xFFFFE000  }
0x51: {  	[spmem:s3] =	stream.indirect.scatter.add.f32 [tilespmem:s28], [sflag:$0x6], $0x40, s23, s21, $0xb8;
	[tilespmem:$0x1E000] =	vst v63  }
0x52: {  	_ =	swait.ge [sflag:s2], $0x2000  }
0x53: {  	[sflag:s2] =	ssyncset.done $0x0  }
0x54: {  	[sflag:s2] =	ssyncadd.s32 $0xFFFFE000  }
0x55: {  	_ =	swait.ge [sflag:s8], $0x2000  }
0x56: {  	[sflag:s8] =	ssyncset.done $0x0  }
0x57: {  	s29 =	simm.s32 $0x13F00;
	[sflag:s8] =	ssyncadd.s32 $0xFFFFE000  }
0x58: {  	[spmem:s3] =	stream.indirect.scatter.add.f32 [tilespmem:s30], [sflag:$0x6], $0x40, s29, s21, $0xb8;
	[tilespmem:$0x1E000] =	vst v63  }
0x59: {  	_ =	swait.ge [sflag:s2], $0x2000  }
0x5a: {  	[sflag:s2] =	ssyncset.done $0x0  }
0x5b: {  	[sflag:s2] =	ssyncadd.s32 $0xFFFFE000  }
0x5c: {  	_ =	swait.ge [sflag:s31], $0x2000  }
0x5d: {  	[sflag:s31] =	ssyncset.done $0x0  }
0x5e: {  	s6 =	simm.s32 $0x13F80;
	[sflag:s31] =	ssyncadd.s32 $0xFFFFE000  }
0x5f: {  	[spmem:s3] =	stream.indirect.scatter.add.f32 [tilespmem:s0], [sflag:$0x6], $0x40, s6, s21, $0xb8;
	[tilespmem:$0x1E000] =	vst v63  }
0x60: {  	_ =	swait.ge [sflag:s2], $0x2000  }
0x61: {  	s26 =	sadd.s32 $0x1, s26;
	[sflag:s2] =	ssyncset.done $0x0  }
0x62: {  	p1 =	sne.s32 s26, s12;
	s23 =	sadd.s32 s18, s10;
	[sflag:s2] =	ssyncadd.s32 $0xFFFFE000  }
.Ltmp1:
0x63: {  	s29 =	sor.u32 $0x1C06, s13;
	[bflag:$0x0] =	sbarrier.arrive $0xFFFF;
	(pc) =	sbr.rel @!p1 .LBB2_9-.Ltmp1, $4  }
0x64: {  	[hbm:s23], [sflag:s29] =	dma.local [spmem:s25], $0x1400  }
0x65: {  	_ =	swait.ge [sflag:s2], $0x1400  }
0x66: {  	[sflag:s2] =	ssyncset.done $0x0  }
0x67: {  	[sflag:s2] =	ssyncadd.s32 $0xFFFFEC00  }
.LBB2_1:
0x68: {  	s4 =	rddreg [dreg:$0x4];
	s29 =	simm.s32 $0x0  }
0x69: {  	[spmem:s16], [sflag:s15] =	dma.local [hbm:s4], $0x1400  }
0x6a: {  	[tilespmem:s17], [sflag:$0x1] =	stream.linear.gather [hbm4b:s11+s29], $0x5000, $0x38;
	[tilespmem:$0x1E000] =	vst v63  }
0x6b: {  	s6 =	simm.s32 $0xF000  }
0x6c: {  	[tilespmem:s6], [sflag:$0x2] =	stream.linear.gather [hbm4b:s9+s29], $0x5000, $0x38;
	[tilespmem:$0x1E000] =	vst v63  }
0x6d: {  	_ =	swait.ge [sflag:s19], $0x5000  }
0x6e: {  	[sflag:s19] =	ssyncset.done $0x0  }
0x6f: {  	[sflag:s19] =	ssyncadd.s32 $0xFFFFB000  }
0x70: {  	_ =	swait.ge [sflag:s20], $0x5000  }
0x71: {  	[sflag:s20] =	ssyncset.done $0x0  }
0x72: {  	[sflag:s20] =	ssyncadd.s32 $0xFFFFB000  }
0x73: {  	[tilespmem:s22], [sflag:$0x1] =	stream.indirect.gather [hbm4b:s14+s21], $0x40, s17, s21, $0xb8;
	[tilespmem:$0x1E000] =	vst v63  }
0x74: {  	s18 =	simm.s32 $0xA080  }
0x75: {  	[tilespmem:s24], [sflag:$0x2] =	stream.indirect.gather [hbm4b:s14+s21], $0x40, s18, s21, $0xb8;
	[tilespmem:$0x1E000] =	vst v63  }
0x76: {  	s23 =	simm.s32 $0xA100  }
0x77: {  	[tilespmem:s28], [sflag:$0x3] =	stream.indirect.gather [hbm4b:s14+s21], $0x40, s23, s21, $0xb8;
	[tilespmem:$0x1E000] =	vst v63  }
0x78: {  	s29 =	simm.s32 $0xA180  }
0x79: {  	[tilespmem:s30], [sflag:$0x4] =	stream.indirect.gather [hbm4b:s14+s21], $0x40, s29, s21, $0xb8;
	[tilespmem:$0x1E000] =	vst v63  }
.Ltmp2:
0x7a: {  	_ =	swait.ge [sflag:s31], $0x1400;
	(pc) =	sbr.rel @p0 .LBB2_5-.Ltmp2, $4  }
0x7b: {  	[sflag:s31] =	ssyncset.done $0x0  }
0x7c: {  	[sflag:s31] =	ssyncadd.s32 $0xFFFFEC00  }
0x7d: {  	[bflag:$0x0] =	sbarrier.arrive $0xFFFF  }
0x7e: {  	s4 =	simm.s32 $0xA200  }
0x7f: {  	[tilespmem:s0], [sflag:$0x5] =	stream.indirect.gather [hbm4b:s1+s21], $0x40, s4, s21, $0xb8;
	[tilespmem:$0x1E000] =	vst v63  }
0x80: {  	_ =	swait.ge [sflag:s19], $0x2000  }
0x81: {  	[sflag:s19] =	ssyncset.done $0x0  }
0x82: {  	s6 =	simm.s32 $0xF000;
	[sflag:s19] =	ssyncadd.s32 $0xFFFFE000  }
0x83: {  	[spmem:s3] =	stream.indirect.scatter.add.f32 [tilespmem:s22], [sflag:$0x6], $0x40, s6, s21, $0xb8;
	[tilespmem:$0x1E000] =	vst v63  }
0x84: {  	_ =	swait.ge [sflag:s2], $0x2000  }
0x85: {  	[sflag:s2] =	ssyncset.done $0x0  }
0x86: {  	s18 =	simm.s32 $0xA280;
	[sflag:s2] =	ssyncadd.s32 $0xFFFFE000  }
0x87: {  	[tilespmem:s22], [sflag:$0x1] =	stream.indirect.gather [hbm4b:s1+s21], $0x40, s18, s21, $0xb8;
	[tilespmem:$0x1E000] =	vst v63  }
0x88: {  	_ =	swait.ge [sflag:s20], $0x2000  }
0x89: {  	[sflag:s20] =	ssyncset.done $0x0  }
0x8a: {  	s23 =	simm.s32 $0xF080;
	[sflag:s20] =	ssyncadd.s32 $0xFFFFE000  }
0x8b: {  	[spmem:s3] =	stream.indirect.scatter.add.f32 [tilespmem:s24], [sflag:$0x6], $0x40, s23, s21, $0xb8;
	[tilespmem:$0x1E000] =	vst v63  }
0x8c: {  	_ =	swait.ge [sflag:s2], $0x2000  }
0x8d: {  	[sflag:s2] =	ssyncset.done $0x0  }
0x8e: {  	s6 =	simm.s32 $0xA300;
	[sflag:s2] =	ssyncadd.s32 $0xFFFFE000  }
0x8f: {  	[tilespmem:s24], [sflag:$0x2] =	stream.indirect.gather [hbm4b:s1+s21], $0x40, s6, s21, $0xb8;
	[tilespmem:$0x1E000] =	vst v63  }
0x90: {  	_ =	swait.ge [sflag:s7], $0x2000  }
0x91: {  	[sflag:s7] =	ssyncset.done $0x0  }
0x92: {  	s18 =	simm.s32 $0xF100;
	[sflag:s7] =	ssyncadd.s32 $0xFFFFE000  }
0x93: {  	[spmem:s3] =	stream.indirect.scatter.add.f32 [tilespmem:s28], [sflag:$0x6], $0x40, s18, s21, $0xb8;
	[tilespmem:$0x1E000] =	vst v63  }
0x94: {  	_ =	swait.ge [sflag:s2], $0x2000  }
0x95: {  	[sflag:s2] =	ssyncset.done $0x0  }
0x96: {  	s23 =	simm.s32 $0xA380;
	[sflag:s2] =	ssyncadd.s32 $0xFFFFE000  }
0x97: {  	[tilespmem:s28], [sflag:$0x3] =	stream.indirect.gather [hbm4b:s1+s21], $0x40, s23, s21, $0xb8;
	[tilespmem:$0x1E000] =	vst v63  }
0x98: {  	_ =	swait.ge [sflag:s8], $0x2000  }
0x99: {  	[sflag:s8] =	ssyncset.done $0x0  }
0x9a: {  	s6 =	simm.s32 $0xF180;
	[sflag:s8] =	ssyncadd.s32 $0xFFFFE000  }
0x9b: {  	[spmem:s3] =	stream.indirect.scatter.add.f32 [tilespmem:s30], [sflag:$0x6], $0x40, s6, s21, $0xb8;
	[tilespmem:$0x1E000] =	vst v63  }
0x9c: {  	_ =	swait.ge [sflag:s2], $0x2000  }
0x9d: {  	[sflag:s2] =	ssyncset.done $0x0  }
0x9e: {  	s18 =	simm.s32 $0xA400;
	[sflag:s2] =	ssyncadd.s32 $0xFFFFE000  }
0x9f: {  	[tilespmem:s30], [sflag:$0x4] =	stream.indirect.gather [hbm4b:s1+s21], $0x40, s18, s21, $0xb8;
	[tilespmem:$0x1E000] =	vst v63  }
0xa0: {  	_ =	swait.ge [sflag:s31], $0x2000  }
0xa1: {  	[sflag:s31] =	ssyncset.done $0x0  }
0xa2: {  	s23 =	simm.s32 $0xF200;
	[sflag:s31] =	ssyncadd.s32 $0xFFFFE000  }
0xa3: {  	[spmem:s3] =	stream.indirect.scatter.add.f32 [tilespmem:s0], [sflag:$0x6], $0x40, s23, s21, $0xb8;
	[tilespmem:$0x1E000] =	vst v63  }
0xa4: {  	_ =	swait.ge [sflag:s2], $0x2000  }
0xa5: {  	s29 =	simm.s32 $0x280;
	s18 =	simm.s32 $0x1400;
	[sflag:s2] =	ssyncset.done $0x0  }
.LBB2_3:
0xa6: {  	s6 =	sadd.s32 $0xA200, s29  }
0xa7: {  	[sflag:s2] =	ssyncadd.s32 $0xFFFFE000;
	s23 =	smov.u32 s18;
	s4 =	sadd.s32 $0xA00, s18  }
0xa8: {  	[tilespmem:s0], [sflag:$0x5] =	stream.indirect.gather [hbm4b:s1+s21], $0x40, s6, s21, $0xb8;
	[tilespmem:$0x1E000] =	vst v63  }
0xa9: {  	p1 =	seq.s32 s18, $0x12C00;
	_ =	swait.ge [sflag:s19], $0x2000  }
0xaa: {  	[sflag:s19] =	ssyncset.done $0x0  }
0xab: {  	s6 =	sadd.s32 $0xF000, s29;
	[sflag:s19] =	ssyncadd.s32 $0xFFFFE000  }
0xac: {  	[spmem:s3] =	stream.indirect.scatter.add.f32 [tilespmem:s22], [sflag:$0x6], $0x40, s6, s21, $0xb8;
	[tilespmem:$0x1E000] =	vst v63  }
0xad: {  	_ =	swait.ge [sflag:s2], $0x2000  }
0xae: {  	[sflag:s2] =	ssyncset.done $0x0  }
0xaf: {  	s6 =	sadd.s32 $0xA280, s29;
	[sflag:s2] =	ssyncadd.s32 $0xFFFFE000  }
0xb0: {  	[tilespmem:s22], [sflag:$0x1] =	stream.indirect.gather [hbm4b:s1+s21], $0x40, s6, s21, $0xb8;
	[tilespmem:$0x1E000] =	vst v63  }
0xb1: {  	_ =	swait.ge [sflag:s20], $0x2000  }
0xb2: {  	[sflag:s20] =	ssyncset.done $0x0  }
0xb3: {  	s6 =	sadd.s32 $0xF080, s29;
	[sflag:s20] =	ssyncadd.s32 $0xFFFFE000  }
0xb4: {  	[spmem:s3] =	stream.indirect.scatter.add.f32 [tilespmem:s24], [sflag:$0x6], $0x40, s6, s21, $0xb8;
	[tilespmem:$0x1E000] =	vst v63  }
0xb5: {  	_ =	swait.ge [sflag:s2], $0x2000  }
0xb6: {  	[sflag:s2] =	ssyncset.done $0x0  }
0xb7: {  	s6 =	sadd.s32 $0xA300, s29;
	[sflag:s2] =	ssyncadd.s32 $0xFFFFE000  }
0xb8: {  	[tilespmem:s24], [sflag:$0x2] =	stream.indirect.gather [hbm4b:s1+s21], $0x40, s6, s21, $0xb8;
	[tilespmem:$0x1E000] =	vst v63  }
0xb9: {  	_ =	swait.ge [sflag:s7], $0x2000  }
0xba: {  	[sflag:s7] =	ssyncset.done $0x0  }
0xbb: {  	s6 =	sadd.s32 $0xF100, s29;
	[sflag:s7] =	ssyncadd.s32 $0xFFFFE000  }
0xbc: {  	[spmem:s3] =	stream.indirect.scatter.add.f32 [tilespmem:s28], [sflag:$0x6], $0x40, s6, s21, $0xb8;
	[tilespmem:$0x1E000] =	vst v63  }
0xbd: {  	_ =	swait.ge [sflag:s2], $0x2000  }
0xbe: {  	[sflag:s2] =	ssyncset.done $0x0  }
0xbf: {  	s6 =	sadd.s32 $0xA380, s29;
	[sflag:s2] =	ssyncadd.s32 $0xFFFFE000  }
0xc0: {  	[tilespmem:s28], [sflag:$0x3] =	stream.indirect.gather [hbm4b:s1+s21], $0x40, s6, s21, $0xb8;
	[tilespmem:$0x1E000] =	vst v63  }
0xc1: {  	_ =	swait.ge [sflag:s8], $0x2000  }
0xc2: {  	[sflag:s8] =	ssyncset.done $0x0  }
0xc3: {  	s6 =	sadd.s32 $0xF180, s29;
	[sflag:s8] =	ssyncadd.s32 $0xFFFFE000  }
0xc4: {  	[spmem:s3] =	stream.indirect.scatter.add.f32 [tilespmem:s30], [sflag:$0x6], $0x40, s6, s21, $0xb8;
	[tilespmem:$0x1E000] =	vst v63  }
0xc5: {  	_ =	swait.ge [sflag:s2], $0x2000  }
0xc6: {  	[sflag:s2] =	ssyncset.done $0x0  }
0xc7: {  	s6 =	sadd.s32 $0xA400, s29;
	[sflag:s2] =	ssyncadd.s32 $0xFFFFE000  }
0xc8: {  	[tilespmem:s30], [sflag:$0x4] =	stream.indirect.gather [hbm4b:s1+s21], $0x40, s6, s21, $0xb8;
	[tilespmem:$0x1E000] =	vst v63  }
0xc9: {  	_ =	swait.ge [sflag:s31], $0x2000  }
.Ltmp3:
0xca: {  	[sflag:s31] =	ssyncset.done $0x0;
	(pc) =	sbr.rel @!p1 .LBB2_3-.Ltmp3, $4  }
0xcb: {  	s6 =	sadd.s32 $0xF200, s29;
	[sflag:s31] =	ssyncadd.s32 $0xFFFFE000  }
0xcc: {  	[spmem:s3] =	stream.indirect.scatter.add.f32 [tilespmem:s0], [sflag:$0x6], $0x40, s6, s21, $0xb8;
	[tilespmem:$0x1E000] =	vst v63  }
0xcd: {  	_ =	swait.ge [sflag:s2], $0x2000  }
0xce: {  	s18 =	smov.u32 s4;
	s29 =	sshra.s32 s23, $0x2;
	[sflag:s2] =	ssyncset.done $0x0  }
0xcf: {  	s4 =	sadd.s32 $0xA200, s29;
	[sflag:s2] =	ssyncadd.s32 $0xFFFFE000  }
0xd0: {  	[tilespmem:s0], [sflag:$0x5] =	stream.indirect.gather [hbm4b:s1+s21], $0x40, s4, s21, $0xb8;
	[tilespmem:$0x1E000] =	vst v63  }
0xd1: {  	_ =	swait.ge [sflag:s19], $0x2000  }
0xd2: {  	[sflag:s19] =	ssyncset.done $0x0  }
0xd3: {  	s18 =	sadd.s32 $0xF000, s29;
	[sflag:s19] =	ssyncadd.s32 $0xFFFFE000  }
0xd4: {  	[spmem:s3] =	stream.indirect.scatter.add.f32 [tilespmem:s22], [sflag:$0x6], $0x40, s18, s21, $0xb8;
	[tilespmem:$0x1E000] =	vst v63  }
0xd5: {  	_ =	swait.ge [sflag:s2], $0x2000  }
0xd6: {  	[sflag:s2] =	ssyncset.done $0x0  }
0xd7: {  	s23 =	sadd.s32 $0xA280, s29;
	[sflag:s2] =	ssyncadd.s32 $0xFFFFE000  }
0xd8: {  	[tilespmem:s22], [sflag:$0x1] =	stream.indirect.gather [hbm4b:s1+s21], $0x40, s23, s21, $0xb8;
	[tilespmem:$0x1E000] =	vst v63  }
0xd9: {  	_ =	swait.ge [sflag:s20], $0x2000  }
0xda: {  	[sflag:s20] =	ssyncset.done $0x0  }
0xdb: {  	s6 =	sadd.s32 $0xF080, s29;
	[sflag:s20] =	ssyncadd.s32 $0xFFFFE000  }
0xdc: {  	[spmem:s3] =	stream.indirect.scatter.add.f32 [tilespmem:s24], [sflag:$0x6], $0x40, s6, s21, $0xb8;
	[tilespmem:$0x1E000] =	vst v63  }
0xdd: {  	_ =	swait.ge [sflag:s2], $0x2000  }
0xde: {  	[sflag:s2] =	ssyncset.done $0x0  }
0xdf: {  	s18 =	sadd.s32 $0xA300, s29;
	[sflag:s2] =	ssyncadd.s32 $0xFFFFE000  }
0xe0: {  	[tilespmem:s24], [sflag:$0x2] =	stream.indirect.gather [hbm4b:s1+s21], $0x40, s18, s21, $0xb8;
	[tilespmem:$0x1E000] =	vst v63  }
0xe1: {  	_ =	swait.ge [sflag:s7], $0x2000  }
0xe2: {  	[sflag:s7] =	ssyncset.done $0x0  }
0xe3: {  	s23 =	sadd.s32 $0xF100, s29;
	[sflag:s7] =	ssyncadd.s32 $0xFFFFE000  }
0xe4: {  	[spmem:s3] =	stream.indirect.scatter.add.f32 [tilespmem:s28], [sflag:$0x6], $0x40, s23, s21, $0xb8;
	[tilespmem:$0x1E000] =	vst v63  }
0xe5: {  	_ =	swait.ge [sflag:s2], $0x2000  }
0xe6: {  	[sflag:s2] =	ssyncset.done $0x0  }
0xe7: {  	s6 =	sadd.s32 $0xA380, s29;
	[sflag:s2] =	ssyncadd.s32 $0xFFFFE000  }
0xe8: {  	[tilespmem:s28], [sflag:$0x3] =	stream.indirect.gather [hbm4b:s1+s21], $0x40, s6, s21, $0xb8;
	[tilespmem:$0x1E000] =	vst v63  }
0xe9: {  	_ =	swait.ge [sflag:s8], $0x2000  }
0xea: {  	[sflag:s8] =	ssyncset.done $0x0  }
0xeb: {  	s18 =	sadd.s32 $0xF180, s29;
	[sflag:s8] =	ssyncadd.s32 $0xFFFFE000  }
0xec: {  	[spmem:s3] =	stream.indirect.scatter.add.f32 [tilespmem:s30], [sflag:$0x6], $0x40, s18, s21, $0xb8;
	[tilespmem:$0x1E000] =	vst v63  }
0xed: {  	_ =	swait.ge [sflag:s2], $0x2000  }
0xee: {  	[sflag:s2] =	ssyncset.done $0x0  }
0xef: {  	s23 =	sadd.s32 $0xA400, s29;
	[sflag:s2] =	ssyncadd.s32 $0xFFFFE000  }
0xf0: {  	[tilespmem:s30], [sflag:$0x4] =	stream.indirect.gather [hbm4b:s1+s21], $0x40, s23, s21, $0xb8;
	[tilespmem:$0x1E000] =	vst v63  }
0xf1: {  	_ =	swait.ge [sflag:s31], $0x2000  }
0xf2: {  	[sflag:s31] =	ssyncset.done $0x0  }
.Ltmp4:
0xf3: {  	s29 =	sadd.s32 $0xF200, s29;
	[sflag:s31] =	ssyncadd.s32 $0xFFFFE000;
	(pc) =	sbr.rel .LBB2_8-.Ltmp4, $4  }
0xf4: {  	[spmem:s3] =	stream.indirect.scatter.add.f32 [tilespmem:s0], [sflag:$0x6], $0x40, s29, s21, $0xb8;
	[tilespmem:$0x1E000] =	vst v63  }
0xf5: {  	_ =	swait.ge [sflag:s2], $0x2000  }
0xf6: {  	[sflag:s2] =	ssyncset.done $0x0  }
0xf7: {  	s4 =	smov.u32 s1;
	s18 =	rddreg [dreg:$0x5];
	[sflag:s2] =	ssyncadd.s32 $0xFFFFE000  }
.LBB2_5:
0xf8: {  	[tilespmem:s0], [sflag:$0x5] =	stream.indirect.gather [hbm4b:s5+s21], $0x40, s4, s21, $0xb8;
	[tilespmem:$0x1E000] =	vst v63  }
0xf9: {  	_ =	swait.ge [sflag:s19], $0x2000  }
0xfa: {  	[sflag:s19] =	ssyncset.done $0x0  }
0xfb: {  	s6 =	simm.s32 $0xF000;
	[sflag:s19] =	ssyncadd.s32 $0xFFFFE000  }
0xfc: {  	[spmem:s3] =	stream.indirect.scatter.add.f32 [tilespmem:s22], [sflag:$0x6], $0x40, s6, s21, $0xb8;
	[tilespmem:$0x1E000] =	vst v63  }
0xfd: {  	_ =	swait.ge [sflag:s2], $0x2000  }
0xfe: {  	[sflag:s2] =	ssyncset.done $0x0  }
0xff: {  	s18 =	simm.s32 $0xA280;
	[sflag:s2] =	ssyncadd.s32 $0xFFFFE000  }
0x100: {  	[tilespmem:s22], [sflag:$0x1] =	stream.indirect.gather [hbm4b:s5+s21], $0x40, s18, s21, $0xb8;
	[tilespmem:$0x1E000] =	vst v63  }
0x101: {  	_ =	swait.ge [sflag:s20], $0x2000  }
0x102: {  	[sflag:s20] =	ssyncset.done $0x0  }
0x103: {  	s23 =	simm.s32 $0xF080;
	[sflag:s20] =	ssyncadd.s32 $0xFFFFE000  }
0x104: {  	[spmem:s3] =	stream.indirect.scatter.add.f32 [tilespmem:s24], [sflag:$0x6], $0x40, s23, s21, $0xb8;
	[tilespmem:$0x1E000] =	vst v63  }
0x105: {  	_ =	swait.ge [sflag:s2], $0x2000  }
0x106: {  	[sflag:s2] =	ssyncset.done $0x0  }
0x107: {  	s6 =	simm.s32 $0xA300;
	[sflag:s2] =	ssyncadd.s32 $0xFFFFE000  }
0x108: {  	[tilespmem:s24], [sflag:$0x2] =	stream.indirect.gather [hbm4b:s5+s21], $0x40, s6, s21, $0xb8;
	[tilespmem:$0x1E000] =	vst v63  }
0x109: {  	_ =	swait.ge [sflag:s7], $0x2000  }
0x10a: {  	[sflag:s7] =	ssyncset.done $0x0  }
0x10b: {  	s18 =	simm.s32 $0xF100;
	[sflag:s7] =	ssyncadd.s32 $0xFFFFE000  }
0x10c: {  	[spmem:s3] =	stream.indirect.scatter.add.f32 [tilespmem:s28], [sflag:$0x6], $0x40, s18, s21, $0xb8;
	[tilespmem:$0x1E000] =	vst v63  }
0x10d: {  	_ =	swait.ge [sflag:s2], $0x2000  }
0x10e: {  	[sflag:s2] =	ssyncset.done $0x0  }
0x10f: {  	s23 =	simm.s32 $0xA380;
	[sflag:s2] =	ssyncadd.s32 $0xFFFFE000  }
0x110: {  	[tilespmem:s28], [sflag:$0x3] =	stream.indirect.gather [hbm4b:s5+s21], $0x40, s23, s21, $0xb8;
	[tilespmem:$0x1E000] =	vst v63  }
0x111: {  	_ =	swait.ge [sflag:s8], $0x2000  }
0x112: {  	[sflag:s8] =	ssyncset.done $0x0  }
0x113: {  	s6 =	simm.s32 $0xF180;
	[sflag:s8] =	ssyncadd.s32 $0xFFFFE000  }
0x114: {  	[spmem:s3] =	stream.indirect.scatter.add.f32 [tilespmem:s30], [sflag:$0x6], $0x40, s6, s21, $0xb8;
	[tilespmem:$0x1E000] =	vst v63  }
0x115: {  	_ =	swait.ge [sflag:s2], $0x2000  }
0x116: {  	[sflag:s2] =	ssyncset.done $0x0  }
0x117: {  	s18 =	simm.s32 $0xA400;
	[sflag:s2] =	ssyncadd.s32 $0xFFFFE000  }
0x118: {  	[tilespmem:s30], [sflag:$0x4] =	stream.indirect.gather [hbm4b:s5+s21], $0x40, s18, s21, $0xb8;
	[tilespmem:$0x1E000] =	vst v63  }
0x119: {  	_ =	swait.ge [sflag:s31], $0x2000  }
0x11a: {  	[sflag:s31] =	ssyncset.done $0x0  }
0x11b: {  	s23 =	simm.s32 $0xF200;
	[sflag:s31] =	ssyncadd.s32 $0xFFFFE000  }
0x11c: {  	[spmem:s3] =	stream.indirect.scatter.add.f32 [tilespmem:s0], [sflag:$0x6], $0x40, s23, s21, $0xb8;
	[tilespmem:$0x1E000] =	vst v63  }
0x11d: {  	_ =	swait.ge [sflag:s2], $0x2000  }
0x11e: {  	s4 =	simm.s32 $0x1400;
	s29 =	simm.s32 $0x280;
	[sflag:s2] =	ssyncset.done $0x0  }
.LBB2_6:
0x11f: {  	s6 =	sadd.s32 $0xA200, s29  }
0x120: {  	[sflag:s2] =	ssyncadd.s32 $0xFFFFE000;
	s23 =	smov.u32 s4;
	s18 =	sadd.s32 $0xA00, s4  }
0x121: {  	[tilespmem:s0], [sflag:$0x5] =	stream.indirect.gather [hbm4b:s5+s21], $0x40, s6, s21, $0xb8;
	[tilespmem:$0x1E000] =	vst v63  }
0x122: {  	p1 =	sne.s32 s4, $0x12C00;
	_ =	swait.ge [sflag:s19], $0x2000  }
0x123: {  	[sflag:s19] =	ssyncset.done $0x0  }
0x124: {  	s4 =	sadd.s32 $0xF000, s29;
	[sflag:s19] =	ssyncadd.s32 $0xFFFFE000  }
0x125: {  	[spmem:s3] =	stream.indirect.scatter.add.f32 [tilespmem:s22], [sflag:$0x6], $0x40, s4, s21, $0xb8;
	[tilespmem:$0x1E000] =	vst v63  }
0x126: {  	_ =	swait.ge [sflag:s2], $0x2000  }
0x127: {  	[sflag:s2] =	ssyncset.done $0x0  }
0x128: {  	s4 =	sadd.s32 $0xA280, s29;
	[sflag:s2] =	ssyncadd.s32 $0xFFFFE000  }
0x129: {  	[tilespmem:s22], [sflag:$0x1] =	stream.indirect.gather [hbm4b:s5+s21], $0x40, s4, s21, $0xb8;
	[tilespmem:$0x1E000] =	vst v63  }
0x12a: {  	_ =	swait.ge [sflag:s20], $0x2000  }
0x12b: {  	[sflag:s20] =	ssyncset.done $0x0  }
0x12c: {  	s4 =	sadd.s32 $0xF080, s29;
	[sflag:s20] =	ssyncadd.s32 $0xFFFFE000  }
0x12d: {  	[spmem:s3] =	stream.indirect.scatter.add.f32 [tilespmem:s24], [sflag:$0x6], $0x40, s4, s21, $0xb8;
	[tilespmem:$0x1E000] =	vst v63  }
0x12e: {  	_ =	swait.ge [sflag:s2], $0x2000  }
0x12f: {  	[sflag:s2] =	ssyncset.done $0x0  }
0x130: {  	s4 =	sadd.s32 $0xA300, s29;
	[sflag:s2] =	ssyncadd.s32 $0xFFFFE000  }
0x131: {  	[tilespmem:s24], [sflag:$0x2] =	stream.indirect.gather [hbm4b:s5+s21], $0x40, s4, s21, $0xb8;
	[tilespmem:$0x1E000] =	vst v63  }
0x132: {  	_ =	swait.ge [sflag:s7], $0x2000  }
0x133: {  	[sflag:s7] =	ssyncset.done $0x0  }
0x134: {  	s4 =	sadd.s32 $0xF100, s29;
	[sflag:s7] =	ssyncadd.s32 $0xFFFFE000  }
0x135: {  	[spmem:s3] =	stream.indirect.scatter.add.f32 [tilespmem:s28], [sflag:$0x6], $0x40, s4, s21, $0xb8;
	[tilespmem:$0x1E000] =	vst v63  }
0x136: {  	_ =	swait.ge [sflag:s2], $0x2000  }
0x137: {  	[sflag:s2] =	ssyncset.done $0x0  }
0x138: {  	s4 =	sadd.s32 $0xA380, s29;
	[sflag:s2] =	ssyncadd.s32 $0xFFFFE000  }
0x139: {  	[tilespmem:s28], [sflag:$0x3] =	stream.indirect.gather [hbm4b:s5+s21], $0x40, s4, s21, $0xb8;
	[tilespmem:$0x1E000] =	vst v63  }
0x13a: {  	_ =	swait.ge [sflag:s8], $0x2000  }
0x13b: {  	[sflag:s8] =	ssyncset.done $0x0  }
0x13c: {  	s4 =	sadd.s32 $0xF180, s29;
	[sflag:s8] =	ssyncadd.s32 $0xFFFFE000  }
0x13d: {  	[spmem:s3] =	stream.indirect.scatter.add.f32 [tilespmem:s30], [sflag:$0x6], $0x40, s4, s21, $0xb8;
	[tilespmem:$0x1E000] =	vst v63  }
0x13e: {  	_ =	swait.ge [sflag:s2], $0x2000  }
0x13f: {  	[sflag:s2] =	ssyncset.done $0x0  }
0x140: {  	s4 =	sadd.s32 $0xA400, s29;
	[sflag:s2] =	ssyncadd.s32 $0xFFFFE000  }
0x141: {  	[tilespmem:s30], [sflag:$0x4] =	stream.indirect.gather [hbm4b:s5+s21], $0x40, s4, s21, $0xb8;
	[tilespmem:$0x1E000] =	vst v63  }
0x142: {  	_ =	swait.ge [sflag:s31], $0x2000  }
.Ltmp5:
0x143: {  	[sflag:s31] =	ssyncset.done $0x0;
	(pc) =	sbr.rel @p1 .LBB2_6-.Ltmp5, $4  }
0x144: {  	s4 =	sadd.s32 $0xF200, s29;
	[sflag:s31] =	ssyncadd.s32 $0xFFFFE000  }
0x145: {  	[spmem:s3] =	stream.indirect.scatter.add.f32 [tilespmem:s0], [sflag:$0x6], $0x40, s4, s21, $0xb8;
	[tilespmem:$0x1E000] =	vst v63  }
0x146: {  	_ =	swait.ge [sflag:s2], $0x2000  }
0x147: {  	s29 =	sshra.s32 s23, $0x2;
	s4 =	smov.u32 s18;
	[sflag:s2] =	ssyncset.done $0x0  }
.Ltmp6:
0x148: {  	_ = 	snop;
	(pc) =	sbr.rel .LBB2_7-.Ltmp6, $1  }
0x149: {  	_ =	sdelay $0x3  }
.LBB2_9:
0x14a: {  	_ =	sfence.sel $0x180000  }
0x14b: {  	[bflag:$0x0] =	sbarrier.arrive $0xFFFF  }
0x14c: {  	_ =	strace $0x9000004A  }
0x14d: {  	s0 =	stileid.u32;
	[bflag:$0x2] =	sbarrier.arrive $0xFFFF  }
0x14e: {  	p0 =	sne.s32 s0, $0x0;
	s0 =	rddreg [dreg:$0x3]  }
0x14f: {  	s0 =	sadd.s32 @!p0 $0x100000, s0  }
0x150: {  	[sflag:s0] =	ssyncadd.tile.s32 @!p0 $0x1;
	_ =	shalt  }
.Lfunc_end2:
_tile_overlayer_lowered:
.L_overlay_start_2:
0x151: {  	(tag) =	ssettag $0x2  }
0x152: {  	s0 =	rddreg [dreg:$0x0];
	s2 =	stileid.u32  }
0x153: {  	s1 =	rddreg [dreg:$0x1];
	p0 =	sne.s32 s2, $0x0  }
0x154: {  	s3 =	rddreg [dreg:$0x2];
	[bflag:$0x3] =	sbarrier.arrive $0xFFFF;
	s2 =	simm.s32 @!p0 $0x1C06  }
0x155: {  	[timem:s3], [sflag:s2] =	dma.local @!p0 [hbm:s0], s1  }
0x156: {  	s0 =	simm.s32 @!p0 $0x6  }
0x157: {  	_ =	swait.ge @!p0 [sflag:s0], s1  }
0x158: {  	s1 =	ssub.s32 @!p0 $0x0, s1;
	[sflag:s0] =	ssyncset.done @!p0 $0x0  }
0x159: {  	[sflag:s0] =	ssyncadd.s32 @!p0 s1  }
0x15a: {  	[bflag:$0x3] =	sbarrier.arrive $0xFFFF  }
0x15b: {  	_ =	shalt  }

// kernel: kernel.7.cloned.1.call-start
scs
__scs_entry_jumppad:
0x0: {  	(pc) =	sbr.rel $0x88, $3  }
0x1: {  	(tag) =	ssettag $0x0;
	lr =	simm.s32 $0x1  }
0x2: {  	[smem:$0x3F8F] =	sst lr;
	_ =	strace $0xD0000000  }
0x3: {  	_ = 	snop  }
0x4: {  	_ = 	snop  }
0x5: {  	_ = 	snop  }
0x6: {  	_ = 	snop  }
0x7: {  	_ = 	snop  }
__scs_overlays_trampoline_lowered:
0x8: {  	[smem:$0x3F9E] =	sst s0  }
0x9: {  	[smem:$0x3F9F] =	sst s1  }
0xa: {  	[smem:$0x3FA0] =	sst s2  }
0xb: {  	[smem:$0x3FA1] =	sst s3  }
0xc: {  	[smem:$0x3FA2] =	sst s4  }
0xd: {  	[smem:$0x3FA3] =	sst s5  }
0xe: {  	[smem:$0x3FA4] =	sst s6  }
0xf: {  	[smem:$0x3FA5] =	sst s7  }
0x10: {  	[smem:$0x3FA6] =	sst s8  }
0x11: {  	[smem:$0x3FA7] =	sst s9;
	s0 =	simm.s32 @!p0 $0x0  }
0x12: {  	s1 =	sld [smem:$0x3F8D];
	s0 =	simm.s32 @p0 $0x1  }
0x13: {  	[smem:$0x3FA8] =	sst s0;
	s0 =	simm.s32 @!p1 $0x0  }
0x14: {  	s2 =	sld [smem:$0x3F8C];
	s0 =	simm.s32 @p1 $0x1  }
0x15: {  	[smem:$0x3FA9] =	sst s0;
	s0 =	simm.s32 @!p2 $0x0  }
0x16: {  	s3 =	sld [smem:$0x3FDB];
	s0 =	simm.s32 @p2 $0x1  }
0x17: {  	s4 =	simm.s32 $0x1BF5;
	[smem:$0x3FAB] =	sst s0  }
0x18: {  	s0 =	sld [smem:$0x3F8E];
	_ =	swait.ge [sflag:s4], $0x0  }
0x19: {  	s7 =	sld [smem:$0x3F8F]  }
0x1a: {  	s8 =	sadd.s32 $0xFFFFE003, lr  }
0x1b: {  	s9 =	sadd.s32 $0xFFFFFEF7, lr;
	s5 =	simm.s32 $0xFFFFFFFF;
	p2 =	slt.u32 s8, $0xFFFFF086  }
0x1c: {  	p1 =	slt.u32 s9, $0xF7A;
	s5 =	simm.s32 @!p2 $0x0  }
0x1d: {  	s5 =	simm.s32 @p1 $0x1;
	p0 =	seq.s32 s7, s2  }
0x1e: {  	s7 =	smul.u32 @!p0 $0xF7A, s2;
	p2 =	seq.s32 @!p0 s5, $0x0  }
0x1f: {  	s9 =	smul.u32 $0xF7A, s1;
	s8 =	simm.s32 @!p0 $0x1BF5;
	p2 =	por !p2, p0  }
0x20: {  	[sflag:s8] =	ssyncset.s32 @!p0 $0xFFFFF086;
	s6 =	sadd.s32 @!p0 s3, s7;
	s7 =	simm.s32 @!p0 $0x108  }
0x21: {  	s3 =	sadd.s32 s3, s9;
	s6 =	sadd.s32 @!p0 $0x88, s6;
	s7 =	simm.s32 @p2 $0x1082  }
0x22: {  	[simem:s7], [sflag:s8] =	dma.local @!p0 [hbm:s6], $0xF7A  }
0x23: {  	s9 =	sor.u32 $0xD0000000, s2;
	s6 =	simm.s32 $0x108;
	_ =	swait.ge @!p0 [sflag:s8], $0x0  }
0x24: {  	s3 =	sadd.s32 $0x88, s3;
	s6 =	simm.s32 @!p1 $0x1082;
	[sflag:s4] =	ssyncset.s32 $0xFFFFF086  }
0x25: {  	[simem:s6], [sflag:s4] =	dma.local [hbm:s3], $0xF7A  }
0x26: {  	[smem:$0x3F8F] =	sst s1;
	(tag) =	ssettag s2;
	_ =	strace s9  }
0x27: {  	s1 =	sld [smem:$0x3F9F]  }
0x28: {  	s2 =	sld [smem:$0x3FA0]  }
0x29: {  	s4 =	sld [smem:$0x3FA2]  }
0x2a: {  	p0 =	seq.s32 s5, $0x0;
	s5 =	sld [smem:$0x3FA3]  }
0x2b: {  	s6 =	sld [smem:$0x3FA4]  }
0x2c: {  	s7 =	sld [smem:$0x3FA5]  }
0x2d: {  	s3 =	simm.s32 $0x108;
	s8 =	sld [smem:$0x3FA6]  }
0x2e: {  	s3 =	simm.s32 @!p0 $0x1082;
	s9 =	sld [smem:$0x3FA7]  }
0x2f: {  	lr =	sadd.s32 s0, s3;
	s0 =	sld [smem:$0x3F9E]  }
0x30: {  	s3 =	sld [smem:$0x3FA1]  }
0x31: {  	[smem:$0x3FAA] =	sst s10  }
0x32: {  	s10 =	sld [smem:$0x3FA8];
	_ =	sdelay $0x3  }
0x33: {  	p0 =	seq.s32 s10, $0x1;
	s10 =	sld [smem:$0x3FAA];
	_ =	sdelay $0x3  }
0x34: {  	[smem:$0x3FAA] =	sst s10  }
0x35: {  	s10 =	sld [smem:$0x3FA9];
	_ =	sdelay $0x3  }
0x36: {  	p1 =	seq.s32 s10, $0x1;
	s10 =	sld [smem:$0x3FAA];
	_ =	sdelay $0x3  }
0x37: {  	[smem:$0x3FAA] =	sst s10  }
0x38: {  	s10 =	sld [smem:$0x3FAB]  }
0x39: {  	_ = 	snop;
	(pc) =	sbr.ind lr, $3  }
0x3a: {  	_ = 	snop  }
0x3b: {  	_ = 	snop  }
0x3c: {  	p2 =	seq.s32 s10, $0x1;
	s10 =	sld [smem:$0x3FAA]  }
0x3d: {  	_ =	shalt  }
0x3e: {  	_ =	shalt  }
0x3f: {  	_ =	shalt  }
0x40: {  	_ =	shalt  }
0x41: {  	_ =	shalt  }
0x42: {  	_ =	shalt  }
0x43: {  	_ =	shalt  }
0x44: {  	_ =	shalt  }
0x45: {  	_ =	shalt  }
0x46: {  	_ =	shalt  }
0x47: {  	_ =	shalt  }
0x48: {  	_ =	shalt  }
0x49: {  	_ =	shalt  }
0x4a: {  	_ =	shalt  }
0x4b: {  	_ =	shalt  }
0x4c: {  	_ =	shalt  }
0x4d: {  	_ =	shalt  }
0x4e: {  	_ =	shalt  }
0x4f: {  	_ =	shalt  }
0x50: {  	_ =	shalt  }
0x51: {  	_ =	shalt  }
0x52: {  	_ =	shalt  }
0x53: {  	_ =	shalt  }
0x54: {  	_ =	shalt  }
0x55: {  	_ =	shalt  }
0x56: {  	_ =	shalt  }
0x57: {  	_ =	shalt  }
0x58: {  	_ =	shalt  }
0x59: {  	_ =	shalt  }
0x5a: {  	_ =	shalt  }
0x5b: {  	_ =	shalt  }
0x5c: {  	_ =	shalt  }
0x5d: {  	_ =	shalt  }
0x5e: {  	_ =	shalt  }
0x5f: {  	_ =	shalt  }
0x60: {  	_ =	shalt  }
0x61: {  	_ =	shalt  }
0x62: {  	_ =	shalt  }
0x63: {  	_ =	shalt  }
0x64: {  	_ =	shalt  }
0x65: {  	_ =	shalt  }
0x66: {  	_ =	shalt  }
0x67: {  	_ =	shalt  }
0x68: {  	_ =	shalt  }
0x69: {  	_ =	shalt  }
0x6a: {  	_ =	shalt  }
0x6b: {  	_ =	shalt  }
0x6c: {  	_ =	shalt  }
0x6d: {  	_ =	shalt  }
0x6e: {  	_ =	shalt  }
0x6f: {  	_ =	shalt  }
0x70: {  	_ =	shalt  }
0x71: {  	_ =	shalt  }
0x72: {  	_ =	shalt  }
0x73: {  	_ =	shalt  }
0x74: {  	_ =	shalt  }
0x75: {  	_ =	shalt  }
0x76: {  	_ =	shalt  }
0x77: {  	_ =	shalt  }
0x78: {  	_ =	shalt  }
0x79: {  	_ =	shalt  }
0x7a: {  	_ =	shalt  }
0x7b: {  	_ =	shalt  }
0x7c: {  	_ =	shalt  }
0x7d: {  	_ =	shalt  }
0x7e: {  	_ =	shalt  }
0x7f: {  	_ =	shalt  }
0x80: {  	_ =	shalt  }
0x81: {  	_ =	shalt  }
0x82: {  	_ =	shalt  }
0x83: {  	_ =	shalt  }
0x84: {  	_ =	shalt  }
0x85: {  	_ =	shalt  }
0x86: {  	_ =	shalt  }
0x87: {  	_ =	shalt  }
.Lfunc_end0:
.L_simem_size_0:
called_computation_lowered:
.L_overlay_start_0:
0x88: {  	s2 =	sld [smem:$0x3FD9]  }
0x89: {  	s3 =	sld [smem:$0x3FFE];
	_ =	sdelay $0x1  }
0x8a: {  	s1 =	srdreg.scid  }
0x8b: {  	s0 =	sand.u32 $0x1, s1  }
0x8c: {  	s17 =	sshll.u32 s0, $0xA;
	s2 =	sadd.s32 s3, s2  }
0x8d: {  	s2 =	sadd.s32 s2, s17  }
0x8e: {  	[smem:$0x3FB6] =	sst s2  }
0x8f: {  	_ = 	snop  }
0x90: {  	s2 =	sld [smem:$0x3FD0];
	(tm) =	ssettm $0x1  }
0x91: {  	s18 =	sld [smem:$0x3FFB];
	_ =	sdelay $0x3  }
0x92: {  	_ =	strace s18  }
0x93: {  	s3 =	sld [smem:$0x3FFC];
	_ =	sdelay $0x3  }
0x94: {  	_ =	strace s3  }
0x95: {  	s3 =	sld [smem:$0x3FFD];
	_ =	sdelay $0x3  }
0x96: {  	_ =	strace s3  }
0x97: {  	_ =	strace $0x8FFFFFFF  }
0x98: {  	s19 =	sld [smem:$0x3FDB];
	_ =	sdelay $0x1  }
0x99: {  	s4 =	simm.s32 $_scs_section_size  }
0x9a: {  	s5 =	simm.s32 $_size__tile_overlayer_lowered;
	s6 =	simm.s32 $_tile_overlayer_lowered  }
0x9b: {  	s22 =	simm.s32 $0x1BFF;
	s21 =	sshll.u32 s6, $0x1;
	s3 =	sadd.s32 s4, s19  }
0x9c: {  	s7 =	simm.s32 $0x0;
	s20 =	sshll.u32 s5, $0x1;
	s5 =	sadd.s32 s21, s3  }
0x9d: {  	[timem:s7], [sflag:s22] =	dma.local [hbm:s5], s20  }
0x9e: {  	_ =	swait.ge [sflag:s22], s20  }
0x9f: {  	s4 =	ssub.s32 $0x0, s20;
	[sflag:s22] =	ssyncset.done $0x0  }
0xa0: {  	[sflag:s22] =	ssyncadd.s32 s4;
	_ =	sdelay $0x1  }
0xa1: {  	s23 =	simm.s32 $0x1B8B  }
0xa2: {  	_ =	swait.ge [sflag:s23], $0x1  }
0xa3: {  	[sflag:s23] =	ssyncset.done $0x0  }
0xa4: {  	s25 =	simm.s32 $0x1B8E;
	s24 =	sld [smem:$0x3FFE];
	[sflag:s23] =	ssyncadd.s32 $0xFFFFFFFF  }
0xa5: {  	s26 =	simm.s32 $execute0_lowered;
	[smem:$0x3FD2] =	sst s25  }
0xa6: {  	s5 =	sshll.u32 s26, $0x1;
	_ =	strace $0x80000046;
	[dreg:$0x1] =	wrdreg $0xFFFFFFFF  }
0xa7: {  	s28 =	simm.s32 $_size_execute0_lowered;
	s3 =	sadd.s32 s3, s5;
	[dreg:$0x0] =	wrdreg $0x0  }
0xa8: {  	s5 =	sshll.u32 s28, $0x1;
	[dreg:$0x2] =	wrdreg s3  }
0xa9: {  	[dreg:$0x3] =	wrdreg s5  }
0xaa: {  	[dreg:$0x4] =	wrdreg $0xC0  }
0xab: {  	_ =	task [dreg:s7], $0x5FFFF  }
0xac: {  	[dreg:$0x1] =	wrdreg $0xFFFFFFFF  }
0xad: {  	[dreg:$0x0] =	wrdreg $0x60  }
0xae: {  	[dreg:$0x2] =	wrdreg s2  }
0xaf: {  	[dreg:$0x3] =	wrdreg s24  }
0xb0: {  	[dreg:$0x4] =	wrdreg $0x0  }
0xb1: {  	[dreg:$0x5] =	wrdreg $0x9  }
0xb2: {  	_ =	task.clear_ibuf [dreg:s7], $0x6FFFF;
	_ =	strace $0x90000046  }
0xb3: {  	s29 =	simm.s32 $0x9;
	_ =	strace $0x80000048  }
0xb4: {  	_ =	swait.ge [sflag:s29], $0x1  }
0xb5: {  	[sflag:s29] =	ssyncadd.s32 $0xFFFFFFFF  }
0xb6: {  	_ =	strace $0x90000048  }
0xb7: {  	_ =	sfence  }
0xb8: {  	s30 =	sld [smem:$0x0];
	_ =	sdelay $0x2  }
0xb9: {  	s31 =	sshll.u32 s1, $0xD;
	s1 =	sshrl.u32 s1, $0x2  }
0xba: {  	s3 =	sand.u32 $0x4000, s31;
	s1 =	sadd.s32 s1, s30  }
0xbb: {  	s0 =	sor.u32 s3, s0;
	s1 =	sshll.u32 s1, $0x11  }
0xbc: {  	s0 =	sor.u32 s1, s0  }
0xbd: {  	s0 =	sadd.s32 $0x8F2B, s0  }
0xbe: {  	[sflag:s0] =	ssyncadd.remote.s32 $0x1  }
0xbf: {  	_ =	sfence.sel $0xFFFF  }
0xc0: {  	[dreg:$0x0] =	wrdreg $0xFFFFFFFF;
	(pc) =	sbr.abs _section_cstart, $3  }
0xc1: {  	[dreg:$0x1] =	wrdreg $0xFFFFFFFF  }
0xc2: {  	_ =	task.clear_ibuf [dreg:s7], $0x2FFFF;
	_ =	strace $0x9FFFFFFF  }
0xc3: {  	(tm) =	ssettm $0x7FFFFFFF  }
tec
execute0_lowered:
.L_overlay_start_1:
0x0: {  	(tag) =	ssettag $0x1  }
0x1: {  	s1 =	rddreg [dreg:$0x0]  }
0x2: {  	s0 =	rddreg [dreg:$0x1]  }
0x3: {  	s3 =	rddreg [dreg:$0x2];
	s2 =	simm.s32 $0x0;
	s6 =	stileid.u32  }
0x4: {  	s4 =	srdreg.scid;
	s17 =	simm.s32 $0xA000;
	s19 =	simm.s32 $0x1  }
0x5: {  	s20 =	simm.s32 $0x2;
	s21 =	simm.s32 $0x80;
	s28 =	simm.s32 $0x18000  }
0x6: {  	s30 =	simm.s32 $0x1A000;
	s31 =	simm.s32 $0x5;
	[smem:$0x7FF] =	sst s2  }
0x7: {  	s22 =	smul.u32 $0xA00, s6;
	s5 =	sadd.s32 $0x7B000, s0;
	s4 =	sand.u32 $0x1, s4  }
0x8: {  	s7 =	sadd.s32 $0xA3000, s0;
	s8 =	smul.u32 $0x28000, s6;
	s9 =	sadd.s32 $0xB8400, s0  }
0x9: {  	s26 =	smul.u32 $0xA000, s6;
	_ =	strace $0x80000047;
	[dreg:$0x4] =	wrdreg s7  }
0xa: {  	s13 =	sshll.u32 s6, $0x6;
	s23 =	ssub.s32 $0x2, s4;
	[dreg:$0x5] =	wrdreg s9  }
0xb: {  	p0 =	seq.s32 s4, $0x0;
	s14 =	smov.u32 s5;
	s15 =	sor.u32 $0x1C05, s13  }
0xc: {  	s2 =	sadd.s32 s22, s0;
	s0 =	sadd.s32 $0xA4400, s0;
	s24 =	sshrl.u32 s23, $0x1  }
0xd: {  	s25 =	sshrl.u32 s8, $0x2;
	s29 =	sadd.s32 s26, s3;
	s10 =	sshrl.u32 s26, $0x3  }
0xe: {  	s14 =	smov.u32 @p0 s1;
	s22 =	simm.s32 $0x14000;
	s8 =	simm.s32 $0x4  }
0xf: {  	s26 =	simm.s32 $0x0;
	[dreg:$0x6] =	wrdreg s0;
	s0 =	ssub.s32 s23, s24  }
.Ltmp0:
0x10: {  	s7 =	sadd.s32 s25, s3;
	s16 =	sadd.s32 $0x8F000, s2;
	(pc) =	sbr.rel .LBB2_1-.Ltmp0, $4  }
0x11: {  	s9 =	sadd.s32 $0x99000, s2;
	s24 =	simm.s32 $0x16000;
	s25 =	sshrl.u32 s29, $0x3  }
0x12: {  	s2 =	simm.s32 $0x6;
	s11 =	smov.u32 s16;
	s12 =	smax.u32 s0, $0x1  }
0x13: {  	s0 =	simm.s32 $0x1C000;
	s11 =	smov.u32 @p0 s9;
	s9 =	smov.u32 @p0 s16  }
0x14: {  	p0 =	sne.s32 s4, $0x0;
	s16 =	sshrl.u32 s7, $0x3;
	s7 =	simm.s32 $0x3  }
.LBB2_7:
0x15: {  	s4 =	sadd.s32 $0xA200, s29;
	[sflag:s2] =	ssyncadd.s32 $0xFFFFE000  }
0x16: {  	[tilespmem:s0], [sflag:$0x5] =	stream.indirect.gather [hbm4b:s5+s21], $0x40, s4, s21, $0xb8;
	[tilespmem:$0x1E000] =	vst v63  }
0x17: {  	_ =	swait.ge [sflag:s19], $0x2000  }
0x18: {  	[sflag:s19] =	ssyncset.done $0x0  }
0x19: {  	s18 =	sadd.s32 $0xF000, s29;
	[sflag:s19] =	ssyncadd.s32 $0xFFFFE000  }
0x1a: {  	[spmem:s3] =	stream.indirect.scatter.add.f32 [tilespmem:s22], [sflag:$0x6], $0x40, s18, s21, $0xb8;
	[tilespmem:$0x1E000] =	vst v63  }
0x1b: {  	_ =	swait.ge [sflag:s2], $0x2000  }
0x1c: {  	[sflag:s2] =	ssyncset.done $0x0  }
0x1d: {  	s23 =	sadd.s32 $0xA280, s29;
	[sflag:s2] =	ssyncadd.s32 $0xFFFFE000  }
0x1e: {  	[tilespmem:s22], [sflag:$0x1] =	stream.indirect.gather [hbm4b:s5+s21], $0x40, s23, s21, $0xb8;
	[tilespmem:$0x1E000] =	vst v63  }
0x1f: {  	_ =	swait.ge [sflag:s20], $0x2000  }
0x20: {  	[sflag:s20] =	ssyncset.done $0x0  }
0x21: {  	s6 =	sadd.s32 $0xF080, s29;
	[sflag:s20] =	ssyncadd.s32 $0xFFFFE000  }
0x22: {  	[spmem:s3] =	stream.indirect.scatter.add.f32 [tilespmem:s24], [sflag:$0x6], $0x40, s6, s21, $0xb8;
	[tilespmem:$0x1E000] =	vst v63  }
0x23: {  	_ =	swait.ge [sflag:s2], $0x2000  }
0x24: {  	[sflag:s2] =	ssyncset.done $0x0  }
0x25: {  	s18 =	sadd.s32 $0xA300, s29;
	[sflag:s2] =	ssyncadd.s32 $0xFFFFE000  }
0x26: {  	[tilespmem:s24], [sflag:$0x2] =	stream.indirect.gather [hbm4b:s5+s21], $0x40, s18, s21, $0xb8;
	[tilespmem:$0x1E000] =	vst v63  }
0x27: {  	_ =	swait.ge [sflag:s7], $0x2000  }
0x28: {  	[sflag:s7] =	ssyncset.done $0x0  }
0x29: {  	s23 =	sadd.s32 $0xF100, s29;
	[sflag:s7] =	ssyncadd.s32 $0xFFFFE000  }
0x2a: {  	[spmem:s3] =	stream.indirect.scatter.add.f32 [tilespmem:s28], [sflag:$0x6], $0x40, s23, s21, $0xb8;
	[tilespmem:$0x1E000] =	vst v63  }
0x2b: {  	_ =	swait.ge [sflag:s2], $0x2000  }
0x2c: {  	[sflag:s2] =	ssyncset.done $0x0  }
0x2d: {  	s6 =	sadd.s32 $0xA380, s29;
	[sflag:s2] =	ssyncadd.s32 $0xFFFFE000  }
0x2e: {  	[tilespmem:s28], [sflag:$0x3] =	stream.indirect.gather [hbm4b:s5+s21], $0x40, s6, s21, $0xb8;
	[tilespmem:$0x1E000] =	vst v63  }
0x2f: {  	_ =	swait.ge [sflag:s8], $0x2000  }
0x30: {  	[sflag:s8] =	ssyncset.done $0x0  }
0x31: {  	s18 =	sadd.s32 $0xF180, s29;
	[sflag:s8] =	ssyncadd.s32 $0xFFFFE000  }
0x32: {  	[spmem:s3] =	stream.indirect.scatter.add.f32 [tilespmem:s30], [sflag:$0x6], $0x40, s18, s21, $0xb8;
	[tilespmem:$0x1E000] =	vst v63  }
0x33: {  	_ =	swait.ge [sflag:s2], $0x2000  }
0x34: {  	[sflag:s2] =	ssyncset.done $0x0  }
0x35: {  	s23 =	sadd.s32 $0xA400, s29;
	[sflag:s2] =	ssyncadd.s32 $0xFFFFE000  }
0x36: {  	[tilespmem:s30], [sflag:$0x4] =	stream.indirect.gather [hbm4b:s5+s21], $0x40, s23, s21, $0xb8;
	[tilespmem:$0x1E000] =	vst v63  }
0x37: {  	_ =	swait.ge [sflag:s31], $0x2000  }
0x38: {  	[sflag:s31] =	ssyncset.done $0x0  }
0x39: {  	s29 =	sadd.s32 $0xF200, s29;
	[sflag:s31] =	ssyncadd.s32 $0xFFFFE000  }
0x3a: {  	[spmem:s3] =	stream.indirect.scatter.add.f32 [tilespmem:s0], [sflag:$0x6], $0x40, s29, s21, $0xb8;
	[tilespmem:$0x1E000] =	vst v63  }
0x3b: {  	_ =	swait.ge [sflag:s2], $0x2000  }
0x3c: {  	[sflag:s2] =	ssyncset.done $0x0  }
0x3d: {  	s4 =	smov.u32 s5;
	s18 =	rddreg [dreg:$0x6];
	[sflag:s2] =	ssyncadd.s32 $0xFFFFE000  }
.LBB2_8:
0x3e: {  	s6 =	simm.s32 $0xEF80  }
0x3f: {  	[tilespmem:s0], [sflag:$0x5] =	stream.indirect.gather [hbm4b:s4+s21], $0x40, s6, s21, $0xb8;
	[tilespmem:$0x1E000] =	vst v63  }
0x40: {  	_ =	swait.ge [sflag:s19], $0x2000  }
0x41: {  	[sflag:s19] =	ssyncset.done $0x0  }
0x42: {  	s29 =	simm.s32 $0x13D80;
	[sflag:s19] =	ssyncadd.s32 $0xFFFFE000  }
0x43: {  	[spmem:s3] =	stream.indirect.scatter.add.f32 [tilespmem:s22], [sflag:$0x6], $0x40, s29, s21, $0xb8;
	[tilespmem:$0x1E000] =	vst v63  }
0x44: {  	_ =	swait.ge [sflag:s2], $0x2000  }
0x45: {  	[sflag:s2] =	ssyncset.done $0x0  }
0x46: {  	[sflag:s2] =	ssyncadd.s32 $0xFFFFE000  }
0x47: {  	_ =	swait.ge [sflag:s20], $0x2000  }
0x48: {  	[sflag:s20] =	ssyncset.done $0x0  }
0x49: {  	s6 =	simm.s32 $0x13E00;
	[sflag:s20] =	ssyncadd.s32 $0xFFFFE000  }
0x4a: {  	[spmem:s3] =	stream.indirect.scatter.add.f32 [tilespmem:s24], [sflag:$0x6], $0x40, s6, s21, $0xb8;
	[tilespmem:$0x1E000] =	vst v63  }
0x4b: {  	_ =	swait.ge [sflag:s2], $0x2000  }
0x4c: {  	[sflag:s2] =	ssyncset.done $0x0  }
0x4d: {  	[sflag:s2] =	ssyncadd.s32 $0xFFFFE000  }
0x4e: {  	_ =	swait.ge [sflag:s7], $0x2000  }
0x4f: {  	[sflag:s7] =	ssyncset.done $0x0  }
0x50: {  	s23 =	simm.s32 $0x13E80;
	[sflag:s7] =	ssyncadd.s32 $0xFFFFE000  }
0x51: {  	[spmem:s3] =	stream.indirect.scatter.add.f32 [tilespmem:s28], [sflag:$0x6], $0x40, s23, s21, $0xb8;
	[tilespmem:$0x1E000] =	vst v63  }
0x52: {  	_ =	swait.ge [sflag:s2], $0x2000  }
0x53: {  	[sflag:s2] =	ssyncset.done $0x0  }
0x54: {  	[sflag:s2] =	ssyncadd.s32 $0xFFFFE000  }
0x55: {  	_ =	swait.ge [sflag:s8], $0x2000  }
0x56: {  	[sflag:s8] =	ssyncset.done $0x0  }
0x57: {  	s29 =	simm.s32 $0x13F00;
	[sflag:s8] =	ssyncadd.s32 $0xFFFFE000  }
0x58: {  	[spmem:s3] =	stream.indirect.scatter.add.f32 [tilespmem:s30], [sflag:$0x6], $0x40, s29, s21, $0xb8;
	[tilespmem:$0x1E000] =	vst v63  }
0x59: {  	_ =	swait.ge [sflag:s2], $0x2000  }
0x5a: {  	[sflag:s2] =	ssyncset.done $0x0  }
0x5b: {  	[sflag:s2] =	ssyncadd.s32 $0xFFFFE000  }
0x5c: {  	_ =	swait.ge [sflag:s31], $0x2000  }
0x5d: {  	[sflag:s31] =	ssyncset.done $0x0  }
0x5e: {  	s6 =	simm.s32 $0x13F80;
	[sflag:s31] =	ssyncadd.s32 $0xFFFFE000  }
0x5f: {  	[spmem:s3] =	stream.indirect.scatter.add.f32 [tilespmem:s0], [sflag:$0x6], $0x40, s6, s21, $0xb8;
	[tilespmem:$0x1E000] =	vst v63  }
0x60: {  	_ =	swait.ge [sflag:s2], $0x2000  }
0x61: {  	s26 =	sadd.s32 $0x1, s26;
	[sflag:s2] =	ssyncset.done $0x0  }
0x62: {  	p1 =	sne.s32 s26, s12;
	s23 =	sadd.s32 s18, s10;
	[sflag:s2] =	ssyncadd.s32 $0xFFFFE000  }
.Ltmp1:
0x63: {  	s29 =	sor.u32 $0x1C06, s13;
	[bflag:$0x0] =	sbarrier.arrive $0xFFFF;
	(pc) =	sbr.rel @!p1 .LBB2_9-.Ltmp1, $4  }
0x64: {  	[hbm:s23], [sflag:s29] =	dma.local [spmem:s25], $0x1400  }
0x65: {  	_ =	swait.ge [sflag:s2], $0x1400  }
0x66: {  	[sflag:s2] =	ssyncset.done $0x0  }
0x67: {  	[sflag:s2] =	ssyncadd.s32 $0xFFFFEC00  }
.LBB2_1:
0x68: {  	s4 =	rddreg [dreg:$0x4];
	s29 =	simm.s32 $0x0  }
0x69: {  	[spmem:s16], [sflag:s15] =	dma.local [hbm:s4], $0x1400  }
0x6a: {  	[tilespmem:s17], [sflag:$0x1] =	stream.linear.gather [hbm4b:s11+s29], $0x5000, $0x38;
	[tilespmem:$0x1E000] =	vst v63  }
0x6b: {  	s6 =	simm.s32 $0xF000  }
0x6c: {  	[tilespmem:s6], [sflag:$0x2] =	stream.linear.gather [hbm4b:s9+s29], $0x5000, $0x38;
	[tilespmem:$0x1E000] =	vst v63  }
0x6d: {  	_ =	swait.ge [sflag:s19], $0x5000  }
0x6e: {  	[sflag:s19] =	ssyncset.done $0x0  }
0x6f: {  	[sflag:s19] =	ssyncadd.s32 $0xFFFFB000  }
0x70: {  	_ =	swait.ge [sflag:s20], $0x5000  }
0x71: {  	[sflag:s20] =	ssyncset.done $0x0  }
0x72: {  	[sflag:s20] =	ssyncadd.s32 $0xFFFFB000  }
0x73: {  	[tilespmem:s22], [sflag:$0x1] =	stream.indirect.gather [hbm4b:s14+s21], $0x40, s17, s21, $0xb8;
	[tilespmem:$0x1E000] =	vst v63  }
0x74: {  	s18 =	simm.s32 $0xA080  }
0x75: {  	[tilespmem:s24], [sflag:$0x2] =	stream.indirect.gather [hbm4b:s14+s21], $0x40, s18, s21, $0xb8;
	[tilespmem:$0x1E000] =	vst v63  }
0x76: {  	s23 =	simm.s32 $0xA100  }
0x77: {  	[tilespmem:s28], [sflag:$0x3] =	stream.indirect.gather [hbm4b:s14+s21], $0x40, s23, s21, $0xb8;
	[tilespmem:$0x1E000] =	vst v63  }
0x78: {  	s29 =	simm.s32 $0xA180  }
0x79: {  	[tilespmem:s30], [sflag:$0x4] =	stream.indirect.gather [hbm4b:s14+s21], $0x40, s29, s21, $0xb8;
	[tilespmem:$0x1E000] =	vst v63  }
.Ltmp2:
0x7a: {  	_ =	swait.ge [sflag:s31], $0x1400;
	(pc) =	sbr.rel @p0 .LBB2_5-.Ltmp2, $4  }
0x7b: {  	[sflag:s31] =	ssyncset.done $0x0  }
0x7c: {  	[sflag:s31] =	ssyncadd.s32 $0xFFFFEC00  }
0x7d: {  	[bflag:$0x0] =	sbarrier.arrive $0xFFFF  }
0x7e: {  	s4 =	simm.s32 $0xA200  }
0x7f: {  	[tilespmem:s0], [sflag:$0x5] =	stream.indirect.gather [hbm4b:s1+s21], $0x40, s4, s21, $0xb8;
	[tilespmem:$0x1E000] =	vst v63  }
0x80: {  	_ =	swait.ge [sflag:s19], $0x2000  }
0x81: {  	[sflag:s19] =	ssyncset.done $0x0  }
0x82: {  	s6 =	simm.s32 $0xF000;
	[sflag:s19] =	ssyncadd.s32 $0xFFFFE000  }
0x83: {  	[spmem:s3] =	stream.indirect.scatter.add.f32 [tilespmem:s22], [sflag:$0x6], $0x40, s6, s21, $0xb8;
	[tilespmem:$0x1E000] =	vst v63  }
0x84: {  	_ =	swait.ge [sflag:s2], $0x2000  }
0x85: {  	[sflag:s2] =	ssyncset.done $0x0  }
0x86: {  	s18 =	simm.s32 $0xA280;
	[sflag:s2] =	ssyncadd.s32 $0xFFFFE000  }
0x87: {  	[tilespmem:s22], [sflag:$0x1] =	stream.indirect.gather [hbm4b:s1+s21], $0x40, s18, s21, $0xb8;
	[tilespmem:$0x1E000] =	vst v63  }
0x88: {  	_ =	swait.ge [sflag:s20], $0x2000  }
0x89: {  	[sflag:s20] =	ssyncset.done $0x0  }
0x8a: {  	s23 =	simm.s32 $0xF080;
	[sflag:s20] =	ssyncadd.s32 $0xFFFFE000  }
0x8b: {  	[spmem:s3] =	stream.indirect.scatter.add.f32 [tilespmem:s24], [sflag:$0x6], $0x40, s23, s21, $0xb8;
	[tilespmem:$0x1E000] =	vst v63  }
0x8c: {  	_ =	swait.ge [sflag:s2], $0x2000  }
0x8d: {  	[sflag:s2] =	ssyncset.done $0x0  }
0x8e: {  	s6 =	simm.s32 $0xA300;
	[sflag:s2] =	ssyncadd.s32 $0xFFFFE000  }
0x8f: {  	[tilespmem:s24], [sflag:$0x2] =	stream.indirect.gather [hbm4b:s1+s21], $0x40, s6, s21, $0xb8;
	[tilespmem:$0x1E000] =	vst v63  }
0x90: {  	_ =	swait.ge [sflag:s7], $0x2000  }
0x91: {  	[sflag:s7] =	ssyncset.done $0x0  }
0x92: {  	s18 =	simm.s32 $0xF100;
	[sflag:s7] =	ssyncadd.s32 $0xFFFFE000  }
0x93: {  	[spmem:s3] =	stream.indirect.scatter.add.f32 [tilespmem:s28], [sflag:$0x6], $0x40, s18, s21, $0xb8;
	[tilespmem:$0x1E000] =	vst v63  }
0x94: {  	_ =	swait.ge [sflag:s2], $0x2000  }
0x95: {  	[sflag:s2] =	ssyncset.done $0x0  }
0x96: {  	s23 =	simm.s32 $0xA380;
	[sflag:s2] =	ssyncadd.s32 $0xFFFFE000  }
0x97: {  	[tilespmem:s28], [sflag:$0x3] =	stream.indirect.gather [hbm4b:s1+s21], $0x40, s23, s21, $0xb8;
	[tilespmem:$0x1E000] =	vst v63  }
0x98: {  	_ =	swait.ge [sflag:s8], $0x2000  }
0x99: {  	[sflag:s8] =	ssyncset.done $0x0  }
0x9a: {  	s6 =	simm.s32 $0xF180;
	[sflag:s8] =	ssyncadd.s32 $0xFFFFE000  }
0x9b: {  	[spmem:s3] =	stream.indirect.scatter.add.f32 [tilespmem:s30], [sflag:$0x6], $0x40, s6, s21, $0xb8;
	[tilespmem:$0x1E000] =	vst v63  }
0x9c: {  	_ =	swait.ge [sflag:s2], $0x2000  }
0x9d: {  	[sflag:s2] =	ssyncset.done $0x0  }
0x9e: {  	s18 =	simm.s32 $0xA400;
	[sflag:s2] =	ssyncadd.s32 $0xFFFFE000  }
0x9f: {  	[tilespmem:s30], [sflag:$0x4] =	stream.indirect.gather [hbm4b:s1+s21], $0x40, s18, s21, $0xb8;
	[tilespmem:$0x1E000] =	vst v63  }
0xa0: {  	_ =	swait.ge [sflag:s31], $0x2000  }
0xa1: {  	[sflag:s31] =	ssyncset.done $0x0  }
0xa2: {  	s23 =	simm.s32 $0xF200;
	[sflag:s31] =	ssyncadd.s32 $0xFFFFE000  }
0xa3: {  	[spmem:s3] =	stream.indirect.scatter.add.f32 [tilespmem:s0], [sflag:$0x6], $0x40, s23, s21, $0xb8;
	[tilespmem:$0x1E000] =	vst v63  }
0xa4: {  	_ =	swait.ge [sflag:s2], $0x2000  }
0xa5: {  	s29 =	simm.s32 $0x280;
	s18 =	simm.s32 $0x1400;
	[sflag:s2] =	ssyncset.done $0x0  }
.LBB2_3:
0xa6: {  	s6 =	sadd.s32 $0xA200, s29  }
0xa7: {  	[sflag:s2] =	ssyncadd.s32 $0xFFFFE000;
	s23 =	smov.u32 s18;
	s4 =	sadd.s32 $0xA00, s18  }
0xa8: {  	[tilespmem:s0], [sflag:$0x5] =	stream.indirect.gather [hbm4b:s1+s21], $0x40, s6, s21, $0xb8;
	[tilespmem:$0x1E000] =	vst v63  }
0xa9: {  	p1 =	seq.s32 s18, $0x12C00;
	_ =	swait.ge [sflag:s19], $0x2000  }
0xaa: {  	[sflag:s19] =	ssyncset.done $0x0  }
0xab: {  	s6 =	sadd.s32 $0xF000, s29;
	[sflag:s19] =	ssyncadd.s32 $0xFFFFE000  }
0xac: {  	[spmem:s3] =	stream.indirect.scatter.add.f32 [tilespmem:s22], [sflag:$0x6], $0x40, s6, s21, $0xb8;
	[tilespmem:$0x1E000] =	vst v63  }
0xad: {  	_ =	swait.ge [sflag:s2], $0x2000  }
0xae: {  	[sflag:s2] =	ssyncset.done $0x0  }
0xaf: {  	s6 =	sadd.s32 $0xA280, s29;
	[sflag:s2] =	ssyncadd.s32 $0xFFFFE000  }
0xb0: {  	[tilespmem:s22], [sflag:$0x1] =	stream.indirect.gather [hbm4b:s1+s21], $0x40, s6, s21, $0xb8;
	[tilespmem:$0x1E000] =	vst v63  }
0xb1: {  	_ =	swait.ge [sflag:s20], $0x2000  }
0xb2: {  	[sflag:s20] =	ssyncset.done $0x0  }
0xb3: {  	s6 =	sadd.s32 $0xF080, s29;
	[sflag:s20] =	ssyncadd.s32 $0xFFFFE000  }
0xb4: {  	[spmem:s3] =	stream.indirect.scatter.add.f32 [tilespmem:s24], [sflag:$0x6], $0x40, s6, s21, $0xb8;
	[tilespmem:$0x1E000] =	vst v63  }
0xb5: {  	_ =	swait.ge [sflag:s2], $0x2000  }
0xb6: {  	[sflag:s2] =	ssyncset.done $0x0  }
0xb7: {  	s6 =	sadd.s32 $0xA300, s29;
	[sflag:s2] =	ssyncadd.s32 $0xFFFFE000  }
0xb8: {  	[tilespmem:s24], [sflag:$0x2] =	stream.indirect.gather [hbm4b:s1+s21], $0x40, s6, s21, $0xb8;
	[tilespmem:$0x1E000] =	vst v63  }
0xb9: {  	_ =	swait.ge [sflag:s7], $0x2000  }
0xba: {  	[sflag:s7] =	ssyncset.done $0x0  }
0xbb: {  	s6 =	sadd.s32 $0xF100, s29;
	[sflag:s7] =	ssyncadd.s32 $0xFFFFE000  }
0xbc: {  	[spmem:s3] =	stream.indirect.scatter.add.f32 [tilespmem:s28], [sflag:$0x6], $0x40, s6, s21, $0xb8;
	[tilespmem:$0x1E000] =	vst v63  }
0xbd: {  	_ =	swait.ge [sflag:s2], $0x2000  }
0xbe: {  	[sflag:s2] =	ssyncset.done $0x0  }
0xbf: {  	s6 =	sadd.s32 $0xA380, s29;
	[sflag:s2] =	ssyncadd.s32 $0xFFFFE000  }
0xc0: {  	[tilespmem:s28], [sflag:$0x3] =	stream.indirect.gather [hbm4b:s1+s21], $0x40, s6, s21, $0xb8;
	[tilespmem:$0x1E000] =	vst v63  }
0xc1: {  	_ =	swait.ge [sflag:s8], $0x2000  }
0xc2: {  	[sflag:s8] =	ssyncset.done $0x0  }
0xc3: {  	s6 =	sadd.s32 $0xF180, s29;
	[sflag:s8] =	ssyncadd.s32 $0xFFFFE000  }
0xc4: {  	[spmem:s3] =	stream.indirect.scatter.add.f32 [tilespmem:s30], [sflag:$0x6], $0x40, s6, s21, $0xb8;
	[tilespmem:$0x1E000] =	vst v63  }
0xc5: {  	_ =	swait.ge [sflag:s2], $0x2000  }
0xc6: {  	[sflag:s2] =	ssyncset.done $0x0  }
0xc7: {  	s6 =	sadd.s32 $0xA400, s29;
	[sflag:s2] =	ssyncadd.s32 $0xFFFFE000  }
0xc8: {  	[tilespmem:s30], [sflag:$0x4] =	stream.indirect.gather [hbm4b:s1+s21], $0x40, s6, s21, $0xb8;
	[tilespmem:$0x1E000] =	vst v63  }
0xc9: {  	_ =	swait.ge [sflag:s31], $0x2000  }
.Ltmp3:
0xca: {  	[sflag:s31] =	ssyncset.done $0x0;
	(pc) =	sbr.rel @!p1 .LBB2_3-.Ltmp3, $4  }
0xcb: {  	s6 =	sadd.s32 $0xF200, s29;
	[sflag:s31] =	ssyncadd.s32 $0xFFFFE000  }
0xcc: {  	[spmem:s3] =	stream.indirect.scatter.add.f32 [tilespmem:s0], [sflag:$0x6], $0x40, s6, s21, $0xb8;
	[tilespmem:$0x1E000] =	vst v63  }
0xcd: {  	_ =	swait.ge [sflag:s2], $0x2000  }
0xce: {  	s18 =	smov.u32 s4;
	s29 =	sshra.s32 s23, $0x2;
	[sflag:s2] =	ssyncset.done $0x0  }
0xcf: {  	s4 =	sadd.s32 $0xA200, s29;
	[sflag:s2] =	ssyncadd.s32 $0xFFFFE000  }
0xd0: {  	[tilespmem:s0], [sflag:$0x5] =	stream.indirect.gather [hbm4b:s1+s21], $0x40, s4, s21, $0xb8;
	[tilespmem:$0x1E000] =	vst v63  }
0xd1: {  	_ =	swait.ge [sflag:s19], $0x2000  }
0xd2: {  	[sflag:s19] =	ssyncset.done $0x0  }
0xd3: {  	s18 =	sadd.s32 $0xF000, s29;
	[sflag:s19] =	ssyncadd.s32 $0xFFFFE000  }
0xd4: {  	[spmem:s3] =	stream.indirect.scatter.add.f32 [tilespmem:s22], [sflag:$0x6], $0x40, s18, s21, $0xb8;
	[tilespmem:$0x1E000] =	vst v63  }
0xd5: {  	_ =	swait.ge [sflag:s2], $0x2000  }
0xd6: {  	[sflag:s2] =	ssyncset.done $0x0  }
0xd7: {  	s23 =	sadd.s32 $0xA280, s29;
	[sflag:s2] =	ssyncadd.s32 $0xFFFFE000  }
0xd8: {  	[tilespmem:s22], [sflag:$0x1] =	stream.indirect.gather [hbm4b:s1+s21], $0x40, s23, s21, $0xb8;
	[tilespmem:$0x1E000] =	vst v63  }
0xd9: {  	_ =	swait.ge [sflag:s20], $0x2000  }
0xda: {  	[sflag:s20] =	ssyncset.done $0x0  }
0xdb: {  	s6 =	sadd.s32 $0xF080, s29;
	[sflag:s20] =	ssyncadd.s32 $0xFFFFE000  }
0xdc: {  	[spmem:s3] =	stream.indirect.scatter.add.f32 [tilespmem:s24], [sflag:$0x6], $0x40, s6, s21, $0xb8;
	[tilespmem:$0x1E000] =	vst v63  }
0xdd: {  	_ =	swait.ge [sflag:s2], $0x2000  }
0xde: {  	[sflag:s2] =	ssyncset.done $0x0  }
0xdf: {  	s18 =	sadd.s32 $0xA300, s29;
	[sflag:s2] =	ssyncadd.s32 $0xFFFFE000  }
0xe0: {  	[tilespmem:s24], [sflag:$0x2] =	stream.indirect.gather [hbm4b:s1+s21], $0x40, s18, s21, $0xb8;
	[tilespmem:$0x1E000] =	vst v63  }
0xe1: {  	_ =	swait.ge [sflag:s7], $0x2000  }
0xe2: {  	[sflag:s7] =	ssyncset.done $0x0  }
0xe3: {  	s23 =	sadd.s32 $0xF100, s29;
	[sflag:s7] =	ssyncadd.s32 $0xFFFFE000  }
0xe4: {  	[spmem:s3] =	stream.indirect.scatter.add.f32 [tilespmem:s28], [sflag:$0x6], $0x40, s23, s21, $0xb8;
	[tilespmem:$0x1E000] =	vst v63  }
0xe5: {  	_ =	swait.ge [sflag:s2], $0x2000  }
0xe6: {  	[sflag:s2] =	ssyncset.done $0x0  }
0xe7: {  	s6 =	sadd.s32 $0xA380, s29;
	[sflag:s2] =	ssyncadd.s32 $0xFFFFE000  }
0xe8: {  	[tilespmem:s28], [sflag:$0x3] =	stream.indirect.gather [hbm4b:s1+s21], $0x40, s6, s21, $0xb8;
	[tilespmem:$0x1E000] =	vst v63  }
0xe9: {  	_ =	swait.ge [sflag:s8], $0x2000  }
0xea: {  	[sflag:s8] =	ssyncset.done $0x0  }
0xeb: {  	s18 =	sadd.s32 $0xF180, s29;
	[sflag:s8] =	ssyncadd.s32 $0xFFFFE000  }
0xec: {  	[spmem:s3] =	stream.indirect.scatter.add.f32 [tilespmem:s30], [sflag:$0x6], $0x40, s18, s21, $0xb8;
	[tilespmem:$0x1E000] =	vst v63  }
0xed: {  	_ =	swait.ge [sflag:s2], $0x2000  }
0xee: {  	[sflag:s2] =	ssyncset.done $0x0  }
0xef: {  	s23 =	sadd.s32 $0xA400, s29;
	[sflag:s2] =	ssyncadd.s32 $0xFFFFE000  }
0xf0: {  	[tilespmem:s30], [sflag:$0x4] =	stream.indirect.gather [hbm4b:s1+s21], $0x40, s23, s21, $0xb8;
	[tilespmem:$0x1E000] =	vst v63  }
0xf1: {  	_ =	swait.ge [sflag:s31], $0x2000  }
0xf2: {  	[sflag:s31] =	ssyncset.done $0x0  }
.Ltmp4:
0xf3: {  	s29 =	sadd.s32 $0xF200, s29;
	[sflag:s31] =	ssyncadd.s32 $0xFFFFE000;
	(pc) =	sbr.rel .LBB2_8-.Ltmp4, $4  }
0xf4: {  	[spmem:s3] =	stream.indirect.scatter.add.f32 [tilespmem:s0], [sflag:$0x6], $0x40, s29, s21, $0xb8;
	[tilespmem:$0x1E000] =	vst v63  }
0xf5: {  	_ =	swait.ge [sflag:s2], $0x2000  }
0xf6: {  	[sflag:s2] =	ssyncset.done $0x0  }
0xf7: {  	s4 =	smov.u32 s1;
	s18 =	rddreg [dreg:$0x5];
	[sflag:s2] =	ssyncadd.s32 $0xFFFFE000  }
.LBB2_5:
0xf8: {  	[tilespmem:s0], [sflag:$0x5] =	stream.indirect.gather [hbm4b:s5+s21], $0x40, s4, s21, $0xb8;
	[tilespmem:$0x1E000] =	vst v63  }
0xf9: {  	_ =	swait.ge [sflag:s19], $0x2000  }
0xfa: {  	[sflag:s19] =	ssyncset.done $0x0  }
0xfb: {  	s6 =	simm.s32 $0xF000;
	[sflag:s19] =	ssyncadd.s32 $0xFFFFE000  }
0xfc: {  	[spmem:s3] =	stream.indirect.scatter.add.f32 [tilespmem:s22], [sflag:$0x6], $0x40, s6, s21, $0xb8;
	[tilespmem:$0x1E000] =	vst v63  }
0xfd: {  	_ =	swait.ge [sflag:s2], $0x2000  }
0xfe: {  	[sflag:s2] =	ssyncset.done $0x0  }
0xff: {  	s18 =	simm.s32 $0xA280;
	[sflag:s2] =	ssyncadd.s32 $0xFFFFE000  }
0x100: {  	[tilespmem:s22], [sflag:$0x1] =	stream.indirect.gather [hbm4b:s5+s21], $0x40, s18, s21, $0xb8;
	[tilespmem:$0x1E000] =	vst v63  }
0x101: {  	_ =	swait.ge [sflag:s20], $0x2000  }
0x102: {  	[sflag:s20] =	ssyncset.done $0x0  }
0x103: {  	s23 =	simm.s32 $0xF080;
	[sflag:s20] =	ssyncadd.s32 $0xFFFFE000  }
0x104: {  	[spmem:s3] =	stream.indirect.scatter.add.f32 [tilespmem:s24], [sflag:$0x6], $0x40, s23, s21, $0xb8;
	[tilespmem:$0x1E000] =	vst v63  }
0x105: {  	_ =	swait.ge [sflag:s2], $0x2000  }
0x106: {  	[sflag:s2] =	ssyncset.done $0x0  }
0x107: {  	s6 =	simm.s32 $0xA300;
	[sflag:s2] =	ssyncadd.s32 $0xFFFFE000  }
0x108: {  	[tilespmem:s24], [sflag:$0x2] =	stream.indirect.gather [hbm4b:s5+s21], $0x40, s6, s21, $0xb8;
	[tilespmem:$0x1E000] =	vst v63  }
0x109: {  	_ =	swait.ge [sflag:s7], $0x2000  }
0x10a: {  	[sflag:s7] =	ssyncset.done $0x0  }
0x10b: {  	s18 =	simm.s32 $0xF100;
	[sflag:s7] =	ssyncadd.s32 $0xFFFFE000  }
0x10c: {  	[spmem:s3] =	stream.indirect.scatter.add.f32 [tilespmem:s28], [sflag:$0x6], $0x40, s18, s21, $0xb8;
	[tilespmem:$0x1E000] =	vst v63  }
0x10d: {  	_ =	swait.ge [sflag:s2], $0x2000  }
0x10e: {  	[sflag:s2] =	ssyncset.done $0x0  }
0x10f: {  	s23 =	simm.s32 $0xA380;
	[sflag:s2] =	ssyncadd.s32 $0xFFFFE000  }
0x110: {  	[tilespmem:s28], [sflag:$0x3] =	stream.indirect.gather [hbm4b:s5+s21], $0x40, s23, s21, $0xb8;
	[tilespmem:$0x1E000] =	vst v63  }
0x111: {  	_ =	swait.ge [sflag:s8], $0x2000  }
0x112: {  	[sflag:s8] =	ssyncset.done $0x0  }
0x113: {  	s6 =	simm.s32 $0xF180;
	[sflag:s8] =	ssyncadd.s32 $0xFFFFE000  }
0x114: {  	[spmem:s3] =	stream.indirect.scatter.add.f32 [tilespmem:s30], [sflag:$0x6], $0x40, s6, s21, $0xb8;
	[tilespmem:$0x1E000] =	vst v63  }
0x115: {  	_ =	swait.ge [sflag:s2], $0x2000  }
0x116: {  	[sflag:s2] =	ssyncset.done $0x0  }
0x117: {  	s18 =	simm.s32 $0xA400;
	[sflag:s2] =	ssyncadd.s32 $0xFFFFE000  }
0x118: {  	[tilespmem:s30], [sflag:$0x4] =	stream.indirect.gather [hbm4b:s5+s21], $0x40, s18, s21, $0xb8;
	[tilespmem:$0x1E000] =	vst v63  }
0x119: {  	_ =	swait.ge [sflag:s31], $0x2000  }
0x11a: {  	[sflag:s31] =	ssyncset.done $0x0  }
0x11b: {  	s23 =	simm.s32 $0xF200;
	[sflag:s31] =	ssyncadd.s32 $0xFFFFE000  }
0x11c: {  	[spmem:s3] =	stream.indirect.scatter.add.f32 [tilespmem:s0], [sflag:$0x6], $0x40, s23, s21, $0xb8;
	[tilespmem:$0x1E000] =	vst v63  }
0x11d: {  	_ =	swait.ge [sflag:s2], $0x2000  }
0x11e: {  	s4 =	simm.s32 $0x1400;
	s29 =	simm.s32 $0x280;
	[sflag:s2] =	ssyncset.done $0x0  }
.LBB2_6:
0x11f: {  	s6 =	sadd.s32 $0xA200, s29  }
0x120: {  	[sflag:s2] =	ssyncadd.s32 $0xFFFFE000;
	s23 =	smov.u32 s4;
	s18 =	sadd.s32 $0xA00, s4  }
0x121: {  	[tilespmem:s0], [sflag:$0x5] =	stream.indirect.gather [hbm4b:s5+s21], $0x40, s6, s21, $0xb8;
	[tilespmem:$0x1E000] =	vst v63  }
0x122: {  	p1 =	sne.s32 s4, $0x12C00;
	_ =	swait.ge [sflag:s19], $0x2000  }
0x123: {  	[sflag:s19] =	ssyncset.done $0x0  }
0x124: {  	s4 =	sadd.s32 $0xF000, s29;
	[sflag:s19] =	ssyncadd.s32 $0xFFFFE000  }
0x125: {  	[spmem:s3] =	stream.indirect.scatter.add.f32 [tilespmem:s22], [sflag:$0x6], $0x40, s4, s21, $0xb8;
	[tilespmem:$0x1E000] =	vst v63  }
0x126: {  	_ =	swait.ge [sflag:s2], $0x2000  }
0x127: {  	[sflag:s2] =	ssyncset.done $0x0  }
0x128: {  	s4 =	sadd.s32 $0xA280, s29;
	[sflag:s2] =	ssyncadd.s32 $0xFFFFE000  }
0x129: {  	[tilespmem:s22], [sflag:$0x1] =	stream.indirect.gather [hbm4b:s5+s21], $0x40, s4, s21, $0xb8;
	[tilespmem:$0x1E000] =	vst v63  }
0x12a: {  	_ =	swait.ge [sflag:s20], $0x2000  }
0x12b: {  	[sflag:s20] =	ssyncset.done $0x0  }
0x12c: {  	s4 =	sadd.s32 $0xF080, s29;
	[sflag:s20] =	ssyncadd.s32 $0xFFFFE000  }
0x12d: {  	[spmem:s3] =	stream.indirect.scatter.add.f32 [tilespmem:s24], [sflag:$0x6], $0x40, s4, s21, $0xb8;
	[tilespmem:$0x1E000] =	vst v63  }
0x12e: {  	_ =	swait.ge [sflag:s2], $0x2000  }
0x12f: {  	[sflag:s2] =	ssyncset.done $0x0  }
0x130: {  	s4 =	sadd.s32 $0xA300, s29;
	[sflag:s2] =	ssyncadd.s32 $0xFFFFE000  }
0x131: {  	[tilespmem:s24], [sflag:$0x2] =	stream.indirect.gather [hbm4b:s5+s21], $0x40, s4, s21, $0xb8;
	[tilespmem:$0x1E000] =	vst v63  }
0x132: {  	_ =	swait.ge [sflag:s7], $0x2000  }
0x133: {  	[sflag:s7] =	ssyncset.done $0x0  }
0x134: {  	s4 =	sadd.s32 $0xF100, s29;
	[sflag:s7] =	ssyncadd.s32 $0xFFFFE000  }
0x135: {  	[spmem:s3] =	stream.indirect.scatter.add.f32 [tilespmem:s28], [sflag:$0x6], $0x40, s4, s21, $0xb8;
	[tilespmem:$0x1E000] =	vst v63  }
0x136: {  	_ =	swait.ge [sflag:s2], $0x2000  }
0x137: {  	[sflag:s2] =	ssyncset.done $0x0  }
0x138: {  	s4 =	sadd.s32 $0xA380, s29;
	[sflag:s2] =	ssyncadd.s32 $0xFFFFE000  }
0x139: {  	[tilespmem:s28], [sflag:$0x3] =	stream.indirect.gather [hbm4b:s5+s21], $0x40, s4, s21, $0xb8;
	[tilespmem:$0x1E000] =	vst v63  }
0x13a: {  	_ =	swait.ge [sflag:s8], $0x2000  }
0x13b: {  	[sflag:s8] =	ssyncset.done $0x0  }
0x13c: {  	s4 =	sadd.s32 $0xF180, s29;
	[sflag:s8] =	ssyncadd.s32 $0xFFFFE000  }
0x13d: {  	[spmem:s3] =	stream.indirect.scatter.add.f32 [tilespmem:s30], [sflag:$0x6], $0x40, s4, s21, $0xb8;
	[tilespmem:$0x1E000] =	vst v63  }
0x13e: {  	_ =	swait.ge [sflag:s2], $0x2000  }
0x13f: {  	[sflag:s2] =	ssyncset.done $0x0  }
0x140: {  	s4 =	sadd.s32 $0xA400, s29;
	[sflag:s2] =	ssyncadd.s32 $0xFFFFE000  }
0x141: {  	[tilespmem:s30], [sflag:$0x4] =	stream.indirect.gather [hbm4b:s5+s21], $0x40, s4, s21, $0xb8;
	[tilespmem:$0x1E000] =	vst v63  }
0x142: {  	_ =	swait.ge [sflag:s31], $0x2000  }
.Ltmp5:
0x143: {  	[sflag:s31] =	ssyncset.done $0x0;
	(pc) =	sbr.rel @p1 .LBB2_6-.Ltmp5, $4  }
0x144: {  	s4 =	sadd.s32 $0xF200, s29;
	[sflag:s31] =	ssyncadd.s32 $0xFFFFE000  }
0x145: {  	[spmem:s3] =	stream.indirect.scatter.add.f32 [tilespmem:s0], [sflag:$0x6], $0x40, s4, s21, $0xb8;
	[tilespmem:$0x1E000] =	vst v63  }
0x146: {  	_ =	swait.ge [sflag:s2], $0x2000  }
0x147: {  	s29 =	sshra.s32 s23, $0x2;
	s4 =	smov.u32 s18;
	[sflag:s2] =	ssyncset.done $0x0  }
.Ltmp6:
0x148: {  	_ = 	snop;
	(pc) =	sbr.rel .LBB2_7-.Ltmp6, $1  }
0x149: {  	_ =	sdelay $0x3  }
.LBB2_9:
0x14a: {  	_ =	sfence.sel $0x180000  }
0x14b: {  	[bflag:$0x0] =	sbarrier.arrive $0xFFFF  }
0x14c: {  	_ =	strace $0x90000047  }
0x14d: {  	s0 =	stileid.u32;
	[bflag:$0x2] =	sbarrier.arrive $0xFFFF  }
0x14e: {  	p0 =	sne.s32 s0, $0x0;
	s0 =	rddreg [dreg:$0x3]  }
0x14f: {  	s0 =	sadd.s32 @!p0 $0x100000, s0  }
0x150: {  	[sflag:s0] =	ssyncadd.tile.s32 @!p0 $0x1;
	_ =	shalt  }
.Lfunc_end2:
_tile_overlayer_lowered:
.L_overlay_start_2:
0x151: {  	(tag) =	ssettag $0x2  }
0x152: {  	s0 =	rddreg [dreg:$0x0];
	s2 =	stileid.u32  }
0x153: {  	s1 =	rddreg [dreg:$0x1];
	p0 =	sne.s32 s2, $0x0  }
0x154: {  	s3 =	rddreg [dreg:$0x2];
	[bflag:$0x3] =	sbarrier.arrive $0xFFFF;
	s2 =	simm.s32 @!p0 $0x1C06  }
0x155: {  	[timem:s3], [sflag:s2] =	dma.local @!p0 [hbm:s0], s1  }
0x156: {  	s0 =	simm.s32 @!p0 $0x6  }
0x157: {  	_ =	swait.ge @!p0 [sflag:s0], s1  }
0x158: {  	s1 =	ssub.s32 @!p0 $0x0, s1;
	[sflag:s0] =	ssyncset.done @!p0 $0x0  }
0x159: {  	[sflag:s0] =	ssyncadd.s32 @!p0 s1  }
0x15a: {  	[bflag:$0x3] =	sbarrier.arrive $0xFFFF  }
0x15b: {  	_ =	shalt  }

</sc_bundles>
